<compile_context>
chip_gen: v7x
topology: tpu7x:2x2x1
jax: 0.10.2.dev20260603
libtpu: 0.0.44.dev20260713+nightly
codegen_flags: <defaults>
</compile_context>

<pallas_src>
import functools

import jax
import jax.numpy as jnp
from jax import lax
from jax.experimental import pallas as pl
from jax.experimental.pallas import tpu as pltpu
from jax.experimental.pallas import tpu_sc as plsc

_NC = 2
_NS = 16
_NW = _NC * _NS
_LANES = 16
_NBUF = 7
_RAHEAD = 4


def _make_gather(n, s, d, k, k_pad):
  nb = n // _NW

  mesh = plsc.VectorSubcoreMesh(core_axis_name="c", subcore_axis_name="s")

  @functools.partial(
      pl.kernel,
      out_type=jax.ShapeDtypeStruct((n, k, d), jnp.float32),
      mesh=mesh,
      scratch_types=[
          pltpu.VMEM((k_pad,), jnp.int32),
          pltpu.VMEM((_NBUF, nb, d), jnp.float32),
          pltpu.SemaphoreType.DMA,
          pltpu.SemaphoreType.DMA,
      ],
  )
  def gather_kernel(x_hbm, idx_hbm, out_hbm, idx_v, buf, rsem, wsem):
    wid = lax.axis_index("s") * _NC + lax.axis_index("c")
    b0 = wid * nb

    pltpu.sync_copy(idx_hbm, idx_v)
    vecs = [idx_v[pl.ds(_LANES * m, _LANES)] for m in range(k_pad // _LANES)]

    def read(i):
      j = vecs[i // _LANES][i % _LANES]
      return pltpu.make_async_copy(
          x_hbm.at[pl.ds(b0, nb), j], buf.at[i % _NBUF], rsem)

    def write(i):
      return pltpu.make_async_copy(
          buf.at[i % _NBUF], out_hbm.at[pl.ds(b0, nb), i], wsem)

    for i in range(min(_RAHEAD, k)):
      read(i).start()
    for i in range(k):
      read(i).wait()
      write(i).start()
      if i >= _NBUF - _RAHEAD - 1:
        write(i - (_NBUF - _RAHEAD - 1)).wait()
      if i + _RAHEAD < k:
        read(i + _RAHEAD).start()
    for i in range(max(0, k - (_NBUF - _RAHEAD - 1)), k):
      write(i).wait()

  return gather_kernel


def kernel(x, index):
  n, s, d = x.shape
  k = index.shape[0]
  k_pad = -(-k // _LANES) * _LANES
  idx_p = jnp.pad(index, (0, k_pad - k))
  return _make_gather(n, s, d, k, k_pad)(x, idx_p)

# --- scband reference (transcript-rebuilt; emitter-appended) ---
"""Pipeline reference for scband-index-select-85864986182403 (READ-ONLY COPY).

The authoritative reference and input builder live on the scoring server;
editing this copy changes nothing except your own understanding.
"""

import jax, jax.numpy as jnp
import numpy as np


def setup_inputs(seed: int = 0) -> dict:
    key = jax.random.key(seed)
    x = jax.random.normal(key, (4096, 200, 64), dtype=jnp.float32)
    # constant buffer from init_kwargs: index = [0, 4, 8, ..., 196] (50 entries)
    index = jnp.arange(0, 200, 4, dtype=jnp.int32)
    return {"x": x, "index": index}


def reference(x, index):
    # torch.index_select(x, dim=1, index=index)
    return jnp.take(x, index, axis=1)

if __name__ == "__main__":
    import jax
    _d = setup_inputs()
    print(jax.jit(kernel)(*tuple(_d.values())))

</pallas_src>

<mosaic_0001>
#map = affine_map<(d0, d1) -> (0, 0, 0)>
#map1 = affine_map<(d0, d1) -> (0)>
module attributes {stable_mosaic.version = 14 : i64} {
  func.func @gather_kernel(%arg0: i32, %arg1: i32, %arg2: memref<4096x200x64xf32, #tpu.memory_space<hbm>>, %arg3: memref<64xi32, #tpu.memory_space<hbm>>, %arg4: memref<4096x50x64xf32, #tpu.memory_space<hbm>>, %arg5: memref<64xi32, #tpu.memory_space<vmem>>, %arg6: memref<7x128x64xf32, #tpu.memory_space<vmem>>, %arg7: memref<!tpu.dma_semaphore, #tpu.memory_space<semaphore_mem>>, %arg8: memref<!tpu.dma_semaphore, #tpu.memory_space<semaphore_mem>>) attributes {dimension_semantics = [#tpu.dimension_semantics<core_parallel>, #tpu.dimension_semantics<subcore_parallel>], iteration_bounds = array<i64: 2, 16>, scalar_prefetch = 0 : i64, scratch_operands = 4 : i64, tpu.core_type = #tpu.core_type<sc_vector_subcore>, window_params = [{transform_indices = #map}, {transform_indices = #map1}, {transform_indices = #map}]} {
    %mul3A = arith.constant 2 : i32
    %mul3A_0 = arith.muli %arg1, %mul3A : i32
    %add3A = arith.addi %mul3A_0, %arg0 : i32
    %mul3A_1 = arith.constant 128 : i32
    %mul3A_2 = arith.muli %add3A, %mul3A_1 : i32
    "tpu.region"() ({
      %run_scoped3A = tpu.sem_alloc : memref<!tpu.dma_semaphore, #tpu.memory_space<semaphore_mem>>
      tpu.enqueue_dma source(%arg3 : memref<64xi32, #tpu.memory_space<hbm>>) target(%arg5 : memref<64xi32, #tpu.memory_space<vmem>>) target_semaphore(%run_scoped3A : memref<!tpu.dma_semaphore, #tpu.memory_space<semaphore_mem>>)
      tpu.wait_dma2 semaphore(%run_scoped3A : memref<!tpu.dma_semaphore, #tpu.memory_space<semaphore_mem>>) src(%arg3 : memref<64xi32, #tpu.memory_space<hbm>>) dst(%arg5 : memref<64xi32, #tpu.memory_space<vmem>>)
      tpu.yield
    }) : () -> ()
    %get3A = arith.constant 0 : index
    %get3A_3 = tpu.vector_load %arg5[%get3A] {strides = array<i32>} : memref<64xi32, #tpu.memory_space<vmem>>, vector<16xi32>,
    %get3A_4 = vector.shape_cast %get3A_3 : vector<16xi32> to vector<16xi32>
    %get3A_5 = arith.constant 16 : index
    %get3A_6 = tpu.vector_load %arg5[%get3A_5] {strides = array<i32>} : memref<64xi32, #tpu.memory_space<vmem>>, vector<16xi32>,
    %get3A_7 = vector.shape_cast %get3A_6 : vector<16xi32> to vector<16xi32>
    %get3A_8 = arith.constant 32 : index
    %get3A_9 = tpu.vector_load %arg5[%get3A_8] {strides = array<i32>} : memref<64xi32, #tpu.memory_space<vmem>>, vector<16xi32>,
    %get3A_10 = vector.shape_cast %get3A_9 : vector<16xi32> to vector<16xi32>
    %get3A_11 = arith.constant 48 : index
    %get3A_12 = tpu.vector_load %arg5[%get3A_11] {strides = array<i32>} : memref<64xi32, #tpu.memory_space<vmem>>, vector<16xi32>,
    %get3A_13 = vector.shape_cast %get3A_12 : vector<16xi32> to vector<16xi32>
    %slice3A = vector.extract_strided_slice %get3A_4 {offsets = [0], sizes = [1], strides = [1]} : vector<16xi32> to vector<1xi32>
    %squeeze3A = vector.extract %slice3A[0] : i32 from vector<1xi32>
    %dma_start3A = arith.constant 0 : i32
    %dma_start3A_14 = arith.constant 0 : i32
    %dma_start3A_15 = arith.constant 0 : i32
    %dma_start3A_16 = tpu.memref_slice %arg6[%dma_start3A, %dma_start3A_14, %dma_start3A_15] : memref<7x128x64xf32, #tpu.memory_space<vmem>> -> memref<1x128x64xf32, #tpu.memory_space<vmem>>
    %dma_start3A_17 = tpu.memref_squeeze %dma_start3A_16 : memref<1x128x64xf32, #tpu.memory_space<vmem>> -> memref<128x64xf32, #tpu.memory_space<vmem>>
    %dma_start3A_18 = arith.constant 0 : i32
    %dma_start3A_19 = tpu.memref_slice %arg2[%mul3A_2, %squeeze3A, %dma_start3A_18] : memref<4096x200x64xf32, #tpu.memory_space<hbm>> -> memref<128x1x64xf32, #tpu.memory_space<hbm>>
    %dma_start3A_20 = tpu.memref_squeeze %dma_start3A_19 : memref<128x1x64xf32, #tpu.memory_space<hbm>> -> memref<128x64xf32, #tpu.memory_space<hbm>>
    %dma_start3A_21 = arith.constant 0 : i32
    %dma_start3A_22 = arith.constant 0 : i32
    %dma_start3A_23 = tpu.memref_slice %arg6[%dma_start3A, %dma_start3A_21, %dma_start3A_22] : memref<7x128x64xf32, #tpu.memory_space<vmem>> -> memref<1x128x64xf32, #tpu.memory_space<vmem>>
    %dma_start3A_24 = tpu.memref_squeeze %dma_start3A_23 : memref<1x128x64xf32, #tpu.memory_space<vmem>> -> memref<128x64xf32, #tpu.memory_space<vmem>>
    %dma_start3A_25 = arith.constant 0 : i32
    %dma_start3A_26 = tpu.memref_slice %arg2[%mul3A_2, %squeeze3A, %dma_start3A_25] : memref<4096x200x64xf32, #tpu.memory_space<hbm>> -> memref<128x1x64xf32, #tpu.memory_space<hbm>>
    %dma_start3A_27 = tpu.memref_squeeze %dma_start3A_26 : memref<128x1x64xf32, #tpu.memory_space<hbm>> -> memref<128x64xf32, #tpu.memory_space<hbm>>
    tpu.enqueue_dma source(%dma_start3A_27 : memref<128x64xf32, #tpu.memory_space<hbm>>) target(%dma_start3A_24 : memref<128x64xf32, #tpu.memory_space<vmem>>) target_semaphore(%arg7 : memref<!tpu.dma_semaphore, #tpu.memory_space<semaphore_mem>>)
    %slice3A_28 = vector.extract_strided_slice %get3A_4 {offsets = [1], sizes = [1], strides = [1]} : vector<16xi32> to vector<1xi32>
    %squeeze3A_29 = vector.extract %slice3A_28[0] : i32 from vector<1xi32>
    %dma_start3A_30 = arith.constant 1 : i32
    %dma_start3A_31 = arith.constant 0 : i32
    %dma_start3A_32 = arith.constant 0 : i32
    %dma_start3A_33 = tpu.memref_slice %arg6[%dma_start3A_30, %dma_start3A_31, %dma_start3A_32] : memref<7x128x64xf32, #tpu.memory_space<vmem>> -> memref<1x128x64xf32, #tpu.memory_space<vmem>>
    %dma_start3A_34 = tpu.memref_squeeze %dma_start3A_33 : memref<1x128x64xf32, #tpu.memory_space<vmem>> -> memref<128x64xf32, #tpu.memory_space<vmem>>
    %dma_start3A_35 = arith.constant 0 : i32
    %dma_start3A_36 = tpu.memref_slice %arg2[%mul3A_2, %squeeze3A_29, %dma_start3A_35] : memref<4096x200x64xf32, #tpu.memory_space<hbm>> -> memref<128x1x64xf32, #tpu.memory_space<hbm>>
    %dma_start3A_37 = tpu.memref_squeeze %dma_start3A_36 : memref<128x1x64xf32, #tpu.memory_space<hbm>> -> memref<128x64xf32, #tpu.memory_space<hbm>>
    %dma_start3A_38 = arith.constant 0 : i32
    %dma_start3A_39 = arith.constant 0 : i32
    %dma_start3A_40 = tpu.memref_slice %arg6[%dma_start3A_30, %dma_start3A_38, %dma_start3A_39] : memref<7x128x64xf32, #tpu.memory_space<vmem>> -> memref<1x128x64xf32, #tpu.memory_space<vmem>>
    %dma_start3A_41 = tpu.memref_squeeze %dma_start3A_40 : memref<1x128x64xf32, #tpu.memory_space<vmem>> -> memref<128x64xf32, #tpu.memory_space<vmem>>
    %dma_start3A_42 = arith.constant 0 : i32
    %dma_start3A_43 = tpu.memref_slice %arg2[%mul3A_2, %squeeze3A_29, %dma_start3A_42] : memref<4096x200x64xf32, #tpu.memory_space<hbm>> -> memref<128x1x64xf32, #tpu.memory_space<hbm>>
    %dma_start3A_44 = tpu.memref_squeeze %dma_start3A_43 : memref<128x1x64xf32, #tpu.memory_space<hbm>> -> memref<128x64xf32, #tpu.memory_space<hbm>>
    tpu.enqueue_dma source(%dma_start3A_44 : memref<128x64xf32, #tpu.memory_space<hbm>>) target(%dma_start3A_41 : memref<128x64xf32, #tpu.memory_space<vmem>>) target_semaphore(%arg7 : memref<!tpu.dma_semaphore, #tpu.memory_space<semaphore_mem>>)
    %slice3A_45 = vector.extract_strided_slice %get3A_4 {offsets = [2], sizes = [1], strides = [1]} : vector<16xi32> to vector<1xi32>
    %squeeze3A_46 = vector.extract %slice3A_45[0] : i32 from vector<1xi32>
    %dma_start3A_47 = arith.constant 2 : i32
    %dma_start3A_48 = arith.constant 0 : i32
    %dma_start3A_49 = arith.constant 0 : i32
    %dma_start3A_50 = tpu.memref_slice %arg6[%dma_start3A_47, %dma_start3A_48, %dma_start3A_49] : memref<7x128x64xf32, #tpu.memory_space<vmem>> -> memref<1x128x64xf32, #tpu.memory_space<vmem>>
    %dma_start3A_51 = tpu.memref_squeeze %dma_start3A_50 : memref<1x128x64xf32, #tpu.memory_space<vmem>> -> memref<128x64xf32, #tpu.memory_space<vmem>>
    %dma_start3A_52 = arith.constant 0 : i32
    %dma_start3A_53 = tpu.memref_slice %arg2[%mul3A_2, %squeeze3A_46, %dma_start3A_52] : memref<4096x200x64xf32, #tpu.memory_space<hbm>> -> memref<128x1x64xf32, #tpu.memory_space<hbm>>
    %dma_start3A_54 = tpu.memref_squeeze %dma_start3A_53 : memref<128x1x64xf32, #tpu.memory_space<hbm>> -> memref<128x64xf32, #tpu.memory_space<hbm>>
    %dma_start3A_55 = arith.constant 0 : i32
    %dma_start3A_56 = arith.constant 0 : i32
    %dma_start3A_57 = tpu.memref_slice %arg6[%dma_start3A_47, %dma_start3A_55, %dma_start3A_56] : memref<7x128x64xf32, #tpu.memory_space<vmem>> -> memref<1x128x64xf32, #tpu.memory_space<vmem>>
    %dma_start3A_58 = tpu.memref_squeeze %dma_start3A_57 : memref<1x128x64xf32, #tpu.memory_space<vmem>> -> memref<128x64xf32, #tpu.memory_space<vmem>>
    %dma_start3A_59 = arith.constant 0 : i32
    %dma_start3A_60 = tpu.memref_slice %arg2[%mul3A_2, %squeeze3A_46, %dma_start3A_59] : memref<4096x200x64xf32, #tpu.memory_space<hbm>> -> memref<128x1x64xf32, #tpu.memory_space<hbm>>
    %dma_start3A_61 = tpu.memref_squeeze %dma_start3A_60 : memref<128x1x64xf32, #tpu.memory_space<hbm>> -> memref<128x64xf32, #tpu.memory_space<hbm>>
    tpu.enqueue_dma source(%dma_start3A_61 : memref<128x64xf32, #tpu.memory_space<hbm>>) target(%dma_start3A_58 : memref<128x64xf32, #tpu.memory_space<vmem>>) target_semaphore(%arg7 : memref<!tpu.dma_semaphore, #tpu.memory_space<semaphore_mem>>)
    %slice3A_62 = vector.extract_strided_slice %get3A_4 {offsets = [3], sizes = [1], strides = [1]} : vector<16xi32> to vector<1xi32>
    %squeeze3A_63 = vector.extract %slice3A_62[0] : i32 from vector<1xi32>
    %dma_start3A_64 = arith.constant 3 : i32
    %dma_start3A_65 = arith.constant 0 : i32
    %dma_start3A_66 = arith.constant 0 : i32
    %dma_start3A_67 = tpu.memref_slice %arg6[%dma_start3A_64, %dma_start3A_65, %dma_start3A_66] : memref<7x128x64xf32, #tpu.memory_space<vmem>> -> memref<1x128x64xf32, #tpu.memory_space<vmem>>
    %dma_start3A_68 = tpu.memref_squeeze %dma_start3A_67 : memref<1x128x64xf32, #tpu.memory_space<vmem>> -> memref<128x64xf32, #tpu.memory_space<vmem>>
    %dma_start3A_69 = arith.constant 0 : i32
    %dma_start3A_70 = tpu.memref_slice %arg2[%mul3A_2, %squeeze3A_63, %dma_start3A_69] : memref<4096x200x64xf32, #tpu.memory_space<hbm>> -> memref<128x1x64xf32, #tpu.memory_space<hbm>>
    %dma_start3A_71 = tpu.memref_squeeze %dma_start3A_70 : memref<128x1x64xf32, #tpu.memory_space<hbm>> -> memref<128x64xf32, #tpu.memory_space<hbm>>
    %dma_start3A_72 = arith.constant 0 : i32
    %dma_start3A_73 = arith.constant 0 : i32
    %dma_start3A_74 = tpu.memref_slice %arg6[%dma_start3A_64, %dma_start3A_72, %dma_start3A_73] : memref<7x128x64xf32, #tpu.memory_space<vmem>> -> memref<1x128x64xf32, #tpu.memory_space<vmem>>
    %dma_start3A_75 = tpu.memref_squeeze %dma_start3A_74 : memref<1x128x64xf32, #tpu.memory_space<vmem>> -> memref<128x64xf32, #tpu.memory_space<vmem>>
    %dma_start3A_76 = arith.constant 0 : i32
    %dma_start3A_77 = tpu.memref_slice %arg2[%mul3A_2, %squeeze3A_63, %dma_start3A_76] : memref<4096x200x64xf32, #tpu.memory_space<hbm>> -> memref<128x1x64xf32, #tpu.memory_space<hbm>>
    %dma_start3A_78 = tpu.memref_squeeze %dma_start3A_77 : memref<128x1x64xf32, #tpu.memory_space<hbm>> -> memref<128x64xf32, #tpu.memory_space<hbm>>
    tpu.enqueue_dma source(%dma_start3A_78 : memref<128x64xf32, #tpu.memory_space<hbm>>) target(%dma_start3A_75 : memref<128x64xf32, #tpu.memory_space<vmem>>) target_semaphore(%arg7 : memref<!tpu.dma_semaphore, #tpu.memory_space<semaphore_mem>>)
    %slice3A_79 = vector.extract_strided_slice %get3A_4 {offsets = [0], sizes = [1], strides = [1]} : vector<16xi32> to vector<1xi32>
    %squeeze3A_80 = vector.extract %slice3A_79[0] : i32 from vector<1xi32>
    %dma_wait3A = arith.constant 0 : i32
    %dma_wait3A_81 = arith.constant 0 : i32
    %dma_wait3A_82 = arith.constant 0 : i32
    %dma_wait3A_83 = tpu.memref_slice %arg6[%dma_wait3A, %dma_wait3A_81, %dma_wait3A_82] : memref<7x128x64xf32, #tpu.memory_space<vmem>> -> memref<1x128x64xf32, #tpu.memory_space<vmem>>
    %dma_wait3A_84 = tpu.memref_squeeze %dma_wait3A_83 : memref<1x128x64xf32, #tpu.memory_space<vmem>> -> memref<128x64xf32, #tpu.memory_space<vmem>>
    %dma_wait3A_85 = arith.constant 0 : i32
    %dma_wait3A_86 = tpu.memref_slice %arg2[%mul3A_2, %squeeze3A_80, %dma_wait3A_85] : memref<4096x200x64xf32, #tpu.memory_space<hbm>> -> memref<128x1x64xf32, #tpu.memory_space<hbm>>
    %dma_wait3A_87 = tpu.memref_squeeze %dma_wait3A_86 : memref<128x1x64xf32, #tpu.memory_space<hbm>> -> memref<128x64xf32, #tpu.memory_space<hbm>>
    %dma_wait3A_88 = arith.constant 0 : i32
    %dma_wait3A_89 = arith.constant 0 : i32
    %dma_wait3A_90 = tpu.memref_slice %arg6[%dma_wait3A, %dma_wait3A_88, %dma_wait3A_89] : memref<7x128x64xf32, #tpu.memory_space<vmem>> -> memref<1x128x64xf32, #tpu.memory_space<vmem>>
    %dma_wait3A_91 = tpu.memref_squeeze %dma_wait3A_90 : memref<1x128x64xf32, #tpu.memory_space<vmem>> -> memref<128x64xf32, #tpu.memory_space<vmem>>
    %dma_wait3A_92 = arith.constant 0 : i32
    %dma_wait3A_93 = tpu.memref_slice %arg2[%mul3A_2, %squeeze3A_80, %dma_wait3A_92] : memref<4096x200x64xf32, #tpu.memory_space<hbm>> -> memref<128x1x64xf32, #tpu.memory_space<hbm>>
    %dma_wait3A_94 = tpu.memref_squeeze %dma_wait3A_93 : memref<128x1x64xf32, #tpu.memory_space<hbm>> -> memref<128x64xf32, #tpu.memory_space<hbm>>
    tpu.wait_dma2 semaphore(%arg7 : memref<!tpu.dma_semaphore, #tpu.memory_space<semaphore_mem>>) src(%dma_wait3A_94 : memref<128x64xf32, #tpu.memory_space<hbm>>) dst(%dma_wait3A_91 : memref<128x64xf32, #tpu.memory_space<vmem>>)
    %dma_start3A_95 = arith.constant 0 : i32
    %dma_start3A_96 = arith.constant 0 : i32
    %dma_start3A_97 = arith.constant 0 : i32
    %dma_start3A_98 = arith.constant 0 : i32
    %dma_start3A_99 = tpu.memref_slice %arg6[%dma_start3A_95, %dma_start3A_97, %dma_start3A_98] : memref<7x128x64xf32, #tpu.memory_space<vmem>> -> memref<1x128x64xf32, #tpu.memory_space<vmem>>
    %dma_start3A_100 = tpu.memref_squeeze %dma_start3A_99 : memref<1x128x64xf32, #tpu.memory_space<vmem>> -> memref<128x64xf32, #tpu.memory_space<vmem>>
    %dma_start3A_101 = arith.constant 0 : i32
    %dma_start3A_102 = tpu.memref_slice %arg4[%mul3A_2, %dma_start3A_96, %dma_start3A_101] : memref<4096x50x64xf32, #tpu.memory_space<hbm>> -> memref<128x1x64xf32, #tpu.memory_space<hbm>>
    %dma_start3A_103 = tpu.memref_squeeze %dma_start3A_102 : memref<128x1x64xf32, #tpu.memory_space<hbm>> -> memref<128x64xf32, #tpu.memory_space<hbm>>
    %dma_start3A_104 = arith.constant 0 : i32
    %dma_start3A_105 = tpu.memref_slice %arg4[%mul3A_2, %dma_start3A_96, %dma_start3A_104] : memref<4096x50x64xf32, #tpu.memory_space<hbm>> -> memref<128x1x64xf32, #tpu.memory_space<hbm>>
    %dma_start3A_106 = tpu.memref_squeeze %dma_start3A_105 : memref<128x1x64xf32, #tpu.memory_space<hbm>> -> memref<128x64xf32, #tpu.memory_space<hbm>>
    %dma_start3A_107 = arith.constant 0 : i32
    %dma_start3A_108 = arith.constant 0 : i32
    %dma_start3A_109 = tpu.memref_slice %arg6[%dma_start3A_95, %dma_start3A_107, %dma_start3A_108] : memref<7x128x64xf32, #tpu.memory_space<vmem>> -> memref<1x128x64xf32, #tpu.memory_space<vmem>>
    %dma_start3A_110 = tpu.memref_squeeze %dma_start3A_109 : memref<1x128x64xf32, #tpu.memory_space<vmem>> -> memref<128x64xf32, #tpu.memory_space<vmem>>
    tpu.enqueue_dma source(%dma_start3A_110 : memref<128x64xf32, #tpu.memory_space<vmem>>) target(%dma_start3A_106 : memref<128x64xf32, #tpu.memory_space<hbm>>) target_semaphore(%arg8 : memref<!tpu.dma_semaphore, #tpu.memory_space<semaphore_mem>>)
    %slice3A_111 = vector.extract_strided_slice %get3A_4 {offsets = [4], sizes = [1], strides = [1]} : vector<16xi32> to vector<1xi32>
    %squeeze3A_112 = vector.extract %slice3A_111[0] : i32 from vector<1xi32>
    %dma_start3A_113 = arith.constant 4 : i32
    %dma_start3A_114 = arith.constant 0 : i32
    %dma_start3A_115 = arith.constant 0 : i32
    %dma_start3A_116 = tpu.memref_slice %arg6[%dma_start3A_113, %dma_start3A_114, %dma_start3A_115] : memref<7x128x64xf32, #tpu.memory_space<vmem>> -> memref<1x128x64xf32, #tpu.memory_space<vmem>>
    %dma_start3A_117 = tpu.memref_squeeze %dma_start3A_116 : memref<1x128x64xf32, #tpu.memory_space<vmem>> -> memref<128x64xf32, #tpu.memory_space<vmem>>
    %dma_start3A_118 = arith.constant 0 : i32
    %dma_start3A_119 = tpu.memref_slice %arg2[%mul3A_2, %squeeze3A_112, %dma_start3A_118] : memref<4096x200x64xf32, #tpu.memory_space<hbm>> -> memref<128x1x64xf32, #tpu.memory_space<hbm>>
    %dma_start3A_120 = tpu.memref_squeeze %dma_start3A_119 : memref<128x1x64xf32, #tpu.memory_space<hbm>> -> memref<128x64xf32, #tpu.memory_space<hbm>>
    %dma_start3A_121 = arith.constant 0 : i32
    %dma_start3A_122 = arith.constant 0 : i32
    %dma_start3A_123 = tpu.memref_slice %arg6[%dma_start3A_113, %dma_start3A_121, %dma_start3A_122] : memref<7x128x64xf32, #tpu.memory_space<vmem>> -> memref<1x128x64xf32, #tpu.memory_space<vmem>>
    %dma_start3A_124 = tpu.memref_squeeze %dma_start3A_123 : memref<1x128x64xf32, #tpu.memory_space<vmem>> -> memref<128x64xf32, #tpu.memory_space<vmem>>
    %dma_start3A_125 = arith.constant 0 : i32
    %dma_start3A_126 = tpu.memref_slice %arg2[%mul3A_2, %squeeze3A_112, %dma_start3A_125] : memref<4096x200x64xf32, #tpu.memory_space<hbm>> -> memref<128x1x64xf32, #tpu.memory_space<hbm>>
    %dma_start3A_127 = tpu.memref_squeeze %dma_start3A_126 : memref<128x1x64xf32, #tpu.memory_space<hbm>> -> memref<128x64xf32, #tpu.memory_space<hbm>>
    tpu.enqueue_dma source(%dma_start3A_127 : memref<128x64xf32, #tpu.memory_space<hbm>>) target(%dma_start3A_124 : memref<128x64xf32, #tpu.memory_space<vmem>>) target_semaphore(%arg7 : memref<!tpu.dma_semaphore, #tpu.memory_space<semaphore_mem>>)
    %slice3A_128 = vector.extract_strided_slice %get3A_4 {offsets = [1], sizes = [1], strides = [1]} : vector<16xi32> to vector<1xi32>
    %squeeze3A_129 = vector.extract %slice3A_128[0] : i32 from vector<1xi32>
    %dma_wait3A_130 = arith.constant 1 : i32
    %dma_wait3A_131 = arith.constant 0 : i32
    %dma_wait3A_132 = arith.constant 0 : i32
    %dma_wait3A_133 = tpu.memref_slice %arg6[%dma_wait3A_130, %dma_wait3A_131, %dma_wait3A_132] : memref<7x128x64xf32, #tpu.memory_space<vmem>> -> memref<1x128x64xf32, #tpu.memory_space<vmem>>
    %dma_wait3A_134 = tpu.memref_squeeze %dma_wait3A_133 : memref<1x128x64xf32, #tpu.memory_space<vmem>> -> memref<128x64xf32, #tpu.memory_space<vmem>>
    %dma_wait3A_135 = arith.constant 0 : i32
    %dma_wait3A_136 = tpu.memref_slice %arg2[%mul3A_2, %squeeze3A_129, %dma_wait3A_135] : memref<4096x200x64xf32, #tpu.memory_space<hbm>> -> memref<128x1x64xf32, #tpu.memory_space<hbm>>
    %dma_wait3A_137 = tpu.memref_squeeze %dma_wait3A_136 : memref<128x1x64xf32, #tpu.memory_space<hbm>> -> memref<128x64xf32, #tpu.memory_space<hbm>>
    %dma_wait3A_138 = arith.constant 0 : i32
    %dma_wait3A_139 = arith.constant 0 : i32
    %dma_wait3A_140 = tpu.memref_slice %arg6[%dma_wait3A_130, %dma_wait3A_138, %dma_wait3A_139] : memref<7x128x64xf32, #tpu.memory_space<vmem>> -> memref<1x128x64xf32, #tpu.memory_space<vmem>>
    %dma_wait3A_141 = tpu.memref_squeeze %dma_wait3A_140 : memref<1x128x64xf32, #tpu.memory_space<vmem>> -> memref<128x64xf32, #tpu.memory_space<vmem>>
    %dma_wait3A_142 = arith.constant 0 : i32
    %dma_wait3A_143 = tpu.memref_slice %arg2[%mul3A_2, %squeeze3A_129, %dma_wait3A_142] : memref<4096x200x64xf32, #tpu.memory_space<hbm>> -> memref<128x1x64xf32, #tpu.memory_space<hbm>>
    %dma_wait3A_144 = tpu.memref_squeeze %dma_wait3A_143 : memref<128x1x64xf32, #tpu.memory_space<hbm>> -> memref<128x64xf32, #tpu.memory_space<hbm>>
    tpu.wait_dma2 semaphore(%arg7 : memref<!tpu.dma_semaphore, #tpu.memory_space<semaphore_mem>>) src(%dma_wait3A_144 : memref<128x64xf32, #tpu.memory_space<hbm>>) dst(%dma_wait3A_141 : memref<128x64xf32, #tpu.memory_space<vmem>>)
    %dma_start3A_145 = arith.constant 1 : i32
    %dma_start3A_146 = arith.constant 1 : i32
    %dma_start3A_147 = arith.constant 0 : i32
    %dma_start3A_148 = arith.constant 0 : i32
    %dma_start3A_149 = tpu.memref_slice %arg6[%dma_start3A_145, %dma_start3A_147, %dma_start3A_148] : memref<7x128x64xf32, #tpu.memory_space<vmem>> -> memref<1x128x64xf32, #tpu.memory_space<vmem>>
    %dma_start3A_150 = tpu.memref_squeeze %dma_start3A_149 : memref<1x128x64xf32, #tpu.memory_space<vmem>> -> memref<128x64xf32, #tpu.memory_space<vmem>>
    %dma_start3A_151 = arith.constant 0 : i32
    %dma_start3A_152 = tpu.memref_slice %arg4[%mul3A_2, %dma_start3A_146, %dma_start3A_151] : memref<4096x50x64xf32, #tpu.memory_space<hbm>> -> memref<128x1x64xf32, #tpu.memory_space<hbm>>
    %dma_start3A_153 = tpu.memref_squeeze %dma_start3A_152 : memref<128x1x64xf32, #tpu.memory_space<hbm>> -> memref<128x64xf32, #tpu.memory_space<hbm>>
    %dma_start3A_154 = arith.constant 0 : i32
    %dma_start3A_155 = tpu.memref_slice %arg4[%mul3A_2, %dma_start3A_146, %dma_start3A_154] : memref<4096x50x64xf32, #tpu.memory_space<hbm>> -> memref<128x1x64xf32, #tpu.memory_space<hbm>>
    %dma_start3A_156 = tpu.memref_squeeze %dma_start3A_155 : memref<128x1x64xf32, #tpu.memory_space<hbm>> -> memref<128x64xf32, #tpu.memory_space<hbm>>
    %dma_start3A_157 = arith.constant 0 : i32
    %dma_start3A_158 = arith.constant 0 : i32
    %dma_start3A_159 = tpu.memref_slice %arg6[%dma_start3A_145, %dma_start3A_157, %dma_start3A_158] : memref<7x128x64xf32, #tpu.memory_space<vmem>> -> memref<1x128x64xf32, #tpu.memory_space<vmem>>
    %dma_start3A_160 = tpu.memref_squeeze %dma_start3A_159 : memref<1x128x64xf32, #tpu.memory_space<vmem>> -> memref<128x64xf32, #tpu.memory_space<vmem>>
    tpu.enqueue_dma source(%dma_start3A_160 : memref<128x64xf32, #tpu.memory_space<vmem>>) target(%dma_start3A_156 : memref<128x64xf32, #tpu.memory_space<hbm>>) target_semaphore(%arg8 : memref<!tpu.dma_semaphore, #tpu.memory_space<semaphore_mem>>)
    %slice3A_161 = vector.extract_strided_slice %get3A_4 {offsets = [5], sizes = [1], strides = [1]} : vector<16xi32> to vector<1xi32>
    %squeeze3A_162 = vector.extract %slice3A_161[0] : i32 from vector<1xi32>
    %dma_start3A_163 = arith.constant 5 : i32
    %dma_start3A_164 = arith.constant 0 : i32
    %dma_start3A_165 = arith.constant 0 : i32
    %dma_start3A_166 = tpu.memref_slice %arg6[%dma_start3A_163, %dma_start3A_164, %dma_start3A_165] : memref<7x128x64xf32, #tpu.memory_space<vmem>> -> memref<1x128x64xf32, #tpu.memory_space<vmem>>
    %dma_start3A_167 = tpu.memref_squeeze %dma_start3A_166 : memref<1x128x64xf32, #tpu.memory_space<vmem>> -> memref<128x64xf32, #tpu.memory_space<vmem>>
    %dma_start3A_168 = arith.constant 0 : i32
    %dma_start3A_169 = tpu.memref_slice %arg2[%mul3A_2, %squeeze3A_162, %dma_start3A_168] : memref<4096x200x64xf32, #tpu.memory_space<hbm>> -> memref<128x1x64xf32, #tpu.memory_space<hbm>>
    %dma_start3A_170 = tpu.memref_squeeze %dma_start3A_169 : memref<128x1x64xf32, #tpu.memory_space<hbm>> -> memref<128x64xf32, #tpu.memory_space<hbm>>
    %dma_start3A_171 = arith.constant 0 : i32
    %dma_start3A_172 = arith.constant 0 : i32
    %dma_start3A_173 = tpu.memref_slice %arg6[%dma_start3A_163, %dma_start3A_171, %dma_start3A_172] : memref<7x128x64xf32, #tpu.memory_space<vmem>> -> memref<1x128x64xf32, #tpu.memory_space<vmem>>
    %dma_start3A_174 = tpu.memref_squeeze %dma_start3A_173 : memref<1x128x64xf32, #tpu.memory_space<vmem>> -> memref<128x64xf32, #tpu.memory_space<vmem>>
    %dma_start3A_175 = arith.constant 0 : i32
    %dma_start3A_176 = tpu.memref_slice %arg2[%mul3A_2, %squeeze3A_162, %dma_start3A_175] : memref<4096x200x64xf32, #tpu.memory_space<hbm>> -> memref<128x1x64xf32, #tpu.memory_space<hbm>>
    %dma_start3A_177 = tpu.memref_squeeze %dma_start3A_176 : memref<128x1x64xf32, #tpu.memory_space<hbm>> -> memref<128x64xf32, #tpu.memory_space<hbm>>
    tpu.enqueue_dma source(%dma_start3A_177 : memref<128x64xf32, #tpu.memory_space<hbm>>) target(%dma_start3A_174 : memref<128x64xf32, #tpu.memory_space<vmem>>) target_semaphore(%arg7 : memref<!tpu.dma_semaphore, #tpu.memory_space<semaphore_mem>>)
    %slice3A_178 = vector.extract_strided_slice %get3A_4 {offsets = [2], sizes = [1], strides = [1]} : vector<16xi32> to vector<1xi32>
    %squeeze3A_179 = vector.extract %slice3A_178[0] : i32 from vector<1xi32>
    %dma_wait3A_180 = arith.constant 2 : i32
    %dma_wait3A_181 = arith.constant 0 : i32
    %dma_wait3A_182 = arith.constant 0 : i32
    %dma_wait3A_183 = tpu.memref_slice %arg6[%dma_wait3A_180, %dma_wait3A_181, %dma_wait3A_182] : memref<7x128x64xf32, #tpu.memory_space<vmem>> -> memref<1x128x64xf32, #tpu.memory_space<vmem>>
    %dma_wait3A_184 = tpu.memref_squeeze %dma_wait3A_183 : memref<1x128x64xf32, #tpu.memory_space<vmem>> -> memref<128x64xf32, #tpu.memory_space<vmem>>
    %dma_wait3A_185 = arith.constant 0 : i32
    %dma_wait3A_186 = tpu.memref_slice %arg2[%mul3A_2, %squeeze3A_179, %dma_wait3A_185] : memref<4096x200x64xf32, #tpu.memory_space<hbm>> -> memref<128x1x64xf32, #tpu.memory_space<hbm>>
    %dma_wait3A_187 = tpu.memref_squeeze %dma_wait3A_186 : memref<128x1x64xf32, #tpu.memory_space<hbm>> -> memref<128x64xf32, #tpu.memory_space<hbm>>
    %dma_wait3A_188 = arith.constant 0 : i32
    %dma_wait3A_189 = arith.constant 0 : i32
    %dma_wait3A_190 = tpu.memref_slice %arg6[%dma_wait3A_180, %dma_wait3A_188, %dma_wait3A_189] : memref<7x128x64xf32, #tpu.memory_space<vmem>> -> memref<1x128x64xf32, #tpu.memory_space<vmem>>
    %dma_wait3A_191 = tpu.memref_squeeze %dma_wait3A_190 : memref<1x128x64xf32, #tpu.memory_space<vmem>> -> memref<128x64xf32, #tpu.memory_space<vmem>>
    %dma_wait3A_192 = arith.constant 0 : i32
    %dma_wait3A_193 = tpu.memref_slice %arg2[%mul3A_2, %squeeze3A_179, %dma_wait3A_192] : memref<4096x200x64xf32, #tpu.memory_space<hbm>> -> memref<128x1x64xf32, #tpu.memory_space<hbm>>
    %dma_wait3A_194 = tpu.memref_squeeze %dma_wait3A_193 : memref<128x1x64xf32, #tpu.memory_space<hbm>> -> memref<128x64xf32, #tpu.memory_space<hbm>>
    tpu.wait_dma2 semaphore(%arg7 : memref<!tpu.dma_semaphore, #tpu.memory_space<semaphore_mem>>) src(%dma_wait3A_194 : memref<128x64xf32, #tpu.memory_space<hbm>>) dst(%dma_wait3A_191 : memref<128x64xf32, #tpu.memory_space<vmem>>)
    %dma_start3A_195 = arith.constant 2 : i32
    %dma_start3A_196 = arith.constant 2 : i32
    %dma_start3A_197 = arith.constant 0 : i32
    %dma_start3A_198 = arith.constant 0 : i32
    %dma_start3A_199 = tpu.memref_slice %arg6[%dma_start3A_195, %dma_start3A_197, %dma_start3A_198] : memref<7x128x64xf32, #tpu.memory_space<vmem>> -> memref<1x128x64xf32, #tpu.memory_space<vmem>>
    %dma_start3A_200 = tpu.memref_squeeze %dma_start3A_199 : memref<1x128x64xf32, #tpu.memory_space<vmem>> -> memref<128x64xf32, #tpu.memory_space<vmem>>
    %dma_start3A_201 = arith.constant 0 : i32
    %dma_start3A_202 = tpu.memref_slice %arg4[%mul3A_2, %dma_start3A_196, %dma_start3A_201] : memref<4096x50x64xf32, #tpu.memory_space<hbm>> -> memref<128x1x64xf32, #tpu.memory_space<hbm>>
    %dma_start3A_203 = tpu.memref_squeeze %dma_start3A_202 : memref<128x1x64xf32, #tpu.memory_space<hbm>> -> memref<128x64xf32, #tpu.memory_space<hbm>>
    %dma_start3A_204 = arith.constant 0 : i32
    %dma_start3A_205 = tpu.memref_slice %arg4[%mul3A_2, %dma_start3A_196, %dma_start3A_204] : memref<4096x50x64xf32, #tpu.memory_space<hbm>> -> memref<128x1x64xf32, #tpu.memory_space<hbm>>
    %dma_start3A_206 = tpu.memref_squeeze %dma_start3A_205 : memref<128x1x64xf32, #tpu.memory_space<hbm>> -> memref<128x64xf32, #tpu.memory_space<hbm>>
    %dma_start3A_207 = arith.constant 0 : i32
    %dma_start3A_208 = arith.constant 0 : i32
    %dma_start3A_209 = tpu.memref_slice %arg6[%dma_start3A_195, %dma_start3A_207, %dma_start3A_208] : memref<7x128x64xf32, #tpu.memory_space<vmem>> -> memref<1x128x64xf32, #tpu.memory_space<vmem>>
    %dma_start3A_210 = tpu.memref_squeeze %dma_start3A_209 : memref<1x128x64xf32, #tpu.memory_space<vmem>> -> memref<128x64xf32, #tpu.memory_space<vmem>>
    tpu.enqueue_dma source(%dma_start3A_210 : memref<128x64xf32, #tpu.memory_space<vmem>>) target(%dma_start3A_206 : memref<128x64xf32, #tpu.memory_space<hbm>>) target_semaphore(%arg8 : memref<!tpu.dma_semaphore, #tpu.memory_space<semaphore_mem>>)
    %dma_wait3A_211 = arith.constant 0 : i32
    %dma_wait3A_212 = arith.constant 0 : i32
    %dma_wait3A_213 = arith.constant 0 : i32
    %dma_wait3A_214 = arith.constant 0 : i32
    %dma_wait3A_215 = tpu.memref_slice %arg6[%dma_wait3A_211, %dma_wait3A_213, %dma_wait3A_214] : memref<7x128x64xf32, #tpu.memory_space<vmem>> -> memref<1x128x64xf32, #tpu.memory_space<vmem>>
    %dma_wait3A_216 = tpu.memref_squeeze %dma_wait3A_215 : memref<1x128x64xf32, #tpu.memory_space<vmem>> -> memref<128x64xf32, #tpu.memory_space<vmem>>
    %dma_wait3A_217 = arith.constant 0 : i32
    %dma_wait3A_218 = tpu.memref_slice %arg4[%mul3A_2, %dma_wait3A_212, %dma_wait3A_217] : memref<4096x50x64xf32, #tpu.memory_space<hbm>> -> memref<128x1x64xf32, #tpu.memory_space<hbm>>
    %dma_wait3A_219 = tpu.memref_squeeze %dma_wait3A_218 : memref<128x1x64xf32, #tpu.memory_space<hbm>> -> memref<128x64xf32, #tpu.memory_space<hbm>>
    %dma_wait3A_220 = arith.constant 0 : i32
    %dma_wait3A_221 = tpu.memref_slice %arg4[%mul3A_2, %dma_wait3A_212, %dma_wait3A_220] : memref<4096x50x64xf32, #tpu.memory_space<hbm>> -> memref<128x1x64xf32, #tpu.memory_space<hbm>>
    %dma_wait3A_222 = tpu.memref_squeeze %dma_wait3A_221 : memref<128x1x64xf32, #tpu.memory_space<hbm>> -> memref<128x64xf32, #tpu.memory_space<hbm>>
    %dma_wait3A_223 = arith.constant 0 : i32
    %dma_wait3A_224 = arith.constant 0 : i32
    %dma_wait3A_225 = tpu.memref_slice %arg6[%dma_wait3A_211, %dma_wait3A_223, %dma_wait3A_224] : memref<7x128x64xf32, #tpu.memory_space<vmem>> -> memref<1x128x64xf32, #tpu.memory_space<vmem>>
    %dma_wait3A_226 = tpu.memref_squeeze %dma_wait3A_225 : memref<1x128x64xf32, #tpu.memory_space<vmem>> -> memref<128x64xf32, #tpu.memory_space<vmem>>
    tpu.wait_dma2 semaphore(%arg8 : memref<!tpu.dma_semaphore, #tpu.memory_space<semaphore_mem>>) src(%dma_wait3A_226 : memref<128x64xf32, #tpu.memory_space<vmem>>) dst(%dma_wait3A_222 : memref<128x64xf32, #tpu.memory_space<hbm>>)
    %slice3A_227 = vector.extract_strided_slice %get3A_4 {offsets = [6], sizes = [1], strides = [1]} : vector<16xi32> to vector<1xi32>
    %squeeze3A_228 = vector.extract %slice3A_227[0] : i32 from vector<1xi32>
    %dma_start3A_229 = arith.constant 6 : i32
    %dma_start3A_230 = arith.constant 0 : i32
    %dma_start3A_231 = arith.constant 0 : i32
    %dma_start3A_232 = tpu.memref_slice %arg6[%dma_start3A_229, %dma_start3A_230, %dma_start3A_231] : memref<7x128x64xf32, #tpu.memory_space<vmem>> -> memref<1x128x64xf32, #tpu.memory_space<vmem>>
    %dma_start3A_233 = tpu.memref_squeeze %dma_start3A_232 : memref<1x128x64xf32, #tpu.memory_space<vmem>> -> memref<128x64xf32, #tpu.memory_space<vmem>>
    %dma_start3A_234 = arith.constant 0 : i32
    %dma_start3A_235 = tpu.memref_slice %arg2[%mul3A_2, %squeeze3A_228, %dma_start3A_234] : memref<4096x200x64xf32, #tpu.memory_space<hbm>> -> memref<128x1x64xf32, #tpu.memory_space<hbm>>
    %dma_start3A_236 = tpu.memref_squeeze %dma_start3A_235 : memref<128x1x64xf32, #tpu.memory_space<hbm>> -> memref<128x64xf32, #tpu.memory_space<hbm>>
    %dma_start3A_237 = arith.constant 0 : i32
    %dma_start3A_238 = arith.constant 0 : i32
    %dma_start3A_239 = tpu.memref_slice %arg6[%dma_start3A_229, %dma_start3A_237, %dma_start3A_238] : memref<7x128x64xf32, #tpu.memory_space<vmem>> -> memref<1x128x64xf32, #tpu.memory_space<vmem>>
    %dma_start3A_240 = tpu.memref_squeeze %dma_start3A_239 : memref<1x128x64xf32, #tpu.memory_space<vmem>> -> memref<128x64xf32, #tpu.memory_space<vmem>>
    %dma_start3A_241 = arith.constant 0 : i32
    %dma_start3A_242 = tpu.memref_slice %arg2[%mul3A_2, %squeeze3A_228, %dma_start3A_241] : memref<4096x200x64xf32, #tpu.memory_space<hbm>> -> memref<128x1x64xf32, #tpu.memory_space<hbm>>
    %dma_start3A_243 = tpu.memref_squeeze %dma_start3A_242 : memref<128x1x64xf32, #tpu.memory_space<hbm>> -> memref<128x64xf32, #tpu.memory_space<hbm>>
    tpu.enqueue_dma source(%dma_start3A_243 : memref<128x64xf32, #tpu.memory_space<hbm>>) target(%dma_start3A_240 : memref<128x64xf32, #tpu.memory_space<vmem>>) target_semaphore(%arg7 : memref<!tpu.dma_semaphore, #tpu.memory_space<semaphore_mem>>)
    %slice3A_244 = vector.extract_strided_slice %get3A_4 {offsets = [3], sizes = [1], strides = [1]} : vector<16xi32> to vector<1xi32>
    %squeeze3A_245 = vector.extract %slice3A_244[0] : i32 from vector<1xi32>
    %dma_wait3A_246 = arith.constant 3 : i32
    %dma_wait3A_247 = arith.constant 0 : i32
    %dma_wait3A_248 = arith.constant 0 : i32
    %dma_wait3A_249 = tpu.memref_slice %arg6[%dma_wait3A_246, %dma_wait3A_247, %dma_wait3A_248] : memref<7x128x64xf32, #tpu.memory_space<vmem>> -> memref<1x128x64xf32, #tpu.memory_space<vmem>>
    %dma_wait3A_250 = tpu.memref_squeeze %dma_wait3A_249 : memref<1x128x64xf32, #tpu.memory_space<vmem>> -> memref<128x64xf32, #tpu.memory_space<vmem>>
    %dma_wait3A_251 = arith.constant 0 : i32
    %dma_wait3A_252 = tpu.memref_slice %arg2[%mul3A_2, %squeeze3A_245, %dma_wait3A_251] : memref<4096x200x64xf32, #tpu.memory_space<hbm>> -> memref<128x1x64xf32, #tpu.memory_space<hbm>>
    %dma_wait3A_253 = tpu.memref_squeeze %dma_wait3A_252 : memref<128x1x64xf32, #tpu.memory_space<hbm>> -> memref<128x64xf32, #tpu.memory_space<hbm>>
    %dma_wait3A_254 = arith.constant 0 : i32
    %dma_wait3A_255 = arith.constant 0 : i32
    %dma_wait3A_256 = tpu.memref_slice %arg6[%dma_wait3A_246, %dma_wait3A_254, %dma_wait3A_255] : memref<7x128x64xf32, #tpu.memory_space<vmem>> -> memref<1x128x64xf32, #tpu.memory_space<vmem>>
    %dma_wait3A_257 = tpu.memref_squeeze %dma_wait3A_256 : memref<1x128x64xf32, #tpu.memory_space<vmem>> -> memref<128x64xf32, #tpu.memory_space<vmem>>
    %dma_wait3A_258 = arith.constant 0 : i32
    %dma_wait3A_259 = tpu.memref_slice %arg2[%mul3A_2, %squeeze3A_245, %dma_wait3A_258] : memref<4096x200x64xf32, #tpu.memory_space<hbm>> -> memref<128x1x64xf32, #tpu.memory_space<hbm>>
    %dma_wait3A_260 = tpu.memref_squeeze %dma_wait3A_259 : memref<128x1x64xf32, #tpu.memory_space<hbm>> -> memref<128x64xf32, #tpu.memory_space<hbm>>
    tpu.wait_dma2 semaphore(%arg7 : memref<!tpu.dma_semaphore, #tpu.memory_space<semaphore_mem>>) src(%dma_wait3A_260 : memref<128x64xf32, #tpu.memory_space<hbm>>) dst(%dma_wait3A_257 : memref<128x64xf32, #tpu.memory_space<vmem>>)
    %dma_start3A_261 = arith.constant 3 : i32
    %dma_start3A_262 = arith.constant 3 : i32
    %dma_start3A_263 = arith.constant 0 : i32
    %dma_start3A_264 = arith.constant 0 : i32
    %dma_start3A_265 = tpu.memref_slice %arg6[%dma_start3A_261, %dma_start3A_263, %dma_start3A_264] : memref<7x128x64xf32, #tpu.memory_space<vmem>> -> memref<1x128x64xf32, #tpu.memory_space<vmem>>
    %dma_start3A_266 = tpu.memref_squeeze %dma_start3A_265 : memref<1x128x64xf32, #tpu.memory_space<vmem>> -> memref<128x64xf32, #tpu.memory_space<vmem>>
    %dma_start3A_267 = arith.constant 0 : i32
    %dma_start3A_268 = tpu.memref_slice %arg4[%mul3A_2, %dma_start3A_262, %dma_start3A_267] : memref<4096x50x64xf32, #tpu.memory_space<hbm>> -> memref<128x1x64xf32, #tpu.memory_space<hbm>>
    %dma_start3A_269 = tpu.memref_squeeze %dma_start3A_268 : memref<128x1x64xf32, #tpu.memory_space<hbm>> -> memref<128x64xf32, #tpu.memory_space<hbm>>
    %dma_start3A_270 = arith.constant 0 : i32
    %dma_start3A_271 = tpu.memref_slice %arg4[%mul3A_2, %dma_start3A_262, %dma_start3A_270] : memref<4096x50x64xf32, #tpu.memory_space<hbm>> -> memref<128x1x64xf32, #tpu.memory_space<hbm>>
    %dma_start3A_272 = tpu.memref_squeeze %dma_start3A_271 : memref<128x1x64xf32, #tpu.memory_space<hbm>> -> memref<128x64xf32, #tpu.memory_space<hbm>>
    %dma_start3A_273 = arith.constant 0 : i32
    %dma_start3A_274 = arith.constant 0 : i32
    %dma_start3A_275 = tpu.memref_slice %arg6[%dma_start3A_261, %dma_start3A_273, %dma_start3A_274] : memref<7x128x64xf32, #tpu.memory_space<vmem>> -> memref<1x128x64xf32, #tpu.memory_space<vmem>>
    %dma_start3A_276 = tpu.memref_squeeze %dma_start3A_275 : memref<1x128x64xf32, #tpu.memory_space<vmem>> -> memref<128x64xf32, #tpu.memory_space<vmem>>
    tpu.enqueue_dma source(%dma_start3A_276 : memref<128x64xf32, #tpu.memory_space<vmem>>) target(%dma_start3A_272 : memref<128x64xf32, #tpu.memory_space<hbm>>) target_semaphore(%arg8 : memref<!tpu.dma_semaphore, #tpu.memory_space<semaphore_mem>>)
    %dma_wait3A_277 = arith.constant 1 : i32
    %dma_wait3A_278 = arith.constant 1 : i32
    %dma_wait3A_279 = arith.constant 0 : i32
    %dma_wait3A_280 = arith.constant 0 : i32
    %dma_wait3A_281 = tpu.memref_slice %arg6[%dma_wait3A_277, %dma_wait3A_279, %dma_wait3A_280] : memref<7x128x64xf32, #tpu.memory_space<vmem>> -> memref<1x128x64xf32, #tpu.memory_space<vmem>>
    %dma_wait3A_282 = tpu.memref_squeeze %dma_wait3A_281 : memref<1x128x64xf32, #tpu.memory_space<vmem>> -> memref<128x64xf32, #tpu.memory_space<vmem>>
    %dma_wait3A_283 = arith.constant 0 : i32
    %dma_wait3A_284 = tpu.memref_slice %arg4[%mul3A_2, %dma_wait3A_278, %dma_wait3A_283] : memref<4096x50x64xf32, #tpu.memory_space<hbm>> -> memref<128x1x64xf32, #tpu.memory_space<hbm>>
    %dma_wait3A_285 = tpu.memref_squeeze %dma_wait3A_284 : memref<128x1x64xf32, #tpu.memory_space<hbm>> -> memref<128x64xf32, #tpu.memory_space<hbm>>
    %dma_wait3A_286 = arith.constant 0 : i32
    %dma_wait3A_287 = tpu.memref_slice %arg4[%mul3A_2, %dma_wait3A_278, %dma_wait3A_286] : memref<4096x50x64xf32, #tpu.memory_space<hbm>> -> memref<128x1x64xf32, #tpu.memory_space<hbm>>
    %dma_wait3A_288 = tpu.memref_squeeze %dma_wait3A_287 : memref<128x1x64xf32, #tpu.memory_space<hbm>> -> memref<128x64xf32, #tpu.memory_space<hbm>>
    %dma_wait3A_289 = arith.constant 0 : i32
    %dma_wait3A_290 = arith.constant 0 : i32
    %dma_wait3A_291 = tpu.memref_slice %arg6[%dma_wait3A_277, %dma_wait3A_289, %dma_wait3A_290] : memref<7x128x64xf32, #tpu.memory_space<vmem>> -> memref<1x128x64xf32, #tpu.memory_space<vmem>>
    %dma_wait3A_292 = tpu.memref_squeeze %dma_wait3A_291 : memref<1x128x64xf32, #tpu.memory_space<vmem>> -> memref<128x64xf32, #tpu.memory_space<vmem>>
    tpu.wait_dma2 semaphore(%arg8 : memref<!tpu.dma_semaphore, #tpu.memory_space<semaphore_mem>>) src(%dma_wait3A_292 : memref<128x64xf32, #tpu.memory_space<vmem>>) dst(%dma_wait3A_288 : memref<128x64xf32, #tpu.memory_space<hbm>>)
    %slice3A_293 = vector.extract_strided_slice %get3A_4 {offsets = [7], sizes = [1], strides = [1]} : vector<16xi32> to vector<1xi32>
    %squeeze3A_294 = vector.extract %slice3A_293[0] : i32 from vector<1xi32>
    %dma_start3A_295 = arith.constant 0 : i32
    %dma_start3A_296 = arith.constant 0 : i32
    %dma_start3A_297 = arith.constant 0 : i32
    %dma_start3A_298 = tpu.memref_slice %arg6[%dma_start3A_295, %dma_start3A_296, %dma_start3A_297] : memref<7x128x64xf32, #tpu.memory_space<vmem>> -> memref<1x128x64xf32, #tpu.memory_space<vmem>>
    %dma_start3A_299 = tpu.memref_squeeze %dma_start3A_298 : memref<1x128x64xf32, #tpu.memory_space<vmem>> -> memref<128x64xf32, #tpu.memory_space<vmem>>
    %dma_start3A_300 = arith.constant 0 : i32
    %dma_start3A_301 = tpu.memref_slice %arg2[%mul3A_2, %squeeze3A_294, %dma_start3A_300] : memref<4096x200x64xf32, #tpu.memory_space<hbm>> -> memref<128x1x64xf32, #tpu.memory_space<hbm>>
    %dma_start3A_302 = tpu.memref_squeeze %dma_start3A_301 : memref<128x1x64xf32, #tpu.memory_space<hbm>> -> memref<128x64xf32, #tpu.memory_space<hbm>>
    %dma_start3A_303 = arith.constant 0 : i32
    %dma_start3A_304 = arith.constant 0 : i32
    %dma_start3A_305 = tpu.memref_slice %arg6[%dma_start3A_295, %dma_start3A_303, %dma_start3A_304] : memref<7x128x64xf32, #tpu.memory_space<vmem>> -> memref<1x128x64xf32, #tpu.memory_space<vmem>>
    %dma_start3A_306 = tpu.memref_squeeze %dma_start3A_305 : memref<1x128x64xf32, #tpu.memory_space<vmem>> -> memref<128x64xf32, #tpu.memory_space<vmem>>
    %dma_start3A_307 = arith.constant 0 : i32
    %dma_start3A_308 = tpu.memref_slice %arg2[%mul3A_2, %squeeze3A_294, %dma_start3A_307] : memref<4096x200x64xf32, #tpu.memory_space<hbm>> -> memref<128x1x64xf32, #tpu.memory_space<hbm>>
    %dma_start3A_309 = tpu.memref_squeeze %dma_start3A_308 : memref<128x1x64xf32, #tpu.memory_space<hbm>> -> memref<128x64xf32, #tpu.memory_space<hbm>>
    tpu.enqueue_dma source(%dma_start3A_309 : memref<128x64xf32, #tpu.memory_space<hbm>>) target(%dma_start3A_306 : memref<128x64xf32, #tpu.memory_space<vmem>>) target_semaphore(%arg7 : memref<!tpu.dma_semaphore, #tpu.memory_space<semaphore_mem>>)
    %slice3A_310 = vector.extract_strided_slice %get3A_4 {offsets = [4], sizes = [1], strides = [1]} : vector<16xi32> to vector<1xi32>
    %squeeze3A_311 = vector.extract %slice3A_310[0] : i32 from vector<1xi32>
    %dma_wait3A_312 = arith.constant 4 : i32
    %dma_wait3A_313 = arith.constant 0 : i32
    %dma_wait3A_314 = arith.constant 0 : i32
    %dma_wait3A_315 = tpu.memref_slice %arg6[%dma_wait3A_312, %dma_wait3A_313, %dma_wait3A_314] : memref<7x128x64xf32, #tpu.memory_space<vmem>> -> memref<1x128x64xf32, #tpu.memory_space<vmem>>
    %dma_wait3A_316 = tpu.memref_squeeze %dma_wait3A_315 : memref<1x128x64xf32, #tpu.memory_space<vmem>> -> memref<128x64xf32, #tpu.memory_space<vmem>>
    %dma_wait3A_317 = arith.constant 0 : i32
    %dma_wait3A_318 = tpu.memref_slice %arg2[%mul3A_2, %squeeze3A_311, %dma_wait3A_317] : memref<4096x200x64xf32, #tpu.memory_space<hbm>> -> memref<128x1x64xf32, #tpu.memory_space<hbm>>
    %dma_wait3A_319 = tpu.memref_squeeze %dma_wait3A_318 : memref<128x1x64xf32, #tpu.memory_space<hbm>> -> memref<128x64xf32, #tpu.memory_space<hbm>>
    %dma_wait3A_320 = arith.constant 0 : i32
    %dma_wait3A_321 = arith.constant 0 : i32
    %dma_wait3A_322 = tpu.memref_slice %arg6[%dma_wait3A_312, %dma_wait3A_320, %dma_wait3A_321] : memref<7x128x64xf32, #tpu.memory_space<vmem>> -> memref<1x128x64xf32, #tpu.memory_space<vmem>>
    %dma_wait3A_323 = tpu.memref_squeeze %dma_wait3A_322 : memref<1x128x64xf32, #tpu.memory_space<vmem>> -> memref<128x64xf32, #tpu.memory_space<vmem>>
    %dma_wait3A_324 = arith.constant 0 : i32
    %dma_wait3A_325 = tpu.memref_slice %arg2[%mul3A_2, %squeeze3A_311, %dma_wait3A_324] : memref<4096x200x64xf32, #tpu.memory_space<hbm>> -> memref<128x1x64xf32, #tpu.memory_space<hbm>>
    %dma_wait3A_326 = tpu.memref_squeeze %dma_wait3A_325 : memref<128x1x64xf32, #tpu.memory_space<hbm>> -> memref<128x64xf32, #tpu.memory_space<hbm>>
    tpu.wait_dma2 semaphore(%arg7 : memref<!tpu.dma_semaphore, #tpu.memory_space<semaphore_mem>>) src(%dma_wait3A_326 : memref<128x64xf32, #tpu.memory_space<hbm>>) dst(%dma_wait3A_323 : memref<128x64xf32, #tpu.memory_space<vmem>>)
    %dma_start3A_327 = arith.constant 4 : i32
    %dma_start3A_328 = arith.constant 4 : i32
    %dma_start3A_329 = arith.constant 0 : i32
    %dma_start3A_330 = arith.constant 0 : i32
    %dma_start3A_331 = tpu.memref_slice %arg6[%dma_start3A_327, %dma_start3A_329, %dma_start3A_330] : memref<7x128x64xf32, #tpu.memory_space<vmem>> -> memref<1x128x64xf32, #tpu.memory_space<vmem>>
    %dma_start3A_332 = tpu.memref_squeeze %dma_start3A_331 : memref<1x128x64xf32, #tpu.memory_space<vmem>> -> memref<128x64xf32, #tpu.memory_space<vmem>>
    %dma_start3A_333 = arith.constant 0 : i32
    %dma_start3A_334 = tpu.memref_slice %arg4[%mul3A_2, %dma_start3A_328, %dma_start3A_333] : memref<4096x50x64xf32, #tpu.memory_space<hbm>> -> memref<128x1x64xf32, #tpu.memory_space<hbm>>
    %dma_start3A_335 = tpu.memref_squeeze %dma_start3A_334 : memref<128x1x64xf32, #tpu.memory_space<hbm>> -> memref<128x64xf32, #tpu.memory_space<hbm>>
    %dma_start3A_336 = arith.constant 0 : i32
    %dma_start3A_337 = tpu.memref_slice %arg4[%mul3A_2, %dma_start3A_328, %dma_start3A_336] : memref<4096x50x64xf32, #tpu.memory_space<hbm>> -> memref<128x1x64xf32, #tpu.memory_space<hbm>>
    %dma_start3A_338 = tpu.memref_squeeze %dma_start3A_337 : memref<128x1x64xf32, #tpu.memory_space<hbm>> -> memref<128x64xf32, #tpu.memory_space<hbm>>
    %dma_start3A_339 = arith.constant 0 : i32
    %dma_start3A_340 = arith.constant 0 : i32
    %dma_start3A_341 = tpu.memref_slice %arg6[%dma_start3A_327, %dma_start3A_339, %dma_start3A_340] : memref<7x128x64xf32, #tpu.memory_space<vmem>> -> memref<1x128x64xf32, #tpu.memory_space<vmem>>
    %dma_start3A_342 = tpu.memref_squeeze %dma_start3A_341 : memref<1x128x64xf32, #tpu.memory_space<vmem>> -> memref<128x64xf32, #tpu.memory_space<vmem>>
    tpu.enqueue_dma source(%dma_start3A_342 : memref<128x64xf32, #tpu.memory_space<vmem>>) target(%dma_start3A_338 : memref<128x64xf32, #tpu.memory_space<hbm>>) target_semaphore(%arg8 : memref<!tpu.dma_semaphore, #tpu.memory_space<semaphore_mem>>)
    %dma_wait3A_343 = arith.constant 2 : i32
    %dma_wait3A_344 = arith.constant 2 : i32
    %dma_wait3A_345 = arith.constant 0 : i32
    %dma_wait3A_346 = arith.constant 0 : i32
    %dma_wait3A_347 = tpu.memref_slice %arg6[%dma_wait3A_343, %dma_wait3A_345, %dma_wait3A_346] : memref<7x128x64xf32, #tpu.memory_space<vmem>> -> memref<1x128x64xf32, #tpu.memory_space<vmem>>
    %dma_wait3A_348 = tpu.memref_squeeze %dma_wait3A_347 : memref<1x128x64xf32, #tpu.memory_space<vmem>> -> memref<128x64xf32, #tpu.memory_space<vmem>>
    %dma_wait3A_349 = arith.constant 0 : i32
    %dma_wait3A_350 = tpu.memref_slice %arg4[%mul3A_2, %dma_wait3A_344, %dma_wait3A_349] : memref<4096x50x64xf32, #tpu.memory_space<hbm>> -> memref<128x1x64xf32, #tpu.memory_space<hbm>>
    %dma_wait3A_351 = tpu.memref_squeeze %dma_wait3A_350 : memref<128x1x64xf32, #tpu.memory_space<hbm>> -> memref<128x64xf32, #tpu.memory_space<hbm>>
    %dma_wait3A_352 = arith.constant 0 : i32
    %dma_wait3A_353 = tpu.memref_slice %arg4[%mul3A_2, %dma_wait3A_344, %dma_wait3A_352] : memref<4096x50x64xf32, #tpu.memory_space<hbm>> -> memref<128x1x64xf32, #tpu.memory_space<hbm>>
    %dma_wait3A_354 = tpu.memref_squeeze %dma_wait3A_353 : memref<128x1x64xf32, #tpu.memory_space<hbm>> -> memref<128x64xf32, #tpu.memory_space<hbm>>
    %dma_wait3A_355 = arith.constant 0 : i32
    %dma_wait3A_356 = arith.constant 0 : i32
    %dma_wait3A_357 = tpu.memref_slice %arg6[%dma_wait3A_343, %dma_wait3A_355, %dma_wait3A_356] : memref<7x128x64xf32, #tpu.memory_space<vmem>> -> memref<1x128x64xf32, #tpu.memory_space<vmem>>
    %dma_wait3A_358 = tpu.memref_squeeze %dma_wait3A_357 : memref<1x128x64xf32, #tpu.memory_space<vmem>> -> memref<128x64xf32, #tpu.memory_space<vmem>>
    tpu.wait_dma2 semaphore(%arg8 : memref<!tpu.dma_semaphore, #tpu.memory_space<semaphore_mem>>) src(%dma_wait3A_358 : memref<128x64xf32, #tpu.memory_space<vmem>>) dst(%dma_wait3A_354 : memref<128x64xf32, #tpu.memory_space<hbm>>)
    %slice3A_359 = vector.extract_strided_slice %get3A_4 {offsets = [8], sizes = [1], strides = [1]} : vector<16xi32> to vector<1xi32>
    %squeeze3A_360 = vector.extract %slice3A_359[0] : i32 from vector<1xi32>
    %dma_start3A_361 = arith.constant 1 : i32
    %dma_start3A_362 = arith.constant 0 : i32
    %dma_start3A_363 = arith.constant 0 : i32
    %dma_start3A_364 = tpu.memref_slice %arg6[%dma_start3A_361, %dma_start3A_362, %dma_start3A_363] : memref<7x128x64xf32, #tpu.memory_space<vmem>> -> memref<1x128x64xf32, #tpu.memory_space<vmem>>
    %dma_start3A_365 = tpu.memref_squeeze %dma_start3A_364 : memref<1x128x64xf32, #tpu.memory_space<vmem>> -> memref<128x64xf32, #tpu.memory_space<vmem>>
    %dma_start3A_366 = arith.constant 0 : i32
    %dma_start3A_367 = tpu.memref_slice %arg2[%mul3A_2, %squeeze3A_360, %dma_start3A_366] : memref<4096x200x64xf32, #tpu.memory_space<hbm>> -> memref<128x1x64xf32, #tpu.memory_space<hbm>>
    %dma_start3A_368 = tpu.memref_squeeze %dma_start3A_367 : memref<128x1x64xf32, #tpu.memory_space<hbm>> -> memref<128x64xf32, #tpu.memory_space<hbm>>
    %dma_start3A_369 = arith.constant 0 : i32
    %dma_start3A_370 = arith.constant 0 : i32
    %dma_start3A_371 = tpu.memref_slice %arg6[%dma_start3A_361, %dma_start3A_369, %dma_start3A_370] : memref<7x128x64xf32, #tpu.memory_space<vmem>> -> memref<1x128x64xf32, #tpu.memory_space<vmem>>
    %dma_start3A_372 = tpu.memref_squeeze %dma_start3A_371 : memref<1x128x64xf32, #tpu.memory_space<vmem>> -> memref<128x64xf32, #tpu.memory_space<vmem>>
    %dma_start3A_373 = arith.constant 0 : i32
    %dma_start3A_374 = tpu.memref_slice %arg2[%mul3A_2, %squeeze3A_360, %dma_start3A_373] : memref<4096x200x64xf32, #tpu.memory_space<hbm>> -> memref<128x1x64xf32, #tpu.memory_space<hbm>>
    %dma_start3A_375 = tpu.memref_squeeze %dma_start3A_374 : memref<128x1x64xf32, #tpu.memory_space<hbm>> -> memref<128x64xf32, #tpu.memory_space<hbm>>
    tpu.enqueue_dma source(%dma_start3A_375 : memref<128x64xf32, #tpu.memory_space<hbm>>) target(%dma_start3A_372 : memref<128x64xf32, #tpu.memory_space<vmem>>) target_semaphore(%arg7 : memref<!tpu.dma_semaphore, #tpu.memory_space<semaphore_mem>>)
    %slice3A_376 = vector.extract_strided_slice %get3A_4 {offsets = [5], sizes = [1], strides = [1]} : vector<16xi32> to vector<1xi32>
    %squeeze3A_377 = vector.extract %slice3A_376[0] : i32 from vector<1xi32>
    %dma_wait3A_378 = arith.constant 5 : i32
    %dma_wait3A_379 = arith.constant 0 : i32
    %dma_wait3A_380 = arith.constant 0 : i32
    %dma_wait3A_381 = tpu.memref_slice %arg6[%dma_wait3A_378, %dma_wait3A_379, %dma_wait3A_380] : memref<7x128x64xf32, #tpu.memory_space<vmem>> -> memref<1x128x64xf32, #tpu.memory_space<vmem>>
    %dma_wait3A_382 = tpu.memref_squeeze %dma_wait3A_381 : memref<1x128x64xf32, #tpu.memory_space<vmem>> -> memref<128x64xf32, #tpu.memory_space<vmem>>
    %dma_wait3A_383 = arith.constant 0 : i32
    %dma_wait3A_384 = tpu.memref_slice %arg2[%mul3A_2, %squeeze3A_377, %dma_wait3A_383] : memref<4096x200x64xf32, #tpu.memory_space<hbm>> -> memref<128x1x64xf32, #tpu.memory_space<hbm>>
    %dma_wait3A_385 = tpu.memref_squeeze %dma_wait3A_384 : memref<128x1x64xf32, #tpu.memory_space<hbm>> -> memref<128x64xf32, #tpu.memory_space<hbm>>
    %dma_wait3A_386 = arith.constant 0 : i32
    %dma_wait3A_387 = arith.constant 0 : i32
    %dma_wait3A_388 = tpu.memref_slice %arg6[%dma_wait3A_378, %dma_wait3A_386, %dma_wait3A_387] : memref<7x128x64xf32, #tpu.memory_space<vmem>> -> memref<1x128x64xf32, #tpu.memory_space<vmem>>
    %dma_wait3A_389 = tpu.memref_squeeze %dma_wait3A_388 : memref<1x128x64xf32, #tpu.memory_space<vmem>> -> memref<128x64xf32, #tpu.memory_space<vmem>>
    %dma_wait3A_390 = arith.constant 0 : i32
    %dma_wait3A_391 = tpu.memref_slice %arg2[%mul3A_2, %squeeze3A_377, %dma_wait3A_390] : memref<4096x200x64xf32, #tpu.memory_space<hbm>> -> memref<128x1x64xf32, #tpu.memory_space<hbm>>
    %dma_wait3A_392 = tpu.memref_squeeze %dma_wait3A_391 : memref<128x1x64xf32, #tpu.memory_space<hbm>> -> memref<128x64xf32, #tpu.memory_space<hbm>>
    tpu.wait_dma2 semaphore(%arg7 : memref<!tpu.dma_semaphore, #tpu.memory_space<semaphore_mem>>) src(%dma_wait3A_392 : memref<128x64xf32, #tpu.memory_space<hbm>>) dst(%dma_wait3A_389 : memref<128x64xf32, #tpu.memory_space<vmem>>)
    %dma_start3A_393 = arith.constant 5 : i32
    %dma_start3A_394 = arith.constant 5 : i32
    %dma_start3A_395 = arith.constant 0 : i32
    %dma_start3A_396 = arith.constant 0 : i32
    %dma_start3A_397 = tpu.memref_slice %arg6[%dma_start3A_393, %dma_start3A_395, %dma_start3A_396] : memref<7x128x64xf32, #tpu.memory_space<vmem>> -> memref<1x128x64xf32, #tpu.memory_space<vmem>>
    %dma_start3A_398 = tpu.memref_squeeze %dma_start3A_397 : memref<1x128x64xf32, #tpu.memory_space<vmem>> -> memref<128x64xf32, #tpu.memory_space<vmem>>
    %dma_start3A_399 = arith.constant 0 : i32
    %dma_start3A_400 = tpu.memref_slice %arg4[%mul3A_2, %dma_start3A_394, %dma_start3A_399] : memref<4096x50x64xf32, #tpu.memory_space<hbm>> -> memref<128x1x64xf32, #tpu.memory_space<hbm>>
    %dma_start3A_401 = tpu.memref_squeeze %dma_start3A_400 : memref<128x1x64xf32, #tpu.memory_space<hbm>> -> memref<128x64xf32, #tpu.memory_space<hbm>>
    %dma_start3A_402 = arith.constant 0 : i32
    %dma_start3A_403 = tpu.memref_slice %arg4[%mul3A_2, %dma_start3A_394, %dma_start3A_402] : memref<4096x50x64xf32, #tpu.memory_space<hbm>> -> memref<128x1x64xf32, #tpu.memory_space<hbm>>
    %dma_start3A_404 = tpu.memref_squeeze %dma_start3A_403 : memref<128x1x64xf32, #tpu.memory_space<hbm>> -> memref<128x64xf32, #tpu.memory_space<hbm>>
    %dma_start3A_405 = arith.constant 0 : i32
    %dma_start3A_406 = arith.constant 0 : i32
    %dma_start3A_407 = tpu.memref_slice %arg6[%dma_start3A_393, %dma_start3A_405, %dma_start3A_406] : memref<7x128x64xf32, #tpu.memory_space<vmem>> -> memref<1x128x64xf32, #tpu.memory_space<vmem>>
    %dma_start3A_408 = tpu.memref_squeeze %dma_start3A_407 : memref<1x128x64xf32, #tpu.memory_space<vmem>> -> memref<128x64xf32, #tpu.memory_space<vmem>>
    tpu.enqueue_dma source(%dma_start3A_408 : memref<128x64xf32, #tpu.memory_space<vmem>>) target(%dma_start3A_404 : memref<128x64xf32, #tpu.memory_space<hbm>>) target_semaphore(%arg8 : memref<!tpu.dma_semaphore, #tpu.memory_space<semaphore_mem>>)
    %dma_wait3A_409 = arith.constant 3 : i32
    %dma_wait3A_410 = arith.constant 3 : i32
    %dma_wait3A_411 = arith.constant 0 : i32
    %dma_wait3A_412 = arith.constant 0 : i32
    %dma_wait3A_413 = tpu.memref_slice %arg6[%dma_wait3A_409, %dma_wait3A_411, %dma_wait3A_412] : memref<7x128x64xf32, #tpu.memory_space<vmem>> -> memref<1x128x64xf32, #tpu.memory_space<vmem>>
    %dma_wait3A_414 = tpu.memref_squeeze %dma_wait3A_413 : memref<1x128x64xf32, #tpu.memory_space<vmem>> -> memref<128x64xf32, #tpu.memory_space<vmem>>
    %dma_wait3A_415 = arith.constant 0 : i32
    %dma_wait3A_416 = tpu.memref_slice %arg4[%mul3A_2, %dma_wait3A_410, %dma_wait3A_415] : memref<4096x50x64xf32, #tpu.memory_space<hbm>> -> memref<128x1x64xf32, #tpu.memory_space<hbm>>
    %dma_wait3A_417 = tpu.memref_squeeze %dma_wait3A_416 : memref<128x1x64xf32, #tpu.memory_space<hbm>> -> memref<128x64xf32, #tpu.memory_space<hbm>>
    %dma_wait3A_418 = arith.constant 0 : i32
    %dma_wait3A_419 = tpu.memref_slice %arg4[%mul3A_2, %dma_wait3A_410, %dma_wait3A_418] : memref<4096x50x64xf32, #tpu.memory_space<hbm>> -> memref<128x1x64xf32, #tpu.memory_space<hbm>>
    %dma_wait3A_420 = tpu.memref_squeeze %dma_wait3A_419 : memref<128x1x64xf32, #tpu.memory_space<hbm>> -> memref<128x64xf32, #tpu.memory_space<hbm>>
    %dma_wait3A_421 = arith.constant 0 : i32
    %dma_wait3A_422 = arith.constant 0 : i32
    %dma_wait3A_423 = tpu.memref_slice %arg6[%dma_wait3A_409, %dma_wait3A_421, %dma_wait3A_422] : memref<7x128x64xf32, #tpu.memory_space<vmem>> -> memref<1x128x64xf32, #tpu.memory_space<vmem>>
    %dma_wait3A_424 = tpu.memref_squeeze %dma_wait3A_423 : memref<1x128x64xf32, #tpu.memory_space<vmem>> -> memref<128x64xf32, #tpu.memory_space<vmem>>
    tpu.wait_dma2 semaphore(%arg8 : memref<!tpu.dma_semaphore, #tpu.memory_space<semaphore_mem>>) src(%dma_wait3A_424 : memref<128x64xf32, #tpu.memory_space<vmem>>) dst(%dma_wait3A_420 : memref<128x64xf32, #tpu.memory_space<hbm>>)
    %slice3A_425 = vector.extract_strided_slice %get3A_4 {offsets = [9], sizes = [1], strides = [1]} : vector<16xi32> to vector<1xi32>
    %squeeze3A_426 = vector.extract %slice3A_425[0] : i32 from vector<1xi32>
    %dma_start3A_427 = arith.constant 2 : i32
    %dma_start3A_428 = arith.constant 0 : i32
    %dma_start3A_429 = arith.constant 0 : i32
    %dma_start3A_430 = tpu.memref_slice %arg6[%dma_start3A_427, %dma_start3A_428, %dma_start3A_429] : memref<7x128x64xf32, #tpu.memory_space<vmem>> -> memref<1x128x64xf32, #tpu.memory_space<vmem>>
    %dma_start3A_431 = tpu.memref_squeeze %dma_start3A_430 : memref<1x128x64xf32, #tpu.memory_space<vmem>> -> memref<128x64xf32, #tpu.memory_space<vmem>>
    %dma_start3A_432 = arith.constant 0 : i32
    %dma_start3A_433 = tpu.memref_slice %arg2[%mul3A_2, %squeeze3A_426, %dma_start3A_432] : memref<4096x200x64xf32, #tpu.memory_space<hbm>> -> memref<128x1x64xf32, #tpu.memory_space<hbm>>
    %dma_start3A_434 = tpu.memref_squeeze %dma_start3A_433 : memref<128x1x64xf32, #tpu.memory_space<hbm>> -> memref<128x64xf32, #tpu.memory_space<hbm>>
    %dma_start3A_435 = arith.constant 0 : i32
    %dma_start3A_436 = arith.constant 0 : i32
    %dma_start3A_437 = tpu.memref_slice %arg6[%dma_start3A_427, %dma_start3A_435, %dma_start3A_436] : memref<7x128x64xf32, #tpu.memory_space<vmem>> -> memref<1x128x64xf32, #tpu.memory_space<vmem>>
    %dma_start3A_438 = tpu.memref_squeeze %dma_start3A_437 : memref<1x128x64xf32, #tpu.memory_space<vmem>> -> memref<128x64xf32, #tpu.memory_space<vmem>>
    %dma_start3A_439 = arith.constant 0 : i32
    %dma_start3A_440 = tpu.memref_slice %arg2[%mul3A_2, %squeeze3A_426, %dma_start3A_439] : memref<4096x200x64xf32, #tpu.memory_space<hbm>> -> memref<128x1x64xf32, #tpu.memory_space<hbm>>
    %dma_start3A_441 = tpu.memref_squeeze %dma_start3A_440 : memref<128x1x64xf32, #tpu.memory_space<hbm>> -> memref<128x64xf32, #tpu.memory_space<hbm>>
    tpu.enqueue_dma source(%dma_start3A_441 : memref<128x64xf32, #tpu.memory_space<hbm>>) target(%dma_start3A_438 : memref<128x64xf32, #tpu.memory_space<vmem>>) target_semaphore(%arg7 : memref<!tpu.dma_semaphore, #tpu.memory_space<semaphore_mem>>)
    %slice3A_442 = vector.extract_strided_slice %get3A_4 {offsets = [6], sizes = [1], strides = [1]} : vector<16xi32> to vector<1xi32>
    %squeeze3A_443 = vector.extract %slice3A_442[0] : i32 from vector<1xi32>
    %dma_wait3A_444 = arith.constant 6 : i32
    %dma_wait3A_445 = arith.constant 0 : i32
    %dma_wait3A_446 = arith.constant 0 : i32
    %dma_wait3A_447 = tpu.memref_slice %arg6[%dma_wait3A_444, %dma_wait3A_445, %dma_wait3A_446] : memref<7x128x64xf32, #tpu.memory_space<vmem>> -> memref<1x128x64xf32, #tpu.memory_space<vmem>>
    %dma_wait3A_448 = tpu.memref_squeeze %dma_wait3A_447 : memref<1x128x64xf32, #tpu.memory_space<vmem>> -> memref<128x64xf32, #tpu.memory_space<vmem>>
    %dma_wait3A_449 = arith.constant 0 : i32
    %dma_wait3A_450 = tpu.memref_slice %arg2[%mul3A_2, %squeeze3A_443, %dma_wait3A_449] : memref<4096x200x64xf32, #tpu.memory_space<hbm>> -> memref<128x1x64xf32, #tpu.memory_space<hbm>>
    %dma_wait3A_451 = tpu.memref_squeeze %dma_wait3A_450 : memref<128x1x64xf32, #tpu.memory_space<hbm>> -> memref<128x64xf32, #tpu.memory_space<hbm>>
    %dma_wait3A_452 = arith.constant 0 : i32
    %dma_wait3A_453 = arith.constant 0 : i32
    %dma_wait3A_454 = tpu.memref_slice %arg6[%dma_wait3A_444, %dma_wait3A_452, %dma_wait3A_453] : memref<7x128x64xf32, #tpu.memory_space<vmem>> -> memref<1x128x64xf32, #tpu.memory_space<vmem>>
    %dma_wait3A_455 = tpu.memref_squeeze %dma_wait3A_454 : memref<1x128x64xf32, #tpu.memory_space<vmem>> -> memref<128x64xf32, #tpu.memory_space<vmem>>
    %dma_wait3A_456 = arith.constant 0 : i32
    %dma_wait3A_457 = tpu.memref_slice %arg2[%mul3A_2, %squeeze3A_443, %dma_wait3A_456] : memref<4096x200x64xf32, #tpu.memory_space<hbm>> -> memref<128x1x64xf32, #tpu.memory_space<hbm>>
    %dma_wait3A_458 = tpu.memref_squeeze %dma_wait3A_457 : memref<128x1x64xf32, #tpu.memory_space<hbm>> -> memref<128x64xf32, #tpu.memory_space<hbm>>
    tpu.wait_dma2 semaphore(%arg7 : memref<!tpu.dma_semaphore, #tpu.memory_space<semaphore_mem>>) src(%dma_wait3A_458 : memref<128x64xf32, #tpu.memory_space<hbm>>) dst(%dma_wait3A_455 : memref<128x64xf32, #tpu.memory_space<vmem>>)
    %dma_start3A_459 = arith.constant 6 : i32
    %dma_start3A_460 = arith.constant 6 : i32
    %dma_start3A_461 = arith.constant 0 : i32
    %dma_start3A_462 = arith.constant 0 : i32
    %dma_start3A_463 = tpu.memref_slice %arg6[%dma_start3A_459, %dma_start3A_461, %dma_start3A_462] : memref<7x128x64xf32, #tpu.memory_space<vmem>> -> memref<1x128x64xf32, #tpu.memory_space<vmem>>
    %dma_start3A_464 = tpu.memref_squeeze %dma_start3A_463 : memref<1x128x64xf32, #tpu.memory_space<vmem>> -> memref<128x64xf32, #tpu.memory_space<vmem>>
    %dma_start3A_465 = arith.constant 0 : i32
    %dma_start3A_466 = tpu.memref_slice %arg4[%mul3A_2, %dma_start3A_460, %dma_start3A_465] : memref<4096x50x64xf32, #tpu.memory_space<hbm>> -> memref<128x1x64xf32, #tpu.memory_space<hbm>>
    %dma_start3A_467 = tpu.memref_squeeze %dma_start3A_466 : memref<128x1x64xf32, #tpu.memory_space<hbm>> -> memref<128x64xf32, #tpu.memory_space<hbm>>
    %dma_start3A_468 = arith.constant 0 : i32
    %dma_start3A_469 = tpu.memref_slice %arg4[%mul3A_2, %dma_start3A_460, %dma_start3A_468] : memref<4096x50x64xf32, #tpu.memory_space<hbm>> -> memref<128x1x64xf32, #tpu.memory_space<hbm>>
    %dma_start3A_470 = tpu.memref_squeeze %dma_start3A_469 : memref<128x1x64xf32, #tpu.memory_space<hbm>> -> memref<128x64xf32, #tpu.memory_space<hbm>>
    %dma_start3A_471 = arith.constant 0 : i32
    %dma_start3A_472 = arith.constant 0 : i32
    %dma_start3A_473 = tpu.memref_slice %arg6[%dma_start3A_459, %dma_start3A_471, %dma_start3A_472] : memref<7x128x64xf32, #tpu.memory_space<vmem>> -> memref<1x128x64xf32, #tpu.memory_space<vmem>>
    %dma_start3A_474 = tpu.memref_squeeze %dma_start3A_473 : memref<1x128x64xf32, #tpu.memory_space<vmem>> -> memref<128x64xf32, #tpu.memory_space<vmem>>
    tpu.enqueue_dma source(%dma_start3A_474 : memref<128x64xf32, #tpu.memory_space<vmem>>) target(%dma_start3A_470 : memref<128x64xf32, #tpu.memory_space<hbm>>) target_semaphore(%arg8 : memref<!tpu.dma_semaphore, #tpu.memory_space<semaphore_mem>>)
    %dma_wait3A_475 = arith.constant 4 : i32
    %dma_wait3A_476 = arith.constant 4 : i32
    %dma_wait3A_477 = arith.constant 0 : i32
    %dma_wait3A_478 = arith.constant 0 : i32
    %dma_wait3A_479 = tpu.memref_slice %arg6[%dma_wait3A_475, %dma_wait3A_477, %dma_wait3A_478] : memref<7x128x64xf32, #tpu.memory_space<vmem>> -> memref<1x128x64xf32, #tpu.memory_space<vmem>>
    %dma_wait3A_480 = tpu.memref_squeeze %dma_wait3A_479 : memref<1x128x64xf32, #tpu.memory_space<vmem>> -> memref<128x64xf32, #tpu.memory_space<vmem>>
    %dma_wait3A_481 = arith.constant 0 : i32
    %dma_wait3A_482 = tpu.memref_slice %arg4[%mul3A_2, %dma_wait3A_476, %dma_wait3A_481] : memref<4096x50x64xf32, #tpu.memory_space<hbm>> -> memref<128x1x64xf32, #tpu.memory_space<hbm>>
    %dma_wait3A_483 = tpu.memref_squeeze %dma_wait3A_482 : memref<128x1x64xf32, #tpu.memory_space<hbm>> -> memref<128x64xf32, #tpu.memory_space<hbm>>
    %dma_wait3A_484 = arith.constant 0 : i32
    %dma_wait3A_485 = tpu.memref_slice %arg4[%mul3A_2, %dma_wait3A_476, %dma_wait3A_484] : memref<4096x50x64xf32, #tpu.memory_space<hbm>> -> memref<128x1x64xf32, #tpu.memory_space<hbm>>
    %dma_wait3A_486 = tpu.memref_squeeze %dma_wait3A_485 : memref<128x1x64xf32, #tpu.memory_space<hbm>> -> memref<128x64xf32, #tpu.memory_space<hbm>>
    %dma_wait3A_487 = arith.constant 0 : i32
    %dma_wait3A_488 = arith.constant 0 : i32
    %dma_wait3A_489 = tpu.memref_slice %arg6[%dma_wait3A_475, %dma_wait3A_487, %dma_wait3A_488] : memref<7x128x64xf32, #tpu.memory_space<vmem>> -> memref<1x128x64xf32, #tpu.memory_space<vmem>>
    %dma_wait3A_490 = tpu.memref_squeeze %dma_wait3A_489 : memref<1x128x64xf32, #tpu.memory_space<vmem>> -> memref<128x64xf32, #tpu.memory_space<vmem>>
    tpu.wait_dma2 semaphore(%arg8 : memref<!tpu.dma_semaphore, #tpu.memory_space<semaphore_mem>>) src(%dma_wait3A_490 : memref<128x64xf32, #tpu.memory_space<vmem>>) dst(%dma_wait3A_486 : memref<128x64xf32, #tpu.memory_space<hbm>>)
    %slice3A_491 = vector.extract_strided_slice %get3A_4 {offsets = [10], sizes = [1], strides = [1]} : vector<16xi32> to vector<1xi32>
    %squeeze3A_492 = vector.extract %slice3A_491[0] : i32 from vector<1xi32>
    %dma_start3A_493 = arith.constant 3 : i32
    %dma_start3A_494 = arith.constant 0 : i32
    %dma_start3A_495 = arith.constant 0 : i32
    %dma_start3A_496 = tpu.memref_slice %arg6[%dma_start3A_493, %dma_start3A_494, %dma_start3A_495] : memref<7x128x64xf32, #tpu.memory_space<vmem>> -> memref<1x128x64xf32, #tpu.memory_space<vmem>>
    %dma_start3A_497 = tpu.memref_squeeze %dma_start3A_496 : memref<1x128x64xf32, #tpu.memory_space<vmem>> -> memref<128x64xf32, #tpu.memory_space<vmem>>
    %dma_start3A_498 = arith.constant 0 : i32
    %dma_start3A_499 = tpu.memref_slice %arg2[%mul3A_2, %squeeze3A_492, %dma_start3A_498] : memref<4096x200x64xf32, #tpu.memory_space<hbm>> -> memref<128x1x64xf32, #tpu.memory_space<hbm>>
    %dma_start3A_500 = tpu.memref_squeeze %dma_start3A_499 : memref<128x1x64xf32, #tpu.memory_space<hbm>> -> memref<128x64xf32, #tpu.memory_space<hbm>>
    %dma_start3A_501 = arith.constant 0 : i32
    %dma_start3A_502 = arith.constant 0 : i32
    %dma_start3A_503 = tpu.memref_slice %arg6[%dma_start3A_493, %dma_start3A_501, %dma_start3A_502] : memref<7x128x64xf32, #tpu.memory_space<vmem>> -> memref<1x128x64xf32, #tpu.memory_space<vmem>>
    %dma_start3A_504 = tpu.memref_squeeze %dma_start3A_503 : memref<1x128x64xf32, #tpu.memory_space<vmem>> -> memref<128x64xf32, #tpu.memory_space<vmem>>
    %dma_start3A_505 = arith.constant 0 : i32
    %dma_start3A_506 = tpu.memref_slice %arg2[%mul3A_2, %squeeze3A_492, %dma_start3A_505] : memref<4096x200x64xf32, #tpu.memory_space<hbm>> -> memref<128x1x64xf32, #tpu.memory_space<hbm>>
    %dma_start3A_507 = tpu.memref_squeeze %dma_start3A_506 : memref<128x1x64xf32, #tpu.memory_space<hbm>> -> memref<128x64xf32, #tpu.memory_space<hbm>>
    tpu.enqueue_dma source(%dma_start3A_507 : memref<128x64xf32, #tpu.memory_space<hbm>>) target(%dma_start3A_504 : memref<128x64xf32, #tpu.memory_space<vmem>>) target_semaphore(%arg7 : memref<!tpu.dma_semaphore, #tpu.memory_space<semaphore_mem>>)
    %slice3A_508 = vector.extract_strided_slice %get3A_4 {offsets = [7], sizes = [1], strides = [1]} : vector<16xi32> to vector<1xi32>
    %squeeze3A_509 = vector.extract %slice3A_508[0] : i32 from vector<1xi32>
    %dma_wait3A_510 = arith.constant 0 : i32
    %dma_wait3A_511 = arith.constant 0 : i32
    %dma_wait3A_512 = arith.constant 0 : i32
    %dma_wait3A_513 = tpu.memref_slice %arg6[%dma_wait3A_510, %dma_wait3A_511, %dma_wait3A_512] : memref<7x128x64xf32, #tpu.memory_space<vmem>> -> memref<1x128x64xf32, #tpu.memory_space<vmem>>
    %dma_wait3A_514 = tpu.memref_squeeze %dma_wait3A_513 : memref<1x128x64xf32, #tpu.memory_space<vmem>> -> memref<128x64xf32, #tpu.memory_space<vmem>>
    %dma_wait3A_515 = arith.constant 0 : i32
    %dma_wait3A_516 = tpu.memref_slice %arg2[%mul3A_2, %squeeze3A_509, %dma_wait3A_515] : memref<4096x200x64xf32, #tpu.memory_space<hbm>> -> memref<128x1x64xf32, #tpu.memory_space<hbm>>
    %dma_wait3A_517 = tpu.memref_squeeze %dma_wait3A_516 : memref<128x1x64xf32, #tpu.memory_space<hbm>> -> memref<128x64xf32, #tpu.memory_space<hbm>>
    %dma_wait3A_518 = arith.constant 0 : i32
    %dma_wait3A_519 = arith.constant 0 : i32
    %dma_wait3A_520 = tpu.memref_slice %arg6[%dma_wait3A_510, %dma_wait3A_518, %dma_wait3A_519] : memref<7x128x64xf32, #tpu.memory_space<vmem>> -> memref<1x128x64xf32, #tpu.memory_space<vmem>>
    %dma_wait3A_521 = tpu.memref_squeeze %dma_wait3A_520 : memref<1x128x64xf32, #tpu.memory_space<vmem>> -> memref<128x64xf32, #tpu.memory_space<vmem>>
    %dma_wait3A_522 = arith.constant 0 : i32
    %dma_wait3A_523 = tpu.memref_slice %arg2[%mul3A_2, %squeeze3A_509, %dma_wait3A_522] : memref<4096x200x64xf32, #tpu.memory_space<hbm>> -> memref<128x1x64xf32, #tpu.memory_space<hbm>>
    %dma_wait3A_524 = tpu.memref_squeeze %dma_wait3A_523 : memref<128x1x64xf32, #tpu.memory_space<hbm>> -> memref<128x64xf32, #tpu.memory_space<hbm>>
    tpu.wait_dma2 semaphore(%arg7 : memref<!tpu.dma_semaphore, #tpu.memory_space<semaphore_mem>>) src(%dma_wait3A_524 : memref<128x64xf32, #tpu.memory_space<hbm>>) dst(%dma_wait3A_521 : memref<128x64xf32, #tpu.memory_space<vmem>>)
    %dma_start3A_525 = arith.constant 0 : i32
    %dma_start3A_526 = arith.constant 7 : i32
    %dma_start3A_527 = arith.constant 0 : i32
    %dma_start3A_528 = arith.constant 0 : i32
    %dma_start3A_529 = tpu.memref_slice %arg6[%dma_start3A_525, %dma_start3A_527, %dma_start3A_528] : memref<7x128x64xf32, #tpu.memory_space<vmem>> -> memref<1x128x64xf32, #tpu.memory_space<vmem>>
    %dma_start3A_530 = tpu.memref_squeeze %dma_start3A_529 : memref<1x128x64xf32, #tpu.memory_space<vmem>> -> memref<128x64xf32, #tpu.memory_space<vmem>>
    %dma_start3A_531 = arith.constant 0 : i32
    %dma_start3A_532 = tpu.memref_slice %arg4[%mul3A_2, %dma_start3A_526, %dma_start3A_531] : memref<4096x50x64xf32, #tpu.memory_space<hbm>> -> memref<128x1x64xf32, #tpu.memory_space<hbm>>
    %dma_start3A_533 = tpu.memref_squeeze %dma_start3A_532 : memref<128x1x64xf32, #tpu.memory_space<hbm>> -> memref<128x64xf32, #tpu.memory_space<hbm>>
    %dma_start3A_534 = arith.constant 0 : i32
    %dma_start3A_535 = tpu.memref_slice %arg4[%mul3A_2, %dma_start3A_526, %dma_start3A_534] : memref<4096x50x64xf32, #tpu.memory_space<hbm>> -> memref<128x1x64xf32, #tpu.memory_space<hbm>>
    %dma_start3A_536 = tpu.memref_squeeze %dma_start3A_535 : memref<128x1x64xf32, #tpu.memory_space<hbm>> -> memref<128x64xf32, #tpu.memory_space<hbm>>
    %dma_start3A_537 = arith.constant 0 : i32
    %dma_start3A_538 = arith.constant 0 : i32
    %dma_start3A_539 = tpu.memref_slice %arg6[%dma_start3A_525, %dma_start3A_537, %dma_start3A_538] : memref<7x128x64xf32, #tpu.memory_space<vmem>> -> memref<1x128x64xf32, #tpu.memory_space<vmem>>
    %dma_start3A_540 = tpu.memref_squeeze %dma_start3A_539 : memref<1x128x64xf32, #tpu.memory_space<vmem>> -> memref<128x64xf32, #tpu.memory_space<vmem>>
    tpu.enqueue_dma source(%dma_start3A_540 : memref<128x64xf32, #tpu.memory_space<vmem>>) target(%dma_start3A_536 : memref<128x64xf32, #tpu.memory_space<hbm>>) target_semaphore(%arg8 : memref<!tpu.dma_semaphore, #tpu.memory_space<semaphore_mem>>)
    %dma_wait3A_541 = arith.constant 5 : i32
    %dma_wait3A_542 = arith.constant 5 : i32
    %dma_wait3A_543 = arith.constant 0 : i32
    %dma_wait3A_544 = arith.constant 0 : i32
    %dma_wait3A_545 = tpu.memref_slice %arg6[%dma_wait3A_541, %dma_wait3A_543, %dma_wait3A_544] : memref<7x128x64xf32, #tpu.memory_space<vmem>> -> memref<1x128x64xf32, #tpu.memory_space<vmem>>
    %dma_wait3A_546 = tpu.memref_squeeze %dma_wait3A_545 : memref<1x128x64xf32, #tpu.memory_space<vmem>> -> memref<128x64xf32, #tpu.memory_space<vmem>>
    %dma_wait3A_547 = arith.constant 0 : i32
    %dma_wait3A_548 = tpu.memref_slice %arg4[%mul3A_2, %dma_wait3A_542, %dma_wait3A_547] : memref<4096x50x64xf32, #tpu.memory_space<hbm>> -> memref<128x1x64xf32, #tpu.memory_space<hbm>>
    %dma_wait3A_549 = tpu.memref_squeeze %dma_wait3A_548 : memref<128x1x64xf32, #tpu.memory_space<hbm>> -> memref<128x64xf32, #tpu.memory_space<hbm>>
    %dma_wait3A_550 = arith.constant 0 : i32
    %dma_wait3A_551 = tpu.memref_slice %arg4[%mul3A_2, %dma_wait3A_542, %dma_wait3A_550] : memref<4096x50x64xf32, #tpu.memory_space<hbm>> -> memref<128x1x64xf32, #tpu.memory_space<hbm>>
    %dma_wait3A_552 = tpu.memref_squeeze %dma_wait3A_551 : memref<128x1x64xf32, #tpu.memory_space<hbm>> -> memref<128x64xf32, #tpu.memory_space<hbm>>
    %dma_wait3A_553 = arith.constant 0 : i32
    %dma_wait3A_554 = arith.constant 0 : i32
    %dma_wait3A_555 = tpu.memref_slice %arg6[%dma_wait3A_541, %dma_wait3A_553, %dma_wait3A_554] : memref<7x128x64xf32, #tpu.memory_space<vmem>> -> memref<1x128x64xf32, #tpu.memory_space<vmem>>
    %dma_wait3A_556 = tpu.memref_squeeze %dma_wait3A_555 : memref<1x128x64xf32, #tpu.memory_space<vmem>> -> memref<128x64xf32, #tpu.memory_space<vmem>>
    tpu.wait_dma2 semaphore(%arg8 : memref<!tpu.dma_semaphore, #tpu.memory_space<semaphore_mem>>) src(%dma_wait3A_556 : memref<128x64xf32, #tpu.memory_space<vmem>>) dst(%dma_wait3A_552 : memref<128x64xf32, #tpu.memory_space<hbm>>)
    %slice3A_557 = vector.extract_strided_slice %get3A_4 {offsets = [11], sizes = [1], strides = [1]} : vector<16xi32> to vector<1xi32>
    %squeeze3A_558 = vector.extract %slice3A_557[0] : i32 from vector<1xi32>
    %dma_start3A_559 = arith.constant 4 : i32
    %dma_start3A_560 = arith.constant 0 : i32
    %dma_start3A_561 = arith.constant 0 : i32
    %dma_start3A_562 = tpu.memref_slice %arg6[%dma_start3A_559, %dma_start3A_560, %dma_start3A_561] : memref<7x128x64xf32, #tpu.memory_space<vmem>> -> memref<1x128x64xf32, #tpu.memory_space<vmem>>
    %dma_start3A_563 = tpu.memref_squeeze %dma_start3A_562 : memref<1x128x64xf32, #tpu.memory_space<vmem>> -> memref<128x64xf32, #tpu.memory_space<vmem>>
    %dma_start3A_564 = arith.constant 0 : i32
    %dma_start3A_565 = tpu.memref_slice %arg2[%mul3A_2, %squeeze3A_558, %dma_start3A_564] : memref<4096x200x64xf32, #tpu.memory_space<hbm>> -> memref<128x1x64xf32, #tpu.memory_space<hbm>>
    %dma_start3A_566 = tpu.memref_squeeze %dma_start3A_565 : memref<128x1x64xf32, #tpu.memory_space<hbm>> -> memref<128x64xf32, #tpu.memory_space<hbm>>
    %dma_start3A_567 = arith.constant 0 : i32
    %dma_start3A_568 = arith.constant 0 : i32
    %dma_start3A_569 = tpu.memref_slice %arg6[%dma_start3A_559, %dma_start3A_567, %dma_start3A_568] : memref<7x128x64xf32, #tpu.memory_space<vmem>> -> memref<1x128x64xf32, #tpu.memory_space<vmem>>
    %dma_start3A_570 = tpu.memref_squeeze %dma_start3A_569 : memref<1x128x64xf32, #tpu.memory_space<vmem>> -> memref<128x64xf32, #tpu.memory_space<vmem>>
    %dma_start3A_571 = arith.constant 0 : i32
    %dma_start3A_572 = tpu.memref_slice %arg2[%mul3A_2, %squeeze3A_558, %dma_start3A_571] : memref<4096x200x64xf32, #tpu.memory_space<hbm>> -> memref<128x1x64xf32, #tpu.memory_space<hbm>>
    %dma_start3A_573 = tpu.memref_squeeze %dma_start3A_572 : memref<128x1x64xf32, #tpu.memory_space<hbm>> -> memref<128x64xf32, #tpu.memory_space<hbm>>
    tpu.enqueue_dma source(%dma_start3A_573 : memref<128x64xf32, #tpu.memory_space<hbm>>) target(%dma_start3A_570 : memref<128x64xf32, #tpu.memory_space<vmem>>) target_semaphore(%arg7 : memref<!tpu.dma_semaphore, #tpu.memory_space<semaphore_mem>>)
    %slice3A_574 = vector.extract_strided_slice %get3A_4 {offsets = [8], sizes = [1], strides = [1]} : vector<16xi32> to vector<1xi32>
    %squeeze3A_575 = vector.extract %slice3A_574[0] : i32 from vector<1xi32>
    %dma_wait3A_576 = arith.constant 1 : i32
    %dma_wait3A_577 = arith.constant 0 : i32
    %dma_wait3A_578 = arith.constant 0 : i32
    %dma_wait3A_579 = tpu.memref_slice %arg6[%dma_wait3A_576, %dma_wait3A_577, %dma_wait3A_578] : memref<7x128x64xf32, #tpu.memory_space<vmem>> -> memref<1x128x64xf32, #tpu.memory_space<vmem>>
    %dma_wait3A_580 = tpu.memref_squeeze %dma_wait3A_579 : memref<1x128x64xf32, #tpu.memory_space<vmem>> -> memref<128x64xf32, #tpu.memory_space<vmem>>
    %dma_wait3A_581 = arith.constant 0 : i32
    %dma_wait3A_582 = tpu.memref_slice %arg2[%mul3A_2, %squeeze3A_575, %dma_wait3A_581] : memref<4096x200x64xf32, #tpu.memory_space<hbm>> -> memref<128x1x64xf32, #tpu.memory_space<hbm>>
    %dma_wait3A_583 = tpu.memref_squeeze %dma_wait3A_582 : memref<128x1x64xf32, #tpu.memory_space<hbm>> -> memref<128x64xf32, #tpu.memory_space<hbm>>
    %dma_wait3A_584 = arith.constant 0 : i32
    %dma_wait3A_585 = arith.constant 0 : i32
    %dma_wait3A_586 = tpu.memref_slice %arg6[%dma_wait3A_576, %dma_wait3A_584, %dma_wait3A_585] : memref<7x128x64xf32, #tpu.memory_space<vmem>> -> memref<1x128x64xf32, #tpu.memory_space<vmem>>
    %dma_wait3A_587 = tpu.memref_squeeze %dma_wait3A_586 : memref<1x128x64xf32, #tpu.memory_space<vmem>> -> memref<128x64xf32, #tpu.memory_space<vmem>>
    %dma_wait3A_588 = arith.constant 0 : i32
    %dma_wait3A_589 = tpu.memref_slice %arg2[%mul3A_2, %squeeze3A_575, %dma_wait3A_588] : memref<4096x200x64xf32, #tpu.memory_space<hbm>> -> memref<128x1x64xf32, #tpu.memory_space<hbm>>
    %dma_wait3A_590 = tpu.memref_squeeze %dma_wait3A_589 : memref<128x1x64xf32, #tpu.memory_space<hbm>> -> memref<128x64xf32, #tpu.memory_space<hbm>>
    tpu.wait_dma2 semaphore(%arg7 : memref<!tpu.dma_semaphore, #tpu.memory_space<semaphore_mem>>) src(%dma_wait3A_590 : memref<128x64xf32, #tpu.memory_space<hbm>>) dst(%dma_wait3A_587 : memref<128x64xf32, #tpu.memory_space<vmem>>)
    %dma_start3A_591 = arith.constant 1 : i32
    %dma_start3A_592 = arith.constant 8 : i32
    %dma_start3A_593 = arith.constant 0 : i32
    %dma_start3A_594 = arith.constant 0 : i32
    %dma_start3A_595 = tpu.memref_slice %arg6[%dma_start3A_591, %dma_start3A_593, %dma_start3A_594] : memref<7x128x64xf32, #tpu.memory_space<vmem>> -> memref<1x128x64xf32, #tpu.memory_space<vmem>>
    %dma_start3A_596 = tpu.memref_squeeze %dma_start3A_595 : memref<1x128x64xf32, #tpu.memory_space<vmem>> -> memref<128x64xf32, #tpu.memory_space<vmem>>
    %dma_start3A_597 = arith.constant 0 : i32
    %dma_start3A_598 = tpu.memref_slice %arg4[%mul3A_2, %dma_start3A_592, %dma_start3A_597] : memref<4096x50x64xf32, #tpu.memory_space<hbm>> -> memref<128x1x64xf32, #tpu.memory_space<hbm>>
    %dma_start3A_599 = tpu.memref_squeeze %dma_start3A_598 : memref<128x1x64xf32, #tpu.memory_space<hbm>> -> memref<128x64xf32, #tpu.memory_space<hbm>>
    %dma_start3A_600 = arith.constant 0 : i32
    %dma_start3A_601 = tpu.memref_slice %arg4[%mul3A_2, %dma_start3A_592, %dma_start3A_600] : memref<4096x50x64xf32, #tpu.memory_space<hbm>> -> memref<128x1x64xf32, #tpu.memory_space<hbm>>
    %dma_start3A_602 = tpu.memref_squeeze %dma_start3A_601 : memref<128x1x64xf32, #tpu.memory_space<hbm>> -> memref<128x64xf32, #tpu.memory_space<hbm>>
    %dma_start3A_603 = arith.constant 0 : i32
    %dma_start3A_604 = arith.constant 0 : i32
    %dma_start3A_605 = tpu.memref_slice %arg6[%dma_start3A_591, %dma_start3A_603, %dma_start3A_604] : memref<7x128x64xf32, #tpu.memory_space<vmem>> -> memref<1x128x64xf32, #tpu.memory_space<vmem>>
    %dma_start3A_606 = tpu.memref_squeeze %dma_start3A_605 : memref<1x128x64xf32, #tpu.memory_space<vmem>> -> memref<128x64xf32, #tpu.memory_space<vmem>>
    tpu.enqueue_dma source(%dma_start3A_606 : memref<128x64xf32, #tpu.memory_space<vmem>>) target(%dma_start3A_602 : memref<128x64xf32, #tpu.memory_space<hbm>>) target_semaphore(%arg8 : memref<!tpu.dma_semaphore, #tpu.memory_space<semaphore_mem>>)
    %dma_wait3A_607 = arith.constant 6 : i32
    %dma_wait3A_608 = arith.constant 6 : i32
    %dma_wait3A_609 = arith.constant 0 : i32
    %dma_wait3A_610 = arith.constant 0 : i32
    %dma_wait3A_611 = tpu.memref_slice %arg6[%dma_wait3A_607, %dma_wait3A_609, %dma_wait3A_610] : memref<7x128x64xf32, #tpu.memory_space<vmem>> -> memref<1x128x64xf32, #tpu.memory_space<vmem>>
    %dma_wait3A_612 = tpu.memref_squeeze %dma_wait3A_611 : memref<1x128x64xf32, #tpu.memory_space<vmem>> -> memref<128x64xf32, #tpu.memory_space<vmem>>
    %dma_wait3A_613 = arith.constant 0 : i32
    %dma_wait3A_614 = tpu.memref_slice %arg4[%mul3A_2, %dma_wait3A_608, %dma_wait3A_613] : memref<4096x50x64xf32, #tpu.memory_space<hbm>> -> memref<128x1x64xf32, #tpu.memory_space<hbm>>
    %dma_wait3A_615 = tpu.memref_squeeze %dma_wait3A_614 : memref<128x1x64xf32, #tpu.memory_space<hbm>> -> memref<128x64xf32, #tpu.memory_space<hbm>>
    %dma_wait3A_616 = arith.constant 0 : i32
    %dma_wait3A_617 = tpu.memref_slice %arg4[%mul3A_2, %dma_wait3A_608, %dma_wait3A_616] : memref<4096x50x64xf32, #tpu.memory_space<hbm>> -> memref<128x1x64xf32, #tpu.memory_space<hbm>>
    %dma_wait3A_618 = tpu.memref_squeeze %dma_wait3A_617 : memref<128x1x64xf32, #tpu.memory_space<hbm>> -> memref<128x64xf32, #tpu.memory_space<hbm>>
    %dma_wait3A_619 = arith.constant 0 : i32
    %dma_wait3A_620 = arith.constant 0 : i32
    %dma_wait3A_621 = tpu.memref_slice %arg6[%dma_wait3A_607, %dma_wait3A_619, %dma_wait3A_620] : memref<7x128x64xf32, #tpu.memory_space<vmem>> -> memref<1x128x64xf32, #tpu.memory_space<vmem>>
    %dma_wait3A_622 = tpu.memref_squeeze %dma_wait3A_621 : memref<1x128x64xf32, #tpu.memory_space<vmem>> -> memref<128x64xf32, #tpu.memory_space<vmem>>
    tpu.wait_dma2 semaphore(%arg8 : memref<!tpu.dma_semaphore, #tpu.memory_space<semaphore_mem>>) src(%dma_wait3A_622 : memref<128x64xf32, #tpu.memory_space<vmem>>) dst(%dma_wait3A_618 : memref<128x64xf32, #tpu.memory_space<hbm>>)
    %slice3A_623 = vector.extract_strided_slice %get3A_4 {offsets = [12], sizes = [1], strides = [1]} : vector<16xi32> to vector<1xi32>
    %squeeze3A_624 = vector.extract %slice3A_623[0] : i32 from vector<1xi32>
    %dma_start3A_625 = arith.constant 5 : i32
    %dma_start3A_626 = arith.constant 0 : i32
    %dma_start3A_627 = arith.constant 0 : i32
    %dma_start3A_628 = tpu.memref_slice %arg6[%dma_start3A_625, %dma_start3A_626, %dma_start3A_627] : memref<7x128x64xf32, #tpu.memory_space<vmem>> -> memref<1x128x64xf32, #tpu.memory_space<vmem>>
    %dma_start3A_629 = tpu.memref_squeeze %dma_start3A_628 : memref<1x128x64xf32, #tpu.memory_space<vmem>> -> memref<128x64xf32, #tpu.memory_space<vmem>>
    %dma_start3A_630 = arith.constant 0 : i32
    %dma_start3A_631 = tpu.memref_slice %arg2[%mul3A_2, %squeeze3A_624, %dma_start3A_630] : memref<4096x200x64xf32, #tpu.memory_space<hbm>> -> memref<128x1x64xf32, #tpu.memory_space<hbm>>
    %dma_start3A_632 = tpu.memref_squeeze %dma_start3A_631 : memref<128x1x64xf32, #tpu.memory_space<hbm>> -> memref<128x64xf32, #tpu.memory_space<hbm>>
    %dma_start3A_633 = arith.constant 0 : i32
    %dma_start3A_634 = arith.constant 0 : i32
    %dma_start3A_635 = tpu.memref_slice %arg6[%dma_start3A_625, %dma_start3A_633, %dma_start3A_634] : memref<7x128x64xf32, #tpu.memory_space<vmem>> -> memref<1x128x64xf32, #tpu.memory_space<vmem>>
    %dma_start3A_636 = tpu.memref_squeeze %dma_start3A_635 : memref<1x128x64xf32, #tpu.memory_space<vmem>> -> memref<128x64xf32, #tpu.memory_space<vmem>>
    %dma_start3A_637 = arith.constant 0 : i32
    %dma_start3A_638 = tpu.memref_slice %arg2[%mul3A_2, %squeeze3A_624, %dma_start3A_637] : memref<4096x200x64xf32, #tpu.memory_space<hbm>> -> memref<128x1x64xf32, #tpu.memory_space<hbm>>
    %dma_start3A_639 = tpu.memref_squeeze %dma_start3A_638 : memref<128x1x64xf32, #tpu.memory_space<hbm>> -> memref<128x64xf32, #tpu.memory_space<hbm>>
    tpu.enqueue_dma source(%dma_start3A_639 : memref<128x64xf32, #tpu.memory_space<hbm>>) target(%dma_start3A_636 : memref<128x64xf32, #tpu.memory_space<vmem>>) target_semaphore(%arg7 : memref<!tpu.dma_semaphore, #tpu.memory_space<semaphore_mem>>)
    %slice3A_640 = vector.extract_strided_slice %get3A_4 {offsets = [9], sizes = [1], strides = [1]} : vector<16xi32> to vector<1xi32>
    %squeeze3A_641 = vector.extract %slice3A_640[0] : i32 from vector<1xi32>
    %dma_wait3A_642 = arith.constant 2 : i32
    %dma_wait3A_643 = arith.constant 0 : i32
    %dma_wait3A_644 = arith.constant 0 : i32
    %dma_wait3A_645 = tpu.memref_slice %arg6[%dma_wait3A_642, %dma_wait3A_643, %dma_wait3A_644] : memref<7x128x64xf32, #tpu.memory_space<vmem>> -> memref<1x128x64xf32, #tpu.memory_space<vmem>>
    %dma_wait3A_646 = tpu.memref_squeeze %dma_wait3A_645 : memref<1x128x64xf32, #tpu.memory_space<vmem>> -> memref<128x64xf32, #tpu.memory_space<vmem>>
    %dma_wait3A_647 = arith.constant 0 : i32
    %dma_wait3A_648 = tpu.memref_slice %arg2[%mul3A_2, %squeeze3A_641, %dma_wait3A_647] : memref<4096x200x64xf32, #tpu.memory_space<hbm>> -> memref<128x1x64xf32, #tpu.memory_space<hbm>>
    %dma_wait3A_649 = tpu.memref_squeeze %dma_wait3A_648 : memref<128x1x64xf32, #tpu.memory_space<hbm>> -> memref<128x64xf32, #tpu.memory_space<hbm>>
    %dma_wait3A_650 = arith.constant 0 : i32
    %dma_wait3A_651 = arith.constant 0 : i32
    %dma_wait3A_652 = tpu.memref_slice %arg6[%dma_wait3A_642, %dma_wait3A_650, %dma_wait3A_651] : memref<7x128x64xf32, #tpu.memory_space<vmem>> -> memref<1x128x64xf32, #tpu.memory_space<vmem>>
    %dma_wait3A_653 = tpu.memref_squeeze %dma_wait3A_652 : memref<1x128x64xf32, #tpu.memory_space<vmem>> -> memref<128x64xf32, #tpu.memory_space<vmem>>
    %dma_wait3A_654 = arith.constant 0 : i32
    %dma_wait3A_655 = tpu.memref_slice %arg2[%mul3A_2, %squeeze3A_641, %dma_wait3A_654] : memref<4096x200x64xf32, #tpu.memory_space<hbm>> -> memref<128x1x64xf32, #tpu.memory_space<hbm>>
    %dma_wait3A_656 = tpu.memref_squeeze %dma_wait3A_655 : memref<128x1x64xf32, #tpu.memory_space<hbm>> -> memref<128x64xf32, #tpu.memory_space<hbm>>
    tpu.wait_dma2 semaphore(%arg7 : memref<!tpu.dma_semaphore, #tpu.memory_space<semaphore_mem>>) src(%dma_wait3A_656 : memref<128x64xf32, #tpu.memory_space<hbm>>) dst(%dma_wait3A_653 : memref<128x64xf32, #tpu.memory_space<vmem>>)
    %dma_start3A_657 = arith.constant 2 : i32
    %dma_start3A_658 = arith.constant 9 : i32
    %dma_start3A_659 = arith.constant 0 : i32
    %dma_start3A_660 = arith.constant 0 : i32
    %dma_start3A_661 = tpu.memref_slice %arg6[%dma_start3A_657, %dma_start3A_659, %dma_start3A_660] : memref<7x128x64xf32, #tpu.memory_space<vmem>> -> memref<1x128x64xf32, #tpu.memory_space<vmem>>
    %dma_start3A_662 = tpu.memref_squeeze %dma_start3A_661 : memref<1x128x64xf32, #tpu.memory_space<vmem>> -> memref<128x64xf32, #tpu.memory_space<vmem>>
    %dma_start3A_663 = arith.constant 0 : i32
    %dma_start3A_664 = tpu.memref_slice %arg4[%mul3A_2, %dma_start3A_658, %dma_start3A_663] : memref<4096x50x64xf32, #tpu.memory_space<hbm>> -> memref<128x1x64xf32, #tpu.memory_space<hbm>>
    %dma_start3A_665 = tpu.memref_squeeze %dma_start3A_664 : memref<128x1x64xf32, #tpu.memory_space<hbm>> -> memref<128x64xf32, #tpu.memory_space<hbm>>
    %dma_start3A_666 = arith.constant 0 : i32
    %dma_start3A_667 = tpu.memref_slice %arg4[%mul3A_2, %dma_start3A_658, %dma_start3A_666] : memref<4096x50x64xf32, #tpu.memory_space<hbm>> -> memref<128x1x64xf32, #tpu.memory_space<hbm>>
    %dma_start3A_668 = tpu.memref_squeeze %dma_start3A_667 : memref<128x1x64xf32, #tpu.memory_space<hbm>> -> memref<128x64xf32, #tpu.memory_space<hbm>>
    %dma_start3A_669 = arith.constant 0 : i32
    %dma_start3A_670 = arith.constant 0 : i32
    %dma_start3A_671 = tpu.memref_slice %arg6[%dma_start3A_657, %dma_start3A_669, %dma_start3A_670] : memref<7x128x64xf32, #tpu.memory_space<vmem>> -> memref<1x128x64xf32, #tpu.memory_space<vmem>>
    %dma_start3A_672 = tpu.memref_squeeze %dma_start3A_671 : memref<1x128x64xf32, #tpu.memory_space<vmem>> -> memref<128x64xf32, #tpu.memory_space<vmem>>
    tpu.enqueue_dma source(%dma_start3A_672 : memref<128x64xf32, #tpu.memory_space<vmem>>) target(%dma_start3A_668 : memref<128x64xf32, #tpu.memory_space<hbm>>) target_semaphore(%arg8 : memref<!tpu.dma_semaphore, #tpu.memory_space<semaphore_mem>>)
    %dma_wait3A_673 = arith.constant 0 : i32
    %dma_wait3A_674 = arith.constant 7 : i32
    %dma_wait3A_675 = arith.constant 0 : i32
    %dma_wait3A_676 = arith.constant 0 : i32
    %dma_wait3A_677 = tpu.memref_slice %arg6[%dma_wait3A_673, %dma_wait3A_675, %dma_wait3A_676] : memref<7x128x64xf32, #tpu.memory_space<vmem>> -> memref<1x128x64xf32, #tpu.memory_space<vmem>>
    %dma_wait3A_678 = tpu.memref_squeeze %dma_wait3A_677 : memref<1x128x64xf32, #tpu.memory_space<vmem>> -> memref<128x64xf32, #tpu.memory_space<vmem>>
    %dma_wait3A_679 = arith.constant 0 : i32
    %dma_wait3A_680 = tpu.memref_slice %arg4[%mul3A_2, %dma_wait3A_674, %dma_wait3A_679] : memref<4096x50x64xf32, #tpu.memory_space<hbm>> -> memref<128x1x64xf32, #tpu.memory_space<hbm>>
    %dma_wait3A_681 = tpu.memref_squeeze %dma_wait3A_680 : memref<128x1x64xf32, #tpu.memory_space<hbm>> -> memref<128x64xf32, #tpu.memory_space<hbm>>
    %dma_wait3A_682 = arith.constant 0 : i32
    %dma_wait3A_683 = tpu.memref_slice %arg4[%mul3A_2, %dma_wait3A_674, %dma_wait3A_682] : memref<4096x50x64xf32, #tpu.memory_space<hbm>> -> memref<128x1x64xf32, #tpu.memory_space<hbm>>
    %dma_wait3A_684 = tpu.memref_squeeze %dma_wait3A_683 : memref<128x1x64xf32, #tpu.memory_space<hbm>> -> memref<128x64xf32, #tpu.memory_space<hbm>>
    %dma_wait3A_685 = arith.constant 0 : i32
    %dma_wait3A_686 = arith.constant 0 : i32
    %dma_wait3A_687 = tpu.memref_slice %arg6[%dma_wait3A_673, %dma_wait3A_685, %dma_wait3A_686] : memref<7x128x64xf32, #tpu.memory_space<vmem>> -> memref<1x128x64xf32, #tpu.memory_space<vmem>>
    %dma_wait3A_688 = tpu.memref_squeeze %dma_wait3A_687 : memref<1x128x64xf32, #tpu.memory_space<vmem>> -> memref<128x64xf32, #tpu.memory_space<vmem>>
    tpu.wait_dma2 semaphore(%arg8 : memref<!tpu.dma_semaphore, #tpu.memory_space<semaphore_mem>>) src(%dma_wait3A_688 : memref<128x64xf32, #tpu.memory_space<vmem>>) dst(%dma_wait3A_684 : memref<128x64xf32, #tpu.memory_space<hbm>>)
    %slice3A_689 = vector.extract_strided_slice %get3A_4 {offsets = [13], sizes = [1], strides = [1]} : vector<16xi32> to vector<1xi32>
    %squeeze3A_690 = vector.extract %slice3A_689[0] : i32 from vector<1xi32>
    %dma_start3A_691 = arith.constant 6 : i32
    %dma_start3A_692 = arith.constant 0 : i32
    %dma_start3A_693 = arith.constant 0 : i32
    %dma_start3A_694 = tpu.memref_slice %arg6[%dma_start3A_691, %dma_start3A_692, %dma_start3A_693] : memref<7x128x64xf32, #tpu.memory_space<vmem>> -> memref<1x128x64xf32, #tpu.memory_space<vmem>>
    %dma_start3A_695 = tpu.memref_squeeze %dma_start3A_694 : memref<1x128x64xf32, #tpu.memory_space<vmem>> -> memref<128x64xf32, #tpu.memory_space<vmem>>
    %dma_start3A_696 = arith.constant 0 : i32
    %dma_start3A_697 = tpu.memref_slice %arg2[%mul3A_2, %squeeze3A_690, %dma_start3A_696] : memref<4096x200x64xf32, #tpu.memory_space<hbm>> -> memref<128x1x64xf32, #tpu.memory_space<hbm>>
    %dma_start3A_698 = tpu.memref_squeeze %dma_start3A_697 : memref<128x1x64xf32, #tpu.memory_space<hbm>> -> memref<128x64xf32, #tpu.memory_space<hbm>>
    %dma_start3A_699 = arith.constant 0 : i32
    %dma_start3A_700 = arith.constant 0 : i32
    %dma_start3A_701 = tpu.memref_slice %arg6[%dma_start3A_691, %dma_start3A_699, %dma_start3A_700] : memref<7x128x64xf32, #tpu.memory_space<vmem>> -> memref<1x128x64xf32, #tpu.memory_space<vmem>>
    %dma_start3A_702 = tpu.memref_squeeze %dma_start3A_701 : memref<1x128x64xf32, #tpu.memory_space<vmem>> -> memref<128x64xf32, #tpu.memory_space<vmem>>
    %dma_start3A_703 = arith.constant 0 : i32
    %dma_start3A_704 = tpu.memref_slice %arg2[%mul3A_2, %squeeze3A_690, %dma_start3A_703] : memref<4096x200x64xf32, #tpu.memory_space<hbm>> -> memref<128x1x64xf32, #tpu.memory_space<hbm>>
    %dma_start3A_705 = tpu.memref_squeeze %dma_start3A_704 : memref<128x1x64xf32, #tpu.memory_space<hbm>> -> memref<128x64xf32, #tpu.memory_space<hbm>>
    tpu.enqueue_dma source(%dma_start3A_705 : memref<128x64xf32, #tpu.memory_space<hbm>>) target(%dma_start3A_702 : memref<128x64xf32, #tpu.memory_space<vmem>>) target_semaphore(%arg7 : memref<!tpu.dma_semaphore, #tpu.memory_space<semaphore_mem>>)
    %slice3A_706 = vector.extract_strided_slice %get3A_4 {offsets = [10], sizes = [1], strides = [1]} : vector<16xi32> to vector<1xi32>
    %squeeze3A_707 = vector.extract %slice3A_706[0] : i32 from vector<1xi32>
    %dma_wait3A_708 = arith.constant 3 : i32
    %dma_wait3A_709 = arith.constant 0 : i32
    %dma_wait3A_710 = arith.constant 0 : i32
    %dma_wait3A_711 = tpu.memref_slice %arg6[%dma_wait3A_708, %dma_wait3A_709, %dma_wait3A_710] : memref<7x128x64xf32, #tpu.memory_space<vmem>> -> memref<1x128x64xf32, #tpu.memory_space<vmem>>
    %dma_wait3A_712 = tpu.memref_squeeze %dma_wait3A_711 : memref<1x128x64xf32, #tpu.memory_space<vmem>> -> memref<128x64xf32, #tpu.memory_space<vmem>>
    %dma_wait3A_713 = arith.constant 0 : i32
    %dma_wait3A_714 = tpu.memref_slice %arg2[%mul3A_2, %squeeze3A_707, %dma_wait3A_713] : memref<4096x200x64xf32, #tpu.memory_space<hbm>> -> memref<128x1x64xf32, #tpu.memory_space<hbm>>
    %dma_wait3A_715 = tpu.memref_squeeze %dma_wait3A_714 : memref<128x1x64xf32, #tpu.memory_space<hbm>> -> memref<128x64xf32, #tpu.memory_space<hbm>>
    %dma_wait3A_716 = arith.constant 0 : i32
    %dma_wait3A_717 = arith.constant 0 : i32
    %dma_wait3A_718 = tpu.memref_slice %arg6[%dma_wait3A_708, %dma_wait3A_716, %dma_wait3A_717] : memref<7x128x64xf32, #tpu.memory_space<vmem>> -> memref<1x128x64xf32, #tpu.memory_space<vmem>>
    %dma_wait3A_719 = tpu.memref_squeeze %dma_wait3A_718 : memref<1x128x64xf32, #tpu.memory_space<vmem>> -> memref<128x64xf32, #tpu.memory_space<vmem>>
    %dma_wait3A_720 = arith.constant 0 : i32
    %dma_wait3A_721 = tpu.memref_slice %arg2[%mul3A_2, %squeeze3A_707, %dma_wait3A_720] : memref<4096x200x64xf32, #tpu.memory_space<hbm>> -> memref<128x1x64xf32, #tpu.memory_space<hbm>>
    %dma_wait3A_722 = tpu.memref_squeeze %dma_wait3A_721 : memref<128x1x64xf32, #tpu.memory_space<hbm>> -> memref<128x64xf32, #tpu.memory_space<hbm>>
    tpu.wait_dma2 semaphore(%arg7 : memref<!tpu.dma_semaphore, #tpu.memory_space<semaphore_mem>>) src(%dma_wait3A_722 : memref<128x64xf32, #tpu.memory_space<hbm>>) dst(%dma_wait3A_719 : memref<128x64xf32, #tpu.memory_space<vmem>>)
    %dma_start3A_723 = arith.constant 3 : i32
    %dma_start3A_724 = arith.constant 10 : i32
    %dma_start3A_725 = arith.constant 0 : i32
    %dma_start3A_726 = arith.constant 0 : i32
    %dma_start3A_727 = tpu.memref_slice %arg6[%dma_start3A_723, %dma_start3A_725, %dma_start3A_726] : memref<7x128x64xf32, #tpu.memory_space<vmem>> -> memref<1x128x64xf32, #tpu.memory_space<vmem>>
    %dma_start3A_728 = tpu.memref_squeeze %dma_start3A_727 : memref<1x128x64xf32, #tpu.memory_space<vmem>> -> memref<128x64xf32, #tpu.memory_space<vmem>>
    %dma_start3A_729 = arith.constant 0 : i32
    %dma_start3A_730 = tpu.memref_slice %arg4[%mul3A_2, %dma_start3A_724, %dma_start3A_729] : memref<4096x50x64xf32, #tpu.memory_space<hbm>> -> memref<128x1x64xf32, #tpu.memory_space<hbm>>
    %dma_start3A_731 = tpu.memref_squeeze %dma_start3A_730 : memref<128x1x64xf32, #tpu.memory_space<hbm>> -> memref<128x64xf32, #tpu.memory_space<hbm>>
    %dma_start3A_732 = arith.constant 0 : i32
    %dma_start3A_733 = tpu.memref_slice %arg4[%mul3A_2, %dma_start3A_724, %dma_start3A_732] : memref<4096x50x64xf32, #tpu.memory_space<hbm>> -> memref<128x1x64xf32, #tpu.memory_space<hbm>>
    %dma_start3A_734 = tpu.memref_squeeze %dma_start3A_733 : memref<128x1x64xf32, #tpu.memory_space<hbm>> -> memref<128x64xf32, #tpu.memory_space<hbm>>
    %dma_start3A_735 = arith.constant 0 : i32
    %dma_start3A_736 = arith.constant 0 : i32
    %dma_start3A_737 = tpu.memref_slice %arg6[%dma_start3A_723, %dma_start3A_735, %dma_start3A_736] : memref<7x128x64xf32, #tpu.memory_space<vmem>> -> memref<1x128x64xf32, #tpu.memory_space<vmem>>
    %dma_start3A_738 = tpu.memref_squeeze %dma_start3A_737 : memref<1x128x64xf32, #tpu.memory_space<vmem>> -> memref<128x64xf32, #tpu.memory_space<vmem>>
    tpu.enqueue_dma source(%dma_start3A_738 : memref<128x64xf32, #tpu.memory_space<vmem>>) target(%dma_start3A_734 : memref<128x64xf32, #tpu.memory_space<hbm>>) target_semaphore(%arg8 : memref<!tpu.dma_semaphore, #tpu.memory_space<semaphore_mem>>)
    %dma_wait3A_739 = arith.constant 1 : i32
    %dma_wait3A_740 = arith.constant 8 : i32
    %dma_wait3A_741 = arith.constant 0 : i32
    %dma_wait3A_742 = arith.constant 0 : i32
    %dma_wait3A_743 = tpu.memref_slice %arg6[%dma_wait3A_739, %dma_wait3A_741, %dma_wait3A_742] : memref<7x128x64xf32, #tpu.memory_space<vmem>> -> memref<1x128x64xf32, #tpu.memory_space<vmem>>
    %dma_wait3A_744 = tpu.memref_squeeze %dma_wait3A_743 : memref<1x128x64xf32, #tpu.memory_space<vmem>> -> memref<128x64xf32, #tpu.memory_space<vmem>>
    %dma_wait3A_745 = arith.constant 0 : i32
    %dma_wait3A_746 = tpu.memref_slice %arg4[%mul3A_2, %dma_wait3A_740, %dma_wait3A_745] : memref<4096x50x64xf32, #tpu.memory_space<hbm>> -> memref<128x1x64xf32, #tpu.memory_space<hbm>>
    %dma_wait3A_747 = tpu.memref_squeeze %dma_wait3A_746 : memref<128x1x64xf32, #tpu.memory_space<hbm>> -> memref<128x64xf32, #tpu.memory_space<hbm>>
    %dma_wait3A_748 = arith.constant 0 : i32
    %dma_wait3A_749 = tpu.memref_slice %arg4[%mul3A_2, %dma_wait3A_740, %dma_wait3A_748] : memref<4096x50x64xf32, #tpu.memory_space<hbm>> -> memref<128x1x64xf32, #tpu.memory_space<hbm>>
    %dma_wait3A_750 = tpu.memref_squeeze %dma_wait3A_749 : memref<128x1x64xf32, #tpu.memory_space<hbm>> -> memref<128x64xf32, #tpu.memory_space<hbm>>
    %dma_wait3A_751 = arith.constant 0 : i32
    %dma_wait3A_752 = arith.constant 0 : i32
    %dma_wait3A_753 = tpu.memref_slice %arg6[%dma_wait3A_739, %dma_wait3A_751, %dma_wait3A_752] : memref<7x128x64xf32, #tpu.memory_space<vmem>> -> memref<1x128x64xf32, #tpu.memory_space<vmem>>
    %dma_wait3A_754 = tpu.memref_squeeze %dma_wait3A_753 : memref<1x128x64xf32, #tpu.memory_space<vmem>> -> memref<128x64xf32, #tpu.memory_space<vmem>>
    tpu.wait_dma2 semaphore(%arg8 : memref<!tpu.dma_semaphore, #tpu.memory_space<semaphore_mem>>) src(%dma_wait3A_754 : memref<128x64xf32, #tpu.memory_space<vmem>>) dst(%dma_wait3A_750 : memref<128x64xf32, #tpu.memory_space<hbm>>)
    %slice3A_755 = vector.extract_strided_slice %get3A_4 {offsets = [14], sizes = [1], strides = [1]} : vector<16xi32> to vector<1xi32>
    %squeeze3A_756 = vector.extract %slice3A_755[0] : i32 from vector<1xi32>
    %dma_start3A_757 = arith.constant 0 : i32
    %dma_start3A_758 = arith.constant 0 : i32
    %dma_start3A_759 = arith.constant 0 : i32
    %dma_start3A_760 = tpu.memref_slice %arg6[%dma_start3A_757, %dma_start3A_758, %dma_start3A_759] : memref<7x128x64xf32, #tpu.memory_space<vmem>> -> memref<1x128x64xf32, #tpu.memory_space<vmem>>
    %dma_start3A_761 = tpu.memref_squeeze %dma_start3A_760 : memref<1x128x64xf32, #tpu.memory_space<vmem>> -> memref<128x64xf32, #tpu.memory_space<vmem>>
    %dma_start3A_762 = arith.constant 0 : i32
    %dma_start3A_763 = tpu.memref_slice %arg2[%mul3A_2, %squeeze3A_756, %dma_start3A_762] : memref<4096x200x64xf32, #tpu.memory_space<hbm>> -> memref<128x1x64xf32, #tpu.memory_space<hbm>>
    %dma_start3A_764 = tpu.memref_squeeze %dma_start3A_763 : memref<128x1x64xf32, #tpu.memory_space<hbm>> -> memref<128x64xf32, #tpu.memory_space<hbm>>
    %dma_start3A_765 = arith.constant 0 : i32
    %dma_start3A_766 = arith.constant 0 : i32
    %dma_start3A_767 = tpu.memref_slice %arg6[%dma_start3A_757, %dma_start3A_765, %dma_start3A_766] : memref<7x128x64xf32, #tpu.memory_space<vmem>> -> memref<1x128x64xf32, #tpu.memory_space<vmem>>
    %dma_start3A_768 = tpu.memref_squeeze %dma_start3A_767 : memref<1x128x64xf32, #tpu.memory_space<vmem>> -> memref<128x64xf32, #tpu.memory_space<vmem>>
    %dma_start3A_769 = arith.constant 0 : i32
    %dma_start3A_770 = tpu.memref_slice %arg2[%mul3A_2, %squeeze3A_756, %dma_start3A_769] : memref<4096x200x64xf32, #tpu.memory_space<hbm>> -> memref<128x1x64xf32, #tpu.memory_space<hbm>>
    %dma_start3A_771 = tpu.memref_squeeze %dma_start3A_770 : memref<128x1x64xf32, #tpu.memory_space<hbm>> -> memref<128x64xf32, #tpu.memory_space<hbm>>
    tpu.enqueue_dma source(%dma_start3A_771 : memref<128x64xf32, #tpu.memory_space<hbm>>) target(%dma_start3A_768 : memref<128x64xf32, #tpu.memory_space<vmem>>) target_semaphore(%arg7 : memref<!tpu.dma_semaphore, #tpu.memory_space<semaphore_mem>>)
    %slice3A_772 = vector.extract_strided_slice %get3A_4 {offsets = [11], sizes = [1], strides = [1]} : vector<16xi32> to vector<1xi32>
    %squeeze3A_773 = vector.extract %slice3A_772[0] : i32 from vector<1xi32>
    %dma_wait3A_774 = arith.constant 4 : i32
    %dma_wait3A_775 = arith.constant 0 : i32
    %dma_wait3A_776 = arith.constant 0 : i32
    %dma_wait3A_777 = tpu.memref_slice %arg6[%dma_wait3A_774, %dma_wait3A_775, %dma_wait3A_776] : memref<7x128x64xf32, #tpu.memory_space<vmem>> -> memref<1x128x64xf32, #tpu.memory_space<vmem>>
    %dma_wait3A_778 = tpu.memref_squeeze %dma_wait3A_777 : memref<1x128x64xf32, #tpu.memory_space<vmem>> -> memref<128x64xf32, #tpu.memory_space<vmem>>
    %dma_wait3A_779 = arith.constant 0 : i32
    %dma_wait3A_780 = tpu.memref_slice %arg2[%mul3A_2, %squeeze3A_773, %dma_wait3A_779] : memref<4096x200x64xf32, #tpu.memory_space<hbm>> -> memref<128x1x64xf32, #tpu.memory_space<hbm>>
    %dma_wait3A_781 = tpu.memref_squeeze %dma_wait3A_780 : memref<128x1x64xf32, #tpu.memory_space<hbm>> -> memref<128x64xf32, #tpu.memory_space<hbm>>
    %dma_wait3A_782 = arith.constant 0 : i32
    %dma_wait3A_783 = arith.constant 0 : i32
    %dma_wait3A_784 = tpu.memref_slice %arg6[%dma_wait3A_774, %dma_wait3A_782, %dma_wait3A_783] : memref<7x128x64xf32, #tpu.memory_space<vmem>> -> memref<1x128x64xf32, #tpu.memory_space<vmem>>
    %dma_wait3A_785 = tpu.memref_squeeze %dma_wait3A_784 : memref<1x128x64xf32, #tpu.memory_space<vmem>> -> memref<128x64xf32, #tpu.memory_space<vmem>>
    %dma_wait3A_786 = arith.constant 0 : i32
    %dma_wait3A_787 = tpu.memref_slice %arg2[%mul3A_2, %squeeze3A_773, %dma_wait3A_786] : memref<4096x200x64xf32, #tpu.memory_space<hbm>> -> memref<128x1x64xf32, #tpu.memory_space<hbm>>
    %dma_wait3A_788 = tpu.memref_squeeze %dma_wait3A_787 : memref<128x1x64xf32, #tpu.memory_space<hbm>> -> memref<128x64xf32, #tpu.memory_space<hbm>>
    tpu.wait_dma2 semaphore(%arg7 : memref<!tpu.dma_semaphore, #tpu.memory_space<semaphore_mem>>) src(%dma_wait3A_788 : memref<128x64xf32, #tpu.memory_space<hbm>>) dst(%dma_wait3A_785 : memref<128x64xf32, #tpu.memory_space<vmem>>)
    %dma_start3A_789 = arith.constant 4 : i32
    %dma_start3A_790 = arith.constant 11 : i32
    %dma_start3A_791 = arith.constant 0 : i32
    %dma_start3A_792 = arith.constant 0 : i32
    %dma_start3A_793 = tpu.memref_slice %arg6[%dma_start3A_789, %dma_start3A_791, %dma_start3A_792] : memref<7x128x64xf32, #tpu.memory_space<vmem>> -> memref<1x128x64xf32, #tpu.memory_space<vmem>>
    %dma_start3A_794 = tpu.memref_squeeze %dma_start3A_793 : memref<1x128x64xf32, #tpu.memory_space<vmem>> -> memref<128x64xf32, #tpu.memory_space<vmem>>
    %dma_start3A_795 = arith.constant 0 : i32
    %dma_start3A_796 = tpu.memref_slice %arg4[%mul3A_2, %dma_start3A_790, %dma_start3A_795] : memref<4096x50x64xf32, #tpu.memory_space<hbm>> -> memref<128x1x64xf32, #tpu.memory_space<hbm>>
    %dma_start3A_797 = tpu.memref_squeeze %dma_start3A_796 : memref<128x1x64xf32, #tpu.memory_space<hbm>> -> memref<128x64xf32, #tpu.memory_space<hbm>>
    %dma_start3A_798 = arith.constant 0 : i32
    %dma_start3A_799 = tpu.memref_slice %arg4[%mul3A_2, %dma_start3A_790, %dma_start3A_798] : memref<4096x50x64xf32, #tpu.memory_space<hbm>> -> memref<128x1x64xf32, #tpu.memory_space<hbm>>
    %dma_start3A_800 = tpu.memref_squeeze %dma_start3A_799 : memref<128x1x64xf32, #tpu.memory_space<hbm>> -> memref<128x64xf32, #tpu.memory_space<hbm>>
    %dma_start3A_801 = arith.constant 0 : i32
    %dma_start3A_802 = arith.constant 0 : i32
    %dma_start3A_803 = tpu.memref_slice %arg6[%dma_start3A_789, %dma_start3A_801, %dma_start3A_802] : memref<7x128x64xf32, #tpu.memory_space<vmem>> -> memref<1x128x64xf32, #tpu.memory_space<vmem>>
    %dma_start3A_804 = tpu.memref_squeeze %dma_start3A_803 : memref<1x128x64xf32, #tpu.memory_space<vmem>> -> memref<128x64xf32, #tpu.memory_space<vmem>>
    tpu.enqueue_dma source(%dma_start3A_804 : memref<128x64xf32, #tpu.memory_space<vmem>>) target(%dma_start3A_800 : memref<128x64xf32, #tpu.memory_space<hbm>>) target_semaphore(%arg8 : memref<!tpu.dma_semaphore, #tpu.memory_space<semaphore_mem>>)
    %dma_wait3A_805 = arith.constant 2 : i32
    %dma_wait3A_806 = arith.constant 9 : i32
    %dma_wait3A_807 = arith.constant 0 : i32
    %dma_wait3A_808 = arith.constant 0 : i32
    %dma_wait3A_809 = tpu.memref_slice %arg6[%dma_wait3A_805, %dma_wait3A_807, %dma_wait3A_808] : memref<7x128x64xf32, #tpu.memory_space<vmem>> -> memref<1x128x64xf32, #tpu.memory_space<vmem>>
    %dma_wait3A_810 = tpu.memref_squeeze %dma_wait3A_809 : memref<1x128x64xf32, #tpu.memory_space<vmem>> -> memref<128x64xf32, #tpu.memory_space<vmem>>
    %dma_wait3A_811 = arith.constant 0 : i32
    %dma_wait3A_812 = tpu.memref_slice %arg4[%mul3A_2, %dma_wait3A_806, %dma_wait3A_811] : memref<4096x50x64xf32, #tpu.memory_space<hbm>> -> memref<128x1x64xf32, #tpu.memory_space<hbm>>
    %dma_wait3A_813 = tpu.memref_squeeze %dma_wait3A_812 : memref<128x1x64xf32, #tpu.memory_space<hbm>> -> memref<128x64xf32, #tpu.memory_space<hbm>>
    %dma_wait3A_814 = arith.constant 0 : i32
    %dma_wait3A_815 = tpu.memref_slice %arg4[%mul3A_2, %dma_wait3A_806, %dma_wait3A_814] : memref<4096x50x64xf32, #tpu.memory_space<hbm>> -> memref<128x1x64xf32, #tpu.memory_space<hbm>>
    %dma_wait3A_816 = tpu.memref_squeeze %dma_wait3A_815 : memref<128x1x64xf32, #tpu.memory_space<hbm>> -> memref<128x64xf32, #tpu.memory_space<hbm>>
    %dma_wait3A_817 = arith.constant 0 : i32
    %dma_wait3A_818 = arith.constant 0 : i32
    %dma_wait3A_819 = tpu.memref_slice %arg6[%dma_wait3A_805, %dma_wait3A_817, %dma_wait3A_818] : memref<7x128x64xf32, #tpu.memory_space<vmem>> -> memref<1x128x64xf32, #tpu.memory_space<vmem>>
    %dma_wait3A_820 = tpu.memref_squeeze %dma_wait3A_819 : memref<1x128x64xf32, #tpu.memory_space<vmem>> -> memref<128x64xf32, #tpu.memory_space<vmem>>
    tpu.wait_dma2 semaphore(%arg8 : memref<!tpu.dma_semaphore, #tpu.memory_space<semaphore_mem>>) src(%dma_wait3A_820 : memref<128x64xf32, #tpu.memory_space<vmem>>) dst(%dma_wait3A_816 : memref<128x64xf32, #tpu.memory_space<hbm>>)
    %slice3A_821 = vector.extract_strided_slice %get3A_4 {offsets = [15], sizes = [1], strides = [1]} : vector<16xi32> to vector<1xi32>
    %squeeze3A_822 = vector.extract %slice3A_821[0] : i32 from vector<1xi32>
    %dma_start3A_823 = arith.constant 1 : i32
    %dma_start3A_824 = arith.constant 0 : i32
    %dma_start3A_825 = arith.constant 0 : i32
    %dma_start3A_826 = tpu.memref_slice %arg6[%dma_start3A_823, %dma_start3A_824, %dma_start3A_825] : memref<7x128x64xf32, #tpu.memory_space<vmem>> -> memref<1x128x64xf32, #tpu.memory_space<vmem>>
    %dma_start3A_827 = tpu.memref_squeeze %dma_start3A_826 : memref<1x128x64xf32, #tpu.memory_space<vmem>> -> memref<128x64xf32, #tpu.memory_space<vmem>>
    %dma_start3A_828 = arith.constant 0 : i32
    %dma_start3A_829 = tpu.memref_slice %arg2[%mul3A_2, %squeeze3A_822, %dma_start3A_828] : memref<4096x200x64xf32, #tpu.memory_space<hbm>> -> memref<128x1x64xf32, #tpu.memory_space<hbm>>
    %dma_start3A_830 = tpu.memref_squeeze %dma_start3A_829 : memref<128x1x64xf32, #tpu.memory_space<hbm>> -> memref<128x64xf32, #tpu.memory_space<hbm>>
    %dma_start3A_831 = arith.constant 0 : i32
    %dma_start3A_832 = arith.constant 0 : i32
    %dma_start3A_833 = tpu.memref_slice %arg6[%dma_start3A_823, %dma_start3A_831, %dma_start3A_832] : memref<7x128x64xf32, #tpu.memory_space<vmem>> -> memref<1x128x64xf32, #tpu.memory_space<vmem>>
    %dma_start3A_834 = tpu.memref_squeeze %dma_start3A_833 : memref<1x128x64xf32, #tpu.memory_space<vmem>> -> memref<128x64xf32, #tpu.memory_space<vmem>>
    %dma_start3A_835 = arith.constant 0 : i32
    %dma_start3A_836 = tpu.memref_slice %arg2[%mul3A_2, %squeeze3A_822, %dma_start3A_835] : memref<4096x200x64xf32, #tpu.memory_space<hbm>> -> memref<128x1x64xf32, #tpu.memory_space<hbm>>
    %dma_start3A_837 = tpu.memref_squeeze %dma_start3A_836 : memref<128x1x64xf32, #tpu.memory_space<hbm>> -> memref<128x64xf32, #tpu.memory_space<hbm>>
    tpu.enqueue_dma source(%dma_start3A_837 : memref<128x64xf32, #tpu.memory_space<hbm>>) target(%dma_start3A_834 : memref<128x64xf32, #tpu.memory_space<vmem>>) target_semaphore(%arg7 : memref<!tpu.dma_semaphore, #tpu.memory_space<semaphore_mem>>)
    %slice3A_838 = vector.extract_strided_slice %get3A_4 {offsets = [12], sizes = [1], strides = [1]} : vector<16xi32> to vector<1xi32>
    %squeeze3A_839 = vector.extract %slice3A_838[0] : i32 from vector<1xi32>
    %dma_wait3A_840 = arith.constant 5 : i32
    %dma_wait3A_841 = arith.constant 0 : i32
    %dma_wait3A_842 = arith.constant 0 : i32
    %dma_wait3A_843 = tpu.memref_slice %arg6[%dma_wait3A_840, %dma_wait3A_841, %dma_wait3A_842] : memref<7x128x64xf32, #tpu.memory_space<vmem>> -> memref<1x128x64xf32, #tpu.memory_space<vmem>>
    %dma_wait3A_844 = tpu.memref_squeeze %dma_wait3A_843 : memref<1x128x64xf32, #tpu.memory_space<vmem>> -> memref<128x64xf32, #tpu.memory_space<vmem>>
    %dma_wait3A_845 = arith.constant 0 : i32
    %dma_wait3A_846 = tpu.memref_slice %arg2[%mul3A_2, %squeeze3A_839, %dma_wait3A_845] : memref<4096x200x64xf32, #tpu.memory_space<hbm>> -> memref<128x1x64xf32, #tpu.memory_space<hbm>>
    %dma_wait3A_847 = tpu.memref_squeeze %dma_wait3A_846 : memref<128x1x64xf32, #tpu.memory_space<hbm>> -> memref<128x64xf32, #tpu.memory_space<hbm>>
    %dma_wait3A_848 = arith.constant 0 : i32
    %dma_wait3A_849 = arith.constant 0 : i32
    %dma_wait3A_850 = tpu.memref_slice %arg6[%dma_wait3A_840, %dma_wait3A_848, %dma_wait3A_849] : memref<7x128x64xf32, #tpu.memory_space<vmem>> -> memref<1x128x64xf32, #tpu.memory_space<vmem>>
    %dma_wait3A_851 = tpu.memref_squeeze %dma_wait3A_850 : memref<1x128x64xf32, #tpu.memory_space<vmem>> -> memref<128x64xf32, #tpu.memory_space<vmem>>
    %dma_wait3A_852 = arith.constant 0 : i32
    %dma_wait3A_853 = tpu.memref_slice %arg2[%mul3A_2, %squeeze3A_839, %dma_wait3A_852] : memref<4096x200x64xf32, #tpu.memory_space<hbm>> -> memref<128x1x64xf32, #tpu.memory_space<hbm>>
    %dma_wait3A_854 = tpu.memref_squeeze %dma_wait3A_853 : memref<128x1x64xf32, #tpu.memory_space<hbm>> -> memref<128x64xf32, #tpu.memory_space<hbm>>
    tpu.wait_dma2 semaphore(%arg7 : memref<!tpu.dma_semaphore, #tpu.memory_space<semaphore_mem>>) src(%dma_wait3A_854 : memref<128x64xf32, #tpu.memory_space<hbm>>) dst(%dma_wait3A_851 : memref<128x64xf32, #tpu.memory_space<vmem>>)
    %dma_start3A_855 = arith.constant 5 : i32
    %dma_start3A_856 = arith.constant 12 : i32
    %dma_start3A_857 = arith.constant 0 : i32
    %dma_start3A_858 = arith.constant 0 : i32
    %dma_start3A_859 = tpu.memref_slice %arg6[%dma_start3A_855, %dma_start3A_857, %dma_start3A_858] : memref<7x128x64xf32, #tpu.memory_space<vmem>> -> memref<1x128x64xf32, #tpu.memory_space<vmem>>
    %dma_start3A_860 = tpu.memref_squeeze %dma_start3A_859 : memref<1x128x64xf32, #tpu.memory_space<vmem>> -> memref<128x64xf32, #tpu.memory_space<vmem>>
    %dma_start3A_861 = arith.constant 0 : i32
    %dma_start3A_862 = tpu.memref_slice %arg4[%mul3A_2, %dma_start3A_856, %dma_start3A_861] : memref<4096x50x64xf32, #tpu.memory_space<hbm>> -> memref<128x1x64xf32, #tpu.memory_space<hbm>>
    %dma_start3A_863 = tpu.memref_squeeze %dma_start3A_862 : memref<128x1x64xf32, #tpu.memory_space<hbm>> -> memref<128x64xf32, #tpu.memory_space<hbm>>
    %dma_start3A_864 = arith.constant 0 : i32
    %dma_start3A_865 = tpu.memref_slice %arg4[%mul3A_2, %dma_start3A_856, %dma_start3A_864] : memref<4096x50x64xf32, #tpu.memory_space<hbm>> -> memref<128x1x64xf32, #tpu.memory_space<hbm>>
    %dma_start3A_866 = tpu.memref_squeeze %dma_start3A_865 : memref<128x1x64xf32, #tpu.memory_space<hbm>> -> memref<128x64xf32, #tpu.memory_space<hbm>>
    %dma_start3A_867 = arith.constant 0 : i32
    %dma_start3A_868 = arith.constant 0 : i32
    %dma_start3A_869 = tpu.memref_slice %arg6[%dma_start3A_855, %dma_start3A_867, %dma_start3A_868] : memref<7x128x64xf32, #tpu.memory_space<vmem>> -> memref<1x128x64xf32, #tpu.memory_space<vmem>>
    %dma_start3A_870 = tpu.memref_squeeze %dma_start3A_869 : memref<1x128x64xf32, #tpu.memory_space<vmem>> -> memref<128x64xf32, #tpu.memory_space<vmem>>
    tpu.enqueue_dma source(%dma_start3A_870 : memref<128x64xf32, #tpu.memory_space<vmem>>) target(%dma_start3A_866 : memref<128x64xf32, #tpu.memory_space<hbm>>) target_semaphore(%arg8 : memref<!tpu.dma_semaphore, #tpu.memory_space<semaphore_mem>>)
    %dma_wait3A_871 = arith.constant 3 : i32
    %dma_wait3A_872 = arith.constant 10 : i32
    %dma_wait3A_873 = arith.constant 0 : i32
    %dma_wait3A_874 = arith.constant 0 : i32
    %dma_wait3A_875 = tpu.memref_slice %arg6[%dma_wait3A_871, %dma_wait3A_873, %dma_wait3A_874] : memref<7x128x64xf32, #tpu.memory_space<vmem>> -> memref<1x128x64xf32, #tpu.memory_space<vmem>>
    %dma_wait3A_876 = tpu.memref_squeeze %dma_wait3A_875 : memref<1x128x64xf32, #tpu.memory_space<vmem>> -> memref<128x64xf32, #tpu.memory_space<vmem>>
    %dma_wait3A_877 = arith.constant 0 : i32
    %dma_wait3A_878 = tpu.memref_slice %arg4[%mul3A_2, %dma_wait3A_872, %dma_wait3A_877] : memref<4096x50x64xf32, #tpu.memory_space<hbm>> -> memref<128x1x64xf32, #tpu.memory_space<hbm>>
    %dma_wait3A_879 = tpu.memref_squeeze %dma_wait3A_878 : memref<128x1x64xf32, #tpu.memory_space<hbm>> -> memref<128x64xf32, #tpu.memory_space<hbm>>
    %dma_wait3A_880 = arith.constant 0 : i32
    %dma_wait3A_881 = tpu.memref_slice %arg4[%mul3A_2, %dma_wait3A_872, %dma_wait3A_880] : memref<4096x50x64xf32, #tpu.memory_space<hbm>> -> memref<128x1x64xf32, #tpu.memory_space<hbm>>
    %dma_wait3A_882 = tpu.memref_squeeze %dma_wait3A_881 : memref<128x1x64xf32, #tpu.memory_space<hbm>> -> memref<128x64xf32, #tpu.memory_space<hbm>>
    %dma_wait3A_883 = arith.constant 0 : i32
    %dma_wait3A_884 = arith.constant 0 : i32
    %dma_wait3A_885 = tpu.memref_slice %arg6[%dma_wait3A_871, %dma_wait3A_883, %dma_wait3A_884] : memref<7x128x64xf32, #tpu.memory_space<vmem>> -> memref<1x128x64xf32, #tpu.memory_space<vmem>>
    %dma_wait3A_886 = tpu.memref_squeeze %dma_wait3A_885 : memref<1x128x64xf32, #tpu.memory_space<vmem>> -> memref<128x64xf32, #tpu.memory_space<vmem>>
    tpu.wait_dma2 semaphore(%arg8 : memref<!tpu.dma_semaphore, #tpu.memory_space<semaphore_mem>>) src(%dma_wait3A_886 : memref<128x64xf32, #tpu.memory_space<vmem>>) dst(%dma_wait3A_882 : memref<128x64xf32, #tpu.memory_space<hbm>>)
    %slice3A_887 = vector.extract_strided_slice %get3A_7 {offsets = [0], sizes = [1], strides = [1]} : vector<16xi32> to vector<1xi32>
    %squeeze3A_888 = vector.extract %slice3A_887[0] : i32 from vector<1xi32>
    %dma_start3A_889 = arith.constant 2 : i32
    %dma_start3A_890 = arith.constant 0 : i32
    %dma_start3A_891 = arith.constant 0 : i32
    %dma_start3A_892 = tpu.memref_slice %arg6[%dma_start3A_889, %dma_start3A_890, %dma_start3A_891] : memref<7x128x64xf32, #tpu.memory_space<vmem>> -> memref<1x128x64xf32, #tpu.memory_space<vmem>>
    %dma_start3A_893 = tpu.memref_squeeze %dma_start3A_892 : memref<1x128x64xf32, #tpu.memory_space<vmem>> -> memref<128x64xf32, #tpu.memory_space<vmem>>
    %dma_start3A_894 = arith.constant 0 : i32
    %dma_start3A_895 = tpu.memref_slice %arg2[%mul3A_2, %squeeze3A_888, %dma_start3A_894] : memref<4096x200x64xf32, #tpu.memory_space<hbm>> -> memref<128x1x64xf32, #tpu.memory_space<hbm>>
    %dma_start3A_896 = tpu.memref_squeeze %dma_start3A_895 : memref<128x1x64xf32, #tpu.memory_space<hbm>> -> memref<128x64xf32, #tpu.memory_space<hbm>>
    %dma_start3A_897 = arith.constant 0 : i32
    %dma_start3A_898 = arith.constant 0 : i32
    %dma_start3A_899 = tpu.memref_slice %arg6[%dma_start3A_889, %dma_start3A_897, %dma_start3A_898] : memref<7x128x64xf32, #tpu.memory_space<vmem>> -> memref<1x128x64xf32, #tpu.memory_space<vmem>>
    %dma_start3A_900 = tpu.memref_squeeze %dma_start3A_899 : memref<1x128x64xf32, #tpu.memory_space<vmem>> -> memref<128x64xf32, #tpu.memory_space<vmem>>
    %dma_start3A_901 = arith.constant 0 : i32
    %dma_start3A_902 = tpu.memref_slice %arg2[%mul3A_2, %squeeze3A_888, %dma_start3A_901] : memref<4096x200x64xf32, #tpu.memory_space<hbm>> -> memref<128x1x64xf32, #tpu.memory_space<hbm>>
    %dma_start3A_903 = tpu.memref_squeeze %dma_start3A_902 : memref<128x1x64xf32, #tpu.memory_space<hbm>> -> memref<128x64xf32, #tpu.memory_space<hbm>>
    tpu.enqueue_dma source(%dma_start3A_903 : memref<128x64xf32, #tpu.memory_space<hbm>>) target(%dma_start3A_900 : memref<128x64xf32, #tpu.memory_space<vmem>>) target_semaphore(%arg7 : memref<!tpu.dma_semaphore, #tpu.memory_space<semaphore_mem>>)
    %slice3A_904 = vector.extract_strided_slice %get3A_4 {offsets = [13], sizes = [1], strides = [1]} : vector<16xi32> to vector<1xi32>
    %squeeze3A_905 = vector.extract %slice3A_904[0] : i32 from vector<1xi32>
    %dma_wait3A_906 = arith.constant 6 : i32
    %dma_wait3A_907 = arith.constant 0 : i32
    %dma_wait3A_908 = arith.constant 0 : i32
    %dma_wait3A_909 = tpu.memref_slice %arg6[%dma_wait3A_906, %dma_wait3A_907, %dma_wait3A_908] : memref<7x128x64xf32, #tpu.memory_space<vmem>> -> memref<1x128x64xf32, #tpu.memory_space<vmem>>
    %dma_wait3A_910 = tpu.memref_squeeze %dma_wait3A_909 : memref<1x128x64xf32, #tpu.memory_space<vmem>> -> memref<128x64xf32, #tpu.memory_space<vmem>>
    %dma_wait3A_911 = arith.constant 0 : i32
    %dma_wait3A_912 = tpu.memref_slice %arg2[%mul3A_2, %squeeze3A_905, %dma_wait3A_911] : memref<4096x200x64xf32, #tpu.memory_space<hbm>> -> memref<128x1x64xf32, #tpu.memory_space<hbm>>
    %dma_wait3A_913 = tpu.memref_squeeze %dma_wait3A_912 : memref<128x1x64xf32, #tpu.memory_space<hbm>> -> memref<128x64xf32, #tpu.memory_space<hbm>>
    %dma_wait3A_914 = arith.constant 0 : i32
    %dma_wait3A_915 = arith.constant 0 : i32
    %dma_wait3A_916 = tpu.memref_slice %arg6[%dma_wait3A_906, %dma_wait3A_914, %dma_wait3A_915] : memref<7x128x64xf32, #tpu.memory_space<vmem>> -> memref<1x128x64xf32, #tpu.memory_space<vmem>>
    %dma_wait3A_917 = tpu.memref_squeeze %dma_wait3A_916 : memref<1x128x64xf32, #tpu.memory_space<vmem>> -> memref<128x64xf32, #tpu.memory_space<vmem>>
    %dma_wait3A_918 = arith.constant 0 : i32
    %dma_wait3A_919 = tpu.memref_slice %arg2[%mul3A_2, %squeeze3A_905, %dma_wait3A_918] : memref<4096x200x64xf32, #tpu.memory_space<hbm>> -> memref<128x1x64xf32, #tpu.memory_space<hbm>>
    %dma_wait3A_920 = tpu.memref_squeeze %dma_wait3A_919 : memref<128x1x64xf32, #tpu.memory_space<hbm>> -> memref<128x64xf32, #tpu.memory_space<hbm>>
    tpu.wait_dma2 semaphore(%arg7 : memref<!tpu.dma_semaphore, #tpu.memory_space<semaphore_mem>>) src(%dma_wait3A_920 : memref<128x64xf32, #tpu.memory_space<hbm>>) dst(%dma_wait3A_917 : memref<128x64xf32, #tpu.memory_space<vmem>>)
    %dma_start3A_921 = arith.constant 6 : i32
    %dma_start3A_922 = arith.constant 13 : i32
    %dma_start3A_923 = arith.constant 0 : i32
    %dma_start3A_924 = arith.constant 0 : i32
    %dma_start3A_925 = tpu.memref_slice %arg6[%dma_start3A_921, %dma_start3A_923, %dma_start3A_924] : memref<7x128x64xf32, #tpu.memory_space<vmem>> -> memref<1x128x64xf32, #tpu.memory_space<vmem>>
    %dma_start3A_926 = tpu.memref_squeeze %dma_start3A_925 : memref<1x128x64xf32, #tpu.memory_space<vmem>> -> memref<128x64xf32, #tpu.memory_space<vmem>>
    %dma_start3A_927 = arith.constant 0 : i32
    %dma_start3A_928 = tpu.memref_slice %arg4[%mul3A_2, %dma_start3A_922, %dma_start3A_927] : memref<4096x50x64xf32, #tpu.memory_space<hbm>> -> memref<128x1x64xf32, #tpu.memory_space<hbm>>
    %dma_start3A_929 = tpu.memref_squeeze %dma_start3A_928 : memref<128x1x64xf32, #tpu.memory_space<hbm>> -> memref<128x64xf32, #tpu.memory_space<hbm>>
    %dma_start3A_930 = arith.constant 0 : i32
    %dma_start3A_931 = tpu.memref_slice %arg4[%mul3A_2, %dma_start3A_922, %dma_start3A_930] : memref<4096x50x64xf32, #tpu.memory_space<hbm>> -> memref<128x1x64xf32, #tpu.memory_space<hbm>>
    %dma_start3A_932 = tpu.memref_squeeze %dma_start3A_931 : memref<128x1x64xf32, #tpu.memory_space<hbm>> -> memref<128x64xf32, #tpu.memory_space<hbm>>
    %dma_start3A_933 = arith.constant 0 : i32
    %dma_start3A_934 = arith.constant 0 : i32
    %dma_start3A_935 = tpu.memref_slice %arg6[%dma_start3A_921, %dma_start3A_933, %dma_start3A_934] : memref<7x128x64xf32, #tpu.memory_space<vmem>> -> memref<1x128x64xf32, #tpu.memory_space<vmem>>
    %dma_start3A_936 = tpu.memref_squeeze %dma_start3A_935 : memref<1x128x64xf32, #tpu.memory_space<vmem>> -> memref<128x64xf32, #tpu.memory_space<vmem>>
    tpu.enqueue_dma source(%dma_start3A_936 : memref<128x64xf32, #tpu.memory_space<vmem>>) target(%dma_start3A_932 : memref<128x64xf32, #tpu.memory_space<hbm>>) target_semaphore(%arg8 : memref<!tpu.dma_semaphore, #tpu.memory_space<semaphore_mem>>)
    %dma_wait3A_937 = arith.constant 4 : i32
    %dma_wait3A_938 = arith.constant 11 : i32
    %dma_wait3A_939 = arith.constant 0 : i32
    %dma_wait3A_940 = arith.constant 0 : i32
    %dma_wait3A_941 = tpu.memref_slice %arg6[%dma_wait3A_937, %dma_wait3A_939, %dma_wait3A_940] : memref<7x128x64xf32, #tpu.memory_space<vmem>> -> memref<1x128x64xf32, #tpu.memory_space<vmem>>
    %dma_wait3A_942 = tpu.memref_squeeze %dma_wait3A_941 : memref<1x128x64xf32, #tpu.memory_space<vmem>> -> memref<128x64xf32, #tpu.memory_space<vmem>>
    %dma_wait3A_943 = arith.constant 0 : i32
    %dma_wait3A_944 = tpu.memref_slice %arg4[%mul3A_2, %dma_wait3A_938, %dma_wait3A_943] : memref<4096x50x64xf32, #tpu.memory_space<hbm>> -> memref<128x1x64xf32, #tpu.memory_space<hbm>>
    %dma_wait3A_945 = tpu.memref_squeeze %dma_wait3A_944 : memref<128x1x64xf32, #tpu.memory_space<hbm>> -> memref<128x64xf32, #tpu.memory_space<hbm>>
    %dma_wait3A_946 = arith.constant 0 : i32
    %dma_wait3A_947 = tpu.memref_slice %arg4[%mul3A_2, %dma_wait3A_938, %dma_wait3A_946] : memref<4096x50x64xf32, #tpu.memory_space<hbm>> -> memref<128x1x64xf32, #tpu.memory_space<hbm>>
    %dma_wait3A_948 = tpu.memref_squeeze %dma_wait3A_947 : memref<128x1x64xf32, #tpu.memory_space<hbm>> -> memref<128x64xf32, #tpu.memory_space<hbm>>
    %dma_wait3A_949 = arith.constant 0 : i32
    %dma_wait3A_950 = arith.constant 0 : i32
    %dma_wait3A_951 = tpu.memref_slice %arg6[%dma_wait3A_937, %dma_wait3A_949, %dma_wait3A_950] : memref<7x128x64xf32, #tpu.memory_space<vmem>> -> memref<1x128x64xf32, #tpu.memory_space<vmem>>
    %dma_wait3A_952 = tpu.memref_squeeze %dma_wait3A_951 : memref<1x128x64xf32, #tpu.memory_space<vmem>> -> memref<128x64xf32, #tpu.memory_space<vmem>>
    tpu.wait_dma2 semaphore(%arg8 : memref<!tpu.dma_semaphore, #tpu.memory_space<semaphore_mem>>) src(%dma_wait3A_952 : memref<128x64xf32, #tpu.memory_space<vmem>>) dst(%dma_wait3A_948 : memref<128x64xf32, #tpu.memory_space<hbm>>)
    %slice3A_953 = vector.extract_strided_slice %get3A_7 {offsets = [1], sizes = [1], strides = [1]} : vector<16xi32> to vector<1xi32>
    %squeeze3A_954 = vector.extract %slice3A_953[0] : i32 from vector<1xi32>
    %dma_start3A_955 = arith.constant 3 : i32
    %dma_start3A_956 = arith.constant 0 : i32
    %dma_start3A_957 = arith.constant 0 : i32
    %dma_start3A_958 = tpu.memref_slice %arg6[%dma_start3A_955, %dma_start3A_956, %dma_start3A_957] : memref<7x128x64xf32, #tpu.memory_space<vmem>> -> memref<1x128x64xf32, #tpu.memory_space<vmem>>
    %dma_start3A_959 = tpu.memref_squeeze %dma_start3A_958 : memref<1x128x64xf32, #tpu.memory_space<vmem>> -> memref<128x64xf32, #tpu.memory_space<vmem>>
    %dma_start3A_960 = arith.constant 0 : i32
    %dma_start3A_961 = tpu.memref_slice %arg2[%mul3A_2, %squeeze3A_954, %dma_start3A_960] : memref<4096x200x64xf32, #tpu.memory_space<hbm>> -> memref<128x1x64xf32, #tpu.memory_space<hbm>>
    %dma_start3A_962 = tpu.memref_squeeze %dma_start3A_961 : memref<128x1x64xf32, #tpu.memory_space<hbm>> -> memref<128x64xf32, #tpu.memory_space<hbm>>
    %dma_start3A_963 = arith.constant 0 : i32
    %dma_start3A_964 = arith.constant 0 : i32
    %dma_start3A_965 = tpu.memref_slice %arg6[%dma_start3A_955, %dma_start3A_963, %dma_start3A_964] : memref<7x128x64xf32, #tpu.memory_space<vmem>> -> memref<1x128x64xf32, #tpu.memory_space<vmem>>
    %dma_start3A_966 = tpu.memref_squeeze %dma_start3A_965 : memref<1x128x64xf32, #tpu.memory_space<vmem>> -> memref<128x64xf32, #tpu.memory_space<vmem>>
    %dma_start3A_967 = arith.constant 0 : i32
    %dma_start3A_968 = tpu.memref_slice %arg2[%mul3A_2, %squeeze3A_954, %dma_start3A_967] : memref<4096x200x64xf32, #tpu.memory_space<hbm>> -> memref<128x1x64xf32, #tpu.memory_space<hbm>>
    %dma_start3A_969 = tpu.memref_squeeze %dma_start3A_968 : memref<128x1x64xf32, #tpu.memory_space<hbm>> -> memref<128x64xf32, #tpu.memory_space<hbm>>
    tpu.enqueue_dma source(%dma_start3A_969 : memref<128x64xf32, #tpu.memory_space<hbm>>) target(%dma_start3A_966 : memref<128x64xf32, #tpu.memory_space<vmem>>) target_semaphore(%arg7 : memref<!tpu.dma_semaphore, #tpu.memory_space<semaphore_mem>>)
    %slice3A_970 = vector.extract_strided_slice %get3A_4 {offsets = [14], sizes = [1], strides = [1]} : vector<16xi32> to vector<1xi32>
    %squeeze3A_971 = vector.extract %slice3A_970[0] : i32 from vector<1xi32>
    %dma_wait3A_972 = arith.constant 0 : i32
    %dma_wait3A_973 = arith.constant 0 : i32
    %dma_wait3A_974 = arith.constant 0 : i32
    %dma_wait3A_975 = tpu.memref_slice %arg6[%dma_wait3A_972, %dma_wait3A_973, %dma_wait3A_974] : memref<7x128x64xf32, #tpu.memory_space<vmem>> -> memref<1x128x64xf32, #tpu.memory_space<vmem>>
    %dma_wait3A_976 = tpu.memref_squeeze %dma_wait3A_975 : memref<1x128x64xf32, #tpu.memory_space<vmem>> -> memref<128x64xf32, #tpu.memory_space<vmem>>
    %dma_wait3A_977 = arith.constant 0 : i32
    %dma_wait3A_978 = tpu.memref_slice %arg2[%mul3A_2, %squeeze3A_971, %dma_wait3A_977] : memref<4096x200x64xf32, #tpu.memory_space<hbm>> -> memref<128x1x64xf32, #tpu.memory_space<hbm>>
    %dma_wait3A_979 = tpu.memref_squeeze %dma_wait3A_978 : memref<128x1x64xf32, #tpu.memory_space<hbm>> -> memref<128x64xf32, #tpu.memory_space<hbm>>
    %dma_wait3A_980 = arith.constant 0 : i32
    %dma_wait3A_981 = arith.constant 0 : i32
    %dma_wait3A_982 = tpu.memref_slice %arg6[%dma_wait3A_972, %dma_wait3A_980, %dma_wait3A_981] : memref<7x128x64xf32, #tpu.memory_space<vmem>> -> memref<1x128x64xf32, #tpu.memory_space<vmem>>
    %dma_wait3A_983 = tpu.memref_squeeze %dma_wait3A_982 : memref<1x128x64xf32, #tpu.memory_space<vmem>> -> memref<128x64xf32, #tpu.memory_space<vmem>>
    %dma_wait3A_984 = arith.constant 0 : i32
    %dma_wait3A_985 = tpu.memref_slice %arg2[%mul3A_2, %squeeze3A_971, %dma_wait3A_984] : memref<4096x200x64xf32, #tpu.memory_space<hbm>> -> memref<128x1x64xf32, #tpu.memory_space<hbm>>
    %dma_wait3A_986 = tpu.memref_squeeze %dma_wait3A_985 : memref<128x1x64xf32, #tpu.memory_space<hbm>> -> memref<128x64xf32, #tpu.memory_space<hbm>>
    tpu.wait_dma2 semaphore(%arg7 : memref<!tpu.dma_semaphore, #tpu.memory_space<semaphore_mem>>) src(%dma_wait3A_986 : memref<128x64xf32, #tpu.memory_space<hbm>>) dst(%dma_wait3A_983 : memref<128x64xf32, #tpu.memory_space<vmem>>)
    %dma_start3A_987 = arith.constant 0 : i32
    %dma_start3A_988 = arith.constant 14 : i32
    %dma_start3A_989 = arith.constant 0 : i32
    %dma_start3A_990 = arith.constant 0 : i32
    %dma_start3A_991 = tpu.memref_slice %arg6[%dma_start3A_987, %dma_start3A_989, %dma_start3A_990] : memref<7x128x64xf32, #tpu.memory_space<vmem>> -> memref<1x128x64xf32, #tpu.memory_space<vmem>>
    %dma_start3A_992 = tpu.memref_squeeze %dma_start3A_991 : memref<1x128x64xf32, #tpu.memory_space<vmem>> -> memref<128x64xf32, #tpu.memory_space<vmem>>
    %dma_start3A_993 = arith.constant 0 : i32
    %dma_start3A_994 = tpu.memref_slice %arg4[%mul3A_2, %dma_start3A_988, %dma_start3A_993] : memref<4096x50x64xf32, #tpu.memory_space<hbm>> -> memref<128x1x64xf32, #tpu.memory_space<hbm>>
    %dma_start3A_995 = tpu.memref_squeeze %dma_start3A_994 : memref<128x1x64xf32, #tpu.memory_space<hbm>> -> memref<128x64xf32, #tpu.memory_space<hbm>>
    %dma_start3A_996 = arith.constant 0 : i32
    %dma_start3A_997 = tpu.memref_slice %arg4[%mul3A_2, %dma_start3A_988, %dma_start3A_996] : memref<4096x50x64xf32, #tpu.memory_space<hbm>> -> memref<128x1x64xf32, #tpu.memory_space<hbm>>
    %dma_start3A_998 = tpu.memref_squeeze %dma_start3A_997 : memref<128x1x64xf32, #tpu.memory_space<hbm>> -> memref<128x64xf32, #tpu.memory_space<hbm>>
    %dma_start3A_999 = arith.constant 0 : i32
    %dma_start3A_1000 = arith.constant 0 : i32
    %dma_start3A_1001 = tpu.memref_slice %arg6[%dma_start3A_987, %dma_start3A_999, %dma_start3A_1000] : memref<7x128x64xf32, #tpu.memory_space<vmem>> -> memref<1x128x64xf32, #tpu.memory_space<vmem>>
    %dma_start3A_1002 = tpu.memref_squeeze %dma_start3A_1001 : memref<1x128x64xf32, #tpu.memory_space<vmem>> -> memref<128x64xf32, #tpu.memory_space<vmem>>
    tpu.enqueue_dma source(%dma_start3A_1002 : memref<128x64xf32, #tpu.memory_space<vmem>>) target(%dma_start3A_998 : memref<128x64xf32, #tpu.memory_space<hbm>>) target_semaphore(%arg8 : memref<!tpu.dma_semaphore, #tpu.memory_space<semaphore_mem>>)
    %dma_wait3A_1003 = arith.constant 5 : i32
    %dma_wait3A_1004 = arith.constant 12 : i32
    %dma_wait3A_1005 = arith.constant 0 : i32
    %dma_wait3A_1006 = arith.constant 0 : i32
    %dma_wait3A_1007 = tpu.memref_slice %arg6[%dma_wait3A_1003, %dma_wait3A_1005, %dma_wait3A_1006] : memref<7x128x64xf32, #tpu.memory_space<vmem>> -> memref<1x128x64xf32, #tpu.memory_space<vmem>>
    %dma_wait3A_1008 = tpu.memref_squeeze %dma_wait3A_1007 : memref<1x128x64xf32, #tpu.memory_space<vmem>> -> memref<128x64xf32, #tpu.memory_space<vmem>>
    %dma_wait3A_1009 = arith.constant 0 : i32
    %dma_wait3A_1010 = tpu.memref_slice %arg4[%mul3A_2, %dma_wait3A_1004, %dma_wait3A_1009] : memref<4096x50x64xf32, #tpu.memory_space<hbm>> -> memref<128x1x64xf32, #tpu.memory_space<hbm>>
    %dma_wait3A_1011 = tpu.memref_squeeze %dma_wait3A_1010 : memref<128x1x64xf32, #tpu.memory_space<hbm>> -> memref<128x64xf32, #tpu.memory_space<hbm>>
    %dma_wait3A_1012 = arith.constant 0 : i32
    %dma_wait3A_1013 = tpu.memref_slice %arg4[%mul3A_2, %dma_wait3A_1004, %dma_wait3A_1012] : memref<4096x50x64xf32, #tpu.memory_space<hbm>> -> memref<128x1x64xf32, #tpu.memory_space<hbm>>
    %dma_wait3A_1014 = tpu.memref_squeeze %dma_wait3A_1013 : memref<128x1x64xf32, #tpu.memory_space<hbm>> -> memref<128x64xf32, #tpu.memory_space<hbm>>
    %dma_wait3A_1015 = arith.constant 0 : i32
    %dma_wait3A_1016 = arith.constant 0 : i32
    %dma_wait3A_1017 = tpu.memref_slice %arg6[%dma_wait3A_1003, %dma_wait3A_1015, %dma_wait3A_1016] : memref<7x128x64xf32, #tpu.memory_space<vmem>> -> memref<1x128x64xf32, #tpu.memory_space<vmem>>
    %dma_wait3A_1018 = tpu.memref_squeeze %dma_wait3A_1017 : memref<1x128x64xf32, #tpu.memory_space<vmem>> -> memref<128x64xf32, #tpu.memory_space<vmem>>
    tpu.wait_dma2 semaphore(%arg8 : memref<!tpu.dma_semaphore, #tpu.memory_space<semaphore_mem>>) src(%dma_wait3A_1018 : memref<128x64xf32, #tpu.memory_space<vmem>>) dst(%dma_wait3A_1014 : memref<128x64xf32, #tpu.memory_space<hbm>>)
    %slice3A_1019 = vector.extract_strided_slice %get3A_7 {offsets = [2], sizes = [1], strides = [1]} : vector<16xi32> to vector<1xi32>
    %squeeze3A_1020 = vector.extract %slice3A_1019[0] : i32 from vector<1xi32>
    %dma_start3A_1021 = arith.constant 4 : i32
    %dma_start3A_1022 = arith.constant 0 : i32
    %dma_start3A_1023 = arith.constant 0 : i32
    %dma_start3A_1024 = tpu.memref_slice %arg6[%dma_start3A_1021, %dma_start3A_1022, %dma_start3A_1023] : memref<7x128x64xf32, #tpu.memory_space<vmem>> -> memref<1x128x64xf32, #tpu.memory_space<vmem>>
    %dma_start3A_1025 = tpu.memref_squeeze %dma_start3A_1024 : memref<1x128x64xf32, #tpu.memory_space<vmem>> -> memref<128x64xf32, #tpu.memory_space<vmem>>
    %dma_start3A_1026 = arith.constant 0 : i32
    %dma_start3A_1027 = tpu.memref_slice %arg2[%mul3A_2, %squeeze3A_1020, %dma_start3A_1026] : memref<4096x200x64xf32, #tpu.memory_space<hbm>> -> memref<128x1x64xf32, #tpu.memory_space<hbm>>
    %dma_start3A_1028 = tpu.memref_squeeze %dma_start3A_1027 : memref<128x1x64xf32, #tpu.memory_space<hbm>> -> memref<128x64xf32, #tpu.memory_space<hbm>>
    %dma_start3A_1029 = arith.constant 0 : i32
    %dma_start3A_1030 = arith.constant 0 : i32
    %dma_start3A_1031 = tpu.memref_slice %arg6[%dma_start3A_1021, %dma_start3A_1029, %dma_start3A_1030] : memref<7x128x64xf32, #tpu.memory_space<vmem>> -> memref<1x128x64xf32, #tpu.memory_space<vmem>>
    %dma_start3A_1032 = tpu.memref_squeeze %dma_start3A_1031 : memref<1x128x64xf32, #tpu.memory_space<vmem>> -> memref<128x64xf32, #tpu.memory_space<vmem>>
    %dma_start3A_1033 = arith.constant 0 : i32
    %dma_start3A_1034 = tpu.memref_slice %arg2[%mul3A_2, %squeeze3A_1020, %dma_start3A_1033] : memref<4096x200x64xf32, #tpu.memory_space<hbm>> -> memref<128x1x64xf32, #tpu.memory_space<hbm>>
    %dma_start3A_1035 = tpu.memref_squeeze %dma_start3A_1034 : memref<128x1x64xf32, #tpu.memory_space<hbm>> -> memref<128x64xf32, #tpu.memory_space<hbm>>
    tpu.enqueue_dma source(%dma_start3A_1035 : memref<128x64xf32, #tpu.memory_space<hbm>>) target(%dma_start3A_1032 : memref<128x64xf32, #tpu.memory_space<vmem>>) target_semaphore(%arg7 : memref<!tpu.dma_semaphore, #tpu.memory_space<semaphore_mem>>)
    %slice3A_1036 = vector.extract_strided_slice %get3A_4 {offsets = [15], sizes = [1], strides = [1]} : vector<16xi32> to vector<1xi32>
    %squeeze3A_1037 = vector.extract %slice3A_1036[0] : i32 from vector<1xi32>
    %dma_wait3A_1038 = arith.constant 1 : i32
    %dma_wait3A_1039 = arith.constant 0 : i32
    %dma_wait3A_1040 = arith.constant 0 : i32
    %dma_wait3A_1041 = tpu.memref_slice %arg6[%dma_wait3A_1038, %dma_wait3A_1039, %dma_wait3A_1040] : memref<7x128x64xf32, #tpu.memory_space<vmem>> -> memref<1x128x64xf32, #tpu.memory_space<vmem>>
    %dma_wait3A_1042 = tpu.memref_squeeze %dma_wait3A_1041 : memref<1x128x64xf32, #tpu.memory_space<vmem>> -> memref<128x64xf32, #tpu.memory_space<vmem>>
    %dma_wait3A_1043 = arith.constant 0 : i32
    %dma_wait3A_1044 = tpu.memref_slice %arg2[%mul3A_2, %squeeze3A_1037, %dma_wait3A_1043] : memref<4096x200x64xf32, #tpu.memory_space<hbm>> -> memref<128x1x64xf32, #tpu.memory_space<hbm>>
    %dma_wait3A_1045 = tpu.memref_squeeze %dma_wait3A_1044 : memref<128x1x64xf32, #tpu.memory_space<hbm>> -> memref<128x64xf32, #tpu.memory_space<hbm>>
    %dma_wait3A_1046 = arith.constant 0 : i32
    %dma_wait3A_1047 = arith.constant 0 : i32
    %dma_wait3A_1048 = tpu.memref_slice %arg6[%dma_wait3A_1038, %dma_wait3A_1046, %dma_wait3A_1047] : memref<7x128x64xf32, #tpu.memory_space<vmem>> -> memref<1x128x64xf32, #tpu.memory_space<vmem>>
    %dma_wait3A_1049 = tpu.memref_squeeze %dma_wait3A_1048 : memref<1x128x64xf32, #tpu.memory_space<vmem>> -> memref<128x64xf32, #tpu.memory_space<vmem>>
    %dma_wait3A_1050 = arith.constant 0 : i32
    %dma_wait3A_1051 = tpu.memref_slice %arg2[%mul3A_2, %squeeze3A_1037, %dma_wait3A_1050] : memref<4096x200x64xf32, #tpu.memory_space<hbm>> -> memref<128x1x64xf32, #tpu.memory_space<hbm>>
    %dma_wait3A_1052 = tpu.memref_squeeze %dma_wait3A_1051 : memref<128x1x64xf32, #tpu.memory_space<hbm>> -> memref<128x64xf32, #tpu.memory_space<hbm>>
    tpu.wait_dma2 semaphore(%arg7 : memref<!tpu.dma_semaphore, #tpu.memory_space<semaphore_mem>>) src(%dma_wait3A_1052 : memref<128x64xf32, #tpu.memory_space<hbm>>) dst(%dma_wait3A_1049 : memref<128x64xf32, #tpu.memory_space<vmem>>)
    %dma_start3A_1053 = arith.constant 1 : i32
    %dma_start3A_1054 = arith.constant 15 : i32
    %dma_start3A_1055 = arith.constant 0 : i32
    %dma_start3A_1056 = arith.constant 0 : i32
    %dma_start3A_1057 = tpu.memref_slice %arg6[%dma_start3A_1053, %dma_start3A_1055, %dma_start3A_1056] : memref<7x128x64xf32, #tpu.memory_space<vmem>> -> memref<1x128x64xf32, #tpu.memory_space<vmem>>
    %dma_start3A_1058 = tpu.memref_squeeze %dma_start3A_1057 : memref<1x128x64xf32, #tpu.memory_space<vmem>> -> memref<128x64xf32, #tpu.memory_space<vmem>>
    %dma_start3A_1059 = arith.constant 0 : i32
    %dma_start3A_1060 = tpu.memref_slice %arg4[%mul3A_2, %dma_start3A_1054, %dma_start3A_1059] : memref<4096x50x64xf32, #tpu.memory_space<hbm>> -> memref<128x1x64xf32, #tpu.memory_space<hbm>>
    %dma_start3A_1061 = tpu.memref_squeeze %dma_start3A_1060 : memref<128x1x64xf32, #tpu.memory_space<hbm>> -> memref<128x64xf32, #tpu.memory_space<hbm>>
    %dma_start3A_1062 = arith.constant 0 : i32
    %dma_start3A_1063 = tpu.memref_slice %arg4[%mul3A_2, %dma_start3A_1054, %dma_start3A_1062] : memref<4096x50x64xf32, #tpu.memory_space<hbm>> -> memref<128x1x64xf32, #tpu.memory_space<hbm>>
    %dma_start3A_1064 = tpu.memref_squeeze %dma_start3A_1063 : memref<128x1x64xf32, #tpu.memory_space<hbm>> -> memref<128x64xf32, #tpu.memory_space<hbm>>
    %dma_start3A_1065 = arith.constant 0 : i32
    %dma_start3A_1066 = arith.constant 0 : i32
    %dma_start3A_1067 = tpu.memref_slice %arg6[%dma_start3A_1053, %dma_start3A_1065, %dma_start3A_1066] : memref<7x128x64xf32, #tpu.memory_space<vmem>> -> memref<1x128x64xf32, #tpu.memory_space<vmem>>
    %dma_start3A_1068 = tpu.memref_squeeze %dma_start3A_1067 : memref<1x128x64xf32, #tpu.memory_space<vmem>> -> memref<128x64xf32, #tpu.memory_space<vmem>>
    tpu.enqueue_dma source(%dma_start3A_1068 : memref<128x64xf32, #tpu.memory_space<vmem>>) target(%dma_start3A_1064 : memref<128x64xf32, #tpu.memory_space<hbm>>) target_semaphore(%arg8 : memref<!tpu.dma_semaphore, #tpu.memory_space<semaphore_mem>>)
    %dma_wait3A_1069 = arith.constant 6 : i32
    %dma_wait3A_1070 = arith.constant 13 : i32
    %dma_wait3A_1071 = arith.constant 0 : i32
    %dma_wait3A_1072 = arith.constant 0 : i32
    %dma_wait3A_1073 = tpu.memref_slice %arg6[%dma_wait3A_1069, %dma_wait3A_1071, %dma_wait3A_1072] : memref<7x128x64xf32, #tpu.memory_space<vmem>> -> memref<1x128x64xf32, #tpu.memory_space<vmem>>
    %dma_wait3A_1074 = tpu.memref_squeeze %dma_wait3A_1073 : memref<1x128x64xf32, #tpu.memory_space<vmem>> -> memref<128x64xf32, #tpu.memory_space<vmem>>
    %dma_wait3A_1075 = arith.constant 0 : i32
    %dma_wait3A_1076 = tpu.memref_slice %arg4[%mul3A_2, %dma_wait3A_1070, %dma_wait3A_1075] : memref<4096x50x64xf32, #tpu.memory_space<hbm>> -> memref<128x1x64xf32, #tpu.memory_space<hbm>>
    %dma_wait3A_1077 = tpu.memref_squeeze %dma_wait3A_1076 : memref<128x1x64xf32, #tpu.memory_space<hbm>> -> memref<128x64xf32, #tpu.memory_space<hbm>>
    %dma_wait3A_1078 = arith.constant 0 : i32
    %dma_wait3A_1079 = tpu.memref_slice %arg4[%mul3A_2, %dma_wait3A_1070, %dma_wait3A_1078] : memref<4096x50x64xf32, #tpu.memory_space<hbm>> -> memref<128x1x64xf32, #tpu.memory_space<hbm>>
    %dma_wait3A_1080 = tpu.memref_squeeze %dma_wait3A_1079 : memref<128x1x64xf32, #tpu.memory_space<hbm>> -> memref<128x64xf32, #tpu.memory_space<hbm>>
    %dma_wait3A_1081 = arith.constant 0 : i32
    %dma_wait3A_1082 = arith.constant 0 : i32
    %dma_wait3A_1083 = tpu.memref_slice %arg6[%dma_wait3A_1069, %dma_wait3A_1081, %dma_wait3A_1082] : memref<7x128x64xf32, #tpu.memory_space<vmem>> -> memref<1x128x64xf32, #tpu.memory_space<vmem>>
    %dma_wait3A_1084 = tpu.memref_squeeze %dma_wait3A_1083 : memref<1x128x64xf32, #tpu.memory_space<vmem>> -> memref<128x64xf32, #tpu.memory_space<vmem>>
    tpu.wait_dma2 semaphore(%arg8 : memref<!tpu.dma_semaphore, #tpu.memory_space<semaphore_mem>>) src(%dma_wait3A_1084 : memref<128x64xf32, #tpu.memory_space<vmem>>) dst(%dma_wait3A_1080 : memref<128x64xf32, #tpu.memory_space<hbm>>)
    %slice3A_1085 = vector.extract_strided_slice %get3A_7 {offsets = [3], sizes = [1], strides = [1]} : vector<16xi32> to vector<1xi32>
    %squeeze3A_1086 = vector.extract %slice3A_1085[0] : i32 from vector<1xi32>
    %dma_start3A_1087 = arith.constant 5 : i32
    %dma_start3A_1088 = arith.constant 0 : i32
    %dma_start3A_1089 = arith.constant 0 : i32
    %dma_start3A_1090 = tpu.memref_slice %arg6[%dma_start3A_1087, %dma_start3A_1088, %dma_start3A_1089] : memref<7x128x64xf32, #tpu.memory_space<vmem>> -> memref<1x128x64xf32, #tpu.memory_space<vmem>>
    %dma_start3A_1091 = tpu.memref_squeeze %dma_start3A_1090 : memref<1x128x64xf32, #tpu.memory_space<vmem>> -> memref<128x64xf32, #tpu.memory_space<vmem>>
    %dma_start3A_1092 = arith.constant 0 : i32
    %dma_start3A_1093 = tpu.memref_slice %arg2[%mul3A_2, %squeeze3A_1086, %dma_start3A_1092] : memref<4096x200x64xf32, #tpu.memory_space<hbm>> -> memref<128x1x64xf32, #tpu.memory_space<hbm>>
    %dma_start3A_1094 = tpu.memref_squeeze %dma_start3A_1093 : memref<128x1x64xf32, #tpu.memory_space<hbm>> -> memref<128x64xf32, #tpu.memory_space<hbm>>
    %dma_start3A_1095 = arith.constant 0 : i32
    %dma_start3A_1096 = arith.constant 0 : i32
    %dma_start3A_1097 = tpu.memref_slice %arg6[%dma_start3A_1087, %dma_start3A_1095, %dma_start3A_1096] : memref<7x128x64xf32, #tpu.memory_space<vmem>> -> memref<1x128x64xf32, #tpu.memory_space<vmem>>
    %dma_start3A_1098 = tpu.memref_squeeze %dma_start3A_1097 : memref<1x128x64xf32, #tpu.memory_space<vmem>> -> memref<128x64xf32, #tpu.memory_space<vmem>>
    %dma_start3A_1099 = arith.constant 0 : i32
    %dma_start3A_1100 = tpu.memref_slice %arg2[%mul3A_2, %squeeze3A_1086, %dma_start3A_1099] : memref<4096x200x64xf32, #tpu.memory_space<hbm>> -> memref<128x1x64xf32, #tpu.memory_space<hbm>>
    %dma_start3A_1101 = tpu.memref_squeeze %dma_start3A_1100 : memref<128x1x64xf32, #tpu.memory_space<hbm>> -> memref<128x64xf32, #tpu.memory_space<hbm>>
    tpu.enqueue_dma source(%dma_start3A_1101 : memref<128x64xf32, #tpu.memory_space<hbm>>) target(%dma_start3A_1098 : memref<128x64xf32, #tpu.memory_space<vmem>>) target_semaphore(%arg7 : memref<!tpu.dma_semaphore, #tpu.memory_space<semaphore_mem>>)
    %slice3A_1102 = vector.extract_strided_slice %get3A_7 {offsets = [0], sizes = [1], strides = [1]} : vector<16xi32> to vector<1xi32>
    %squeeze3A_1103 = vector.extract %slice3A_1102[0] : i32 from vector<1xi32>
    %dma_wait3A_1104 = arith.constant 2 : i32
    %dma_wait3A_1105 = arith.constant 0 : i32
    %dma_wait3A_1106 = arith.constant 0 : i32
    %dma_wait3A_1107 = tpu.memref_slice %arg6[%dma_wait3A_1104, %dma_wait3A_1105, %dma_wait3A_1106] : memref<7x128x64xf32, #tpu.memory_space<vmem>> -> memref<1x128x64xf32, #tpu.memory_space<vmem>>
    %dma_wait3A_1108 = tpu.memref_squeeze %dma_wait3A_1107 : memref<1x128x64xf32, #tpu.memory_space<vmem>> -> memref<128x64xf32, #tpu.memory_space<vmem>>
    %dma_wait3A_1109 = arith.constant 0 : i32
    %dma_wait3A_1110 = tpu.memref_slice %arg2[%mul3A_2, %squeeze3A_1103, %dma_wait3A_1109] : memref<4096x200x64xf32, #tpu.memory_space<hbm>> -> memref<128x1x64xf32, #tpu.memory_space<hbm>>
    %dma_wait3A_1111 = tpu.memref_squeeze %dma_wait3A_1110 : memref<128x1x64xf32, #tpu.memory_space<hbm>> -> memref<128x64xf32, #tpu.memory_space<hbm>>
    %dma_wait3A_1112 = arith.constant 0 : i32
    %dma_wait3A_1113 = arith.constant 0 : i32
    %dma_wait3A_1114 = tpu.memref_slice %arg6[%dma_wait3A_1104, %dma_wait3A_1112, %dma_wait3A_1113] : memref<7x128x64xf32, #tpu.memory_space<vmem>> -> memref<1x128x64xf32, #tpu.memory_space<vmem>>
    %dma_wait3A_1115 = tpu.memref_squeeze %dma_wait3A_1114 : memref<1x128x64xf32, #tpu.memory_space<vmem>> -> memref<128x64xf32, #tpu.memory_space<vmem>>
    %dma_wait3A_1116 = arith.constant 0 : i32
    %dma_wait3A_1117 = tpu.memref_slice %arg2[%mul3A_2, %squeeze3A_1103, %dma_wait3A_1116] : memref<4096x200x64xf32, #tpu.memory_space<hbm>> -> memref<128x1x64xf32, #tpu.memory_space<hbm>>
    %dma_wait3A_1118 = tpu.memref_squeeze %dma_wait3A_1117 : memref<128x1x64xf32, #tpu.memory_space<hbm>> -> memref<128x64xf32, #tpu.memory_space<hbm>>
    tpu.wait_dma2 semaphore(%arg7 : memref<!tpu.dma_semaphore, #tpu.memory_space<semaphore_mem>>) src(%dma_wait3A_1118 : memref<128x64xf32, #tpu.memory_space<hbm>>) dst(%dma_wait3A_1115 : memref<128x64xf32, #tpu.memory_space<vmem>>)
    %dma_start3A_1119 = arith.constant 2 : i32
    %dma_start3A_1120 = arith.constant 16 : i32
    %dma_start3A_1121 = arith.constant 0 : i32
    %dma_start3A_1122 = arith.constant 0 : i32
    %dma_start3A_1123 = tpu.memref_slice %arg6[%dma_start3A_1119, %dma_start3A_1121, %dma_start3A_1122] : memref<7x128x64xf32, #tpu.memory_space<vmem>> -> memref<1x128x64xf32, #tpu.memory_space<vmem>>
    %dma_start3A_1124 = tpu.memref_squeeze %dma_start3A_1123 : memref<1x128x64xf32, #tpu.memory_space<vmem>> -> memref<128x64xf32, #tpu.memory_space<vmem>>
    %dma_start3A_1125 = arith.constant 0 : i32
    %dma_start3A_1126 = tpu.memref_slice %arg4[%mul3A_2, %dma_start3A_1120, %dma_start3A_1125] : memref<4096x50x64xf32, #tpu.memory_space<hbm>> -> memref<128x1x64xf32, #tpu.memory_space<hbm>>
    %dma_start3A_1127 = tpu.memref_squeeze %dma_start3A_1126 : memref<128x1x64xf32, #tpu.memory_space<hbm>> -> memref<128x64xf32, #tpu.memory_space<hbm>>
    %dma_start3A_1128 = arith.constant 0 : i32
    %dma_start3A_1129 = tpu.memref_slice %arg4[%mul3A_2, %dma_start3A_1120, %dma_start3A_1128] : memref<4096x50x64xf32, #tpu.memory_space<hbm>> -> memref<128x1x64xf32, #tpu.memory_space<hbm>>
    %dma_start3A_1130 = tpu.memref_squeeze %dma_start3A_1129 : memref<128x1x64xf32, #tpu.memory_space<hbm>> -> memref<128x64xf32, #tpu.memory_space<hbm>>
    %dma_start3A_1131 = arith.constant 0 : i32
    %dma_start3A_1132 = arith.constant 0 : i32
    %dma_start3A_1133 = tpu.memref_slice %arg6[%dma_start3A_1119, %dma_start3A_1131, %dma_start3A_1132] : memref<7x128x64xf32, #tpu.memory_space<vmem>> -> memref<1x128x64xf32, #tpu.memory_space<vmem>>
    %dma_start3A_1134 = tpu.memref_squeeze %dma_start3A_1133 : memref<1x128x64xf32, #tpu.memory_space<vmem>> -> memref<128x64xf32, #tpu.memory_space<vmem>>
    tpu.enqueue_dma source(%dma_start3A_1134 : memref<128x64xf32, #tpu.memory_space<vmem>>) target(%dma_start3A_1130 : memref<128x64xf32, #tpu.memory_space<hbm>>) target_semaphore(%arg8 : memref<!tpu.dma_semaphore, #tpu.memory_space<semaphore_mem>>)
    %dma_wait3A_1135 = arith.constant 0 : i32
    %dma_wait3A_1136 = arith.constant 14 : i32
    %dma_wait3A_1137 = arith.constant 0 : i32
    %dma_wait3A_1138 = arith.constant 0 : i32
    %dma_wait3A_1139 = tpu.memref_slice %arg6[%dma_wait3A_1135, %dma_wait3A_1137, %dma_wait3A_1138] : memref<7x128x64xf32, #tpu.memory_space<vmem>> -> memref<1x128x64xf32, #tpu.memory_space<vmem>>
    %dma_wait3A_1140 = tpu.memref_squeeze %dma_wait3A_1139 : memref<1x128x64xf32, #tpu.memory_space<vmem>> -> memref<128x64xf32, #tpu.memory_space<vmem>>
    %dma_wait3A_1141 = arith.constant 0 : i32
    %dma_wait3A_1142 = tpu.memref_slice %arg4[%mul3A_2, %dma_wait3A_1136, %dma_wait3A_1141] : memref<4096x50x64xf32, #tpu.memory_space<hbm>> -> memref<128x1x64xf32, #tpu.memory_space<hbm>>
    %dma_wait3A_1143 = tpu.memref_squeeze %dma_wait3A_1142 : memref<128x1x64xf32, #tpu.memory_space<hbm>> -> memref<128x64xf32, #tpu.memory_space<hbm>>
    %dma_wait3A_1144 = arith.constant 0 : i32
    %dma_wait3A_1145 = tpu.memref_slice %arg4[%mul3A_2, %dma_wait3A_1136, %dma_wait3A_1144] : memref<4096x50x64xf32, #tpu.memory_space<hbm>> -> memref<128x1x64xf32, #tpu.memory_space<hbm>>
    %dma_wait3A_1146 = tpu.memref_squeeze %dma_wait3A_1145 : memref<128x1x64xf32, #tpu.memory_space<hbm>> -> memref<128x64xf32, #tpu.memory_space<hbm>>
    %dma_wait3A_1147 = arith.constant 0 : i32
    %dma_wait3A_1148 = arith.constant 0 : i32
    %dma_wait3A_1149 = tpu.memref_slice %arg6[%dma_wait3A_1135, %dma_wait3A_1147, %dma_wait3A_1148] : memref<7x128x64xf32, #tpu.memory_space<vmem>> -> memref<1x128x64xf32, #tpu.memory_space<vmem>>
    %dma_wait3A_1150 = tpu.memref_squeeze %dma_wait3A_1149 : memref<1x128x64xf32, #tpu.memory_space<vmem>> -> memref<128x64xf32, #tpu.memory_space<vmem>>
    tpu.wait_dma2 semaphore(%arg8 : memref<!tpu.dma_semaphore, #tpu.memory_space<semaphore_mem>>) src(%dma_wait3A_1150 : memref<128x64xf32, #tpu.memory_space<vmem>>) dst(%dma_wait3A_1146 : memref<128x64xf32, #tpu.memory_space<hbm>>)
    %slice3A_1151 = vector.extract_strided_slice %get3A_7 {offsets = [4], sizes = [1], strides = [1]} : vector<16xi32> to vector<1xi32>
    %squeeze3A_1152 = vector.extract %slice3A_1151[0] : i32 from vector<1xi32>
    %dma_start3A_1153 = arith.constant 6 : i32
    %dma_start3A_1154 = arith.constant 0 : i32
    %dma_start3A_1155 = arith.constant 0 : i32
    %dma_start3A_1156 = tpu.memref_slice %arg6[%dma_start3A_1153, %dma_start3A_1154, %dma_start3A_1155] : memref<7x128x64xf32, #tpu.memory_space<vmem>> -> memref<1x128x64xf32, #tpu.memory_space<vmem>>
    %dma_start3A_1157 = tpu.memref_squeeze %dma_start3A_1156 : memref<1x128x64xf32, #tpu.memory_space<vmem>> -> memref<128x64xf32, #tpu.memory_space<vmem>>
    %dma_start3A_1158 = arith.constant 0 : i32
    %dma_start3A_1159 = tpu.memref_slice %arg2[%mul3A_2, %squeeze3A_1152, %dma_start3A_1158] : memref<4096x200x64xf32, #tpu.memory_space<hbm>> -> memref<128x1x64xf32, #tpu.memory_space<hbm>>
    %dma_start3A_1160 = tpu.memref_squeeze %dma_start3A_1159 : memref<128x1x64xf32, #tpu.memory_space<hbm>> -> memref<128x64xf32, #tpu.memory_space<hbm>>
    %dma_start3A_1161 = arith.constant 0 : i32
    %dma_start3A_1162 = arith.constant 0 : i32
    %dma_start3A_1163 = tpu.memref_slice %arg6[%dma_start3A_1153, %dma_start3A_1161, %dma_start3A_1162] : memref<7x128x64xf32, #tpu.memory_space<vmem>> -> memref<1x128x64xf32, #tpu.memory_space<vmem>>
    %dma_start3A_1164 = tpu.memref_squeeze %dma_start3A_1163 : memref<1x128x64xf32, #tpu.memory_space<vmem>> -> memref<128x64xf32, #tpu.memory_space<vmem>>
    %dma_start3A_1165 = arith.constant 0 : i32
    %dma_start3A_1166 = tpu.memref_slice %arg2[%mul3A_2, %squeeze3A_1152, %dma_start3A_1165] : memref<4096x200x64xf32, #tpu.memory_space<hbm>> -> memref<128x1x64xf32, #tpu.memory_space<hbm>>
    %dma_start3A_1167 = tpu.memref_squeeze %dma_start3A_1166 : memref<128x1x64xf32, #tpu.memory_space<hbm>> -> memref<128x64xf32, #tpu.memory_space<hbm>>
    tpu.enqueue_dma source(%dma_start3A_1167 : memref<128x64xf32, #tpu.memory_space<hbm>>) target(%dma_start3A_1164 : memref<128x64xf32, #tpu.memory_space<vmem>>) target_semaphore(%arg7 : memref<!tpu.dma_semaphore, #tpu.memory_space<semaphore_mem>>)
    %slice3A_1168 = vector.extract_strided_slice %get3A_7 {offsets = [1], sizes = [1], strides = [1]} : vector<16xi32> to vector<1xi32>
    %squeeze3A_1169 = vector.extract %slice3A_1168[0] : i32 from vector<1xi32>
    %dma_wait3A_1170 = arith.constant 3 : i32
    %dma_wait3A_1171 = arith.constant 0 : i32
    %dma_wait3A_1172 = arith.constant 0 : i32
    %dma_wait3A_1173 = tpu.memref_slice %arg6[%dma_wait3A_1170, %dma_wait3A_1171, %dma_wait3A_1172] : memref<7x128x64xf32, #tpu.memory_space<vmem>> -> memref<1x128x64xf32, #tpu.memory_space<vmem>>
    %dma_wait3A_1174 = tpu.memref_squeeze %dma_wait3A_1173 : memref<1x128x64xf32, #tpu.memory_space<vmem>> -> memref<128x64xf32, #tpu.memory_space<vmem>>
    %dma_wait3A_1175 = arith.constant 0 : i32
    %dma_wait3A_1176 = tpu.memref_slice %arg2[%mul3A_2, %squeeze3A_1169, %dma_wait3A_1175] : memref<4096x200x64xf32, #tpu.memory_space<hbm>> -> memref<128x1x64xf32, #tpu.memory_space<hbm>>
    %dma_wait3A_1177 = tpu.memref_squeeze %dma_wait3A_1176 : memref<128x1x64xf32, #tpu.memory_space<hbm>> -> memref<128x64xf32, #tpu.memory_space<hbm>>
    %dma_wait3A_1178 = arith.constant 0 : i32
    %dma_wait3A_1179 = arith.constant 0 : i32
    %dma_wait3A_1180 = tpu.memref_slice %arg6[%dma_wait3A_1170, %dma_wait3A_1178, %dma_wait3A_1179] : memref<7x128x64xf32, #tpu.memory_space<vmem>> -> memref<1x128x64xf32, #tpu.memory_space<vmem>>
    %dma_wait3A_1181 = tpu.memref_squeeze %dma_wait3A_1180 : memref<1x128x64xf32, #tpu.memory_space<vmem>> -> memref<128x64xf32, #tpu.memory_space<vmem>>
    %dma_wait3A_1182 = arith.constant 0 : i32
    %dma_wait3A_1183 = tpu.memref_slice %arg2[%mul3A_2, %squeeze3A_1169, %dma_wait3A_1182] : memref<4096x200x64xf32, #tpu.memory_space<hbm>> -> memref<128x1x64xf32, #tpu.memory_space<hbm>>
    %dma_wait3A_1184 = tpu.memref_squeeze %dma_wait3A_1183 : memref<128x1x64xf32, #tpu.memory_space<hbm>> -> memref<128x64xf32, #tpu.memory_space<hbm>>
    tpu.wait_dma2 semaphore(%arg7 : memref<!tpu.dma_semaphore, #tpu.memory_space<semaphore_mem>>) src(%dma_wait3A_1184 : memref<128x64xf32, #tpu.memory_space<hbm>>) dst(%dma_wait3A_1181 : memref<128x64xf32, #tpu.memory_space<vmem>>)
    %dma_start3A_1185 = arith.constant 3 : i32
    %dma_start3A_1186 = arith.constant 17 : i32
    %dma_start3A_1187 = arith.constant 0 : i32
    %dma_start3A_1188 = arith.constant 0 : i32
    %dma_start3A_1189 = tpu.memref_slice %arg6[%dma_start3A_1185, %dma_start3A_1187, %dma_start3A_1188] : memref<7x128x64xf32, #tpu.memory_space<vmem>> -> memref<1x128x64xf32, #tpu.memory_space<vmem>>
    %dma_start3A_1190 = tpu.memref_squeeze %dma_start3A_1189 : memref<1x128x64xf32, #tpu.memory_space<vmem>> -> memref<128x64xf32, #tpu.memory_space<vmem>>
    %dma_start3A_1191 = arith.constant 0 : i32
    %dma_start3A_1192 = tpu.memref_slice %arg4[%mul3A_2, %dma_start3A_1186, %dma_start3A_1191] : memref<4096x50x64xf32, #tpu.memory_space<hbm>> -> memref<128x1x64xf32, #tpu.memory_space<hbm>>
    %dma_start3A_1193 = tpu.memref_squeeze %dma_start3A_1192 : memref<128x1x64xf32, #tpu.memory_space<hbm>> -> memref<128x64xf32, #tpu.memory_space<hbm>>
    %dma_start3A_1194 = arith.constant 0 : i32
    %dma_start3A_1195 = tpu.memref_slice %arg4[%mul3A_2, %dma_start3A_1186, %dma_start3A_1194] : memref<4096x50x64xf32, #tpu.memory_space<hbm>> -> memref<128x1x64xf32, #tpu.memory_space<hbm>>
    %dma_start3A_1196 = tpu.memref_squeeze %dma_start3A_1195 : memref<128x1x64xf32, #tpu.memory_space<hbm>> -> memref<128x64xf32, #tpu.memory_space<hbm>>
    %dma_start3A_1197 = arith.constant 0 : i32
    %dma_start3A_1198 = arith.constant 0 : i32
    %dma_start3A_1199 = tpu.memref_slice %arg6[%dma_start3A_1185, %dma_start3A_1197, %dma_start3A_1198] : memref<7x128x64xf32, #tpu.memory_space<vmem>> -> memref<1x128x64xf32, #tpu.memory_space<vmem>>
    %dma_start3A_1200 = tpu.memref_squeeze %dma_start3A_1199 : memref<1x128x64xf32, #tpu.memory_space<vmem>> -> memref<128x64xf32, #tpu.memory_space<vmem>>
    tpu.enqueue_dma source(%dma_start3A_1200 : memref<128x64xf32, #tpu.memory_space<vmem>>) target(%dma_start3A_1196 : memref<128x64xf32, #tpu.memory_space<hbm>>) target_semaphore(%arg8 : memref<!tpu.dma_semaphore, #tpu.memory_space<semaphore_mem>>)
    %dma_wait3A_1201 = arith.constant 1 : i32
    %dma_wait3A_1202 = arith.constant 15 : i32
    %dma_wait3A_1203 = arith.constant 0 : i32
    %dma_wait3A_1204 = arith.constant 0 : i32
    %dma_wait3A_1205 = tpu.memref_slice %arg6[%dma_wait3A_1201, %dma_wait3A_1203, %dma_wait3A_1204] : memref<7x128x64xf32, #tpu.memory_space<vmem>> -> memref<1x128x64xf32, #tpu.memory_space<vmem>>
    %dma_wait3A_1206 = tpu.memref_squeeze %dma_wait3A_1205 : memref<1x128x64xf32, #tpu.memory_space<vmem>> -> memref<128x64xf32, #tpu.memory_space<vmem>>
    %dma_wait3A_1207 = arith.constant 0 : i32
    %dma_wait3A_1208 = tpu.memref_slice %arg4[%mul3A_2, %dma_wait3A_1202, %dma_wait3A_1207] : memref<4096x50x64xf32, #tpu.memory_space<hbm>> -> memref<128x1x64xf32, #tpu.memory_space<hbm>>
    %dma_wait3A_1209 = tpu.memref_squeeze %dma_wait3A_1208 : memref<128x1x64xf32, #tpu.memory_space<hbm>> -> memref<128x64xf32, #tpu.memory_space<hbm>>
    %dma_wait3A_1210 = arith.constant 0 : i32
    %dma_wait3A_1211 = tpu.memref_slice %arg4[%mul3A_2, %dma_wait3A_1202, %dma_wait3A_1210] : memref<4096x50x64xf32, #tpu.memory_space<hbm>> -> memref<128x1x64xf32, #tpu.memory_space<hbm>>
    %dma_wait3A_1212 = tpu.memref_squeeze %dma_wait3A_1211 : memref<128x1x64xf32, #tpu.memory_space<hbm>> -> memref<128x64xf32, #tpu.memory_space<hbm>>
    %dma_wait3A_1213 = arith.constant 0 : i32
    %dma_wait3A_1214 = arith.constant 0 : i32
    %dma_wait3A_1215 = tpu.memref_slice %arg6[%dma_wait3A_1201, %dma_wait3A_1213, %dma_wait3A_1214] : memref<7x128x64xf32, #tpu.memory_space<vmem>> -> memref<1x128x64xf32, #tpu.memory_space<vmem>>
    %dma_wait3A_1216 = tpu.memref_squeeze %dma_wait3A_1215 : memref<1x128x64xf32, #tpu.memory_space<vmem>> -> memref<128x64xf32, #tpu.memory_space<vmem>>
    tpu.wait_dma2 semaphore(%arg8 : memref<!tpu.dma_semaphore, #tpu.memory_space<semaphore_mem>>) src(%dma_wait3A_1216 : memref<128x64xf32, #tpu.memory_space<vmem>>) dst(%dma_wait3A_1212 : memref<128x64xf32, #tpu.memory_space<hbm>>)
    %slice3A_1217 = vector.extract_strided_slice %get3A_7 {offsets = [5], sizes = [1], strides = [1]} : vector<16xi32> to vector<1xi32>
    %squeeze3A_1218 = vector.extract %slice3A_1217[0] : i32 from vector<1xi32>
    %dma_start3A_1219 = arith.constant 0 : i32
    %dma_start3A_1220 = arith.constant 0 : i32
    %dma_start3A_1221 = arith.constant 0 : i32
    %dma_start3A_1222 = tpu.memref_slice %arg6[%dma_start3A_1219, %dma_start3A_1220, %dma_start3A_1221] : memref<7x128x64xf32, #tpu.memory_space<vmem>> -> memref<1x128x64xf32, #tpu.memory_space<vmem>>
    %dma_start3A_1223 = tpu.memref_squeeze %dma_start3A_1222 : memref<1x128x64xf32, #tpu.memory_space<vmem>> -> memref<128x64xf32, #tpu.memory_space<vmem>>
    %dma_start3A_1224 = arith.constant 0 : i32
    %dma_start3A_1225 = tpu.memref_slice %arg2[%mul3A_2, %squeeze3A_1218, %dma_start3A_1224] : memref<4096x200x64xf32, #tpu.memory_space<hbm>> -> memref<128x1x64xf32, #tpu.memory_space<hbm>>
    %dma_start3A_1226 = tpu.memref_squeeze %dma_start3A_1225 : memref<128x1x64xf32, #tpu.memory_space<hbm>> -> memref<128x64xf32, #tpu.memory_space<hbm>>
    %dma_start3A_1227 = arith.constant 0 : i32
    %dma_start3A_1228 = arith.constant 0 : i32
    %dma_start3A_1229 = tpu.memref_slice %arg6[%dma_start3A_1219, %dma_start3A_1227, %dma_start3A_1228] : memref<7x128x64xf32, #tpu.memory_space<vmem>> -> memref<1x128x64xf32, #tpu.memory_space<vmem>>
    %dma_start3A_1230 = tpu.memref_squeeze %dma_start3A_1229 : memref<1x128x64xf32, #tpu.memory_space<vmem>> -> memref<128x64xf32, #tpu.memory_space<vmem>>
    %dma_start3A_1231 = arith.constant 0 : i32
    %dma_start3A_1232 = tpu.memref_slice %arg2[%mul3A_2, %squeeze3A_1218, %dma_start3A_1231] : memref<4096x200x64xf32, #tpu.memory_space<hbm>> -> memref<128x1x64xf32, #tpu.memory_space<hbm>>
    %dma_start3A_1233 = tpu.memref_squeeze %dma_start3A_1232 : memref<128x1x64xf32, #tpu.memory_space<hbm>> -> memref<128x64xf32, #tpu.memory_space<hbm>>
    tpu.enqueue_dma source(%dma_start3A_1233 : memref<128x64xf32, #tpu.memory_space<hbm>>) target(%dma_start3A_1230 : memref<128x64xf32, #tpu.memory_space<vmem>>) target_semaphore(%arg7 : memref<!tpu.dma_semaphore, #tpu.memory_space<semaphore_mem>>)
    %slice3A_1234 = vector.extract_strided_slice %get3A_7 {offsets = [2], sizes = [1], strides = [1]} : vector<16xi32> to vector<1xi32>
    %squeeze3A_1235 = vector.extract %slice3A_1234[0] : i32 from vector<1xi32>
    %dma_wait3A_1236 = arith.constant 4 : i32
    %dma_wait3A_1237 = arith.constant 0 : i32
    %dma_wait3A_1238 = arith.constant 0 : i32
    %dma_wait3A_1239 = tpu.memref_slice %arg6[%dma_wait3A_1236, %dma_wait3A_1237, %dma_wait3A_1238] : memref<7x128x64xf32, #tpu.memory_space<vmem>> -> memref<1x128x64xf32, #tpu.memory_space<vmem>>
    %dma_wait3A_1240 = tpu.memref_squeeze %dma_wait3A_1239 : memref<1x128x64xf32, #tpu.memory_space<vmem>> -> memref<128x64xf32, #tpu.memory_space<vmem>>
    %dma_wait3A_1241 = arith.constant 0 : i32
    %dma_wait3A_1242 = tpu.memref_slice %arg2[%mul3A_2, %squeeze3A_1235, %dma_wait3A_1241] : memref<4096x200x64xf32, #tpu.memory_space<hbm>> -> memref<128x1x64xf32, #tpu.memory_space<hbm>>
    %dma_wait3A_1243 = tpu.memref_squeeze %dma_wait3A_1242 : memref<128x1x64xf32, #tpu.memory_space<hbm>> -> memref<128x64xf32, #tpu.memory_space<hbm>>
    %dma_wait3A_1244 = arith.constant 0 : i32
    %dma_wait3A_1245 = arith.constant 0 : i32
    %dma_wait3A_1246 = tpu.memref_slice %arg6[%dma_wait3A_1236, %dma_wait3A_1244, %dma_wait3A_1245] : memref<7x128x64xf32, #tpu.memory_space<vmem>> -> memref<1x128x64xf32, #tpu.memory_space<vmem>>
    %dma_wait3A_1247 = tpu.memref_squeeze %dma_wait3A_1246 : memref<1x128x64xf32, #tpu.memory_space<vmem>> -> memref<128x64xf32, #tpu.memory_space<vmem>>
    %dma_wait3A_1248 = arith.constant 0 : i32
    %dma_wait3A_1249 = tpu.memref_slice %arg2[%mul3A_2, %squeeze3A_1235, %dma_wait3A_1248] : memref<4096x200x64xf32, #tpu.memory_space<hbm>> -> memref<128x1x64xf32, #tpu.memory_space<hbm>>
    %dma_wait3A_1250 = tpu.memref_squeeze %dma_wait3A_1249 : memref<128x1x64xf32, #tpu.memory_space<hbm>> -> memref<128x64xf32, #tpu.memory_space<hbm>>
    tpu.wait_dma2 semaphore(%arg7 : memref<!tpu.dma_semaphore, #tpu.memory_space<semaphore_mem>>) src(%dma_wait3A_1250 : memref<128x64xf32, #tpu.memory_space<hbm>>) dst(%dma_wait3A_1247 : memref<128x64xf32, #tpu.memory_space<vmem>>)
    %dma_start3A_1251 = arith.constant 4 : i32
    %dma_start3A_1252 = arith.constant 18 : i32
    %dma_start3A_1253 = arith.constant 0 : i32
    %dma_start3A_1254 = arith.constant 0 : i32
    %dma_start3A_1255 = tpu.memref_slice %arg6[%dma_start3A_1251, %dma_start3A_1253, %dma_start3A_1254] : memref<7x128x64xf32, #tpu.memory_space<vmem>> -> memref<1x128x64xf32, #tpu.memory_space<vmem>>
    %dma_start3A_1256 = tpu.memref_squeeze %dma_start3A_1255 : memref<1x128x64xf32, #tpu.memory_space<vmem>> -> memref<128x64xf32, #tpu.memory_space<vmem>>
    %dma_start3A_1257 = arith.constant 0 : i32
    %dma_start3A_1258 = tpu.memref_slice %arg4[%mul3A_2, %dma_start3A_1252, %dma_start3A_1257] : memref<4096x50x64xf32, #tpu.memory_space<hbm>> -> memref<128x1x64xf32, #tpu.memory_space<hbm>>
    %dma_start3A_1259 = tpu.memref_squeeze %dma_start3A_1258 : memref<128x1x64xf32, #tpu.memory_space<hbm>> -> memref<128x64xf32, #tpu.memory_space<hbm>>
    %dma_start3A_1260 = arith.constant 0 : i32
    %dma_start3A_1261 = tpu.memref_slice %arg4[%mul3A_2, %dma_start3A_1252, %dma_start3A_1260] : memref<4096x50x64xf32, #tpu.memory_space<hbm>> -> memref<128x1x64xf32, #tpu.memory_space<hbm>>
    %dma_start3A_1262 = tpu.memref_squeeze %dma_start3A_1261 : memref<128x1x64xf32, #tpu.memory_space<hbm>> -> memref<128x64xf32, #tpu.memory_space<hbm>>
    %dma_start3A_1263 = arith.constant 0 : i32
    %dma_start3A_1264 = arith.constant 0 : i32
    %dma_start3A_1265 = tpu.memref_slice %arg6[%dma_start3A_1251, %dma_start3A_1263, %dma_start3A_1264] : memref<7x128x64xf32, #tpu.memory_space<vmem>> -> memref<1x128x64xf32, #tpu.memory_space<vmem>>
    %dma_start3A_1266 = tpu.memref_squeeze %dma_start3A_1265 : memref<1x128x64xf32, #tpu.memory_space<vmem>> -> memref<128x64xf32, #tpu.memory_space<vmem>>
    tpu.enqueue_dma source(%dma_start3A_1266 : memref<128x64xf32, #tpu.memory_space<vmem>>) target(%dma_start3A_1262 : memref<128x64xf32, #tpu.memory_space<hbm>>) target_semaphore(%arg8 : memref<!tpu.dma_semaphore, #tpu.memory_space<semaphore_mem>>)
    %dma_wait3A_1267 = arith.constant 2 : i32
    %dma_wait3A_1268 = arith.constant 16 : i32
    %dma_wait3A_1269 = arith.constant 0 : i32
    %dma_wait3A_1270 = arith.constant 0 : i32
    %dma_wait3A_1271 = tpu.memref_slice %arg6[%dma_wait3A_1267, %dma_wait3A_1269, %dma_wait3A_1270] : memref<7x128x64xf32, #tpu.memory_space<vmem>> -> memref<1x128x64xf32, #tpu.memory_space<vmem>>
    %dma_wait3A_1272 = tpu.memref_squeeze %dma_wait3A_1271 : memref<1x128x64xf32, #tpu.memory_space<vmem>> -> memref<128x64xf32, #tpu.memory_space<vmem>>
    %dma_wait3A_1273 = arith.constant 0 : i32
    %dma_wait3A_1274 = tpu.memref_slice %arg4[%mul3A_2, %dma_wait3A_1268, %dma_wait3A_1273] : memref<4096x50x64xf32, #tpu.memory_space<hbm>> -> memref<128x1x64xf32, #tpu.memory_space<hbm>>
    %dma_wait3A_1275 = tpu.memref_squeeze %dma_wait3A_1274 : memref<128x1x64xf32, #tpu.memory_space<hbm>> -> memref<128x64xf32, #tpu.memory_space<hbm>>
    %dma_wait3A_1276 = arith.constant 0 : i32
    %dma_wait3A_1277 = tpu.memref_slice %arg4[%mul3A_2, %dma_wait3A_1268, %dma_wait3A_1276] : memref<4096x50x64xf32, #tpu.memory_space<hbm>> -> memref<128x1x64xf32, #tpu.memory_space<hbm>>
    %dma_wait3A_1278 = tpu.memref_squeeze %dma_wait3A_1277 : memref<128x1x64xf32, #tpu.memory_space<hbm>> -> memref<128x64xf32, #tpu.memory_space<hbm>>
    %dma_wait3A_1279 = arith.constant 0 : i32
    %dma_wait3A_1280 = arith.constant 0 : i32
    %dma_wait3A_1281 = tpu.memref_slice %arg6[%dma_wait3A_1267, %dma_wait3A_1279, %dma_wait3A_1280] : memref<7x128x64xf32, #tpu.memory_space<vmem>> -> memref<1x128x64xf32, #tpu.memory_space<vmem>>
    %dma_wait3A_1282 = tpu.memref_squeeze %dma_wait3A_1281 : memref<1x128x64xf32, #tpu.memory_space<vmem>> -> memref<128x64xf32, #tpu.memory_space<vmem>>
    tpu.wait_dma2 semaphore(%arg8 : memref<!tpu.dma_semaphore, #tpu.memory_space<semaphore_mem>>) src(%dma_wait3A_1282 : memref<128x64xf32, #tpu.memory_space<vmem>>) dst(%dma_wait3A_1278 : memref<128x64xf32, #tpu.memory_space<hbm>>)
    %slice3A_1283 = vector.extract_strided_slice %get3A_7 {offsets = [6], sizes = [1], strides = [1]} : vector<16xi32> to vector<1xi32>
    %squeeze3A_1284 = vector.extract %slice3A_1283[0] : i32 from vector<1xi32>
    %dma_start3A_1285 = arith.constant 1 : i32
    %dma_start3A_1286 = arith.constant 0 : i32
    %dma_start3A_1287 = arith.constant 0 : i32
    %dma_start3A_1288 = tpu.memref_slice %arg6[%dma_start3A_1285, %dma_start3A_1286, %dma_start3A_1287] : memref<7x128x64xf32, #tpu.memory_space<vmem>> -> memref<1x128x64xf32, #tpu.memory_space<vmem>>
    %dma_start3A_1289 = tpu.memref_squeeze %dma_start3A_1288 : memref<1x128x64xf32, #tpu.memory_space<vmem>> -> memref<128x64xf32, #tpu.memory_space<vmem>>
    %dma_start3A_1290 = arith.constant 0 : i32
    %dma_start3A_1291 = tpu.memref_slice %arg2[%mul3A_2, %squeeze3A_1284, %dma_start3A_1290] : memref<4096x200x64xf32, #tpu.memory_space<hbm>> -> memref<128x1x64xf32, #tpu.memory_space<hbm>>
    %dma_start3A_1292 = tpu.memref_squeeze %dma_start3A_1291 : memref<128x1x64xf32, #tpu.memory_space<hbm>> -> memref<128x64xf32, #tpu.memory_space<hbm>>
    %dma_start3A_1293 = arith.constant 0 : i32
    %dma_start3A_1294 = arith.constant 0 : i32
    %dma_start3A_1295 = tpu.memref_slice %arg6[%dma_start3A_1285, %dma_start3A_1293, %dma_start3A_1294] : memref<7x128x64xf32, #tpu.memory_space<vmem>> -> memref<1x128x64xf32, #tpu.memory_space<vmem>>
    %dma_start3A_1296 = tpu.memref_squeeze %dma_start3A_1295 : memref<1x128x64xf32, #tpu.memory_space<vmem>> -> memref<128x64xf32, #tpu.memory_space<vmem>>
    %dma_start3A_1297 = arith.constant 0 : i32
    %dma_start3A_1298 = tpu.memref_slice %arg2[%mul3A_2, %squeeze3A_1284, %dma_start3A_1297] : memref<4096x200x64xf32, #tpu.memory_space<hbm>> -> memref<128x1x64xf32, #tpu.memory_space<hbm>>
    %dma_start3A_1299 = tpu.memref_squeeze %dma_start3A_1298 : memref<128x1x64xf32, #tpu.memory_space<hbm>> -> memref<128x64xf32, #tpu.memory_space<hbm>>
    tpu.enqueue_dma source(%dma_start3A_1299 : memref<128x64xf32, #tpu.memory_space<hbm>>) target(%dma_start3A_1296 : memref<128x64xf32, #tpu.memory_space<vmem>>) target_semaphore(%arg7 : memref<!tpu.dma_semaphore, #tpu.memory_space<semaphore_mem>>)
    %slice3A_1300 = vector.extract_strided_slice %get3A_7 {offsets = [3], sizes = [1], strides = [1]} : vector<16xi32> to vector<1xi32>
    %squeeze3A_1301 = vector.extract %slice3A_1300[0] : i32 from vector<1xi32>
    %dma_wait3A_1302 = arith.constant 5 : i32
    %dma_wait3A_1303 = arith.constant 0 : i32
    %dma_wait3A_1304 = arith.constant 0 : i32
    %dma_wait3A_1305 = tpu.memref_slice %arg6[%dma_wait3A_1302, %dma_wait3A_1303, %dma_wait3A_1304] : memref<7x128x64xf32, #tpu.memory_space<vmem>> -> memref<1x128x64xf32, #tpu.memory_space<vmem>>
    %dma_wait3A_1306 = tpu.memref_squeeze %dma_wait3A_1305 : memref<1x128x64xf32, #tpu.memory_space<vmem>> -> memref<128x64xf32, #tpu.memory_space<vmem>>
    %dma_wait3A_1307 = arith.constant 0 : i32
    %dma_wait3A_1308 = tpu.memref_slice %arg2[%mul3A_2, %squeeze3A_1301, %dma_wait3A_1307] : memref<4096x200x64xf32, #tpu.memory_space<hbm>> -> memref<128x1x64xf32, #tpu.memory_space<hbm>>
    %dma_wait3A_1309 = tpu.memref_squeeze %dma_wait3A_1308 : memref<128x1x64xf32, #tpu.memory_space<hbm>> -> memref<128x64xf32, #tpu.memory_space<hbm>>
    %dma_wait3A_1310 = arith.constant 0 : i32
    %dma_wait3A_1311 = arith.constant 0 : i32
    %dma_wait3A_1312 = tpu.memref_slice %arg6[%dma_wait3A_1302, %dma_wait3A_1310, %dma_wait3A_1311] : memref<7x128x64xf32, #tpu.memory_space<vmem>> -> memref<1x128x64xf32, #tpu.memory_space<vmem>>
    %dma_wait3A_1313 = tpu.memref_squeeze %dma_wait3A_1312 : memref<1x128x64xf32, #tpu.memory_space<vmem>> -> memref<128x64xf32, #tpu.memory_space<vmem>>
    %dma_wait3A_1314 = arith.constant 0 : i32
    %dma_wait3A_1315 = tpu.memref_slice %arg2[%mul3A_2, %squeeze3A_1301, %dma_wait3A_1314] : memref<4096x200x64xf32, #tpu.memory_space<hbm>> -> memref<128x1x64xf32, #tpu.memory_space<hbm>>
    %dma_wait3A_1316 = tpu.memref_squeeze %dma_wait3A_1315 : memref<128x1x64xf32, #tpu.memory_space<hbm>> -> memref<128x64xf32, #tpu.memory_space<hbm>>
    tpu.wait_dma2 semaphore(%arg7 : memref<!tpu.dma_semaphore, #tpu.memory_space<semaphore_mem>>) src(%dma_wait3A_1316 : memref<128x64xf32, #tpu.memory_space<hbm>>) dst(%dma_wait3A_1313 : memref<128x64xf32, #tpu.memory_space<vmem>>)
    %dma_start3A_1317 = arith.constant 5 : i32
    %dma_start3A_1318 = arith.constant 19 : i32
    %dma_start3A_1319 = arith.constant 0 : i32
    %dma_start3A_1320 = arith.constant 0 : i32
    %dma_start3A_1321 = tpu.memref_slice %arg6[%dma_start3A_1317, %dma_start3A_1319, %dma_start3A_1320] : memref<7x128x64xf32, #tpu.memory_space<vmem>> -> memref<1x128x64xf32, #tpu.memory_space<vmem>>
    %dma_start3A_1322 = tpu.memref_squeeze %dma_start3A_1321 : memref<1x128x64xf32, #tpu.memory_space<vmem>> -> memref<128x64xf32, #tpu.memory_space<vmem>>
    %dma_start3A_1323 = arith.constant 0 : i32
    %dma_start3A_1324 = tpu.memref_slice %arg4[%mul3A_2, %dma_start3A_1318, %dma_start3A_1323] : memref<4096x50x64xf32, #tpu.memory_space<hbm>> -> memref<128x1x64xf32, #tpu.memory_space<hbm>>
    %dma_start3A_1325 = tpu.memref_squeeze %dma_start3A_1324 : memref<128x1x64xf32, #tpu.memory_space<hbm>> -> memref<128x64xf32, #tpu.memory_space<hbm>>
    %dma_start3A_1326 = arith.constant 0 : i32
    %dma_start3A_1327 = tpu.memref_slice %arg4[%mul3A_2, %dma_start3A_1318, %dma_start3A_1326] : memref<4096x50x64xf32, #tpu.memory_space<hbm>> -> memref<128x1x64xf32, #tpu.memory_space<hbm>>
    %dma_start3A_1328 = tpu.memref_squeeze %dma_start3A_1327 : memref<128x1x64xf32, #tpu.memory_space<hbm>> -> memref<128x64xf32, #tpu.memory_space<hbm>>
    %dma_start3A_1329 = arith.constant 0 : i32
    %dma_start3A_1330 = arith.constant 0 : i32
    %dma_start3A_1331 = tpu.memref_slice %arg6[%dma_start3A_1317, %dma_start3A_1329, %dma_start3A_1330] : memref<7x128x64xf32, #tpu.memory_space<vmem>> -> memref<1x128x64xf32, #tpu.memory_space<vmem>>
    %dma_start3A_1332 = tpu.memref_squeeze %dma_start3A_1331 : memref<1x128x64xf32, #tpu.memory_space<vmem>> -> memref<128x64xf32, #tpu.memory_space<vmem>>
    tpu.enqueue_dma source(%dma_start3A_1332 : memref<128x64xf32, #tpu.memory_space<vmem>>) target(%dma_start3A_1328 : memref<128x64xf32, #tpu.memory_space<hbm>>) target_semaphore(%arg8 : memref<!tpu.dma_semaphore, #tpu.memory_space<semaphore_mem>>)
    %dma_wait3A_1333 = arith.constant 3 : i32
    %dma_wait3A_1334 = arith.constant 17 : i32
    %dma_wait3A_1335 = arith.constant 0 : i32
    %dma_wait3A_1336 = arith.constant 0 : i32
    %dma_wait3A_1337 = tpu.memref_slice %arg6[%dma_wait3A_1333, %dma_wait3A_1335, %dma_wait3A_1336] : memref<7x128x64xf32, #tpu.memory_space<vmem>> -> memref<1x128x64xf32, #tpu.memory_space<vmem>>
    %dma_wait3A_1338 = tpu.memref_squeeze %dma_wait3A_1337 : memref<1x128x64xf32, #tpu.memory_space<vmem>> -> memref<128x64xf32, #tpu.memory_space<vmem>>
    %dma_wait3A_1339 = arith.constant 0 : i32
    %dma_wait3A_1340 = tpu.memref_slice %arg4[%mul3A_2, %dma_wait3A_1334, %dma_wait3A_1339] : memref<4096x50x64xf32, #tpu.memory_space<hbm>> -> memref<128x1x64xf32, #tpu.memory_space<hbm>>
    %dma_wait3A_1341 = tpu.memref_squeeze %dma_wait3A_1340 : memref<128x1x64xf32, #tpu.memory_space<hbm>> -> memref<128x64xf32, #tpu.memory_space<hbm>>
    %dma_wait3A_1342 = arith.constant 0 : i32
    %dma_wait3A_1343 = tpu.memref_slice %arg4[%mul3A_2, %dma_wait3A_1334, %dma_wait3A_1342] : memref<4096x50x64xf32, #tpu.memory_space<hbm>> -> memref<128x1x64xf32, #tpu.memory_space<hbm>>
    %dma_wait3A_1344 = tpu.memref_squeeze %dma_wait3A_1343 : memref<128x1x64xf32, #tpu.memory_space<hbm>> -> memref<128x64xf32, #tpu.memory_space<hbm>>
    %dma_wait3A_1345 = arith.constant 0 : i32
    %dma_wait3A_1346 = arith.constant 0 : i32
    %dma_wait3A_1347 = tpu.memref_slice %arg6[%dma_wait3A_1333, %dma_wait3A_1345, %dma_wait3A_1346] : memref<7x128x64xf32, #tpu.memory_space<vmem>> -> memref<1x128x64xf32, #tpu.memory_space<vmem>>
    %dma_wait3A_1348 = tpu.memref_squeeze %dma_wait3A_1347 : memref<1x128x64xf32, #tpu.memory_space<vmem>> -> memref<128x64xf32, #tpu.memory_space<vmem>>
    tpu.wait_dma2 semaphore(%arg8 : memref<!tpu.dma_semaphore, #tpu.memory_space<semaphore_mem>>) src(%dma_wait3A_1348 : memref<128x64xf32, #tpu.memory_space<vmem>>) dst(%dma_wait3A_1344 : memref<128x64xf32, #tpu.memory_space<hbm>>)
    %slice3A_1349 = vector.extract_strided_slice %get3A_7 {offsets = [7], sizes = [1], strides = [1]} : vector<16xi32> to vector<1xi32>
    %squeeze3A_1350 = vector.extract %slice3A_1349[0] : i32 from vector<1xi32>
    %dma_start3A_1351 = arith.constant 2 : i32
    %dma_start3A_1352 = arith.constant 0 : i32
    %dma_start3A_1353 = arith.constant 0 : i32
    %dma_start3A_1354 = tpu.memref_slice %arg6[%dma_start3A_1351, %dma_start3A_1352, %dma_start3A_1353] : memref<7x128x64xf32, #tpu.memory_space<vmem>> -> memref<1x128x64xf32, #tpu.memory_space<vmem>>
    %dma_start3A_1355 = tpu.memref_squeeze %dma_start3A_1354 : memref<1x128x64xf32, #tpu.memory_space<vmem>> -> memref<128x64xf32, #tpu.memory_space<vmem>>
    %dma_start3A_1356 = arith.constant 0 : i32
    %dma_start3A_1357 = tpu.memref_slice %arg2[%mul3A_2, %squeeze3A_1350, %dma_start3A_1356] : memref<4096x200x64xf32, #tpu.memory_space<hbm>> -> memref<128x1x64xf32, #tpu.memory_space<hbm>>
    %dma_start3A_1358 = tpu.memref_squeeze %dma_start3A_1357 : memref<128x1x64xf32, #tpu.memory_space<hbm>> -> memref<128x64xf32, #tpu.memory_space<hbm>>
    %dma_start3A_1359 = arith.constant 0 : i32
    %dma_start3A_1360 = arith.constant 0 : i32
    %dma_start3A_1361 = tpu.memref_slice %arg6[%dma_start3A_1351, %dma_start3A_1359, %dma_start3A_1360] : memref<7x128x64xf32, #tpu.memory_space<vmem>> -> memref<1x128x64xf32, #tpu.memory_space<vmem>>
    %dma_start3A_1362 = tpu.memref_squeeze %dma_start3A_1361 : memref<1x128x64xf32, #tpu.memory_space<vmem>> -> memref<128x64xf32, #tpu.memory_space<vmem>>
    %dma_start3A_1363 = arith.constant 0 : i32
    %dma_start3A_1364 = tpu.memref_slice %arg2[%mul3A_2, %squeeze3A_1350, %dma_start3A_1363] : memref<4096x200x64xf32, #tpu.memory_space<hbm>> -> memref<128x1x64xf32, #tpu.memory_space<hbm>>
    %dma_start3A_1365 = tpu.memref_squeeze %dma_start3A_1364 : memref<128x1x64xf32, #tpu.memory_space<hbm>> -> memref<128x64xf32, #tpu.memory_space<hbm>>
    tpu.enqueue_dma source(%dma_start3A_1365 : memref<128x64xf32, #tpu.memory_space<hbm>>) target(%dma_start3A_1362 : memref<128x64xf32, #tpu.memory_space<vmem>>) target_semaphore(%arg7 : memref<!tpu.dma_semaphore, #tpu.memory_space<semaphore_mem>>)
    %slice3A_1366 = vector.extract_strided_slice %get3A_7 {offsets = [4], sizes = [1], strides = [1]} : vector<16xi32> to vector<1xi32>
    %squeeze3A_1367 = vector.extract %slice3A_1366[0] : i32 from vector<1xi32>
    %dma_wait3A_1368 = arith.constant 6 : i32
    %dma_wait3A_1369 = arith.constant 0 : i32
    %dma_wait3A_1370 = arith.constant 0 : i32
    %dma_wait3A_1371 = tpu.memref_slice %arg6[%dma_wait3A_1368, %dma_wait3A_1369, %dma_wait3A_1370] : memref<7x128x64xf32, #tpu.memory_space<vmem>> -> memref<1x128x64xf32, #tpu.memory_space<vmem>>
    %dma_wait3A_1372 = tpu.memref_squeeze %dma_wait3A_1371 : memref<1x128x64xf32, #tpu.memory_space<vmem>> -> memref<128x64xf32, #tpu.memory_space<vmem>>
    %dma_wait3A_1373 = arith.constant 0 : i32
    %dma_wait3A_1374 = tpu.memref_slice %arg2[%mul3A_2, %squeeze3A_1367, %dma_wait3A_1373] : memref<4096x200x64xf32, #tpu.memory_space<hbm>> -> memref<128x1x64xf32, #tpu.memory_space<hbm>>
    %dma_wait3A_1375 = tpu.memref_squeeze %dma_wait3A_1374 : memref<128x1x64xf32, #tpu.memory_space<hbm>> -> memref<128x64xf32, #tpu.memory_space<hbm>>
    %dma_wait3A_1376 = arith.constant 0 : i32
    %dma_wait3A_1377 = arith.constant 0 : i32
    %dma_wait3A_1378 = tpu.memref_slice %arg6[%dma_wait3A_1368, %dma_wait3A_1376, %dma_wait3A_1377] : memref<7x128x64xf32, #tpu.memory_space<vmem>> -> memref<1x128x64xf32, #tpu.memory_space<vmem>>
    %dma_wait3A_1379 = tpu.memref_squeeze %dma_wait3A_1378 : memref<1x128x64xf32, #tpu.memory_space<vmem>> -> memref<128x64xf32, #tpu.memory_space<vmem>>
    %dma_wait3A_1380 = arith.constant 0 : i32
    %dma_wait3A_1381 = tpu.memref_slice %arg2[%mul3A_2, %squeeze3A_1367, %dma_wait3A_1380] : memref<4096x200x64xf32, #tpu.memory_space<hbm>> -> memref<128x1x64xf32, #tpu.memory_space<hbm>>
    %dma_wait3A_1382 = tpu.memref_squeeze %dma_wait3A_1381 : memref<128x1x64xf32, #tpu.memory_space<hbm>> -> memref<128x64xf32, #tpu.memory_space<hbm>>
    tpu.wait_dma2 semaphore(%arg7 : memref<!tpu.dma_semaphore, #tpu.memory_space<semaphore_mem>>) src(%dma_wait3A_1382 : memref<128x64xf32, #tpu.memory_space<hbm>>) dst(%dma_wait3A_1379 : memref<128x64xf32, #tpu.memory_space<vmem>>)
    %dma_start3A_1383 = arith.constant 6 : i32
    %dma_start3A_1384 = arith.constant 20 : i32
    %dma_start3A_1385 = arith.constant 0 : i32
    %dma_start3A_1386 = arith.constant 0 : i32
    %dma_start3A_1387 = tpu.memref_slice %arg6[%dma_start3A_1383, %dma_start3A_1385, %dma_start3A_1386] : memref<7x128x64xf32, #tpu.memory_space<vmem>> -> memref<1x128x64xf32, #tpu.memory_space<vmem>>
    %dma_start3A_1388 = tpu.memref_squeeze %dma_start3A_1387 : memref<1x128x64xf32, #tpu.memory_space<vmem>> -> memref<128x64xf32, #tpu.memory_space<vmem>>
    %dma_start3A_1389 = arith.constant 0 : i32
    %dma_start3A_1390 = tpu.memref_slice %arg4[%mul3A_2, %dma_start3A_1384, %dma_start3A_1389] : memref<4096x50x64xf32, #tpu.memory_space<hbm>> -> memref<128x1x64xf32, #tpu.memory_space<hbm>>
    %dma_start3A_1391 = tpu.memref_squeeze %dma_start3A_1390 : memref<128x1x64xf32, #tpu.memory_space<hbm>> -> memref<128x64xf32, #tpu.memory_space<hbm>>
    %dma_start3A_1392 = arith.constant 0 : i32
    %dma_start3A_1393 = tpu.memref_slice %arg4[%mul3A_2, %dma_start3A_1384, %dma_start3A_1392] : memref<4096x50x64xf32, #tpu.memory_space<hbm>> -> memref<128x1x64xf32, #tpu.memory_space<hbm>>
    %dma_start3A_1394 = tpu.memref_squeeze %dma_start3A_1393 : memref<128x1x64xf32, #tpu.memory_space<hbm>> -> memref<128x64xf32, #tpu.memory_space<hbm>>
    %dma_start3A_1395 = arith.constant 0 : i32
    %dma_start3A_1396 = arith.constant 0 : i32
    %dma_start3A_1397 = tpu.memref_slice %arg6[%dma_start3A_1383, %dma_start3A_1395, %dma_start3A_1396] : memref<7x128x64xf32, #tpu.memory_space<vmem>> -> memref<1x128x64xf32, #tpu.memory_space<vmem>>
    %dma_start3A_1398 = tpu.memref_squeeze %dma_start3A_1397 : memref<1x128x64xf32, #tpu.memory_space<vmem>> -> memref<128x64xf32, #tpu.memory_space<vmem>>
    tpu.enqueue_dma source(%dma_start3A_1398 : memref<128x64xf32, #tpu.memory_space<vmem>>) target(%dma_start3A_1394 : memref<128x64xf32, #tpu.memory_space<hbm>>) target_semaphore(%arg8 : memref<!tpu.dma_semaphore, #tpu.memory_space<semaphore_mem>>)
    %dma_wait3A_1399 = arith.constant 4 : i32
    %dma_wait3A_1400 = arith.constant 18 : i32
    %dma_wait3A_1401 = arith.constant 0 : i32
    %dma_wait3A_1402 = arith.constant 0 : i32
    %dma_wait3A_1403 = tpu.memref_slice %arg6[%dma_wait3A_1399, %dma_wait3A_1401, %dma_wait3A_1402] : memref<7x128x64xf32, #tpu.memory_space<vmem>> -> memref<1x128x64xf32, #tpu.memory_space<vmem>>
    %dma_wait3A_1404 = tpu.memref_squeeze %dma_wait3A_1403 : memref<1x128x64xf32, #tpu.memory_space<vmem>> -> memref<128x64xf32, #tpu.memory_space<vmem>>
    %dma_wait3A_1405 = arith.constant 0 : i32
    %dma_wait3A_1406 = tpu.memref_slice %arg4[%mul3A_2, %dma_wait3A_1400, %dma_wait3A_1405] : memref<4096x50x64xf32, #tpu.memory_space<hbm>> -> memref<128x1x64xf32, #tpu.memory_space<hbm>>
    %dma_wait3A_1407 = tpu.memref_squeeze %dma_wait3A_1406 : memref<128x1x64xf32, #tpu.memory_space<hbm>> -> memref<128x64xf32, #tpu.memory_space<hbm>>
    %dma_wait3A_1408 = arith.constant 0 : i32
    %dma_wait3A_1409 = tpu.memref_slice %arg4[%mul3A_2, %dma_wait3A_1400, %dma_wait3A_1408] : memref<4096x50x64xf32, #tpu.memory_space<hbm>> -> memref<128x1x64xf32, #tpu.memory_space<hbm>>
    %dma_wait3A_1410 = tpu.memref_squeeze %dma_wait3A_1409 : memref<128x1x64xf32, #tpu.memory_space<hbm>> -> memref<128x64xf32, #tpu.memory_space<hbm>>
    %dma_wait3A_1411 = arith.constant 0 : i32
    %dma_wait3A_1412 = arith.constant 0 : i32
    %dma_wait3A_1413 = tpu.memref_slice %arg6[%dma_wait3A_1399, %dma_wait3A_1411, %dma_wait3A_1412] : memref<7x128x64xf32, #tpu.memory_space<vmem>> -> memref<1x128x64xf32, #tpu.memory_space<vmem>>
    %dma_wait3A_1414 = tpu.memref_squeeze %dma_wait3A_1413 : memref<1x128x64xf32, #tpu.memory_space<vmem>> -> memref<128x64xf32, #tpu.memory_space<vmem>>
    tpu.wait_dma2 semaphore(%arg8 : memref<!tpu.dma_semaphore, #tpu.memory_space<semaphore_mem>>) src(%dma_wait3A_1414 : memref<128x64xf32, #tpu.memory_space<vmem>>) dst(%dma_wait3A_1410 : memref<128x64xf32, #tpu.memory_space<hbm>>)
    %slice3A_1415 = vector.extract_strided_slice %get3A_7 {offsets = [8], sizes = [1], strides = [1]} : vector<16xi32> to vector<1xi32>
    %squeeze3A_1416 = vector.extract %slice3A_1415[0] : i32 from vector<1xi32>
    %dma_start3A_1417 = arith.constant 3 : i32
    %dma_start3A_1418 = arith.constant 0 : i32
    %dma_start3A_1419 = arith.constant 0 : i32
    %dma_start3A_1420 = tpu.memref_slice %arg6[%dma_start3A_1417, %dma_start3A_1418, %dma_start3A_1419] : memref<7x128x64xf32, #tpu.memory_space<vmem>> -> memref<1x128x64xf32, #tpu.memory_space<vmem>>
    %dma_start3A_1421 = tpu.memref_squeeze %dma_start3A_1420 : memref<1x128x64xf32, #tpu.memory_space<vmem>> -> memref<128x64xf32, #tpu.memory_space<vmem>>
    %dma_start3A_1422 = arith.constant 0 : i32
    %dma_start3A_1423 = tpu.memref_slice %arg2[%mul3A_2, %squeeze3A_1416, %dma_start3A_1422] : memref<4096x200x64xf32, #tpu.memory_space<hbm>> -> memref<128x1x64xf32, #tpu.memory_space<hbm>>
    %dma_start3A_1424 = tpu.memref_squeeze %dma_start3A_1423 : memref<128x1x64xf32, #tpu.memory_space<hbm>> -> memref<128x64xf32, #tpu.memory_space<hbm>>
    %dma_start3A_1425 = arith.constant 0 : i32
    %dma_start3A_1426 = arith.constant 0 : i32
    %dma_start3A_1427 = tpu.memref_slice %arg6[%dma_start3A_1417, %dma_start3A_1425, %dma_start3A_1426] : memref<7x128x64xf32, #tpu.memory_space<vmem>> -> memref<1x128x64xf32, #tpu.memory_space<vmem>>
    %dma_start3A_1428 = tpu.memref_squeeze %dma_start3A_1427 : memref<1x128x64xf32, #tpu.memory_space<vmem>> -> memref<128x64xf32, #tpu.memory_space<vmem>>
    %dma_start3A_1429 = arith.constant 0 : i32
    %dma_start3A_1430 = tpu.memref_slice %arg2[%mul3A_2, %squeeze3A_1416, %dma_start3A_1429] : memref<4096x200x64xf32, #tpu.memory_space<hbm>> -> memref<128x1x64xf32, #tpu.memory_space<hbm>>
    %dma_start3A_1431 = tpu.memref_squeeze %dma_start3A_1430 : memref<128x1x64xf32, #tpu.memory_space<hbm>> -> memref<128x64xf32, #tpu.memory_space<hbm>>
    tpu.enqueue_dma source(%dma_start3A_1431 : memref<128x64xf32, #tpu.memory_space<hbm>>) target(%dma_start3A_1428 : memref<128x64xf32, #tpu.memory_space<vmem>>) target_semaphore(%arg7 : memref<!tpu.dma_semaphore, #tpu.memory_space<semaphore_mem>>)
    %slice3A_1432 = vector.extract_strided_slice %get3A_7 {offsets = [5], sizes = [1], strides = [1]} : vector<16xi32> to vector<1xi32>
    %squeeze3A_1433 = vector.extract %slice3A_1432[0] : i32 from vector<1xi32>
    %dma_wait3A_1434 = arith.constant 0 : i32
    %dma_wait3A_1435 = arith.constant 0 : i32
    %dma_wait3A_1436 = arith.constant 0 : i32
    %dma_wait3A_1437 = tpu.memref_slice %arg6[%dma_wait3A_1434, %dma_wait3A_1435, %dma_wait3A_1436] : memref<7x128x64xf32, #tpu.memory_space<vmem>> -> memref<1x128x64xf32, #tpu.memory_space<vmem>>
    %dma_wait3A_1438 = tpu.memref_squeeze %dma_wait3A_1437 : memref<1x128x64xf32, #tpu.memory_space<vmem>> -> memref<128x64xf32, #tpu.memory_space<vmem>>
    %dma_wait3A_1439 = arith.constant 0 : i32
    %dma_wait3A_1440 = tpu.memref_slice %arg2[%mul3A_2, %squeeze3A_1433, %dma_wait3A_1439] : memref<4096x200x64xf32, #tpu.memory_space<hbm>> -> memref<128x1x64xf32, #tpu.memory_space<hbm>>
    %dma_wait3A_1441 = tpu.memref_squeeze %dma_wait3A_1440 : memref<128x1x64xf32, #tpu.memory_space<hbm>> -> memref<128x64xf32, #tpu.memory_space<hbm>>
    %dma_wait3A_1442 = arith.constant 0 : i32
    %dma_wait3A_1443 = arith.constant 0 : i32
    %dma_wait3A_1444 = tpu.memref_slice %arg6[%dma_wait3A_1434, %dma_wait3A_1442, %dma_wait3A_1443] : memref<7x128x64xf32, #tpu.memory_space<vmem>> -> memref<1x128x64xf32, #tpu.memory_space<vmem>>
    %dma_wait3A_1445 = tpu.memref_squeeze %dma_wait3A_1444 : memref<1x128x64xf32, #tpu.memory_space<vmem>> -> memref<128x64xf32, #tpu.memory_space<vmem>>
    %dma_wait3A_1446 = arith.constant 0 : i32
    %dma_wait3A_1447 = tpu.memref_slice %arg2[%mul3A_2, %squeeze3A_1433, %dma_wait3A_1446] : memref<4096x200x64xf32, #tpu.memory_space<hbm>> -> memref<128x1x64xf32, #tpu.memory_space<hbm>>
    %dma_wait3A_1448 = tpu.memref_squeeze %dma_wait3A_1447 : memref<128x1x64xf32, #tpu.memory_space<hbm>> -> memref<128x64xf32, #tpu.memory_space<hbm>>
    tpu.wait_dma2 semaphore(%arg7 : memref<!tpu.dma_semaphore, #tpu.memory_space<semaphore_mem>>) src(%dma_wait3A_1448 : memref<128x64xf32, #tpu.memory_space<hbm>>) dst(%dma_wait3A_1445 : memref<128x64xf32, #tpu.memory_space<vmem>>)
    %dma_start3A_1449 = arith.constant 0 : i32
    %dma_start3A_1450 = arith.constant 21 : i32
    %dma_start3A_1451 = arith.constant 0 : i32
    %dma_start3A_1452 = arith.constant 0 : i32
    %dma_start3A_1453 = tpu.memref_slice %arg6[%dma_start3A_1449, %dma_start3A_1451, %dma_start3A_1452] : memref<7x128x64xf32, #tpu.memory_space<vmem>> -> memref<1x128x64xf32, #tpu.memory_space<vmem>>
    %dma_start3A_1454 = tpu.memref_squeeze %dma_start3A_1453 : memref<1x128x64xf32, #tpu.memory_space<vmem>> -> memref<128x64xf32, #tpu.memory_space<vmem>>
    %dma_start3A_1455 = arith.constant 0 : i32
    %dma_start3A_1456 = tpu.memref_slice %arg4[%mul3A_2, %dma_start3A_1450, %dma_start3A_1455] : memref<4096x50x64xf32, #tpu.memory_space<hbm>> -> memref<128x1x64xf32, #tpu.memory_space<hbm>>
    %dma_start3A_1457 = tpu.memref_squeeze %dma_start3A_1456 : memref<128x1x64xf32, #tpu.memory_space<hbm>> -> memref<128x64xf32, #tpu.memory_space<hbm>>
    %dma_start3A_1458 = arith.constant 0 : i32
    %dma_start3A_1459 = tpu.memref_slice %arg4[%mul3A_2, %dma_start3A_1450, %dma_start3A_1458] : memref<4096x50x64xf32, #tpu.memory_space<hbm>> -> memref<128x1x64xf32, #tpu.memory_space<hbm>>
    %dma_start3A_1460 = tpu.memref_squeeze %dma_start3A_1459 : memref<128x1x64xf32, #tpu.memory_space<hbm>> -> memref<128x64xf32, #tpu.memory_space<hbm>>
    %dma_start3A_1461 = arith.constant 0 : i32
    %dma_start3A_1462 = arith.constant 0 : i32
    %dma_start3A_1463 = tpu.memref_slice %arg6[%dma_start3A_1449, %dma_start3A_1461, %dma_start3A_1462] : memref<7x128x64xf32, #tpu.memory_space<vmem>> -> memref<1x128x64xf32, #tpu.memory_space<vmem>>
    %dma_start3A_1464 = tpu.memref_squeeze %dma_start3A_1463 : memref<1x128x64xf32, #tpu.memory_space<vmem>> -> memref<128x64xf32, #tpu.memory_space<vmem>>
    tpu.enqueue_dma source(%dma_start3A_1464 : memref<128x64xf32, #tpu.memory_space<vmem>>) target(%dma_start3A_1460 : memref<128x64xf32, #tpu.memory_space<hbm>>) target_semaphore(%arg8 : memref<!tpu.dma_semaphore, #tpu.memory_space<semaphore_mem>>)
    %dma_wait3A_1465 = arith.constant 5 : i32
    %dma_wait3A_1466 = arith.constant 19 : i32
    %dma_wait3A_1467 = arith.constant 0 : i32
    %dma_wait3A_1468 = arith.constant 0 : i32
    %dma_wait3A_1469 = tpu.memref_slice %arg6[%dma_wait3A_1465, %dma_wait3A_1467, %dma_wait3A_1468] : memref<7x128x64xf32, #tpu.memory_space<vmem>> -> memref<1x128x64xf32, #tpu.memory_space<vmem>>
    %dma_wait3A_1470 = tpu.memref_squeeze %dma_wait3A_1469 : memref<1x128x64xf32, #tpu.memory_space<vmem>> -> memref<128x64xf32, #tpu.memory_space<vmem>>
    %dma_wait3A_1471 = arith.constant 0 : i32
    %dma_wait3A_1472 = tpu.memref_slice %arg4[%mul3A_2, %dma_wait3A_1466, %dma_wait3A_1471] : memref<4096x50x64xf32, #tpu.memory_space<hbm>> -> memref<128x1x64xf32, #tpu.memory_space<hbm>>
    %dma_wait3A_1473 = tpu.memref_squeeze %dma_wait3A_1472 : memref<128x1x64xf32, #tpu.memory_space<hbm>> -> memref<128x64xf32, #tpu.memory_space<hbm>>
    %dma_wait3A_1474 = arith.constant 0 : i32
    %dma_wait3A_1475 = tpu.memref_slice %arg4[%mul3A_2, %dma_wait3A_1466, %dma_wait3A_1474] : memref<4096x50x64xf32, #tpu.memory_space<hbm>> -> memref<128x1x64xf32, #tpu.memory_space<hbm>>
    %dma_wait3A_1476 = tpu.memref_squeeze %dma_wait3A_1475 : memref<128x1x64xf32, #tpu.memory_space<hbm>> -> memref<128x64xf32, #tpu.memory_space<hbm>>
    %dma_wait3A_1477 = arith.constant 0 : i32
    %dma_wait3A_1478 = arith.constant 0 : i32
    %dma_wait3A_1479 = tpu.memref_slice %arg6[%dma_wait3A_1465, %dma_wait3A_1477, %dma_wait3A_1478] : memref<7x128x64xf32, #tpu.memory_space<vmem>> -> memref<1x128x64xf32, #tpu.memory_space<vmem>>
    %dma_wait3A_1480 = tpu.memref_squeeze %dma_wait3A_1479 : memref<1x128x64xf32, #tpu.memory_space<vmem>> -> memref<128x64xf32, #tpu.memory_space<vmem>>
    tpu.wait_dma2 semaphore(%arg8 : memref<!tpu.dma_semaphore, #tpu.memory_space<semaphore_mem>>) src(%dma_wait3A_1480 : memref<128x64xf32, #tpu.memory_space<vmem>>) dst(%dma_wait3A_1476 : memref<128x64xf32, #tpu.memory_space<hbm>>)
    %slice3A_1481 = vector.extract_strided_slice %get3A_7 {offsets = [9], sizes = [1], strides = [1]} : vector<16xi32> to vector<1xi32>
    %squeeze3A_1482 = vector.extract %slice3A_1481[0] : i32 from vector<1xi32>
    %dma_start3A_1483 = arith.constant 4 : i32
    %dma_start3A_1484 = arith.constant 0 : i32
    %dma_start3A_1485 = arith.constant 0 : i32
    %dma_start3A_1486 = tpu.memref_slice %arg6[%dma_start3A_1483, %dma_start3A_1484, %dma_start3A_1485] : memref<7x128x64xf32, #tpu.memory_space<vmem>> -> memref<1x128x64xf32, #tpu.memory_space<vmem>>
    %dma_start3A_1487 = tpu.memref_squeeze %dma_start3A_1486 : memref<1x128x64xf32, #tpu.memory_space<vmem>> -> memref<128x64xf32, #tpu.memory_space<vmem>>
    %dma_start3A_1488 = arith.constant 0 : i32
    %dma_start3A_1489 = tpu.memref_slice %arg2[%mul3A_2, %squeeze3A_1482, %dma_start3A_1488] : memref<4096x200x64xf32, #tpu.memory_space<hbm>> -> memref<128x1x64xf32, #tpu.memory_space<hbm>>
    %dma_start3A_1490 = tpu.memref_squeeze %dma_start3A_1489 : memref<128x1x64xf32, #tpu.memory_space<hbm>> -> memref<128x64xf32, #tpu.memory_space<hbm>>
    %dma_start3A_1491 = arith.constant 0 : i32
    %dma_start3A_1492 = arith.constant 0 : i32
    %dma_start3A_1493 = tpu.memref_slice %arg6[%dma_start3A_1483, %dma_start3A_1491, %dma_start3A_1492] : memref<7x128x64xf32, #tpu.memory_space<vmem>> -> memref<1x128x64xf32, #tpu.memory_space<vmem>>
    %dma_start3A_1494 = tpu.memref_squeeze %dma_start3A_1493 : memref<1x128x64xf32, #tpu.memory_space<vmem>> -> memref<128x64xf32, #tpu.memory_space<vmem>>
    %dma_start3A_1495 = arith.constant 0 : i32
    %dma_start3A_1496 = tpu.memref_slice %arg2[%mul3A_2, %squeeze3A_1482, %dma_start3A_1495] : memref<4096x200x64xf32, #tpu.memory_space<hbm>> -> memref<128x1x64xf32, #tpu.memory_space<hbm>>
    %dma_start3A_1497 = tpu.memref_squeeze %dma_start3A_1496 : memref<128x1x64xf32, #tpu.memory_space<hbm>> -> memref<128x64xf32, #tpu.memory_space<hbm>>
    tpu.enqueue_dma source(%dma_start3A_1497 : memref<128x64xf32, #tpu.memory_space<hbm>>) target(%dma_start3A_1494 : memref<128x64xf32, #tpu.memory_space<vmem>>) target_semaphore(%arg7 : memref<!tpu.dma_semaphore, #tpu.memory_space<semaphore_mem>>)
    %slice3A_1498 = vector.extract_strided_slice %get3A_7 {offsets = [6], sizes = [1], strides = [1]} : vector<16xi32> to vector<1xi32>
    %squeeze3A_1499 = vector.extract %slice3A_1498[0] : i32 from vector<1xi32>
    %dma_wait3A_1500 = arith.constant 1 : i32
    %dma_wait3A_1501 = arith.constant 0 : i32
    %dma_wait3A_1502 = arith.constant 0 : i32
    %dma_wait3A_1503 = tpu.memref_slice %arg6[%dma_wait3A_1500, %dma_wait3A_1501, %dma_wait3A_1502] : memref<7x128x64xf32, #tpu.memory_space<vmem>> -> memref<1x128x64xf32, #tpu.memory_space<vmem>>
    %dma_wait3A_1504 = tpu.memref_squeeze %dma_wait3A_1503 : memref<1x128x64xf32, #tpu.memory_space<vmem>> -> memref<128x64xf32, #tpu.memory_space<vmem>>
    %dma_wait3A_1505 = arith.constant 0 : i32
    %dma_wait3A_1506 = tpu.memref_slice %arg2[%mul3A_2, %squeeze3A_1499, %dma_wait3A_1505] : memref<4096x200x64xf32, #tpu.memory_space<hbm>> -> memref<128x1x64xf32, #tpu.memory_space<hbm>>
    %dma_wait3A_1507 = tpu.memref_squeeze %dma_wait3A_1506 : memref<128x1x64xf32, #tpu.memory_space<hbm>> -> memref<128x64xf32, #tpu.memory_space<hbm>>
    %dma_wait3A_1508 = arith.constant 0 : i32
    %dma_wait3A_1509 = arith.constant 0 : i32
    %dma_wait3A_1510 = tpu.memref_slice %arg6[%dma_wait3A_1500, %dma_wait3A_1508, %dma_wait3A_1509] : memref<7x128x64xf32, #tpu.memory_space<vmem>> -> memref<1x128x64xf32, #tpu.memory_space<vmem>>
    %dma_wait3A_1511 = tpu.memref_squeeze %dma_wait3A_1510 : memref<1x128x64xf32, #tpu.memory_space<vmem>> -> memref<128x64xf32, #tpu.memory_space<vmem>>
    %dma_wait3A_1512 = arith.constant 0 : i32
    %dma_wait3A_1513 = tpu.memref_slice %arg2[%mul3A_2, %squeeze3A_1499, %dma_wait3A_1512] : memref<4096x200x64xf32, #tpu.memory_space<hbm>> -> memref<128x1x64xf32, #tpu.memory_space<hbm>>
    %dma_wait3A_1514 = tpu.memref_squeeze %dma_wait3A_1513 : memref<128x1x64xf32, #tpu.memory_space<hbm>> -> memref<128x64xf32, #tpu.memory_space<hbm>>
    tpu.wait_dma2 semaphore(%arg7 : memref<!tpu.dma_semaphore, #tpu.memory_space<semaphore_mem>>) src(%dma_wait3A_1514 : memref<128x64xf32, #tpu.memory_space<hbm>>) dst(%dma_wait3A_1511 : memref<128x64xf32, #tpu.memory_space<vmem>>)
    %dma_start3A_1515 = arith.constant 1 : i32
    %dma_start3A_1516 = arith.constant 22 : i32
    %dma_start3A_1517 = arith.constant 0 : i32
    %dma_start3A_1518 = arith.constant 0 : i32
    %dma_start3A_1519 = tpu.memref_slice %arg6[%dma_start3A_1515, %dma_start3A_1517, %dma_start3A_1518] : memref<7x128x64xf32, #tpu.memory_space<vmem>> -> memref<1x128x64xf32, #tpu.memory_space<vmem>>
    %dma_start3A_1520 = tpu.memref_squeeze %dma_start3A_1519 : memref<1x128x64xf32, #tpu.memory_space<vmem>> -> memref<128x64xf32, #tpu.memory_space<vmem>>
    %dma_start3A_1521 = arith.constant 0 : i32
    %dma_start3A_1522 = tpu.memref_slice %arg4[%mul3A_2, %dma_start3A_1516, %dma_start3A_1521] : memref<4096x50x64xf32, #tpu.memory_space<hbm>> -> memref<128x1x64xf32, #tpu.memory_space<hbm>>
    %dma_start3A_1523 = tpu.memref_squeeze %dma_start3A_1522 : memref<128x1x64xf32, #tpu.memory_space<hbm>> -> memref<128x64xf32, #tpu.memory_space<hbm>>
    %dma_start3A_1524 = arith.constant 0 : i32
    %dma_start3A_1525 = tpu.memref_slice %arg4[%mul3A_2, %dma_start3A_1516, %dma_start3A_1524] : memref<4096x50x64xf32, #tpu.memory_space<hbm>> -> memref<128x1x64xf32, #tpu.memory_space<hbm>>
    %dma_start3A_1526 = tpu.memref_squeeze %dma_start3A_1525 : memref<128x1x64xf32, #tpu.memory_space<hbm>> -> memref<128x64xf32, #tpu.memory_space<hbm>>
    %dma_start3A_1527 = arith.constant 0 : i32
    %dma_start3A_1528 = arith.constant 0 : i32
    %dma_start3A_1529 = tpu.memref_slice %arg6[%dma_start3A_1515, %dma_start3A_1527, %dma_start3A_1528] : memref<7x128x64xf32, #tpu.memory_space<vmem>> -> memref<1x128x64xf32, #tpu.memory_space<vmem>>
    %dma_start3A_1530 = tpu.memref_squeeze %dma_start3A_1529 : memref<1x128x64xf32, #tpu.memory_space<vmem>> -> memref<128x64xf32, #tpu.memory_space<vmem>>
    tpu.enqueue_dma source(%dma_start3A_1530 : memref<128x64xf32, #tpu.memory_space<vmem>>) target(%dma_start3A_1526 : memref<128x64xf32, #tpu.memory_space<hbm>>) target_semaphore(%arg8 : memref<!tpu.dma_semaphore, #tpu.memory_space<semaphore_mem>>)
    %dma_wait3A_1531 = arith.constant 6 : i32
    %dma_wait3A_1532 = arith.constant 20 : i32
    %dma_wait3A_1533 = arith.constant 0 : i32
    %dma_wait3A_1534 = arith.constant 0 : i32
    %dma_wait3A_1535 = tpu.memref_slice %arg6[%dma_wait3A_1531, %dma_wait3A_1533, %dma_wait3A_1534] : memref<7x128x64xf32, #tpu.memory_space<vmem>> -> memref<1x128x64xf32, #tpu.memory_space<vmem>>
    %dma_wait3A_1536 = tpu.memref_squeeze %dma_wait3A_1535 : memref<1x128x64xf32, #tpu.memory_space<vmem>> -> memref<128x64xf32, #tpu.memory_space<vmem>>
    %dma_wait3A_1537 = arith.constant 0 : i32
    %dma_wait3A_1538 = tpu.memref_slice %arg4[%mul3A_2, %dma_wait3A_1532, %dma_wait3A_1537] : memref<4096x50x64xf32, #tpu.memory_space<hbm>> -> memref<128x1x64xf32, #tpu.memory_space<hbm>>
    %dma_wait3A_1539 = tpu.memref_squeeze %dma_wait3A_1538 : memref<128x1x64xf32, #tpu.memory_space<hbm>> -> memref<128x64xf32, #tpu.memory_space<hbm>>
    %dma_wait3A_1540 = arith.constant 0 : i32
    %dma_wait3A_1541 = tpu.memref_slice %arg4[%mul3A_2, %dma_wait3A_1532, %dma_wait3A_1540] : memref<4096x50x64xf32, #tpu.memory_space<hbm>> -> memref<128x1x64xf32, #tpu.memory_space<hbm>>
    %dma_wait3A_1542 = tpu.memref_squeeze %dma_wait3A_1541 : memref<128x1x64xf32, #tpu.memory_space<hbm>> -> memref<128x64xf32, #tpu.memory_space<hbm>>
    %dma_wait3A_1543 = arith.constant 0 : i32
    %dma_wait3A_1544 = arith.constant 0 : i32
    %dma_wait3A_1545 = tpu.memref_slice %arg6[%dma_wait3A_1531, %dma_wait3A_1543, %dma_wait3A_1544] : memref<7x128x64xf32, #tpu.memory_space<vmem>> -> memref<1x128x64xf32, #tpu.memory_space<vmem>>
    %dma_wait3A_1546 = tpu.memref_squeeze %dma_wait3A_1545 : memref<1x128x64xf32, #tpu.memory_space<vmem>> -> memref<128x64xf32, #tpu.memory_space<vmem>>
    tpu.wait_dma2 semaphore(%arg8 : memref<!tpu.dma_semaphore, #tpu.memory_space<semaphore_mem>>) src(%dma_wait3A_1546 : memref<128x64xf32, #tpu.memory_space<vmem>>) dst(%dma_wait3A_1542 : memref<128x64xf32, #tpu.memory_space<hbm>>)
    %slice3A_1547 = vector.extract_strided_slice %get3A_7 {offsets = [10], sizes = [1], strides = [1]} : vector<16xi32> to vector<1xi32>
    %squeeze3A_1548 = vector.extract %slice3A_1547[0] : i32 from vector<1xi32>
    %dma_start3A_1549 = arith.constant 5 : i32
    %dma_start3A_1550 = arith.constant 0 : i32
    %dma_start3A_1551 = arith.constant 0 : i32
    %dma_start3A_1552 = tpu.memref_slice %arg6[%dma_start3A_1549, %dma_start3A_1550, %dma_start3A_1551] : memref<7x128x64xf32, #tpu.memory_space<vmem>> -> memref<1x128x64xf32, #tpu.memory_space<vmem>>
    %dma_start3A_1553 = tpu.memref_squeeze %dma_start3A_1552 : memref<1x128x64xf32, #tpu.memory_space<vmem>> -> memref<128x64xf32, #tpu.memory_space<vmem>>
    %dma_start3A_1554 = arith.constant 0 : i32
    %dma_start3A_1555 = tpu.memref_slice %arg2[%mul3A_2, %squeeze3A_1548, %dma_start3A_1554] : memref<4096x200x64xf32, #tpu.memory_space<hbm>> -> memref<128x1x64xf32, #tpu.memory_space<hbm>>
    %dma_start3A_1556 = tpu.memref_squeeze %dma_start3A_1555 : memref<128x1x64xf32, #tpu.memory_space<hbm>> -> memref<128x64xf32, #tpu.memory_space<hbm>>
    %dma_start3A_1557 = arith.constant 0 : i32
    %dma_start3A_1558 = arith.constant 0 : i32
    %dma_start3A_1559 = tpu.memref_slice %arg6[%dma_start3A_1549, %dma_start3A_1557, %dma_start3A_1558] : memref<7x128x64xf32, #tpu.memory_space<vmem>> -> memref<1x128x64xf32, #tpu.memory_space<vmem>>
    %dma_start3A_1560 = tpu.memref_squeeze %dma_start3A_1559 : memref<1x128x64xf32, #tpu.memory_space<vmem>> -> memref<128x64xf32, #tpu.memory_space<vmem>>
    %dma_start3A_1561 = arith.constant 0 : i32
    %dma_start3A_1562 = tpu.memref_slice %arg2[%mul3A_2, %squeeze3A_1548, %dma_start3A_1561] : memref<4096x200x64xf32, #tpu.memory_space<hbm>> -> memref<128x1x64xf32, #tpu.memory_space<hbm>>
    %dma_start3A_1563 = tpu.memref_squeeze %dma_start3A_1562 : memref<128x1x64xf32, #tpu.memory_space<hbm>> -> memref<128x64xf32, #tpu.memory_space<hbm>>
    tpu.enqueue_dma source(%dma_start3A_1563 : memref<128x64xf32, #tpu.memory_space<hbm>>) target(%dma_start3A_1560 : memref<128x64xf32, #tpu.memory_space<vmem>>) target_semaphore(%arg7 : memref<!tpu.dma_semaphore, #tpu.memory_space<semaphore_mem>>)
    %slice3A_1564 = vector.extract_strided_slice %get3A_7 {offsets = [7], sizes = [1], strides = [1]} : vector<16xi32> to vector<1xi32>
    %squeeze3A_1565 = vector.extract %slice3A_1564[0] : i32 from vector<1xi32>
    %dma_wait3A_1566 = arith.constant 2 : i32
    %dma_wait3A_1567 = arith.constant 0 : i32
    %dma_wait3A_1568 = arith.constant 0 : i32
    %dma_wait3A_1569 = tpu.memref_slice %arg6[%dma_wait3A_1566, %dma_wait3A_1567, %dma_wait3A_1568] : memref<7x128x64xf32, #tpu.memory_space<vmem>> -> memref<1x128x64xf32, #tpu.memory_space<vmem>>
    %dma_wait3A_1570 = tpu.memref_squeeze %dma_wait3A_1569 : memref<1x128x64xf32, #tpu.memory_space<vmem>> -> memref<128x64xf32, #tpu.memory_space<vmem>>
    %dma_wait3A_1571 = arith.constant 0 : i32
    %dma_wait3A_1572 = tpu.memref_slice %arg2[%mul3A_2, %squeeze3A_1565, %dma_wait3A_1571] : memref<4096x200x64xf32, #tpu.memory_space<hbm>> -> memref<128x1x64xf32, #tpu.memory_space<hbm>>
    %dma_wait3A_1573 = tpu.memref_squeeze %dma_wait3A_1572 : memref<128x1x64xf32, #tpu.memory_space<hbm>> -> memref<128x64xf32, #tpu.memory_space<hbm>>
    %dma_wait3A_1574 = arith.constant 0 : i32
    %dma_wait3A_1575 = arith.constant 0 : i32
    %dma_wait3A_1576 = tpu.memref_slice %arg6[%dma_wait3A_1566, %dma_wait3A_1574, %dma_wait3A_1575] : memref<7x128x64xf32, #tpu.memory_space<vmem>> -> memref<1x128x64xf32, #tpu.memory_space<vmem>>
    %dma_wait3A_1577 = tpu.memref_squeeze %dma_wait3A_1576 : memref<1x128x64xf32, #tpu.memory_space<vmem>> -> memref<128x64xf32, #tpu.memory_space<vmem>>
    %dma_wait3A_1578 = arith.constant 0 : i32
    %dma_wait3A_1579 = tpu.memref_slice %arg2[%mul3A_2, %squeeze3A_1565, %dma_wait3A_1578] : memref<4096x200x64xf32, #tpu.memory_space<hbm>> -> memref<128x1x64xf32, #tpu.memory_space<hbm>>
    %dma_wait3A_1580 = tpu.memref_squeeze %dma_wait3A_1579 : memref<128x1x64xf32, #tpu.memory_space<hbm>> -> memref<128x64xf32, #tpu.memory_space<hbm>>
    tpu.wait_dma2 semaphore(%arg7 : memref<!tpu.dma_semaphore, #tpu.memory_space<semaphore_mem>>) src(%dma_wait3A_1580 : memref<128x64xf32, #tpu.memory_space<hbm>>) dst(%dma_wait3A_1577 : memref<128x64xf32, #tpu.memory_space<vmem>>)
    %dma_start3A_1581 = arith.constant 2 : i32
    %dma_start3A_1582 = arith.constant 23 : i32
    %dma_start3A_1583 = arith.constant 0 : i32
    %dma_start3A_1584 = arith.constant 0 : i32
    %dma_start3A_1585 = tpu.memref_slice %arg6[%dma_start3A_1581, %dma_start3A_1583, %dma_start3A_1584] : memref<7x128x64xf32, #tpu.memory_space<vmem>> -> memref<1x128x64xf32, #tpu.memory_space<vmem>>
    %dma_start3A_1586 = tpu.memref_squeeze %dma_start3A_1585 : memref<1x128x64xf32, #tpu.memory_space<vmem>> -> memref<128x64xf32, #tpu.memory_space<vmem>>
    %dma_start3A_1587 = arith.constant 0 : i32
    %dma_start3A_1588 = tpu.memref_slice %arg4[%mul3A_2, %dma_start3A_1582, %dma_start3A_1587] : memref<4096x50x64xf32, #tpu.memory_space<hbm>> -> memref<128x1x64xf32, #tpu.memory_space<hbm>>
    %dma_start3A_1589 = tpu.memref_squeeze %dma_start3A_1588 : memref<128x1x64xf32, #tpu.memory_space<hbm>> -> memref<128x64xf32, #tpu.memory_space<hbm>>
    %dma_start3A_1590 = arith.constant 0 : i32
    %dma_start3A_1591 = tpu.memref_slice %arg4[%mul3A_2, %dma_start3A_1582, %dma_start3A_1590] : memref<4096x50x64xf32, #tpu.memory_space<hbm>> -> memref<128x1x64xf32, #tpu.memory_space<hbm>>
    %dma_start3A_1592 = tpu.memref_squeeze %dma_start3A_1591 : memref<128x1x64xf32, #tpu.memory_space<hbm>> -> memref<128x64xf32, #tpu.memory_space<hbm>>
    %dma_start3A_1593 = arith.constant 0 : i32
    %dma_start3A_1594 = arith.constant 0 : i32
    %dma_start3A_1595 = tpu.memref_slice %arg6[%dma_start3A_1581, %dma_start3A_1593, %dma_start3A_1594] : memref<7x128x64xf32, #tpu.memory_space<vmem>> -> memref<1x128x64xf32, #tpu.memory_space<vmem>>
    %dma_start3A_1596 = tpu.memref_squeeze %dma_start3A_1595 : memref<1x128x64xf32, #tpu.memory_space<vmem>> -> memref<128x64xf32, #tpu.memory_space<vmem>>
    tpu.enqueue_dma source(%dma_start3A_1596 : memref<128x64xf32, #tpu.memory_space<vmem>>) target(%dma_start3A_1592 : memref<128x64xf32, #tpu.memory_space<hbm>>) target_semaphore(%arg8 : memref<!tpu.dma_semaphore, #tpu.memory_space<semaphore_mem>>)
    %dma_wait3A_1597 = arith.constant 0 : i32
    %dma_wait3A_1598 = arith.constant 21 : i32
    %dma_wait3A_1599 = arith.constant 0 : i32
    %dma_wait3A_1600 = arith.constant 0 : i32
    %dma_wait3A_1601 = tpu.memref_slice %arg6[%dma_wait3A_1597, %dma_wait3A_1599, %dma_wait3A_1600] : memref<7x128x64xf32, #tpu.memory_space<vmem>> -> memref<1x128x64xf32, #tpu.memory_space<vmem>>
    %dma_wait3A_1602 = tpu.memref_squeeze %dma_wait3A_1601 : memref<1x128x64xf32, #tpu.memory_space<vmem>> -> memref<128x64xf32, #tpu.memory_space<vmem>>
    %dma_wait3A_1603 = arith.constant 0 : i32
    %dma_wait3A_1604 = tpu.memref_slice %arg4[%mul3A_2, %dma_wait3A_1598, %dma_wait3A_1603] : memref<4096x50x64xf32, #tpu.memory_space<hbm>> -> memref<128x1x64xf32, #tpu.memory_space<hbm>>
    %dma_wait3A_1605 = tpu.memref_squeeze %dma_wait3A_1604 : memref<128x1x64xf32, #tpu.memory_space<hbm>> -> memref<128x64xf32, #tpu.memory_space<hbm>>
    %dma_wait3A_1606 = arith.constant 0 : i32
    %dma_wait3A_1607 = tpu.memref_slice %arg4[%mul3A_2, %dma_wait3A_1598, %dma_wait3A_1606] : memref<4096x50x64xf32, #tpu.memory_space<hbm>> -> memref<128x1x64xf32, #tpu.memory_space<hbm>>
    %dma_wait3A_1608 = tpu.memref_squeeze %dma_wait3A_1607 : memref<128x1x64xf32, #tpu.memory_space<hbm>> -> memref<128x64xf32, #tpu.memory_space<hbm>>
    %dma_wait3A_1609 = arith.constant 0 : i32
    %dma_wait3A_1610 = arith.constant 0 : i32
    %dma_wait3A_1611 = tpu.memref_slice %arg6[%dma_wait3A_1597, %dma_wait3A_1609, %dma_wait3A_1610] : memref<7x128x64xf32, #tpu.memory_space<vmem>> -> memref<1x128x64xf32, #tpu.memory_space<vmem>>
    %dma_wait3A_1612 = tpu.memref_squeeze %dma_wait3A_1611 : memref<1x128x64xf32, #tpu.memory_space<vmem>> -> memref<128x64xf32, #tpu.memory_space<vmem>>
    tpu.wait_dma2 semaphore(%arg8 : memref<!tpu.dma_semaphore, #tpu.memory_space<semaphore_mem>>) src(%dma_wait3A_1612 : memref<128x64xf32, #tpu.memory_space<vmem>>) dst(%dma_wait3A_1608 : memref<128x64xf32, #tpu.memory_space<hbm>>)
    %slice3A_1613 = vector.extract_strided_slice %get3A_7 {offsets = [11], sizes = [1], strides = [1]} : vector<16xi32> to vector<1xi32>
    %squeeze3A_1614 = vector.extract %slice3A_1613[0] : i32 from vector<1xi32>
    %dma_start3A_1615 = arith.constant 6 : i32
    %dma_start3A_1616 = arith.constant 0 : i32
    %dma_start3A_1617 = arith.constant 0 : i32
    %dma_start3A_1618 = tpu.memref_slice %arg6[%dma_start3A_1615, %dma_start3A_1616, %dma_start3A_1617] : memref<7x128x64xf32, #tpu.memory_space<vmem>> -> memref<1x128x64xf32, #tpu.memory_space<vmem>>
    %dma_start3A_1619 = tpu.memref_squeeze %dma_start3A_1618 : memref<1x128x64xf32, #tpu.memory_space<vmem>> -> memref<128x64xf32, #tpu.memory_space<vmem>>
    %dma_start3A_1620 = arith.constant 0 : i32
    %dma_start3A_1621 = tpu.memref_slice %arg2[%mul3A_2, %squeeze3A_1614, %dma_start3A_1620] : memref<4096x200x64xf32, #tpu.memory_space<hbm>> -> memref<128x1x64xf32, #tpu.memory_space<hbm>>
    %dma_start3A_1622 = tpu.memref_squeeze %dma_start3A_1621 : memref<128x1x64xf32, #tpu.memory_space<hbm>> -> memref<128x64xf32, #tpu.memory_space<hbm>>
    %dma_start3A_1623 = arith.constant 0 : i32
    %dma_start3A_1624 = arith.constant 0 : i32
    %dma_start3A_1625 = tpu.memref_slice %arg6[%dma_start3A_1615, %dma_start3A_1623, %dma_start3A_1624] : memref<7x128x64xf32, #tpu.memory_space<vmem>> -> memref<1x128x64xf32, #tpu.memory_space<vmem>>
    %dma_start3A_1626 = tpu.memref_squeeze %dma_start3A_1625 : memref<1x128x64xf32, #tpu.memory_space<vmem>> -> memref<128x64xf32, #tpu.memory_space<vmem>>
    %dma_start3A_1627 = arith.constant 0 : i32
    %dma_start3A_1628 = tpu.memref_slice %arg2[%mul3A_2, %squeeze3A_1614, %dma_start3A_1627] : memref<4096x200x64xf32, #tpu.memory_space<hbm>> -> memref<128x1x64xf32, #tpu.memory_space<hbm>>
    %dma_start3A_1629 = tpu.memref_squeeze %dma_start3A_1628 : memref<128x1x64xf32, #tpu.memory_space<hbm>> -> memref<128x64xf32, #tpu.memory_space<hbm>>
    tpu.enqueue_dma source(%dma_start3A_1629 : memref<128x64xf32, #tpu.memory_space<hbm>>) target(%dma_start3A_1626 : memref<128x64xf32, #tpu.memory_space<vmem>>) target_semaphore(%arg7 : memref<!tpu.dma_semaphore, #tpu.memory_space<semaphore_mem>>)
    %slice3A_1630 = vector.extract_strided_slice %get3A_7 {offsets = [8], sizes = [1], strides = [1]} : vector<16xi32> to vector<1xi32>
    %squeeze3A_1631 = vector.extract %slice3A_1630[0] : i32 from vector<1xi32>
    %dma_wait3A_1632 = arith.constant 3 : i32
    %dma_wait3A_1633 = arith.constant 0 : i32
    %dma_wait3A_1634 = arith.constant 0 : i32
    %dma_wait3A_1635 = tpu.memref_slice %arg6[%dma_wait3A_1632, %dma_wait3A_1633, %dma_wait3A_1634] : memref<7x128x64xf32, #tpu.memory_space<vmem>> -> memref<1x128x64xf32, #tpu.memory_space<vmem>>
    %dma_wait3A_1636 = tpu.memref_squeeze %dma_wait3A_1635 : memref<1x128x64xf32, #tpu.memory_space<vmem>> -> memref<128x64xf32, #tpu.memory_space<vmem>>
    %dma_wait3A_1637 = arith.constant 0 : i32
    %dma_wait3A_1638 = tpu.memref_slice %arg2[%mul3A_2, %squeeze3A_1631, %dma_wait3A_1637] : memref<4096x200x64xf32, #tpu.memory_space<hbm>> -> memref<128x1x64xf32, #tpu.memory_space<hbm>>
    %dma_wait3A_1639 = tpu.memref_squeeze %dma_wait3A_1638 : memref<128x1x64xf32, #tpu.memory_space<hbm>> -> memref<128x64xf32, #tpu.memory_space<hbm>>
    %dma_wait3A_1640 = arith.constant 0 : i32
    %dma_wait3A_1641 = arith.constant 0 : i32
    %dma_wait3A_1642 = tpu.memref_slice %arg6[%dma_wait3A_1632, %dma_wait3A_1640, %dma_wait3A_1641] : memref<7x128x64xf32, #tpu.memory_space<vmem>> -> memref<1x128x64xf32, #tpu.memory_space<vmem>>
    %dma_wait3A_1643 = tpu.memref_squeeze %dma_wait3A_1642 : memref<1x128x64xf32, #tpu.memory_space<vmem>> -> memref<128x64xf32, #tpu.memory_space<vmem>>
    %dma_wait3A_1644 = arith.constant 0 : i32
    %dma_wait3A_1645 = tpu.memref_slice %arg2[%mul3A_2, %squeeze3A_1631, %dma_wait3A_1644] : memref<4096x200x64xf32, #tpu.memory_space<hbm>> -> memref<128x1x64xf32, #tpu.memory_space<hbm>>
    %dma_wait3A_1646 = tpu.memref_squeeze %dma_wait3A_1645 : memref<128x1x64xf32, #tpu.memory_space<hbm>> -> memref<128x64xf32, #tpu.memory_space<hbm>>
    tpu.wait_dma2 semaphore(%arg7 : memref<!tpu.dma_semaphore, #tpu.memory_space<semaphore_mem>>) src(%dma_wait3A_1646 : memref<128x64xf32, #tpu.memory_space<hbm>>) dst(%dma_wait3A_1643 : memref<128x64xf32, #tpu.memory_space<vmem>>)
    %dma_start3A_1647 = arith.constant 3 : i32
    %dma_start3A_1648 = arith.constant 24 : i32
    %dma_start3A_1649 = arith.constant 0 : i32
    %dma_start3A_1650 = arith.constant 0 : i32
    %dma_start3A_1651 = tpu.memref_slice %arg6[%dma_start3A_1647, %dma_start3A_1649, %dma_start3A_1650] : memref<7x128x64xf32, #tpu.memory_space<vmem>> -> memref<1x128x64xf32, #tpu.memory_space<vmem>>
    %dma_start3A_1652 = tpu.memref_squeeze %dma_start3A_1651 : memref<1x128x64xf32, #tpu.memory_space<vmem>> -> memref<128x64xf32, #tpu.memory_space<vmem>>
    %dma_start3A_1653 = arith.constant 0 : i32
    %dma_start3A_1654 = tpu.memref_slice %arg4[%mul3A_2, %dma_start3A_1648, %dma_start3A_1653] : memref<4096x50x64xf32, #tpu.memory_space<hbm>> -> memref<128x1x64xf32, #tpu.memory_space<hbm>>
    %dma_start3A_1655 = tpu.memref_squeeze %dma_start3A_1654 : memref<128x1x64xf32, #tpu.memory_space<hbm>> -> memref<128x64xf32, #tpu.memory_space<hbm>>
    %dma_start3A_1656 = arith.constant 0 : i32
    %dma_start3A_1657 = tpu.memref_slice %arg4[%mul3A_2, %dma_start3A_1648, %dma_start3A_1656] : memref<4096x50x64xf32, #tpu.memory_space<hbm>> -> memref<128x1x64xf32, #tpu.memory_space<hbm>>
    %dma_start3A_1658 = tpu.memref_squeeze %dma_start3A_1657 : memref<128x1x64xf32, #tpu.memory_space<hbm>> -> memref<128x64xf32, #tpu.memory_space<hbm>>
    %dma_start3A_1659 = arith.constant 0 : i32
    %dma_start3A_1660 = arith.constant 0 : i32
    %dma_start3A_1661 = tpu.memref_slice %arg6[%dma_start3A_1647, %dma_start3A_1659, %dma_start3A_1660] : memref<7x128x64xf32, #tpu.memory_space<vmem>> -> memref<1x128x64xf32, #tpu.memory_space<vmem>>
    %dma_start3A_1662 = tpu.memref_squeeze %dma_start3A_1661 : memref<1x128x64xf32, #tpu.memory_space<vmem>> -> memref<128x64xf32, #tpu.memory_space<vmem>>
    tpu.enqueue_dma source(%dma_start3A_1662 : memref<128x64xf32, #tpu.memory_space<vmem>>) target(%dma_start3A_1658 : memref<128x64xf32, #tpu.memory_space<hbm>>) target_semaphore(%arg8 : memref<!tpu.dma_semaphore, #tpu.memory_space<semaphore_mem>>)
    %dma_wait3A_1663 = arith.constant 1 : i32
    %dma_wait3A_1664 = arith.constant 22 : i32
    %dma_wait3A_1665 = arith.constant 0 : i32
    %dma_wait3A_1666 = arith.constant 0 : i32
    %dma_wait3A_1667 = tpu.memref_slice %arg6[%dma_wait3A_1663, %dma_wait3A_1665, %dma_wait3A_1666] : memref<7x128x64xf32, #tpu.memory_space<vmem>> -> memref<1x128x64xf32, #tpu.memory_space<vmem>>
    %dma_wait3A_1668 = tpu.memref_squeeze %dma_wait3A_1667 : memref<1x128x64xf32, #tpu.memory_space<vmem>> -> memref<128x64xf32, #tpu.memory_space<vmem>>
    %dma_wait3A_1669 = arith.constant 0 : i32
    %dma_wait3A_1670 = tpu.memref_slice %arg4[%mul3A_2, %dma_wait3A_1664, %dma_wait3A_1669] : memref<4096x50x64xf32, #tpu.memory_space<hbm>> -> memref<128x1x64xf32, #tpu.memory_space<hbm>>
    %dma_wait3A_1671 = tpu.memref_squeeze %dma_wait3A_1670 : memref<128x1x64xf32, #tpu.memory_space<hbm>> -> memref<128x64xf32, #tpu.memory_space<hbm>>
    %dma_wait3A_1672 = arith.constant 0 : i32
    %dma_wait3A_1673 = tpu.memref_slice %arg4[%mul3A_2, %dma_wait3A_1664, %dma_wait3A_1672] : memref<4096x50x64xf32, #tpu.memory_space<hbm>> -> memref<128x1x64xf32, #tpu.memory_space<hbm>>
    %dma_wait3A_1674 = tpu.memref_squeeze %dma_wait3A_1673 : memref<128x1x64xf32, #tpu.memory_space<hbm>> -> memref<128x64xf32, #tpu.memory_space<hbm>>
    %dma_wait3A_1675 = arith.constant 0 : i32
    %dma_wait3A_1676 = arith.constant 0 : i32
    %dma_wait3A_1677 = tpu.memref_slice %arg6[%dma_wait3A_1663, %dma_wait3A_1675, %dma_wait3A_1676] : memref<7x128x64xf32, #tpu.memory_space<vmem>> -> memref<1x128x64xf32, #tpu.memory_space<vmem>>
    %dma_wait3A_1678 = tpu.memref_squeeze %dma_wait3A_1677 : memref<1x128x64xf32, #tpu.memory_space<vmem>> -> memref<128x64xf32, #tpu.memory_space<vmem>>
    tpu.wait_dma2 semaphore(%arg8 : memref<!tpu.dma_semaphore, #tpu.memory_space<semaphore_mem>>) src(%dma_wait3A_1678 : memref<128x64xf32, #tpu.memory_space<vmem>>) dst(%dma_wait3A_1674 : memref<128x64xf32, #tpu.memory_space<hbm>>)
    %slice3A_1679 = vector.extract_strided_slice %get3A_7 {offsets = [12], sizes = [1], strides = [1]} : vector<16xi32> to vector<1xi32>
    %squeeze3A_1680 = vector.extract %slice3A_1679[0] : i32 from vector<1xi32>
    %dma_start3A_1681 = arith.constant 0 : i32
    %dma_start3A_1682 = arith.constant 0 : i32
    %dma_start3A_1683 = arith.constant 0 : i32
    %dma_start3A_1684 = tpu.memref_slice %arg6[%dma_start3A_1681, %dma_start3A_1682, %dma_start3A_1683] : memref<7x128x64xf32, #tpu.memory_space<vmem>> -> memref<1x128x64xf32, #tpu.memory_space<vmem>>
    %dma_start3A_1685 = tpu.memref_squeeze %dma_start3A_1684 : memref<1x128x64xf32, #tpu.memory_space<vmem>> -> memref<128x64xf32, #tpu.memory_space<vmem>>
    %dma_start3A_1686 = arith.constant 0 : i32
    %dma_start3A_1687 = tpu.memref_slice %arg2[%mul3A_2, %squeeze3A_1680, %dma_start3A_1686] : memref<4096x200x64xf32, #tpu.memory_space<hbm>> -> memref<128x1x64xf32, #tpu.memory_space<hbm>>
    %dma_start3A_1688 = tpu.memref_squeeze %dma_start3A_1687 : memref<128x1x64xf32, #tpu.memory_space<hbm>> -> memref<128x64xf32, #tpu.memory_space<hbm>>
    %dma_start3A_1689 = arith.constant 0 : i32
    %dma_start3A_1690 = arith.constant 0 : i32
    %dma_start3A_1691 = tpu.memref_slice %arg6[%dma_start3A_1681, %dma_start3A_1689, %dma_start3A_1690] : memref<7x128x64xf32, #tpu.memory_space<vmem>> -> memref<1x128x64xf32, #tpu.memory_space<vmem>>
    %dma_start3A_1692 = tpu.memref_squeeze %dma_start3A_1691 : memref<1x128x64xf32, #tpu.memory_space<vmem>> -> memref<128x64xf32, #tpu.memory_space<vmem>>
    %dma_start3A_1693 = arith.constant 0 : i32
    %dma_start3A_1694 = tpu.memref_slice %arg2[%mul3A_2, %squeeze3A_1680, %dma_start3A_1693] : memref<4096x200x64xf32, #tpu.memory_space<hbm>> -> memref<128x1x64xf32, #tpu.memory_space<hbm>>
    %dma_start3A_1695 = tpu.memref_squeeze %dma_start3A_1694 : memref<128x1x64xf32, #tpu.memory_space<hbm>> -> memref<128x64xf32, #tpu.memory_space<hbm>>
    tpu.enqueue_dma source(%dma_start3A_1695 : memref<128x64xf32, #tpu.memory_space<hbm>>) target(%dma_start3A_1692 : memref<128x64xf32, #tpu.memory_space<vmem>>) target_semaphore(%arg7 : memref<!tpu.dma_semaphore, #tpu.memory_space<semaphore_mem>>)
    %slice3A_1696 = vector.extract_strided_slice %get3A_7 {offsets = [9], sizes = [1], strides = [1]} : vector<16xi32> to vector<1xi32>
    %squeeze3A_1697 = vector.extract %slice3A_1696[0] : i32 from vector<1xi32>
    %dma_wait3A_1698 = arith.constant 4 : i32
    %dma_wait3A_1699 = arith.constant 0 : i32
    %dma_wait3A_1700 = arith.constant 0 : i32
    %dma_wait3A_1701 = tpu.memref_slice %arg6[%dma_wait3A_1698, %dma_wait3A_1699, %dma_wait3A_1700] : memref<7x128x64xf32, #tpu.memory_space<vmem>> -> memref<1x128x64xf32, #tpu.memory_space<vmem>>
    %dma_wait3A_1702 = tpu.memref_squeeze %dma_wait3A_1701 : memref<1x128x64xf32, #tpu.memory_space<vmem>> -> memref<128x64xf32, #tpu.memory_space<vmem>>
    %dma_wait3A_1703 = arith.constant 0 : i32
    %dma_wait3A_1704 = tpu.memref_slice %arg2[%mul3A_2, %squeeze3A_1697, %dma_wait3A_1703] : memref<4096x200x64xf32, #tpu.memory_space<hbm>> -> memref<128x1x64xf32, #tpu.memory_space<hbm>>
    %dma_wait3A_1705 = tpu.memref_squeeze %dma_wait3A_1704 : memref<128x1x64xf32, #tpu.memory_space<hbm>> -> memref<128x64xf32, #tpu.memory_space<hbm>>
    %dma_wait3A_1706 = arith.constant 0 : i32
    %dma_wait3A_1707 = arith.constant 0 : i32
    %dma_wait3A_1708 = tpu.memref_slice %arg6[%dma_wait3A_1698, %dma_wait3A_1706, %dma_wait3A_1707] : memref<7x128x64xf32, #tpu.memory_space<vmem>> -> memref<1x128x64xf32, #tpu.memory_space<vmem>>
    %dma_wait3A_1709 = tpu.memref_squeeze %dma_wait3A_1708 : memref<1x128x64xf32, #tpu.memory_space<vmem>> -> memref<128x64xf32, #tpu.memory_space<vmem>>
    %dma_wait3A_1710 = arith.constant 0 : i32
    %dma_wait3A_1711 = tpu.memref_slice %arg2[%mul3A_2, %squeeze3A_1697, %dma_wait3A_1710] : memref<4096x200x64xf32, #tpu.memory_space<hbm>> -> memref<128x1x64xf32, #tpu.memory_space<hbm>>
    %dma_wait3A_1712 = tpu.memref_squeeze %dma_wait3A_1711 : memref<128x1x64xf32, #tpu.memory_space<hbm>> -> memref<128x64xf32, #tpu.memory_space<hbm>>
    tpu.wait_dma2 semaphore(%arg7 : memref<!tpu.dma_semaphore, #tpu.memory_space<semaphore_mem>>) src(%dma_wait3A_1712 : memref<128x64xf32, #tpu.memory_space<hbm>>) dst(%dma_wait3A_1709 : memref<128x64xf32, #tpu.memory_space<vmem>>)
    %dma_start3A_1713 = arith.constant 4 : i32
    %dma_start3A_1714 = arith.constant 25 : i32
    %dma_start3A_1715 = arith.constant 0 : i32
    %dma_start3A_1716 = arith.constant 0 : i32
    %dma_start3A_1717 = tpu.memref_slice %arg6[%dma_start3A_1713, %dma_start3A_1715, %dma_start3A_1716] : memref<7x128x64xf32, #tpu.memory_space<vmem>> -> memref<1x128x64xf32, #tpu.memory_space<vmem>>
    %dma_start3A_1718 = tpu.memref_squeeze %dma_start3A_1717 : memref<1x128x64xf32, #tpu.memory_space<vmem>> -> memref<128x64xf32, #tpu.memory_space<vmem>>
    %dma_start3A_1719 = arith.constant 0 : i32
    %dma_start3A_1720 = tpu.memref_slice %arg4[%mul3A_2, %dma_start3A_1714, %dma_start3A_1719] : memref<4096x50x64xf32, #tpu.memory_space<hbm>> -> memref<128x1x64xf32, #tpu.memory_space<hbm>>
    %dma_start3A_1721 = tpu.memref_squeeze %dma_start3A_1720 : memref<128x1x64xf32, #tpu.memory_space<hbm>> -> memref<128x64xf32, #tpu.memory_space<hbm>>
    %dma_start3A_1722 = arith.constant 0 : i32
    %dma_start3A_1723 = tpu.memref_slice %arg4[%mul3A_2, %dma_start3A_1714, %dma_start3A_1722] : memref<4096x50x64xf32, #tpu.memory_space<hbm>> -> memref<128x1x64xf32, #tpu.memory_space<hbm>>
    %dma_start3A_1724 = tpu.memref_squeeze %dma_start3A_1723 : memref<128x1x64xf32, #tpu.memory_space<hbm>> -> memref<128x64xf32, #tpu.memory_space<hbm>>
    %dma_start3A_1725 = arith.constant 0 : i32
    %dma_start3A_1726 = arith.constant 0 : i32
    %dma_start3A_1727 = tpu.memref_slice %arg6[%dma_start3A_1713, %dma_start3A_1725, %dma_start3A_1726] : memref<7x128x64xf32, #tpu.memory_space<vmem>> -> memref<1x128x64xf32, #tpu.memory_space<vmem>>
    %dma_start3A_1728 = tpu.memref_squeeze %dma_start3A_1727 : memref<1x128x64xf32, #tpu.memory_space<vmem>> -> memref<128x64xf32, #tpu.memory_space<vmem>>
    tpu.enqueue_dma source(%dma_start3A_1728 : memref<128x64xf32, #tpu.memory_space<vmem>>) target(%dma_start3A_1724 : memref<128x64xf32, #tpu.memory_space<hbm>>) target_semaphore(%arg8 : memref<!tpu.dma_semaphore, #tpu.memory_space<semaphore_mem>>)
    %dma_wait3A_1729 = arith.constant 2 : i32
    %dma_wait3A_1730 = arith.constant 23 : i32
    %dma_wait3A_1731 = arith.constant 0 : i32
    %dma_wait3A_1732 = arith.constant 0 : i32
    %dma_wait3A_1733 = tpu.memref_slice %arg6[%dma_wait3A_1729, %dma_wait3A_1731, %dma_wait3A_1732] : memref<7x128x64xf32, #tpu.memory_space<vmem>> -> memref<1x128x64xf32, #tpu.memory_space<vmem>>
    %dma_wait3A_1734 = tpu.memref_squeeze %dma_wait3A_1733 : memref<1x128x64xf32, #tpu.memory_space<vmem>> -> memref<128x64xf32, #tpu.memory_space<vmem>>
    %dma_wait3A_1735 = arith.constant 0 : i32
    %dma_wait3A_1736 = tpu.memref_slice %arg4[%mul3A_2, %dma_wait3A_1730, %dma_wait3A_1735] : memref<4096x50x64xf32, #tpu.memory_space<hbm>> -> memref<128x1x64xf32, #tpu.memory_space<hbm>>
    %dma_wait3A_1737 = tpu.memref_squeeze %dma_wait3A_1736 : memref<128x1x64xf32, #tpu.memory_space<hbm>> -> memref<128x64xf32, #tpu.memory_space<hbm>>
    %dma_wait3A_1738 = arith.constant 0 : i32
    %dma_wait3A_1739 = tpu.memref_slice %arg4[%mul3A_2, %dma_wait3A_1730, %dma_wait3A_1738] : memref<4096x50x64xf32, #tpu.memory_space<hbm>> -> memref<128x1x64xf32, #tpu.memory_space<hbm>>
    %dma_wait3A_1740 = tpu.memref_squeeze %dma_wait3A_1739 : memref<128x1x64xf32, #tpu.memory_space<hbm>> -> memref<128x64xf32, #tpu.memory_space<hbm>>
    %dma_wait3A_1741 = arith.constant 0 : i32
    %dma_wait3A_1742 = arith.constant 0 : i32
    %dma_wait3A_1743 = tpu.memref_slice %arg6[%dma_wait3A_1729, %dma_wait3A_1741, %dma_wait3A_1742] : memref<7x128x64xf32, #tpu.memory_space<vmem>> -> memref<1x128x64xf32, #tpu.memory_space<vmem>>
    %dma_wait3A_1744 = tpu.memref_squeeze %dma_wait3A_1743 : memref<1x128x64xf32, #tpu.memory_space<vmem>> -> memref<128x64xf32, #tpu.memory_space<vmem>>
    tpu.wait_dma2 semaphore(%arg8 : memref<!tpu.dma_semaphore, #tpu.memory_space<semaphore_mem>>) src(%dma_wait3A_1744 : memref<128x64xf32, #tpu.memory_space<vmem>>) dst(%dma_wait3A_1740 : memref<128x64xf32, #tpu.memory_space<hbm>>)
    %slice3A_1745 = vector.extract_strided_slice %get3A_7 {offsets = [13], sizes = [1], strides = [1]} : vector<16xi32> to vector<1xi32>
    %squeeze3A_1746 = vector.extract %slice3A_1745[0] : i32 from vector<1xi32>
    %dma_start3A_1747 = arith.constant 1 : i32
    %dma_start3A_1748 = arith.constant 0 : i32
    %dma_start3A_1749 = arith.constant 0 : i32
    %dma_start3A_1750 = tpu.memref_slice %arg6[%dma_start3A_1747, %dma_start3A_1748, %dma_start3A_1749] : memref<7x128x64xf32, #tpu.memory_space<vmem>> -> memref<1x128x64xf32, #tpu.memory_space<vmem>>
    %dma_start3A_1751 = tpu.memref_squeeze %dma_start3A_1750 : memref<1x128x64xf32, #tpu.memory_space<vmem>> -> memref<128x64xf32, #tpu.memory_space<vmem>>
    %dma_start3A_1752 = arith.constant 0 : i32
    %dma_start3A_1753 = tpu.memref_slice %arg2[%mul3A_2, %squeeze3A_1746, %dma_start3A_1752] : memref<4096x200x64xf32, #tpu.memory_space<hbm>> -> memref<128x1x64xf32, #tpu.memory_space<hbm>>
    %dma_start3A_1754 = tpu.memref_squeeze %dma_start3A_1753 : memref<128x1x64xf32, #tpu.memory_space<hbm>> -> memref<128x64xf32, #tpu.memory_space<hbm>>
    %dma_start3A_1755 = arith.constant 0 : i32
    %dma_start3A_1756 = arith.constant 0 : i32
    %dma_start3A_1757 = tpu.memref_slice %arg6[%dma_start3A_1747, %dma_start3A_1755, %dma_start3A_1756] : memref<7x128x64xf32, #tpu.memory_space<vmem>> -> memref<1x128x64xf32, #tpu.memory_space<vmem>>
    %dma_start3A_1758 = tpu.memref_squeeze %dma_start3A_1757 : memref<1x128x64xf32, #tpu.memory_space<vmem>> -> memref<128x64xf32, #tpu.memory_space<vmem>>
    %dma_start3A_1759 = arith.constant 0 : i32
    %dma_start3A_1760 = tpu.memref_slice %arg2[%mul3A_2, %squeeze3A_1746, %dma_start3A_1759] : memref<4096x200x64xf32, #tpu.memory_space<hbm>> -> memref<128x1x64xf32, #tpu.memory_space<hbm>>
    %dma_start3A_1761 = tpu.memref_squeeze %dma_start3A_1760 : memref<128x1x64xf32, #tpu.memory_space<hbm>> -> memref<128x64xf32, #tpu.memory_space<hbm>>
    tpu.enqueue_dma source(%dma_start3A_1761 : memref<128x64xf32, #tpu.memory_space<hbm>>) target(%dma_start3A_1758 : memref<128x64xf32, #tpu.memory_space<vmem>>) target_semaphore(%arg7 : memref<!tpu.dma_semaphore, #tpu.memory_space<semaphore_mem>>)
    %slice3A_1762 = vector.extract_strided_slice %get3A_7 {offsets = [10], sizes = [1], strides = [1]} : vector<16xi32> to vector<1xi32>
    %squeeze3A_1763 = vector.extract %slice3A_1762[0] : i32 from vector<1xi32>
    %dma_wait3A_1764 = arith.constant 5 : i32
    %dma_wait3A_1765 = arith.constant 0 : i32
    %dma_wait3A_1766 = arith.constant 0 : i32
    %dma_wait3A_1767 = tpu.memref_slice %arg6[%dma_wait3A_1764, %dma_wait3A_1765, %dma_wait3A_1766] : memref<7x128x64xf32, #tpu.memory_space<vmem>> -> memref<1x128x64xf32, #tpu.memory_space<vmem>>
    %dma_wait3A_1768 = tpu.memref_squeeze %dma_wait3A_1767 : memref<1x128x64xf32, #tpu.memory_space<vmem>> -> memref<128x64xf32, #tpu.memory_space<vmem>>
    %dma_wait3A_1769 = arith.constant 0 : i32
    %dma_wait3A_1770 = tpu.memref_slice %arg2[%mul3A_2, %squeeze3A_1763, %dma_wait3A_1769] : memref<4096x200x64xf32, #tpu.memory_space<hbm>> -> memref<128x1x64xf32, #tpu.memory_space<hbm>>
    %dma_wait3A_1771 = tpu.memref_squeeze %dma_wait3A_1770 : memref<128x1x64xf32, #tpu.memory_space<hbm>> -> memref<128x64xf32, #tpu.memory_space<hbm>>
    %dma_wait3A_1772 = arith.constant 0 : i32
    %dma_wait3A_1773 = arith.constant 0 : i32
    %dma_wait3A_1774 = tpu.memref_slice %arg6[%dma_wait3A_1764, %dma_wait3A_1772, %dma_wait3A_1773] : memref<7x128x64xf32, #tpu.memory_space<vmem>> -> memref<1x128x64xf32, #tpu.memory_space<vmem>>
    %dma_wait3A_1775 = tpu.memref_squeeze %dma_wait3A_1774 : memref<1x128x64xf32, #tpu.memory_space<vmem>> -> memref<128x64xf32, #tpu.memory_space<vmem>>
    %dma_wait3A_1776 = arith.constant 0 : i32
    %dma_wait3A_1777 = tpu.memref_slice %arg2[%mul3A_2, %squeeze3A_1763, %dma_wait3A_1776] : memref<4096x200x64xf32, #tpu.memory_space<hbm>> -> memref<128x1x64xf32, #tpu.memory_space<hbm>>
    %dma_wait3A_1778 = tpu.memref_squeeze %dma_wait3A_1777 : memref<128x1x64xf32, #tpu.memory_space<hbm>> -> memref<128x64xf32, #tpu.memory_space<hbm>>
    tpu.wait_dma2 semaphore(%arg7 : memref<!tpu.dma_semaphore, #tpu.memory_space<semaphore_mem>>) src(%dma_wait3A_1778 : memref<128x64xf32, #tpu.memory_space<hbm>>) dst(%dma_wait3A_1775 : memref<128x64xf32, #tpu.memory_space<vmem>>)
    %dma_start3A_1779 = arith.constant 5 : i32
    %dma_start3A_1780 = arith.constant 26 : i32
    %dma_start3A_1781 = arith.constant 0 : i32
    %dma_start3A_1782 = arith.constant 0 : i32
    %dma_start3A_1783 = tpu.memref_slice %arg6[%dma_start3A_1779, %dma_start3A_1781, %dma_start3A_1782] : memref<7x128x64xf32, #tpu.memory_space<vmem>> -> memref<1x128x64xf32, #tpu.memory_space<vmem>>
    %dma_start3A_1784 = tpu.memref_squeeze %dma_start3A_1783 : memref<1x128x64xf32, #tpu.memory_space<vmem>> -> memref<128x64xf32, #tpu.memory_space<vmem>>
    %dma_start3A_1785 = arith.constant 0 : i32
    %dma_start3A_1786 = tpu.memref_slice %arg4[%mul3A_2, %dma_start3A_1780, %dma_start3A_1785] : memref<4096x50x64xf32, #tpu.memory_space<hbm>> -> memref<128x1x64xf32, #tpu.memory_space<hbm>>
    %dma_start3A_1787 = tpu.memref_squeeze %dma_start3A_1786 : memref<128x1x64xf32, #tpu.memory_space<hbm>> -> memref<128x64xf32, #tpu.memory_space<hbm>>
    %dma_start3A_1788 = arith.constant 0 : i32
    %dma_start3A_1789 = tpu.memref_slice %arg4[%mul3A_2, %dma_start3A_1780, %dma_start3A_1788] : memref<4096x50x64xf32, #tpu.memory_space<hbm>> -> memref<128x1x64xf32, #tpu.memory_space<hbm>>
    %dma_start3A_1790 = tpu.memref_squeeze %dma_start3A_1789 : memref<128x1x64xf32, #tpu.memory_space<hbm>> -> memref<128x64xf32, #tpu.memory_space<hbm>>
    %dma_start3A_1791 = arith.constant 0 : i32
    %dma_start3A_1792 = arith.constant 0 : i32
    %dma_start3A_1793 = tpu.memref_slice %arg6[%dma_start3A_1779, %dma_start3A_1791, %dma_start3A_1792] : memref<7x128x64xf32, #tpu.memory_space<vmem>> -> memref<1x128x64xf32, #tpu.memory_space<vmem>>
    %dma_start3A_1794 = tpu.memref_squeeze %dma_start3A_1793 : memref<1x128x64xf32, #tpu.memory_space<vmem>> -> memref<128x64xf32, #tpu.memory_space<vmem>>
    tpu.enqueue_dma source(%dma_start3A_1794 : memref<128x64xf32, #tpu.memory_space<vmem>>) target(%dma_start3A_1790 : memref<128x64xf32, #tpu.memory_space<hbm>>) target_semaphore(%arg8 : memref<!tpu.dma_semaphore, #tpu.memory_space<semaphore_mem>>)
    %dma_wait3A_1795 = arith.constant 3 : i32
    %dma_wait3A_1796 = arith.constant 24 : i32
    %dma_wait3A_1797 = arith.constant 0 : i32
    %dma_wait3A_1798 = arith.constant 0 : i32
    %dma_wait3A_1799 = tpu.memref_slice %arg6[%dma_wait3A_1795, %dma_wait3A_1797, %dma_wait3A_1798] : memref<7x128x64xf32, #tpu.memory_space<vmem>> -> memref<1x128x64xf32, #tpu.memory_space<vmem>>
    %dma_wait3A_1800 = tpu.memref_squeeze %dma_wait3A_1799 : memref<1x128x64xf32, #tpu.memory_space<vmem>> -> memref<128x64xf32, #tpu.memory_space<vmem>>
    %dma_wait3A_1801 = arith.constant 0 : i32
    %dma_wait3A_1802 = tpu.memref_slice %arg4[%mul3A_2, %dma_wait3A_1796, %dma_wait3A_1801] : memref<4096x50x64xf32, #tpu.memory_space<hbm>> -> memref<128x1x64xf32, #tpu.memory_space<hbm>>
    %dma_wait3A_1803 = tpu.memref_squeeze %dma_wait3A_1802 : memref<128x1x64xf32, #tpu.memory_space<hbm>> -> memref<128x64xf32, #tpu.memory_space<hbm>>
    %dma_wait3A_1804 = arith.constant 0 : i32
    %dma_wait3A_1805 = tpu.memref_slice %arg4[%mul3A_2, %dma_wait3A_1796, %dma_wait3A_1804] : memref<4096x50x64xf32, #tpu.memory_space<hbm>> -> memref<128x1x64xf32, #tpu.memory_space<hbm>>
    %dma_wait3A_1806 = tpu.memref_squeeze %dma_wait3A_1805 : memref<128x1x64xf32, #tpu.memory_space<hbm>> -> memref<128x64xf32, #tpu.memory_space<hbm>>
    %dma_wait3A_1807 = arith.constant 0 : i32
    %dma_wait3A_1808 = arith.constant 0 : i32
    %dma_wait3A_1809 = tpu.memref_slice %arg6[%dma_wait3A_1795, %dma_wait3A_1807, %dma_wait3A_1808] : memref<7x128x64xf32, #tpu.memory_space<vmem>> -> memref<1x128x64xf32, #tpu.memory_space<vmem>>
    %dma_wait3A_1810 = tpu.memref_squeeze %dma_wait3A_1809 : memref<1x128x64xf32, #tpu.memory_space<vmem>> -> memref<128x64xf32, #tpu.memory_space<vmem>>
    tpu.wait_dma2 semaphore(%arg8 : memref<!tpu.dma_semaphore, #tpu.memory_space<semaphore_mem>>) src(%dma_wait3A_1810 : memref<128x64xf32, #tpu.memory_space<vmem>>) dst(%dma_wait3A_1806 : memref<128x64xf32, #tpu.memory_space<hbm>>)
    %slice3A_1811 = vector.extract_strided_slice %get3A_7 {offsets = [14], sizes = [1], strides = [1]} : vector<16xi32> to vector<1xi32>
    %squeeze3A_1812 = vector.extract %slice3A_1811[0] : i32 from vector<1xi32>
    %dma_start3A_1813 = arith.constant 2 : i32
    %dma_start3A_1814 = arith.constant 0 : i32
    %dma_start3A_1815 = arith.constant 0 : i32
    %dma_start3A_1816 = tpu.memref_slice %arg6[%dma_start3A_1813, %dma_start3A_1814, %dma_start3A_1815] : memref<7x128x64xf32, #tpu.memory_space<vmem>> -> memref<1x128x64xf32, #tpu.memory_space<vmem>>
    %dma_start3A_1817 = tpu.memref_squeeze %dma_start3A_1816 : memref<1x128x64xf32, #tpu.memory_space<vmem>> -> memref<128x64xf32, #tpu.memory_space<vmem>>
    %dma_start3A_1818 = arith.constant 0 : i32
    %dma_start3A_1819 = tpu.memref_slice %arg2[%mul3A_2, %squeeze3A_1812, %dma_start3A_1818] : memref<4096x200x64xf32, #tpu.memory_space<hbm>> -> memref<128x1x64xf32, #tpu.memory_space<hbm>>
    %dma_start3A_1820 = tpu.memref_squeeze %dma_start3A_1819 : memref<128x1x64xf32, #tpu.memory_space<hbm>> -> memref<128x64xf32, #tpu.memory_space<hbm>>
    %dma_start3A_1821 = arith.constant 0 : i32
    %dma_start3A_1822 = arith.constant 0 : i32
    %dma_start3A_1823 = tpu.memref_slice %arg6[%dma_start3A_1813, %dma_start3A_1821, %dma_start3A_1822] : memref<7x128x64xf32, #tpu.memory_space<vmem>> -> memref<1x128x64xf32, #tpu.memory_space<vmem>>
    %dma_start3A_1824 = tpu.memref_squeeze %dma_start3A_1823 : memref<1x128x64xf32, #tpu.memory_space<vmem>> -> memref<128x64xf32, #tpu.memory_space<vmem>>
    %dma_start3A_1825 = arith.constant 0 : i32
    %dma_start3A_1826 = tpu.memref_slice %arg2[%mul3A_2, %squeeze3A_1812, %dma_start3A_1825] : memref<4096x200x64xf32, #tpu.memory_space<hbm>> -> memref<128x1x64xf32, #tpu.memory_space<hbm>>
    %dma_start3A_1827 = tpu.memref_squeeze %dma_start3A_1826 : memref<128x1x64xf32, #tpu.memory_space<hbm>> -> memref<128x64xf32, #tpu.memory_space<hbm>>
    tpu.enqueue_dma source(%dma_start3A_1827 : memref<128x64xf32, #tpu.memory_space<hbm>>) target(%dma_start3A_1824 : memref<128x64xf32, #tpu.memory_space<vmem>>) target_semaphore(%arg7 : memref<!tpu.dma_semaphore, #tpu.memory_space<semaphore_mem>>)
    %slice3A_1828 = vector.extract_strided_slice %get3A_7 {offsets = [11], sizes = [1], strides = [1]} : vector<16xi32> to vector<1xi32>
    %squeeze3A_1829 = vector.extract %slice3A_1828[0] : i32 from vector<1xi32>
    %dma_wait3A_1830 = arith.constant 6 : i32
    %dma_wait3A_1831 = arith.constant 0 : i32
    %dma_wait3A_1832 = arith.constant 0 : i32
    %dma_wait3A_1833 = tpu.memref_slice %arg6[%dma_wait3A_1830, %dma_wait3A_1831, %dma_wait3A_1832] : memref<7x128x64xf32, #tpu.memory_space<vmem>> -> memref<1x128x64xf32, #tpu.memory_space<vmem>>
    %dma_wait3A_1834 = tpu.memref_squeeze %dma_wait3A_1833 : memref<1x128x64xf32, #tpu.memory_space<vmem>> -> memref<128x64xf32, #tpu.memory_space<vmem>>
    %dma_wait3A_1835 = arith.constant 0 : i32
    %dma_wait3A_1836 = tpu.memref_slice %arg2[%mul3A_2, %squeeze3A_1829, %dma_wait3A_1835] : memref<4096x200x64xf32, #tpu.memory_space<hbm>> -> memref<128x1x64xf32, #tpu.memory_space<hbm>>
    %dma_wait3A_1837 = tpu.memref_squeeze %dma_wait3A_1836 : memref<128x1x64xf32, #tpu.memory_space<hbm>> -> memref<128x64xf32, #tpu.memory_space<hbm>>
    %dma_wait3A_1838 = arith.constant 0 : i32
    %dma_wait3A_1839 = arith.constant 0 : i32
    %dma_wait3A_1840 = tpu.memref_slice %arg6[%dma_wait3A_1830, %dma_wait3A_1838, %dma_wait3A_1839] : memref<7x128x64xf32, #tpu.memory_space<vmem>> -> memref<1x128x64xf32, #tpu.memory_space<vmem>>
    %dma_wait3A_1841 = tpu.memref_squeeze %dma_wait3A_1840 : memref<1x128x64xf32, #tpu.memory_space<vmem>> -> memref<128x64xf32, #tpu.memory_space<vmem>>
    %dma_wait3A_1842 = arith.constant 0 : i32
    %dma_wait3A_1843 = tpu.memref_slice %arg2[%mul3A_2, %squeeze3A_1829, %dma_wait3A_1842] : memref<4096x200x64xf32, #tpu.memory_space<hbm>> -> memref<128x1x64xf32, #tpu.memory_space<hbm>>
    %dma_wait3A_1844 = tpu.memref_squeeze %dma_wait3A_1843 : memref<128x1x64xf32, #tpu.memory_space<hbm>> -> memref<128x64xf32, #tpu.memory_space<hbm>>
    tpu.wait_dma2 semaphore(%arg7 : memref<!tpu.dma_semaphore, #tpu.memory_space<semaphore_mem>>) src(%dma_wait3A_1844 : memref<128x64xf32, #tpu.memory_space<hbm>>) dst(%dma_wait3A_1841 : memref<128x64xf32, #tpu.memory_space<vmem>>)
    %dma_start3A_1845 = arith.constant 6 : i32
    %dma_start3A_1846 = arith.constant 27 : i32
    %dma_start3A_1847 = arith.constant 0 : i32
    %dma_start3A_1848 = arith.constant 0 : i32
    %dma_start3A_1849 = tpu.memref_slice %arg6[%dma_start3A_1845, %dma_start3A_1847, %dma_start3A_1848] : memref<7x128x64xf32, #tpu.memory_space<vmem>> -> memref<1x128x64xf32, #tpu.memory_space<vmem>>
    %dma_start3A_1850 = tpu.memref_squeeze %dma_start3A_1849 : memref<1x128x64xf32, #tpu.memory_space<vmem>> -> memref<128x64xf32, #tpu.memory_space<vmem>>
    %dma_start3A_1851 = arith.constant 0 : i32
    %dma_start3A_1852 = tpu.memref_slice %arg4[%mul3A_2, %dma_start3A_1846, %dma_start3A_1851] : memref<4096x50x64xf32, #tpu.memory_space<hbm>> -> memref<128x1x64xf32, #tpu.memory_space<hbm>>
    %dma_start3A_1853 = tpu.memref_squeeze %dma_start3A_1852 : memref<128x1x64xf32, #tpu.memory_space<hbm>> -> memref<128x64xf32, #tpu.memory_space<hbm>>
    %dma_start3A_1854 = arith.constant 0 : i32
    %dma_start3A_1855 = tpu.memref_slice %arg4[%mul3A_2, %dma_start3A_1846, %dma_start3A_1854] : memref<4096x50x64xf32, #tpu.memory_space<hbm>> -> memref<128x1x64xf32, #tpu.memory_space<hbm>>
    %dma_start3A_1856 = tpu.memref_squeeze %dma_start3A_1855 : memref<128x1x64xf32, #tpu.memory_space<hbm>> -> memref<128x64xf32, #tpu.memory_space<hbm>>
    %dma_start3A_1857 = arith.constant 0 : i32
    %dma_start3A_1858 = arith.constant 0 : i32
    %dma_start3A_1859 = tpu.memref_slice %arg6[%dma_start3A_1845, %dma_start3A_1857, %dma_start3A_1858] : memref<7x128x64xf32, #tpu.memory_space<vmem>> -> memref<1x128x64xf32, #tpu.memory_space<vmem>>
    %dma_start3A_1860 = tpu.memref_squeeze %dma_start3A_1859 : memref<1x128x64xf32, #tpu.memory_space<vmem>> -> memref<128x64xf32, #tpu.memory_space<vmem>>
    tpu.enqueue_dma source(%dma_start3A_1860 : memref<128x64xf32, #tpu.memory_space<vmem>>) target(%dma_start3A_1856 : memref<128x64xf32, #tpu.memory_space<hbm>>) target_semaphore(%arg8 : memref<!tpu.dma_semaphore, #tpu.memory_space<semaphore_mem>>)
    %dma_wait3A_1861 = arith.constant 4 : i32
    %dma_wait3A_1862 = arith.constant 25 : i32
    %dma_wait3A_1863 = arith.constant 0 : i32
    %dma_wait3A_1864 = arith.constant 0 : i32
    %dma_wait3A_1865 = tpu.memref_slice %arg6[%dma_wait3A_1861, %dma_wait3A_1863, %dma_wait3A_1864] : memref<7x128x64xf32, #tpu.memory_space<vmem>> -> memref<1x128x64xf32, #tpu.memory_space<vmem>>
    %dma_wait3A_1866 = tpu.memref_squeeze %dma_wait3A_1865 : memref<1x128x64xf32, #tpu.memory_space<vmem>> -> memref<128x64xf32, #tpu.memory_space<vmem>>
    %dma_wait3A_1867 = arith.constant 0 : i32
    %dma_wait3A_1868 = tpu.memref_slice %arg4[%mul3A_2, %dma_wait3A_1862, %dma_wait3A_1867] : memref<4096x50x64xf32, #tpu.memory_space<hbm>> -> memref<128x1x64xf32, #tpu.memory_space<hbm>>
    %dma_wait3A_1869 = tpu.memref_squeeze %dma_wait3A_1868 : memref<128x1x64xf32, #tpu.memory_space<hbm>> -> memref<128x64xf32, #tpu.memory_space<hbm>>
    %dma_wait3A_1870 = arith.constant 0 : i32
    %dma_wait3A_1871 = tpu.memref_slice %arg4[%mul3A_2, %dma_wait3A_1862, %dma_wait3A_1870] : memref<4096x50x64xf32, #tpu.memory_space<hbm>> -> memref<128x1x64xf32, #tpu.memory_space<hbm>>
    %dma_wait3A_1872 = tpu.memref_squeeze %dma_wait3A_1871 : memref<128x1x64xf32, #tpu.memory_space<hbm>> -> memref<128x64xf32, #tpu.memory_space<hbm>>
    %dma_wait3A_1873 = arith.constant 0 : i32
    %dma_wait3A_1874 = arith.constant 0 : i32
    %dma_wait3A_1875 = tpu.memref_slice %arg6[%dma_wait3A_1861, %dma_wait3A_1873, %dma_wait3A_1874] : memref<7x128x64xf32, #tpu.memory_space<vmem>> -> memref<1x128x64xf32, #tpu.memory_space<vmem>>
    %dma_wait3A_1876 = tpu.memref_squeeze %dma_wait3A_1875 : memref<1x128x64xf32, #tpu.memory_space<vmem>> -> memref<128x64xf32, #tpu.memory_space<vmem>>
    tpu.wait_dma2 semaphore(%arg8 : memref<!tpu.dma_semaphore, #tpu.memory_space<semaphore_mem>>) src(%dma_wait3A_1876 : memref<128x64xf32, #tpu.memory_space<vmem>>) dst(%dma_wait3A_1872 : memref<128x64xf32, #tpu.memory_space<hbm>>)
    %slice3A_1877 = vector.extract_strided_slice %get3A_7 {offsets = [15], sizes = [1], strides = [1]} : vector<16xi32> to vector<1xi32>
    %squeeze3A_1878 = vector.extract %slice3A_1877[0] : i32 from vector<1xi32>
    %dma_start3A_1879 = arith.constant 3 : i32
    %dma_start3A_1880 = arith.constant 0 : i32
    %dma_start3A_1881 = arith.constant 0 : i32
    %dma_start3A_1882 = tpu.memref_slice %arg6[%dma_start3A_1879, %dma_start3A_1880, %dma_start3A_1881] : memref<7x128x64xf32, #tpu.memory_space<vmem>> -> memref<1x128x64xf32, #tpu.memory_space<vmem>>
    %dma_start3A_1883 = tpu.memref_squeeze %dma_start3A_1882 : memref<1x128x64xf32, #tpu.memory_space<vmem>> -> memref<128x64xf32, #tpu.memory_space<vmem>>
    %dma_start3A_1884 = arith.constant 0 : i32
    %dma_start3A_1885 = tpu.memref_slice %arg2[%mul3A_2, %squeeze3A_1878, %dma_start3A_1884] : memref<4096x200x64xf32, #tpu.memory_space<hbm>> -> memref<128x1x64xf32, #tpu.memory_space<hbm>>
    %dma_start3A_1886 = tpu.memref_squeeze %dma_start3A_1885 : memref<128x1x64xf32, #tpu.memory_space<hbm>> -> memref<128x64xf32, #tpu.memory_space<hbm>>
    %dma_start3A_1887 = arith.constant 0 : i32
    %dma_start3A_1888 = arith.constant 0 : i32
    %dma_start3A_1889 = tpu.memref_slice %arg6[%dma_start3A_1879, %dma_start3A_1887, %dma_start3A_1888] : memref<7x128x64xf32, #tpu.memory_space<vmem>> -> memref<1x128x64xf32, #tpu.memory_space<vmem>>
    %dma_start3A_1890 = tpu.memref_squeeze %dma_start3A_1889 : memref<1x128x64xf32, #tpu.memory_space<vmem>> -> memref<128x64xf32, #tpu.memory_space<vmem>>
    %dma_start3A_1891 = arith.constant 0 : i32
    %dma_start3A_1892 = tpu.memref_slice %arg2[%mul3A_2, %squeeze3A_1878, %dma_start3A_1891] : memref<4096x200x64xf32, #tpu.memory_space<hbm>> -> memref<128x1x64xf32, #tpu.memory_space<hbm>>
    %dma_start3A_1893 = tpu.memref_squeeze %dma_start3A_1892 : memref<128x1x64xf32, #tpu.memory_space<hbm>> -> memref<128x64xf32, #tpu.memory_space<hbm>>
    tpu.enqueue_dma source(%dma_start3A_1893 : memref<128x64xf32, #tpu.memory_space<hbm>>) target(%dma_start3A_1890 : memref<128x64xf32, #tpu.memory_space<vmem>>) target_semaphore(%arg7 : memref<!tpu.dma_semaphore, #tpu.memory_space<semaphore_mem>>)
    %slice3A_1894 = vector.extract_strided_slice %get3A_7 {offsets = [12], sizes = [1], strides = [1]} : vector<16xi32> to vector<1xi32>
    %squeeze3A_1895 = vector.extract %slice3A_1894[0] : i32 from vector<1xi32>
    %dma_wait3A_1896 = arith.constant 0 : i32
    %dma_wait3A_1897 = arith.constant 0 : i32
    %dma_wait3A_1898 = arith.constant 0 : i32
    %dma_wait3A_1899 = tpu.memref_slice %arg6[%dma_wait3A_1896, %dma_wait3A_1897, %dma_wait3A_1898] : memref<7x128x64xf32, #tpu.memory_space<vmem>> -> memref<1x128x64xf32, #tpu.memory_space<vmem>>
    %dma_wait3A_1900 = tpu.memref_squeeze %dma_wait3A_1899 : memref<1x128x64xf32, #tpu.memory_space<vmem>> -> memref<128x64xf32, #tpu.memory_space<vmem>>
    %dma_wait3A_1901 = arith.constant 0 : i32
    %dma_wait3A_1902 = tpu.memref_slice %arg2[%mul3A_2, %squeeze3A_1895, %dma_wait3A_1901] : memref<4096x200x64xf32, #tpu.memory_space<hbm>> -> memref<128x1x64xf32, #tpu.memory_space<hbm>>
    %dma_wait3A_1903 = tpu.memref_squeeze %dma_wait3A_1902 : memref<128x1x64xf32, #tpu.memory_space<hbm>> -> memref<128x64xf32, #tpu.memory_space<hbm>>
    %dma_wait3A_1904 = arith.constant 0 : i32
    %dma_wait3A_1905 = arith.constant 0 : i32
    %dma_wait3A_1906 = tpu.memref_slice %arg6[%dma_wait3A_1896, %dma_wait3A_1904, %dma_wait3A_1905] : memref<7x128x64xf32, #tpu.memory_space<vmem>> -> memref<1x128x64xf32, #tpu.memory_space<vmem>>
    %dma_wait3A_1907 = tpu.memref_squeeze %dma_wait3A_1906 : memref<1x128x64xf32, #tpu.memory_space<vmem>> -> memref<128x64xf32, #tpu.memory_space<vmem>>
    %dma_wait3A_1908 = arith.constant 0 : i32
    %dma_wait3A_1909 = tpu.memref_slice %arg2[%mul3A_2, %squeeze3A_1895, %dma_wait3A_1908] : memref<4096x200x64xf32, #tpu.memory_space<hbm>> -> memref<128x1x64xf32, #tpu.memory_space<hbm>>
    %dma_wait3A_1910 = tpu.memref_squeeze %dma_wait3A_1909 : memref<128x1x64xf32, #tpu.memory_space<hbm>> -> memref<128x64xf32, #tpu.memory_space<hbm>>
    tpu.wait_dma2 semaphore(%arg7 : memref<!tpu.dma_semaphore, #tpu.memory_space<semaphore_mem>>) src(%dma_wait3A_1910 : memref<128x64xf32, #tpu.memory_space<hbm>>) dst(%dma_wait3A_1907 : memref<128x64xf32, #tpu.memory_space<vmem>>)
    %dma_start3A_1911 = arith.constant 0 : i32
    %dma_start3A_1912 = arith.constant 28 : i32
    %dma_start3A_1913 = arith.constant 0 : i32
    %dma_start3A_1914 = arith.constant 0 : i32
    %dma_start3A_1915 = tpu.memref_slice %arg6[%dma_start3A_1911, %dma_start3A_1913, %dma_start3A_1914] : memref<7x128x64xf32, #tpu.memory_space<vmem>> -> memref<1x128x64xf32, #tpu.memory_space<vmem>>
    %dma_start3A_1916 = tpu.memref_squeeze %dma_start3A_1915 : memref<1x128x64xf32, #tpu.memory_space<vmem>> -> memref<128x64xf32, #tpu.memory_space<vmem>>
    %dma_start3A_1917 = arith.constant 0 : i32
    %dma_start3A_1918 = tpu.memref_slice %arg4[%mul3A_2, %dma_start3A_1912, %dma_start3A_1917] : memref<4096x50x64xf32, #tpu.memory_space<hbm>> -> memref<128x1x64xf32, #tpu.memory_space<hbm>>
    %dma_start3A_1919 = tpu.memref_squeeze %dma_start3A_1918 : memref<128x1x64xf32, #tpu.memory_space<hbm>> -> memref<128x64xf32, #tpu.memory_space<hbm>>
    %dma_start3A_1920 = arith.constant 0 : i32
    %dma_start3A_1921 = tpu.memref_slice %arg4[%mul3A_2, %dma_start3A_1912, %dma_start3A_1920] : memref<4096x50x64xf32, #tpu.memory_space<hbm>> -> memref<128x1x64xf32, #tpu.memory_space<hbm>>
    %dma_start3A_1922 = tpu.memref_squeeze %dma_start3A_1921 : memref<128x1x64xf32, #tpu.memory_space<hbm>> -> memref<128x64xf32, #tpu.memory_space<hbm>>
    %dma_start3A_1923 = arith.constant 0 : i32
    %dma_start3A_1924 = arith.constant 0 : i32
    %dma_start3A_1925 = tpu.memref_slice %arg6[%dma_start3A_1911, %dma_start3A_1923, %dma_start3A_1924] : memref<7x128x64xf32, #tpu.memory_space<vmem>> -> memref<1x128x64xf32, #tpu.memory_space<vmem>>
    %dma_start3A_1926 = tpu.memref_squeeze %dma_start3A_1925 : memref<1x128x64xf32, #tpu.memory_space<vmem>> -> memref<128x64xf32, #tpu.memory_space<vmem>>
    tpu.enqueue_dma source(%dma_start3A_1926 : memref<128x64xf32, #tpu.memory_space<vmem>>) target(%dma_start3A_1922 : memref<128x64xf32, #tpu.memory_space<hbm>>) target_semaphore(%arg8 : memref<!tpu.dma_semaphore, #tpu.memory_space<semaphore_mem>>)
    %dma_wait3A_1927 = arith.constant 5 : i32
    %dma_wait3A_1928 = arith.constant 26 : i32
    %dma_wait3A_1929 = arith.constant 0 : i32
    %dma_wait3A_1930 = arith.constant 0 : i32
    %dma_wait3A_1931 = tpu.memref_slice %arg6[%dma_wait3A_1927, %dma_wait3A_1929, %dma_wait3A_1930] : memref<7x128x64xf32, #tpu.memory_space<vmem>> -> memref<1x128x64xf32, #tpu.memory_space<vmem>>
    %dma_wait3A_1932 = tpu.memref_squeeze %dma_wait3A_1931 : memref<1x128x64xf32, #tpu.memory_space<vmem>> -> memref<128x64xf32, #tpu.memory_space<vmem>>
    %dma_wait3A_1933 = arith.constant 0 : i32
    %dma_wait3A_1934 = tpu.memref_slice %arg4[%mul3A_2, %dma_wait3A_1928, %dma_wait3A_1933] : memref<4096x50x64xf32, #tpu.memory_space<hbm>> -> memref<128x1x64xf32, #tpu.memory_space<hbm>>
    %dma_wait3A_1935 = tpu.memref_squeeze %dma_wait3A_1934 : memref<128x1x64xf32, #tpu.memory_space<hbm>> -> memref<128x64xf32, #tpu.memory_space<hbm>>
    %dma_wait3A_1936 = arith.constant 0 : i32
    %dma_wait3A_1937 = tpu.memref_slice %arg4[%mul3A_2, %dma_wait3A_1928, %dma_wait3A_1936] : memref<4096x50x64xf32, #tpu.memory_space<hbm>> -> memref<128x1x64xf32, #tpu.memory_space<hbm>>
    %dma_wait3A_1938 = tpu.memref_squeeze %dma_wait3A_1937 : memref<128x1x64xf32, #tpu.memory_space<hbm>> -> memref<128x64xf32, #tpu.memory_space<hbm>>
    %dma_wait3A_1939 = arith.constant 0 : i32
    %dma_wait3A_1940 = arith.constant 0 : i32
    %dma_wait3A_1941 = tpu.memref_slice %arg6[%dma_wait3A_1927, %dma_wait3A_1939, %dma_wait3A_1940] : memref<7x128x64xf32, #tpu.memory_space<vmem>> -> memref<1x128x64xf32, #tpu.memory_space<vmem>>
    %dma_wait3A_1942 = tpu.memref_squeeze %dma_wait3A_1941 : memref<1x128x64xf32, #tpu.memory_space<vmem>> -> memref<128x64xf32, #tpu.memory_space<vmem>>
    tpu.wait_dma2 semaphore(%arg8 : memref<!tpu.dma_semaphore, #tpu.memory_space<semaphore_mem>>) src(%dma_wait3A_1942 : memref<128x64xf32, #tpu.memory_space<vmem>>) dst(%dma_wait3A_1938 : memref<128x64xf32, #tpu.memory_space<hbm>>)
    %slice3A_1943 = vector.extract_strided_slice %get3A_10 {offsets = [0], sizes = [1], strides = [1]} : vector<16xi32> to vector<1xi32>
    %squeeze3A_1944 = vector.extract %slice3A_1943[0] : i32 from vector<1xi32>
    %dma_start3A_1945 = arith.constant 4 : i32
    %dma_start3A_1946 = arith.constant 0 : i32
    %dma_start3A_1947 = arith.constant 0 : i32
    %dma_start3A_1948 = tpu.memref_slice %arg6[%dma_start3A_1945, %dma_start3A_1946, %dma_start3A_1947] : memref<7x128x64xf32, #tpu.memory_space<vmem>> -> memref<1x128x64xf32, #tpu.memory_space<vmem>>
    %dma_start3A_1949 = tpu.memref_squeeze %dma_start3A_1948 : memref<1x128x64xf32, #tpu.memory_space<vmem>> -> memref<128x64xf32, #tpu.memory_space<vmem>>
    %dma_start3A_1950 = arith.constant 0 : i32
    %dma_start3A_1951 = tpu.memref_slice %arg2[%mul3A_2, %squeeze3A_1944, %dma_start3A_1950] : memref<4096x200x64xf32, #tpu.memory_space<hbm>> -> memref<128x1x64xf32, #tpu.memory_space<hbm>>
    %dma_start3A_1952 = tpu.memref_squeeze %dma_start3A_1951 : memref<128x1x64xf32, #tpu.memory_space<hbm>> -> memref<128x64xf32, #tpu.memory_space<hbm>>
    %dma_start3A_1953 = arith.constant 0 : i32
    %dma_start3A_1954 = arith.constant 0 : i32
    %dma_start3A_1955 = tpu.memref_slice %arg6[%dma_start3A_1945, %dma_start3A_1953, %dma_start3A_1954] : memref<7x128x64xf32, #tpu.memory_space<vmem>> -> memref<1x128x64xf32, #tpu.memory_space<vmem>>
    %dma_start3A_1956 = tpu.memref_squeeze %dma_start3A_1955 : memref<1x128x64xf32, #tpu.memory_space<vmem>> -> memref<128x64xf32, #tpu.memory_space<vmem>>
    %dma_start3A_1957 = arith.constant 0 : i32
    %dma_start3A_1958 = tpu.memref_slice %arg2[%mul3A_2, %squeeze3A_1944, %dma_start3A_1957] : memref<4096x200x64xf32, #tpu.memory_space<hbm>> -> memref<128x1x64xf32, #tpu.memory_space<hbm>>
    %dma_start3A_1959 = tpu.memref_squeeze %dma_start3A_1958 : memref<128x1x64xf32, #tpu.memory_space<hbm>> -> memref<128x64xf32, #tpu.memory_space<hbm>>
    tpu.enqueue_dma source(%dma_start3A_1959 : memref<128x64xf32, #tpu.memory_space<hbm>>) target(%dma_start3A_1956 : memref<128x64xf32, #tpu.memory_space<vmem>>) target_semaphore(%arg7 : memref<!tpu.dma_semaphore, #tpu.memory_space<semaphore_mem>>)
    %slice3A_1960 = vector.extract_strided_slice %get3A_7 {offsets = [13], sizes = [1], strides = [1]} : vector<16xi32> to vector<1xi32>
    %squeeze3A_1961 = vector.extract %slice3A_1960[0] : i32 from vector<1xi32>
    %dma_wait3A_1962 = arith.constant 1 : i32
    %dma_wait3A_1963 = arith.constant 0 : i32
    %dma_wait3A_1964 = arith.constant 0 : i32
    %dma_wait3A_1965 = tpu.memref_slice %arg6[%dma_wait3A_1962, %dma_wait3A_1963, %dma_wait3A_1964] : memref<7x128x64xf32, #tpu.memory_space<vmem>> -> memref<1x128x64xf32, #tpu.memory_space<vmem>>
    %dma_wait3A_1966 = tpu.memref_squeeze %dma_wait3A_1965 : memref<1x128x64xf32, #tpu.memory_space<vmem>> -> memref<128x64xf32, #tpu.memory_space<vmem>>
    %dma_wait3A_1967 = arith.constant 0 : i32
    %dma_wait3A_1968 = tpu.memref_slice %arg2[%mul3A_2, %squeeze3A_1961, %dma_wait3A_1967] : memref<4096x200x64xf32, #tpu.memory_space<hbm>> -> memref<128x1x64xf32, #tpu.memory_space<hbm>>
    %dma_wait3A_1969 = tpu.memref_squeeze %dma_wait3A_1968 : memref<128x1x64xf32, #tpu.memory_space<hbm>> -> memref<128x64xf32, #tpu.memory_space<hbm>>
    %dma_wait3A_1970 = arith.constant 0 : i32
    %dma_wait3A_1971 = arith.constant 0 : i32
    %dma_wait3A_1972 = tpu.memref_slice %arg6[%dma_wait3A_1962, %dma_wait3A_1970, %dma_wait3A_1971] : memref<7x128x64xf32, #tpu.memory_space<vmem>> -> memref<1x128x64xf32, #tpu.memory_space<vmem>>
    %dma_wait3A_1973 = tpu.memref_squeeze %dma_wait3A_1972 : memref<1x128x64xf32, #tpu.memory_space<vmem>> -> memref<128x64xf32, #tpu.memory_space<vmem>>
    %dma_wait3A_1974 = arith.constant 0 : i32
    %dma_wait3A_1975 = tpu.memref_slice %arg2[%mul3A_2, %squeeze3A_1961, %dma_wait3A_1974] : memref<4096x200x64xf32, #tpu.memory_space<hbm>> -> memref<128x1x64xf32, #tpu.memory_space<hbm>>
    %dma_wait3A_1976 = tpu.memref_squeeze %dma_wait3A_1975 : memref<128x1x64xf32, #tpu.memory_space<hbm>> -> memref<128x64xf32, #tpu.memory_space<hbm>>
    tpu.wait_dma2 semaphore(%arg7 : memref<!tpu.dma_semaphore, #tpu.memory_space<semaphore_mem>>) src(%dma_wait3A_1976 : memref<128x64xf32, #tpu.memory_space<hbm>>) dst(%dma_wait3A_1973 : memref<128x64xf32, #tpu.memory_space<vmem>>)
    %dma_start3A_1977 = arith.constant 1 : i32
    %dma_start3A_1978 = arith.constant 29 : i32
    %dma_start3A_1979 = arith.constant 0 : i32
    %dma_start3A_1980 = arith.constant 0 : i32
    %dma_start3A_1981 = tpu.memref_slice %arg6[%dma_start3A_1977, %dma_start3A_1979, %dma_start3A_1980] : memref<7x128x64xf32, #tpu.memory_space<vmem>> -> memref<1x128x64xf32, #tpu.memory_space<vmem>>
    %dma_start3A_1982 = tpu.memref_squeeze %dma_start3A_1981 : memref<1x128x64xf32, #tpu.memory_space<vmem>> -> memref<128x64xf32, #tpu.memory_space<vmem>>
    %dma_start3A_1983 = arith.constant 0 : i32
    %dma_start3A_1984 = tpu.memref_slice %arg4[%mul3A_2, %dma_start3A_1978, %dma_start3A_1983] : memref<4096x50x64xf32, #tpu.memory_space<hbm>> -> memref<128x1x64xf32, #tpu.memory_space<hbm>>
    %dma_start3A_1985 = tpu.memref_squeeze %dma_start3A_1984 : memref<128x1x64xf32, #tpu.memory_space<hbm>> -> memref<128x64xf32, #tpu.memory_space<hbm>>
    %dma_start3A_1986 = arith.constant 0 : i32
    %dma_start3A_1987 = tpu.memref_slice %arg4[%mul3A_2, %dma_start3A_1978, %dma_start3A_1986] : memref<4096x50x64xf32, #tpu.memory_space<hbm>> -> memref<128x1x64xf32, #tpu.memory_space<hbm>>
    %dma_start3A_1988 = tpu.memref_squeeze %dma_start3A_1987 : memref<128x1x64xf32, #tpu.memory_space<hbm>> -> memref<128x64xf32, #tpu.memory_space<hbm>>
    %dma_start3A_1989 = arith.constant 0 : i32
    %dma_start3A_1990 = arith.constant 0 : i32
    %dma_start3A_1991 = tpu.memref_slice %arg6[%dma_start3A_1977, %dma_start3A_1989, %dma_start3A_1990] : memref<7x128x64xf32, #tpu.memory_space<vmem>> -> memref<1x128x64xf32, #tpu.memory_space<vmem>>
    %dma_start3A_1992 = tpu.memref_squeeze %dma_start3A_1991 : memref<1x128x64xf32, #tpu.memory_space<vmem>> -> memref<128x64xf32, #tpu.memory_space<vmem>>
    tpu.enqueue_dma source(%dma_start3A_1992 : memref<128x64xf32, #tpu.memory_space<vmem>>) target(%dma_start3A_1988 : memref<128x64xf32, #tpu.memory_space<hbm>>) target_semaphore(%arg8 : memref<!tpu.dma_semaphore, #tpu.memory_space<semaphore_mem>>)
    %dma_wait3A_1993 = arith.constant 6 : i32
    %dma_wait3A_1994 = arith.constant 27 : i32
    %dma_wait3A_1995 = arith.constant 0 : i32
    %dma_wait3A_1996 = arith.constant 0 : i32
    %dma_wait3A_1997 = tpu.memref_slice %arg6[%dma_wait3A_1993, %dma_wait3A_1995, %dma_wait3A_1996] : memref<7x128x64xf32, #tpu.memory_space<vmem>> -> memref<1x128x64xf32, #tpu.memory_space<vmem>>
    %dma_wait3A_1998 = tpu.memref_squeeze %dma_wait3A_1997 : memref<1x128x64xf32, #tpu.memory_space<vmem>> -> memref<128x64xf32, #tpu.memory_space<vmem>>
    %dma_wait3A_1999 = arith.constant 0 : i32
    %dma_wait3A_2000 = tpu.memref_slice %arg4[%mul3A_2, %dma_wait3A_1994, %dma_wait3A_1999] : memref<4096x50x64xf32, #tpu.memory_space<hbm>> -> memref<128x1x64xf32, #tpu.memory_space<hbm>>
    %dma_wait3A_2001 = tpu.memref_squeeze %dma_wait3A_2000 : memref<128x1x64xf32, #tpu.memory_space<hbm>> -> memref<128x64xf32, #tpu.memory_space<hbm>>
    %dma_wait3A_2002 = arith.constant 0 : i32
    %dma_wait3A_2003 = tpu.memref_slice %arg4[%mul3A_2, %dma_wait3A_1994, %dma_wait3A_2002] : memref<4096x50x64xf32, #tpu.memory_space<hbm>> -> memref<128x1x64xf32, #tpu.memory_space<hbm>>
    %dma_wait3A_2004 = tpu.memref_squeeze %dma_wait3A_2003 : memref<128x1x64xf32, #tpu.memory_space<hbm>> -> memref<128x64xf32, #tpu.memory_space<hbm>>
    %dma_wait3A_2005 = arith.constant 0 : i32
    %dma_wait3A_2006 = arith.constant 0 : i32
    %dma_wait3A_2007 = tpu.memref_slice %arg6[%dma_wait3A_1993, %dma_wait3A_2005, %dma_wait3A_2006] : memref<7x128x64xf32, #tpu.memory_space<vmem>> -> memref<1x128x64xf32, #tpu.memory_space<vmem>>
    %dma_wait3A_2008 = tpu.memref_squeeze %dma_wait3A_2007 : memref<1x128x64xf32, #tpu.memory_space<vmem>> -> memref<128x64xf32, #tpu.memory_space<vmem>>
    tpu.wait_dma2 semaphore(%arg8 : memref<!tpu.dma_semaphore, #tpu.memory_space<semaphore_mem>>) src(%dma_wait3A_2008 : memref<128x64xf32, #tpu.memory_space<vmem>>) dst(%dma_wait3A_2004 : memref<128x64xf32, #tpu.memory_space<hbm>>)
    %slice3A_2009 = vector.extract_strided_slice %get3A_10 {offsets = [1], sizes = [1], strides = [1]} : vector<16xi32> to vector<1xi32>
    %squeeze3A_2010 = vector.extract %slice3A_2009[0] : i32 from vector<1xi32>
    %dma_start3A_2011 = arith.constant 5 : i32
    %dma_start3A_2012 = arith.constant 0 : i32
    %dma_start3A_2013 = arith.constant 0 : i32
    %dma_start3A_2014 = tpu.memref_slice %arg6[%dma_start3A_2011, %dma_start3A_2012, %dma_start3A_2013] : memref<7x128x64xf32, #tpu.memory_space<vmem>> -> memref<1x128x64xf32, #tpu.memory_space<vmem>>
    %dma_start3A_2015 = tpu.memref_squeeze %dma_start3A_2014 : memref<1x128x64xf32, #tpu.memory_space<vmem>> -> memref<128x64xf32, #tpu.memory_space<vmem>>
    %dma_start3A_2016 = arith.constant 0 : i32
    %dma_start3A_2017 = tpu.memref_slice %arg2[%mul3A_2, %squeeze3A_2010, %dma_start3A_2016] : memref<4096x200x64xf32, #tpu.memory_space<hbm>> -> memref<128x1x64xf32, #tpu.memory_space<hbm>>
    %dma_start3A_2018 = tpu.memref_squeeze %dma_start3A_2017 : memref<128x1x64xf32, #tpu.memory_space<hbm>> -> memref<128x64xf32, #tpu.memory_space<hbm>>
    %dma_start3A_2019 = arith.constant 0 : i32
    %dma_start3A_2020 = arith.constant 0 : i32
    %dma_start3A_2021 = tpu.memref_slice %arg6[%dma_start3A_2011, %dma_start3A_2019, %dma_start3A_2020] : memref<7x128x64xf32, #tpu.memory_space<vmem>> -> memref<1x128x64xf32, #tpu.memory_space<vmem>>
    %dma_start3A_2022 = tpu.memref_squeeze %dma_start3A_2021 : memref<1x128x64xf32, #tpu.memory_space<vmem>> -> memref<128x64xf32, #tpu.memory_space<vmem>>
    %dma_start3A_2023 = arith.constant 0 : i32
    %dma_start3A_2024 = tpu.memref_slice %arg2[%mul3A_2, %squeeze3A_2010, %dma_start3A_2023] : memref<4096x200x64xf32, #tpu.memory_space<hbm>> -> memref<128x1x64xf32, #tpu.memory_space<hbm>>
    %dma_start3A_2025 = tpu.memref_squeeze %dma_start3A_2024 : memref<128x1x64xf32, #tpu.memory_space<hbm>> -> memref<128x64xf32, #tpu.memory_space<hbm>>
    tpu.enqueue_dma source(%dma_start3A_2025 : memref<128x64xf32, #tpu.memory_space<hbm>>) target(%dma_start3A_2022 : memref<128x64xf32, #tpu.memory_space<vmem>>) target_semaphore(%arg7 : memref<!tpu.dma_semaphore, #tpu.memory_space<semaphore_mem>>)
    %slice3A_2026 = vector.extract_strided_slice %get3A_7 {offsets = [14], sizes = [1], strides = [1]} : vector<16xi32> to vector<1xi32>
    %squeeze3A_2027 = vector.extract %slice3A_2026[0] : i32 from vector<1xi32>
    %dma_wait3A_2028 = arith.constant 2 : i32
    %dma_wait3A_2029 = arith.constant 0 : i32
    %dma_wait3A_2030 = arith.constant 0 : i32
    %dma_wait3A_2031 = tpu.memref_slice %arg6[%dma_wait3A_2028, %dma_wait3A_2029, %dma_wait3A_2030] : memref<7x128x64xf32, #tpu.memory_space<vmem>> -> memref<1x128x64xf32, #tpu.memory_space<vmem>>
    %dma_wait3A_2032 = tpu.memref_squeeze %dma_wait3A_2031 : memref<1x128x64xf32, #tpu.memory_space<vmem>> -> memref<128x64xf32, #tpu.memory_space<vmem>>
    %dma_wait3A_2033 = arith.constant 0 : i32
    %dma_wait3A_2034 = tpu.memref_slice %arg2[%mul3A_2, %squeeze3A_2027, %dma_wait3A_2033] : memref<4096x200x64xf32, #tpu.memory_space<hbm>> -> memref<128x1x64xf32, #tpu.memory_space<hbm>>
    %dma_wait3A_2035 = tpu.memref_squeeze %dma_wait3A_2034 : memref<128x1x64xf32, #tpu.memory_space<hbm>> -> memref<128x64xf32, #tpu.memory_space<hbm>>
    %dma_wait3A_2036 = arith.constant 0 : i32
    %dma_wait3A_2037 = arith.constant 0 : i32
    %dma_wait3A_2038 = tpu.memref_slice %arg6[%dma_wait3A_2028, %dma_wait3A_2036, %dma_wait3A_2037] : memref<7x128x64xf32, #tpu.memory_space<vmem>> -> memref<1x128x64xf32, #tpu.memory_space<vmem>>
    %dma_wait3A_2039 = tpu.memref_squeeze %dma_wait3A_2038 : memref<1x128x64xf32, #tpu.memory_space<vmem>> -> memref<128x64xf32, #tpu.memory_space<vmem>>
    %dma_wait3A_2040 = arith.constant 0 : i32
    %dma_wait3A_2041 = tpu.memref_slice %arg2[%mul3A_2, %squeeze3A_2027, %dma_wait3A_2040] : memref<4096x200x64xf32, #tpu.memory_space<hbm>> -> memref<128x1x64xf32, #tpu.memory_space<hbm>>
    %dma_wait3A_2042 = tpu.memref_squeeze %dma_wait3A_2041 : memref<128x1x64xf32, #tpu.memory_space<hbm>> -> memref<128x64xf32, #tpu.memory_space<hbm>>
    tpu.wait_dma2 semaphore(%arg7 : memref<!tpu.dma_semaphore, #tpu.memory_space<semaphore_mem>>) src(%dma_wait3A_2042 : memref<128x64xf32, #tpu.memory_space<hbm>>) dst(%dma_wait3A_2039 : memref<128x64xf32, #tpu.memory_space<vmem>>)
    %dma_start3A_2043 = arith.constant 2 : i32
    %dma_start3A_2044 = arith.constant 30 : i32
    %dma_start3A_2045 = arith.constant 0 : i32
    %dma_start3A_2046 = arith.constant 0 : i32
    %dma_start3A_2047 = tpu.memref_slice %arg6[%dma_start3A_2043, %dma_start3A_2045, %dma_start3A_2046] : memref<7x128x64xf32, #tpu.memory_space<vmem>> -> memref<1x128x64xf32, #tpu.memory_space<vmem>>
    %dma_start3A_2048 = tpu.memref_squeeze %dma_start3A_2047 : memref<1x128x64xf32, #tpu.memory_space<vmem>> -> memref<128x64xf32, #tpu.memory_space<vmem>>
    %dma_start3A_2049 = arith.constant 0 : i32
    %dma_start3A_2050 = tpu.memref_slice %arg4[%mul3A_2, %dma_start3A_2044, %dma_start3A_2049] : memref<4096x50x64xf32, #tpu.memory_space<hbm>> -> memref<128x1x64xf32, #tpu.memory_space<hbm>>
    %dma_start3A_2051 = tpu.memref_squeeze %dma_start3A_2050 : memref<128x1x64xf32, #tpu.memory_space<hbm>> -> memref<128x64xf32, #tpu.memory_space<hbm>>
    %dma_start3A_2052 = arith.constant 0 : i32
    %dma_start3A_2053 = tpu.memref_slice %arg4[%mul3A_2, %dma_start3A_2044, %dma_start3A_2052] : memref<4096x50x64xf32, #tpu.memory_space<hbm>> -> memref<128x1x64xf32, #tpu.memory_space<hbm>>
    %dma_start3A_2054 = tpu.memref_squeeze %dma_start3A_2053 : memref<128x1x64xf32, #tpu.memory_space<hbm>> -> memref<128x64xf32, #tpu.memory_space<hbm>>
    %dma_start3A_2055 = arith.constant 0 : i32
    %dma_start3A_2056 = arith.constant 0 : i32
    %dma_start3A_2057 = tpu.memref_slice %arg6[%dma_start3A_2043, %dma_start3A_2055, %dma_start3A_2056] : memref<7x128x64xf32, #tpu.memory_space<vmem>> -> memref<1x128x64xf32, #tpu.memory_space<vmem>>
    %dma_start3A_2058 = tpu.memref_squeeze %dma_start3A_2057 : memref<1x128x64xf32, #tpu.memory_space<vmem>> -> memref<128x64xf32, #tpu.memory_space<vmem>>
    tpu.enqueue_dma source(%dma_start3A_2058 : memref<128x64xf32, #tpu.memory_space<vmem>>) target(%dma_start3A_2054 : memref<128x64xf32, #tpu.memory_space<hbm>>) target_semaphore(%arg8 : memref<!tpu.dma_semaphore, #tpu.memory_space<semaphore_mem>>)
    %dma_wait3A_2059 = arith.constant 0 : i32
    %dma_wait3A_2060 = arith.constant 28 : i32
    %dma_wait3A_2061 = arith.constant 0 : i32
    %dma_wait3A_2062 = arith.constant 0 : i32
    %dma_wait3A_2063 = tpu.memref_slice %arg6[%dma_wait3A_2059, %dma_wait3A_2061, %dma_wait3A_2062] : memref<7x128x64xf32, #tpu.memory_space<vmem>> -> memref<1x128x64xf32, #tpu.memory_space<vmem>>
    %dma_wait3A_2064 = tpu.memref_squeeze %dma_wait3A_2063 : memref<1x128x64xf32, #tpu.memory_space<vmem>> -> memref<128x64xf32, #tpu.memory_space<vmem>>
    %dma_wait3A_2065 = arith.constant 0 : i32
    %dma_wait3A_2066 = tpu.memref_slice %arg4[%mul3A_2, %dma_wait3A_2060, %dma_wait3A_2065] : memref<4096x50x64xf32, #tpu.memory_space<hbm>> -> memref<128x1x64xf32, #tpu.memory_space<hbm>>
    %dma_wait3A_2067 = tpu.memref_squeeze %dma_wait3A_2066 : memref<128x1x64xf32, #tpu.memory_space<hbm>> -> memref<128x64xf32, #tpu.memory_space<hbm>>
    %dma_wait3A_2068 = arith.constant 0 : i32
    %dma_wait3A_2069 = tpu.memref_slice %arg4[%mul3A_2, %dma_wait3A_2060, %dma_wait3A_2068] : memref<4096x50x64xf32, #tpu.memory_space<hbm>> -> memref<128x1x64xf32, #tpu.memory_space<hbm>>
    %dma_wait3A_2070 = tpu.memref_squeeze %dma_wait3A_2069 : memref<128x1x64xf32, #tpu.memory_space<hbm>> -> memref<128x64xf32, #tpu.memory_space<hbm>>
    %dma_wait3A_2071 = arith.constant 0 : i32
    %dma_wait3A_2072 = arith.constant 0 : i32
    %dma_wait3A_2073 = tpu.memref_slice %arg6[%dma_wait3A_2059, %dma_wait3A_2071, %dma_wait3A_2072] : memref<7x128x64xf32, #tpu.memory_space<vmem>> -> memref<1x128x64xf32, #tpu.memory_space<vmem>>
    %dma_wait3A_2074 = tpu.memref_squeeze %dma_wait3A_2073 : memref<1x128x64xf32, #tpu.memory_space<vmem>> -> memref<128x64xf32, #tpu.memory_space<vmem>>
    tpu.wait_dma2 semaphore(%arg8 : memref<!tpu.dma_semaphore, #tpu.memory_space<semaphore_mem>>) src(%dma_wait3A_2074 : memref<128x64xf32, #tpu.memory_space<vmem>>) dst(%dma_wait3A_2070 : memref<128x64xf32, #tpu.memory_space<hbm>>)
    %slice3A_2075 = vector.extract_strided_slice %get3A_10 {offsets = [2], sizes = [1], strides = [1]} : vector<16xi32> to vector<1xi32>
    %squeeze3A_2076 = vector.extract %slice3A_2075[0] : i32 from vector<1xi32>
    %dma_start3A_2077 = arith.constant 6 : i32
    %dma_start3A_2078 = arith.constant 0 : i32
    %dma_start3A_2079 = arith.constant 0 : i32
    %dma_start3A_2080 = tpu.memref_slice %arg6[%dma_start3A_2077, %dma_start3A_2078, %dma_start3A_2079] : memref<7x128x64xf32, #tpu.memory_space<vmem>> -> memref<1x128x64xf32, #tpu.memory_space<vmem>>
    %dma_start3A_2081 = tpu.memref_squeeze %dma_start3A_2080 : memref<1x128x64xf32, #tpu.memory_space<vmem>> -> memref<128x64xf32, #tpu.memory_space<vmem>>
    %dma_start3A_2082 = arith.constant 0 : i32
    %dma_start3A_2083 = tpu.memref_slice %arg2[%mul3A_2, %squeeze3A_2076, %dma_start3A_2082] : memref<4096x200x64xf32, #tpu.memory_space<hbm>> -> memref<128x1x64xf32, #tpu.memory_space<hbm>>
    %dma_start3A_2084 = tpu.memref_squeeze %dma_start3A_2083 : memref<128x1x64xf32, #tpu.memory_space<hbm>> -> memref<128x64xf32, #tpu.memory_space<hbm>>
    %dma_start3A_2085 = arith.constant 0 : i32
    %dma_start3A_2086 = arith.constant 0 : i32
    %dma_start3A_2087 = tpu.memref_slice %arg6[%dma_start3A_2077, %dma_start3A_2085, %dma_start3A_2086] : memref<7x128x64xf32, #tpu.memory_space<vmem>> -> memref<1x128x64xf32, #tpu.memory_space<vmem>>
    %dma_start3A_2088 = tpu.memref_squeeze %dma_start3A_2087 : memref<1x128x64xf32, #tpu.memory_space<vmem>> -> memref<128x64xf32, #tpu.memory_space<vmem>>
    %dma_start3A_2089 = arith.constant 0 : i32
    %dma_start3A_2090 = tpu.memref_slice %arg2[%mul3A_2, %squeeze3A_2076, %dma_start3A_2089] : memref<4096x200x64xf32, #tpu.memory_space<hbm>> -> memref<128x1x64xf32, #tpu.memory_space<hbm>>
    %dma_start3A_2091 = tpu.memref_squeeze %dma_start3A_2090 : memref<128x1x64xf32, #tpu.memory_space<hbm>> -> memref<128x64xf32, #tpu.memory_space<hbm>>
    tpu.enqueue_dma source(%dma_start3A_2091 : memref<128x64xf32, #tpu.memory_space<hbm>>) target(%dma_start3A_2088 : memref<128x64xf32, #tpu.memory_space<vmem>>) target_semaphore(%arg7 : memref<!tpu.dma_semaphore, #tpu.memory_space<semaphore_mem>>)
    %slice3A_2092 = vector.extract_strided_slice %get3A_7 {offsets = [15], sizes = [1], strides = [1]} : vector<16xi32> to vector<1xi32>
    %squeeze3A_2093 = vector.extract %slice3A_2092[0] : i32 from vector<1xi32>
    %dma_wait3A_2094 = arith.constant 3 : i32
    %dma_wait3A_2095 = arith.constant 0 : i32
    %dma_wait3A_2096 = arith.constant 0 : i32
    %dma_wait3A_2097 = tpu.memref_slice %arg6[%dma_wait3A_2094, %dma_wait3A_2095, %dma_wait3A_2096] : memref<7x128x64xf32, #tpu.memory_space<vmem>> -> memref<1x128x64xf32, #tpu.memory_space<vmem>>
    %dma_wait3A_2098 = tpu.memref_squeeze %dma_wait3A_2097 : memref<1x128x64xf32, #tpu.memory_space<vmem>> -> memref<128x64xf32, #tpu.memory_space<vmem>>
    %dma_wait3A_2099 = arith.constant 0 : i32
    %dma_wait3A_2100 = tpu.memref_slice %arg2[%mul3A_2, %squeeze3A_2093, %dma_wait3A_2099] : memref<4096x200x64xf32, #tpu.memory_space<hbm>> -> memref<128x1x64xf32, #tpu.memory_space<hbm>>
    %dma_wait3A_2101 = tpu.memref_squeeze %dma_wait3A_2100 : memref<128x1x64xf32, #tpu.memory_space<hbm>> -> memref<128x64xf32, #tpu.memory_space<hbm>>
    %dma_wait3A_2102 = arith.constant 0 : i32
    %dma_wait3A_2103 = arith.constant 0 : i32
    %dma_wait3A_2104 = tpu.memref_slice %arg6[%dma_wait3A_2094, %dma_wait3A_2102, %dma_wait3A_2103] : memref<7x128x64xf32, #tpu.memory_space<vmem>> -> memref<1x128x64xf32, #tpu.memory_space<vmem>>
    %dma_wait3A_2105 = tpu.memref_squeeze %dma_wait3A_2104 : memref<1x128x64xf32, #tpu.memory_space<vmem>> -> memref<128x64xf32, #tpu.memory_space<vmem>>
    %dma_wait3A_2106 = arith.constant 0 : i32
    %dma_wait3A_2107 = tpu.memref_slice %arg2[%mul3A_2, %squeeze3A_2093, %dma_wait3A_2106] : memref<4096x200x64xf32, #tpu.memory_space<hbm>> -> memref<128x1x64xf32, #tpu.memory_space<hbm>>
    %dma_wait3A_2108 = tpu.memref_squeeze %dma_wait3A_2107 : memref<128x1x64xf32, #tpu.memory_space<hbm>> -> memref<128x64xf32, #tpu.memory_space<hbm>>
    tpu.wait_dma2 semaphore(%arg7 : memref<!tpu.dma_semaphore, #tpu.memory_space<semaphore_mem>>) src(%dma_wait3A_2108 : memref<128x64xf32, #tpu.memory_space<hbm>>) dst(%dma_wait3A_2105 : memref<128x64xf32, #tpu.memory_space<vmem>>)
    %dma_start3A_2109 = arith.constant 3 : i32
    %dma_start3A_2110 = arith.constant 31 : i32
    %dma_start3A_2111 = arith.constant 0 : i32
    %dma_start3A_2112 = arith.constant 0 : i32
    %dma_start3A_2113 = tpu.memref_slice %arg6[%dma_start3A_2109, %dma_start3A_2111, %dma_start3A_2112] : memref<7x128x64xf32, #tpu.memory_space<vmem>> -> memref<1x128x64xf32, #tpu.memory_space<vmem>>
    %dma_start3A_2114 = tpu.memref_squeeze %dma_start3A_2113 : memref<1x128x64xf32, #tpu.memory_space<vmem>> -> memref<128x64xf32, #tpu.memory_space<vmem>>
    %dma_start3A_2115 = arith.constant 0 : i32
    %dma_start3A_2116 = tpu.memref_slice %arg4[%mul3A_2, %dma_start3A_2110, %dma_start3A_2115] : memref<4096x50x64xf32, #tpu.memory_space<hbm>> -> memref<128x1x64xf32, #tpu.memory_space<hbm>>
    %dma_start3A_2117 = tpu.memref_squeeze %dma_start3A_2116 : memref<128x1x64xf32, #tpu.memory_space<hbm>> -> memref<128x64xf32, #tpu.memory_space<hbm>>
    %dma_start3A_2118 = arith.constant 0 : i32
    %dma_start3A_2119 = tpu.memref_slice %arg4[%mul3A_2, %dma_start3A_2110, %dma_start3A_2118] : memref<4096x50x64xf32, #tpu.memory_space<hbm>> -> memref<128x1x64xf32, #tpu.memory_space<hbm>>
    %dma_start3A_2120 = tpu.memref_squeeze %dma_start3A_2119 : memref<128x1x64xf32, #tpu.memory_space<hbm>> -> memref<128x64xf32, #tpu.memory_space<hbm>>
    %dma_start3A_2121 = arith.constant 0 : i32
    %dma_start3A_2122 = arith.constant 0 : i32
    %dma_start3A_2123 = tpu.memref_slice %arg6[%dma_start3A_2109, %dma_start3A_2121, %dma_start3A_2122] : memref<7x128x64xf32, #tpu.memory_space<vmem>> -> memref<1x128x64xf32, #tpu.memory_space<vmem>>
    %dma_start3A_2124 = tpu.memref_squeeze %dma_start3A_2123 : memref<1x128x64xf32, #tpu.memory_space<vmem>> -> memref<128x64xf32, #tpu.memory_space<vmem>>
    tpu.enqueue_dma source(%dma_start3A_2124 : memref<128x64xf32, #tpu.memory_space<vmem>>) target(%dma_start3A_2120 : memref<128x64xf32, #tpu.memory_space<hbm>>) target_semaphore(%arg8 : memref<!tpu.dma_semaphore, #tpu.memory_space<semaphore_mem>>)
    %dma_wait3A_2125 = arith.constant 1 : i32
    %dma_wait3A_2126 = arith.constant 29 : i32
    %dma_wait3A_2127 = arith.constant 0 : i32
    %dma_wait3A_2128 = arith.constant 0 : i32
    %dma_wait3A_2129 = tpu.memref_slice %arg6[%dma_wait3A_2125, %dma_wait3A_2127, %dma_wait3A_2128] : memref<7x128x64xf32, #tpu.memory_space<vmem>> -> memref<1x128x64xf32, #tpu.memory_space<vmem>>
    %dma_wait3A_2130 = tpu.memref_squeeze %dma_wait3A_2129 : memref<1x128x64xf32, #tpu.memory_space<vmem>> -> memref<128x64xf32, #tpu.memory_space<vmem>>
    %dma_wait3A_2131 = arith.constant 0 : i32
    %dma_wait3A_2132 = tpu.memref_slice %arg4[%mul3A_2, %dma_wait3A_2126, %dma_wait3A_2131] : memref<4096x50x64xf32, #tpu.memory_space<hbm>> -> memref<128x1x64xf32, #tpu.memory_space<hbm>>
    %dma_wait3A_2133 = tpu.memref_squeeze %dma_wait3A_2132 : memref<128x1x64xf32, #tpu.memory_space<hbm>> -> memref<128x64xf32, #tpu.memory_space<hbm>>
    %dma_wait3A_2134 = arith.constant 0 : i32
    %dma_wait3A_2135 = tpu.memref_slice %arg4[%mul3A_2, %dma_wait3A_2126, %dma_wait3A_2134] : memref<4096x50x64xf32, #tpu.memory_space<hbm>> -> memref<128x1x64xf32, #tpu.memory_space<hbm>>
    %dma_wait3A_2136 = tpu.memref_squeeze %dma_wait3A_2135 : memref<128x1x64xf32, #tpu.memory_space<hbm>> -> memref<128x64xf32, #tpu.memory_space<hbm>>
    %dma_wait3A_2137 = arith.constant 0 : i32
    %dma_wait3A_2138 = arith.constant 0 : i32
    %dma_wait3A_2139 = tpu.memref_slice %arg6[%dma_wait3A_2125, %dma_wait3A_2137, %dma_wait3A_2138] : memref<7x128x64xf32, #tpu.memory_space<vmem>> -> memref<1x128x64xf32, #tpu.memory_space<vmem>>
    %dma_wait3A_2140 = tpu.memref_squeeze %dma_wait3A_2139 : memref<1x128x64xf32, #tpu.memory_space<vmem>> -> memref<128x64xf32, #tpu.memory_space<vmem>>
    tpu.wait_dma2 semaphore(%arg8 : memref<!tpu.dma_semaphore, #tpu.memory_space<semaphore_mem>>) src(%dma_wait3A_2140 : memref<128x64xf32, #tpu.memory_space<vmem>>) dst(%dma_wait3A_2136 : memref<128x64xf32, #tpu.memory_space<hbm>>)
    %slice3A_2141 = vector.extract_strided_slice %get3A_10 {offsets = [3], sizes = [1], strides = [1]} : vector<16xi32> to vector<1xi32>
    %squeeze3A_2142 = vector.extract %slice3A_2141[0] : i32 from vector<1xi32>
    %dma_start3A_2143 = arith.constant 0 : i32
    %dma_start3A_2144 = arith.constant 0 : i32
    %dma_start3A_2145 = arith.constant 0 : i32
    %dma_start3A_2146 = tpu.memref_slice %arg6[%dma_start3A_2143, %dma_start3A_2144, %dma_start3A_2145] : memref<7x128x64xf32, #tpu.memory_space<vmem>> -> memref<1x128x64xf32, #tpu.memory_space<vmem>>
    %dma_start3A_2147 = tpu.memref_squeeze %dma_start3A_2146 : memref<1x128x64xf32, #tpu.memory_space<vmem>> -> memref<128x64xf32, #tpu.memory_space<vmem>>
    %dma_start3A_2148 = arith.constant 0 : i32
    %dma_start3A_2149 = tpu.memref_slice %arg2[%mul3A_2, %squeeze3A_2142, %dma_start3A_2148] : memref<4096x200x64xf32, #tpu.memory_space<hbm>> -> memref<128x1x64xf32, #tpu.memory_space<hbm>>
    %dma_start3A_2150 = tpu.memref_squeeze %dma_start3A_2149 : memref<128x1x64xf32, #tpu.memory_space<hbm>> -> memref<128x64xf32, #tpu.memory_space<hbm>>
    %dma_start3A_2151 = arith.constant 0 : i32
    %dma_start3A_2152 = arith.constant 0 : i32
    %dma_start3A_2153 = tpu.memref_slice %arg6[%dma_start3A_2143, %dma_start3A_2151, %dma_start3A_2152] : memref<7x128x64xf32, #tpu.memory_space<vmem>> -> memref<1x128x64xf32, #tpu.memory_space<vmem>>
    %dma_start3A_2154 = tpu.memref_squeeze %dma_start3A_2153 : memref<1x128x64xf32, #tpu.memory_space<vmem>> -> memref<128x64xf32, #tpu.memory_space<vmem>>
    %dma_start3A_2155 = arith.constant 0 : i32
    %dma_start3A_2156 = tpu.memref_slice %arg2[%mul3A_2, %squeeze3A_2142, %dma_start3A_2155] : memref<4096x200x64xf32, #tpu.memory_space<hbm>> -> memref<128x1x64xf32, #tpu.memory_space<hbm>>
    %dma_start3A_2157 = tpu.memref_squeeze %dma_start3A_2156 : memref<128x1x64xf32, #tpu.memory_space<hbm>> -> memref<128x64xf32, #tpu.memory_space<hbm>>
    tpu.enqueue_dma source(%dma_start3A_2157 : memref<128x64xf32, #tpu.memory_space<hbm>>) target(%dma_start3A_2154 : memref<128x64xf32, #tpu.memory_space<vmem>>) target_semaphore(%arg7 : memref<!tpu.dma_semaphore, #tpu.memory_space<semaphore_mem>>)
    %slice3A_2158 = vector.extract_strided_slice %get3A_10 {offsets = [0], sizes = [1], strides = [1]} : vector<16xi32> to vector<1xi32>
    %squeeze3A_2159 = vector.extract %slice3A_2158[0] : i32 from vector<1xi32>
    %dma_wait3A_2160 = arith.constant 4 : i32
    %dma_wait3A_2161 = arith.constant 0 : i32
    %dma_wait3A_2162 = arith.constant 0 : i32
    %dma_wait3A_2163 = tpu.memref_slice %arg6[%dma_wait3A_2160, %dma_wait3A_2161, %dma_wait3A_2162] : memref<7x128x64xf32, #tpu.memory_space<vmem>> -> memref<1x128x64xf32, #tpu.memory_space<vmem>>
    %dma_wait3A_2164 = tpu.memref_squeeze %dma_wait3A_2163 : memref<1x128x64xf32, #tpu.memory_space<vmem>> -> memref<128x64xf32, #tpu.memory_space<vmem>>
    %dma_wait3A_2165 = arith.constant 0 : i32
    %dma_wait3A_2166 = tpu.memref_slice %arg2[%mul3A_2, %squeeze3A_2159, %dma_wait3A_2165] : memref<4096x200x64xf32, #tpu.memory_space<hbm>> -> memref<128x1x64xf32, #tpu.memory_space<hbm>>
    %dma_wait3A_2167 = tpu.memref_squeeze %dma_wait3A_2166 : memref<128x1x64xf32, #tpu.memory_space<hbm>> -> memref<128x64xf32, #tpu.memory_space<hbm>>
    %dma_wait3A_2168 = arith.constant 0 : i32
    %dma_wait3A_2169 = arith.constant 0 : i32
    %dma_wait3A_2170 = tpu.memref_slice %arg6[%dma_wait3A_2160, %dma_wait3A_2168, %dma_wait3A_2169] : memref<7x128x64xf32, #tpu.memory_space<vmem>> -> memref<1x128x64xf32, #tpu.memory_space<vmem>>
    %dma_wait3A_2171 = tpu.memref_squeeze %dma_wait3A_2170 : memref<1x128x64xf32, #tpu.memory_space<vmem>> -> memref<128x64xf32, #tpu.memory_space<vmem>>
    %dma_wait3A_2172 = arith.constant 0 : i32
    %dma_wait3A_2173 = tpu.memref_slice %arg2[%mul3A_2, %squeeze3A_2159, %dma_wait3A_2172] : memref<4096x200x64xf32, #tpu.memory_space<hbm>> -> memref<128x1x64xf32, #tpu.memory_space<hbm>>
    %dma_wait3A_2174 = tpu.memref_squeeze %dma_wait3A_2173 : memref<128x1x64xf32, #tpu.memory_space<hbm>> -> memref<128x64xf32, #tpu.memory_space<hbm>>
    tpu.wait_dma2 semaphore(%arg7 : memref<!tpu.dma_semaphore, #tpu.memory_space<semaphore_mem>>) src(%dma_wait3A_2174 : memref<128x64xf32, #tpu.memory_space<hbm>>) dst(%dma_wait3A_2171 : memref<128x64xf32, #tpu.memory_space<vmem>>)
    %dma_start3A_2175 = arith.constant 4 : i32
    %dma_start3A_2176 = arith.constant 32 : i32
    %dma_start3A_2177 = arith.constant 0 : i32
    %dma_start3A_2178 = arith.constant 0 : i32
    %dma_start3A_2179 = tpu.memref_slice %arg6[%dma_start3A_2175, %dma_start3A_2177, %dma_start3A_2178] : memref<7x128x64xf32, #tpu.memory_space<vmem>> -> memref<1x128x64xf32, #tpu.memory_space<vmem>>
    %dma_start3A_2180 = tpu.memref_squeeze %dma_start3A_2179 : memref<1x128x64xf32, #tpu.memory_space<vmem>> -> memref<128x64xf32, #tpu.memory_space<vmem>>
    %dma_start3A_2181 = arith.constant 0 : i32
    %dma_start3A_2182 = tpu.memref_slice %arg4[%mul3A_2, %dma_start3A_2176, %dma_start3A_2181] : memref<4096x50x64xf32, #tpu.memory_space<hbm>> -> memref<128x1x64xf32, #tpu.memory_space<hbm>>
    %dma_start3A_2183 = tpu.memref_squeeze %dma_start3A_2182 : memref<128x1x64xf32, #tpu.memory_space<hbm>> -> memref<128x64xf32, #tpu.memory_space<hbm>>
    %dma_start3A_2184 = arith.constant 0 : i32
    %dma_start3A_2185 = tpu.memref_slice %arg4[%mul3A_2, %dma_start3A_2176, %dma_start3A_2184] : memref<4096x50x64xf32, #tpu.memory_space<hbm>> -> memref<128x1x64xf32, #tpu.memory_space<hbm>>
    %dma_start3A_2186 = tpu.memref_squeeze %dma_start3A_2185 : memref<128x1x64xf32, #tpu.memory_space<hbm>> -> memref<128x64xf32, #tpu.memory_space<hbm>>
    %dma_start3A_2187 = arith.constant 0 : i32
    %dma_start3A_2188 = arith.constant 0 : i32
    %dma_start3A_2189 = tpu.memref_slice %arg6[%dma_start3A_2175, %dma_start3A_2187, %dma_start3A_2188] : memref<7x128x64xf32, #tpu.memory_space<vmem>> -> memref<1x128x64xf32, #tpu.memory_space<vmem>>
    %dma_start3A_2190 = tpu.memref_squeeze %dma_start3A_2189 : memref<1x128x64xf32, #tpu.memory_space<vmem>> -> memref<128x64xf32, #tpu.memory_space<vmem>>
    tpu.enqueue_dma source(%dma_start3A_2190 : memref<128x64xf32, #tpu.memory_space<vmem>>) target(%dma_start3A_2186 : memref<128x64xf32, #tpu.memory_space<hbm>>) target_semaphore(%arg8 : memref<!tpu.dma_semaphore, #tpu.memory_space<semaphore_mem>>)
    %dma_wait3A_2191 = arith.constant 2 : i32
    %dma_wait3A_2192 = arith.constant 30 : i32
    %dma_wait3A_2193 = arith.constant 0 : i32
    %dma_wait3A_2194 = arith.constant 0 : i32
    %dma_wait3A_2195 = tpu.memref_slice %arg6[%dma_wait3A_2191, %dma_wait3A_2193, %dma_wait3A_2194] : memref<7x128x64xf32, #tpu.memory_space<vmem>> -> memref<1x128x64xf32, #tpu.memory_space<vmem>>
    %dma_wait3A_2196 = tpu.memref_squeeze %dma_wait3A_2195 : memref<1x128x64xf32, #tpu.memory_space<vmem>> -> memref<128x64xf32, #tpu.memory_space<vmem>>
    %dma_wait3A_2197 = arith.constant 0 : i32
    %dma_wait3A_2198 = tpu.memref_slice %arg4[%mul3A_2, %dma_wait3A_2192, %dma_wait3A_2197] : memref<4096x50x64xf32, #tpu.memory_space<hbm>> -> memref<128x1x64xf32, #tpu.memory_space<hbm>>
    %dma_wait3A_2199 = tpu.memref_squeeze %dma_wait3A_2198 : memref<128x1x64xf32, #tpu.memory_space<hbm>> -> memref<128x64xf32, #tpu.memory_space<hbm>>
    %dma_wait3A_2200 = arith.constant 0 : i32
    %dma_wait3A_2201 = tpu.memref_slice %arg4[%mul3A_2, %dma_wait3A_2192, %dma_wait3A_2200] : memref<4096x50x64xf32, #tpu.memory_space<hbm>> -> memref<128x1x64xf32, #tpu.memory_space<hbm>>
    %dma_wait3A_2202 = tpu.memref_squeeze %dma_wait3A_2201 : memref<128x1x64xf32, #tpu.memory_space<hbm>> -> memref<128x64xf32, #tpu.memory_space<hbm>>
    %dma_wait3A_2203 = arith.constant 0 : i32
    %dma_wait3A_2204 = arith.constant 0 : i32
    %dma_wait3A_2205 = tpu.memref_slice %arg6[%dma_wait3A_2191, %dma_wait3A_2203, %dma_wait3A_2204] : memref<7x128x64xf32, #tpu.memory_space<vmem>> -> memref<1x128x64xf32, #tpu.memory_space<vmem>>
    %dma_wait3A_2206 = tpu.memref_squeeze %dma_wait3A_2205 : memref<1x128x64xf32, #tpu.memory_space<vmem>> -> memref<128x64xf32, #tpu.memory_space<vmem>>
    tpu.wait_dma2 semaphore(%arg8 : memref<!tpu.dma_semaphore, #tpu.memory_space<semaphore_mem>>) src(%dma_wait3A_2206 : memref<128x64xf32, #tpu.memory_space<vmem>>) dst(%dma_wait3A_2202 : memref<128x64xf32, #tpu.memory_space<hbm>>)
    %slice3A_2207 = vector.extract_strided_slice %get3A_10 {offsets = [4], sizes = [1], strides = [1]} : vector<16xi32> to vector<1xi32>
    %squeeze3A_2208 = vector.extract %slice3A_2207[0] : i32 from vector<1xi32>
    %dma_start3A_2209 = arith.constant 1 : i32
    %dma_start3A_2210 = arith.constant 0 : i32
    %dma_start3A_2211 = arith.constant 0 : i32
    %dma_start3A_2212 = tpu.memref_slice %arg6[%dma_start3A_2209, %dma_start3A_2210, %dma_start3A_2211] : memref<7x128x64xf32, #tpu.memory_space<vmem>> -> memref<1x128x64xf32, #tpu.memory_space<vmem>>
    %dma_start3A_2213 = tpu.memref_squeeze %dma_start3A_2212 : memref<1x128x64xf32, #tpu.memory_space<vmem>> -> memref<128x64xf32, #tpu.memory_space<vmem>>
    %dma_start3A_2214 = arith.constant 0 : i32
    %dma_start3A_2215 = tpu.memref_slice %arg2[%mul3A_2, %squeeze3A_2208, %dma_start3A_2214] : memref<4096x200x64xf32, #tpu.memory_space<hbm>> -> memref<128x1x64xf32, #tpu.memory_space<hbm>>
    %dma_start3A_2216 = tpu.memref_squeeze %dma_start3A_2215 : memref<128x1x64xf32, #tpu.memory_space<hbm>> -> memref<128x64xf32, #tpu.memory_space<hbm>>
    %dma_start3A_2217 = arith.constant 0 : i32
    %dma_start3A_2218 = arith.constant 0 : i32
    %dma_start3A_2219 = tpu.memref_slice %arg6[%dma_start3A_2209, %dma_start3A_2217, %dma_start3A_2218] : memref<7x128x64xf32, #tpu.memory_space<vmem>> -> memref<1x128x64xf32, #tpu.memory_space<vmem>>
    %dma_start3A_2220 = tpu.memref_squeeze %dma_start3A_2219 : memref<1x128x64xf32, #tpu.memory_space<vmem>> -> memref<128x64xf32, #tpu.memory_space<vmem>>
    %dma_start3A_2221 = arith.constant 0 : i32
    %dma_start3A_2222 = tpu.memref_slice %arg2[%mul3A_2, %squeeze3A_2208, %dma_start3A_2221] : memref<4096x200x64xf32, #tpu.memory_space<hbm>> -> memref<128x1x64xf32, #tpu.memory_space<hbm>>
    %dma_start3A_2223 = tpu.memref_squeeze %dma_start3A_2222 : memref<128x1x64xf32, #tpu.memory_space<hbm>> -> memref<128x64xf32, #tpu.memory_space<hbm>>
    tpu.enqueue_dma source(%dma_start3A_2223 : memref<128x64xf32, #tpu.memory_space<hbm>>) target(%dma_start3A_2220 : memref<128x64xf32, #tpu.memory_space<vmem>>) target_semaphore(%arg7 : memref<!tpu.dma_semaphore, #tpu.memory_space<semaphore_mem>>)
    %slice3A_2224 = vector.extract_strided_slice %get3A_10 {offsets = [1], sizes = [1], strides = [1]} : vector<16xi32> to vector<1xi32>
    %squeeze3A_2225 = vector.extract %slice3A_2224[0] : i32 from vector<1xi32>
    %dma_wait3A_2226 = arith.constant 5 : i32
    %dma_wait3A_2227 = arith.constant 0 : i32
    %dma_wait3A_2228 = arith.constant 0 : i32
    %dma_wait3A_2229 = tpu.memref_slice %arg6[%dma_wait3A_2226, %dma_wait3A_2227, %dma_wait3A_2228] : memref<7x128x64xf32, #tpu.memory_space<vmem>> -> memref<1x128x64xf32, #tpu.memory_space<vmem>>
    %dma_wait3A_2230 = tpu.memref_squeeze %dma_wait3A_2229 : memref<1x128x64xf32, #tpu.memory_space<vmem>> -> memref<128x64xf32, #tpu.memory_space<vmem>>
    %dma_wait3A_2231 = arith.constant 0 : i32
    %dma_wait3A_2232 = tpu.memref_slice %arg2[%mul3A_2, %squeeze3A_2225, %dma_wait3A_2231] : memref<4096x200x64xf32, #tpu.memory_space<hbm>> -> memref<128x1x64xf32, #tpu.memory_space<hbm>>
    %dma_wait3A_2233 = tpu.memref_squeeze %dma_wait3A_2232 : memref<128x1x64xf32, #tpu.memory_space<hbm>> -> memref<128x64xf32, #tpu.memory_space<hbm>>
    %dma_wait3A_2234 = arith.constant 0 : i32
    %dma_wait3A_2235 = arith.constant 0 : i32
    %dma_wait3A_2236 = tpu.memref_slice %arg6[%dma_wait3A_2226, %dma_wait3A_2234, %dma_wait3A_2235] : memref<7x128x64xf32, #tpu.memory_space<vmem>> -> memref<1x128x64xf32, #tpu.memory_space<vmem>>
    %dma_wait3A_2237 = tpu.memref_squeeze %dma_wait3A_2236 : memref<1x128x64xf32, #tpu.memory_space<vmem>> -> memref<128x64xf32, #tpu.memory_space<vmem>>
    %dma_wait3A_2238 = arith.constant 0 : i32
    %dma_wait3A_2239 = tpu.memref_slice %arg2[%mul3A_2, %squeeze3A_2225, %dma_wait3A_2238] : memref<4096x200x64xf32, #tpu.memory_space<hbm>> -> memref<128x1x64xf32, #tpu.memory_space<hbm>>
    %dma_wait3A_2240 = tpu.memref_squeeze %dma_wait3A_2239 : memref<128x1x64xf32, #tpu.memory_space<hbm>> -> memref<128x64xf32, #tpu.memory_space<hbm>>
    tpu.wait_dma2 semaphore(%arg7 : memref<!tpu.dma_semaphore, #tpu.memory_space<semaphore_mem>>) src(%dma_wait3A_2240 : memref<128x64xf32, #tpu.memory_space<hbm>>) dst(%dma_wait3A_2237 : memref<128x64xf32, #tpu.memory_space<vmem>>)
    %dma_start3A_2241 = arith.constant 5 : i32
    %dma_start3A_2242 = arith.constant 33 : i32
    %dma_start3A_2243 = arith.constant 0 : i32
    %dma_start3A_2244 = arith.constant 0 : i32
    %dma_start3A_2245 = tpu.memref_slice %arg6[%dma_start3A_2241, %dma_start3A_2243, %dma_start3A_2244] : memref<7x128x64xf32, #tpu.memory_space<vmem>> -> memref<1x128x64xf32, #tpu.memory_space<vmem>>
    %dma_start3A_2246 = tpu.memref_squeeze %dma_start3A_2245 : memref<1x128x64xf32, #tpu.memory_space<vmem>> -> memref<128x64xf32, #tpu.memory_space<vmem>>
    %dma_start3A_2247 = arith.constant 0 : i32
    %dma_start3A_2248 = tpu.memref_slice %arg4[%mul3A_2, %dma_start3A_2242, %dma_start3A_2247] : memref<4096x50x64xf32, #tpu.memory_space<hbm>> -> memref<128x1x64xf32, #tpu.memory_space<hbm>>
    %dma_start3A_2249 = tpu.memref_squeeze %dma_start3A_2248 : memref<128x1x64xf32, #tpu.memory_space<hbm>> -> memref<128x64xf32, #tpu.memory_space<hbm>>
    %dma_start3A_2250 = arith.constant 0 : i32
    %dma_start3A_2251 = tpu.memref_slice %arg4[%mul3A_2, %dma_start3A_2242, %dma_start3A_2250] : memref<4096x50x64xf32, #tpu.memory_space<hbm>> -> memref<128x1x64xf32, #tpu.memory_space<hbm>>
    %dma_start3A_2252 = tpu.memref_squeeze %dma_start3A_2251 : memref<128x1x64xf32, #tpu.memory_space<hbm>> -> memref<128x64xf32, #tpu.memory_space<hbm>>
    %dma_start3A_2253 = arith.constant 0 : i32
    %dma_start3A_2254 = arith.constant 0 : i32
    %dma_start3A_2255 = tpu.memref_slice %arg6[%dma_start3A_2241, %dma_start3A_2253, %dma_start3A_2254] : memref<7x128x64xf32, #tpu.memory_space<vmem>> -> memref<1x128x64xf32, #tpu.memory_space<vmem>>
    %dma_start3A_2256 = tpu.memref_squeeze %dma_start3A_2255 : memref<1x128x64xf32, #tpu.memory_space<vmem>> -> memref<128x64xf32, #tpu.memory_space<vmem>>
    tpu.enqueue_dma source(%dma_start3A_2256 : memref<128x64xf32, #tpu.memory_space<vmem>>) target(%dma_start3A_2252 : memref<128x64xf32, #tpu.memory_space<hbm>>) target_semaphore(%arg8 : memref<!tpu.dma_semaphore, #tpu.memory_space<semaphore_mem>>)
    %dma_wait3A_2257 = arith.constant 3 : i32
    %dma_wait3A_2258 = arith.constant 31 : i32
    %dma_wait3A_2259 = arith.constant 0 : i32
    %dma_wait3A_2260 = arith.constant 0 : i32
    %dma_wait3A_2261 = tpu.memref_slice %arg6[%dma_wait3A_2257, %dma_wait3A_2259, %dma_wait3A_2260] : memref<7x128x64xf32, #tpu.memory_space<vmem>> -> memref<1x128x64xf32, #tpu.memory_space<vmem>>
    %dma_wait3A_2262 = tpu.memref_squeeze %dma_wait3A_2261 : memref<1x128x64xf32, #tpu.memory_space<vmem>> -> memref<128x64xf32, #tpu.memory_space<vmem>>
    %dma_wait3A_2263 = arith.constant 0 : i32
    %dma_wait3A_2264 = tpu.memref_slice %arg4[%mul3A_2, %dma_wait3A_2258, %dma_wait3A_2263] : memref<4096x50x64xf32, #tpu.memory_space<hbm>> -> memref<128x1x64xf32, #tpu.memory_space<hbm>>
    %dma_wait3A_2265 = tpu.memref_squeeze %dma_wait3A_2264 : memref<128x1x64xf32, #tpu.memory_space<hbm>> -> memref<128x64xf32, #tpu.memory_space<hbm>>
    %dma_wait3A_2266 = arith.constant 0 : i32
    %dma_wait3A_2267 = tpu.memref_slice %arg4[%mul3A_2, %dma_wait3A_2258, %dma_wait3A_2266] : memref<4096x50x64xf32, #tpu.memory_space<hbm>> -> memref<128x1x64xf32, #tpu.memory_space<hbm>>
    %dma_wait3A_2268 = tpu.memref_squeeze %dma_wait3A_2267 : memref<128x1x64xf32, #tpu.memory_space<hbm>> -> memref<128x64xf32, #tpu.memory_space<hbm>>
    %dma_wait3A_2269 = arith.constant 0 : i32
    %dma_wait3A_2270 = arith.constant 0 : i32
    %dma_wait3A_2271 = tpu.memref_slice %arg6[%dma_wait3A_2257, %dma_wait3A_2269, %dma_wait3A_2270] : memref<7x128x64xf32, #tpu.memory_space<vmem>> -> memref<1x128x64xf32, #tpu.memory_space<vmem>>
    %dma_wait3A_2272 = tpu.memref_squeeze %dma_wait3A_2271 : memref<1x128x64xf32, #tpu.memory_space<vmem>> -> memref<128x64xf32, #tpu.memory_space<vmem>>
    tpu.wait_dma2 semaphore(%arg8 : memref<!tpu.dma_semaphore, #tpu.memory_space<semaphore_mem>>) src(%dma_wait3A_2272 : memref<128x64xf32, #tpu.memory_space<vmem>>) dst(%dma_wait3A_2268 : memref<128x64xf32, #tpu.memory_space<hbm>>)
    %slice3A_2273 = vector.extract_strided_slice %get3A_10 {offsets = [5], sizes = [1], strides = [1]} : vector<16xi32> to vector<1xi32>
    %squeeze3A_2274 = vector.extract %slice3A_2273[0] : i32 from vector<1xi32>
    %dma_start3A_2275 = arith.constant 2 : i32
    %dma_start3A_2276 = arith.constant 0 : i32
    %dma_start3A_2277 = arith.constant 0 : i32
    %dma_start3A_2278 = tpu.memref_slice %arg6[%dma_start3A_2275, %dma_start3A_2276, %dma_start3A_2277] : memref<7x128x64xf32, #tpu.memory_space<vmem>> -> memref<1x128x64xf32, #tpu.memory_space<vmem>>
    %dma_start3A_2279 = tpu.memref_squeeze %dma_start3A_2278 : memref<1x128x64xf32, #tpu.memory_space<vmem>> -> memref<128x64xf32, #tpu.memory_space<vmem>>
    %dma_start3A_2280 = arith.constant 0 : i32
    %dma_start3A_2281 = tpu.memref_slice %arg2[%mul3A_2, %squeeze3A_2274, %dma_start3A_2280] : memref<4096x200x64xf32, #tpu.memory_space<hbm>> -> memref<128x1x64xf32, #tpu.memory_space<hbm>>
    %dma_start3A_2282 = tpu.memref_squeeze %dma_start3A_2281 : memref<128x1x64xf32, #tpu.memory_space<hbm>> -> memref<128x64xf32, #tpu.memory_space<hbm>>
    %dma_start3A_2283 = arith.constant 0 : i32
    %dma_start3A_2284 = arith.constant 0 : i32
    %dma_start3A_2285 = tpu.memref_slice %arg6[%dma_start3A_2275, %dma_start3A_2283, %dma_start3A_2284] : memref<7x128x64xf32, #tpu.memory_space<vmem>> -> memref<1x128x64xf32, #tpu.memory_space<vmem>>
    %dma_start3A_2286 = tpu.memref_squeeze %dma_start3A_2285 : memref<1x128x64xf32, #tpu.memory_space<vmem>> -> memref<128x64xf32, #tpu.memory_space<vmem>>
    %dma_start3A_2287 = arith.constant 0 : i32
    %dma_start3A_2288 = tpu.memref_slice %arg2[%mul3A_2, %squeeze3A_2274, %dma_start3A_2287] : memref<4096x200x64xf32, #tpu.memory_space<hbm>> -> memref<128x1x64xf32, #tpu.memory_space<hbm>>
    %dma_start3A_2289 = tpu.memref_squeeze %dma_start3A_2288 : memref<128x1x64xf32, #tpu.memory_space<hbm>> -> memref<128x64xf32, #tpu.memory_space<hbm>>
    tpu.enqueue_dma source(%dma_start3A_2289 : memref<128x64xf32, #tpu.memory_space<hbm>>) target(%dma_start3A_2286 : memref<128x64xf32, #tpu.memory_space<vmem>>) target_semaphore(%arg7 : memref<!tpu.dma_semaphore, #tpu.memory_space<semaphore_mem>>)
    %slice3A_2290 = vector.extract_strided_slice %get3A_10 {offsets = [2], sizes = [1], strides = [1]} : vector<16xi32> to vector<1xi32>
    %squeeze3A_2291 = vector.extract %slice3A_2290[0] : i32 from vector<1xi32>
    %dma_wait3A_2292 = arith.constant 6 : i32
    %dma_wait3A_2293 = arith.constant 0 : i32
    %dma_wait3A_2294 = arith.constant 0 : i32
    %dma_wait3A_2295 = tpu.memref_slice %arg6[%dma_wait3A_2292, %dma_wait3A_2293, %dma_wait3A_2294] : memref<7x128x64xf32, #tpu.memory_space<vmem>> -> memref<1x128x64xf32, #tpu.memory_space<vmem>>
    %dma_wait3A_2296 = tpu.memref_squeeze %dma_wait3A_2295 : memref<1x128x64xf32, #tpu.memory_space<vmem>> -> memref<128x64xf32, #tpu.memory_space<vmem>>
    %dma_wait3A_2297 = arith.constant 0 : i32
    %dma_wait3A_2298 = tpu.memref_slice %arg2[%mul3A_2, %squeeze3A_2291, %dma_wait3A_2297] : memref<4096x200x64xf32, #tpu.memory_space<hbm>> -> memref<128x1x64xf32, #tpu.memory_space<hbm>>
    %dma_wait3A_2299 = tpu.memref_squeeze %dma_wait3A_2298 : memref<128x1x64xf32, #tpu.memory_space<hbm>> -> memref<128x64xf32, #tpu.memory_space<hbm>>
    %dma_wait3A_2300 = arith.constant 0 : i32
    %dma_wait3A_2301 = arith.constant 0 : i32
    %dma_wait3A_2302 = tpu.memref_slice %arg6[%dma_wait3A_2292, %dma_wait3A_2300, %dma_wait3A_2301] : memref<7x128x64xf32, #tpu.memory_space<vmem>> -> memref<1x128x64xf32, #tpu.memory_space<vmem>>
    %dma_wait3A_2303 = tpu.memref_squeeze %dma_wait3A_2302 : memref<1x128x64xf32, #tpu.memory_space<vmem>> -> memref<128x64xf32, #tpu.memory_space<vmem>>
    %dma_wait3A_2304 = arith.constant 0 : i32
    %dma_wait3A_2305 = tpu.memref_slice %arg2[%mul3A_2, %squeeze3A_2291, %dma_wait3A_2304] : memref<4096x200x64xf32, #tpu.memory_space<hbm>> -> memref<128x1x64xf32, #tpu.memory_space<hbm>>
    %dma_wait3A_2306 = tpu.memref_squeeze %dma_wait3A_2305 : memref<128x1x64xf32, #tpu.memory_space<hbm>> -> memref<128x64xf32, #tpu.memory_space<hbm>>
    tpu.wait_dma2 semaphore(%arg7 : memref<!tpu.dma_semaphore, #tpu.memory_space<semaphore_mem>>) src(%dma_wait3A_2306 : memref<128x64xf32, #tpu.memory_space<hbm>>) dst(%dma_wait3A_2303 : memref<128x64xf32, #tpu.memory_space<vmem>>)
    %dma_start3A_2307 = arith.constant 6 : i32
    %dma_start3A_2308 = arith.constant 34 : i32
    %dma_start3A_2309 = arith.constant 0 : i32
    %dma_start3A_2310 = arith.constant 0 : i32
    %dma_start3A_2311 = tpu.memref_slice %arg6[%dma_start3A_2307, %dma_start3A_2309, %dma_start3A_2310] : memref<7x128x64xf32, #tpu.memory_space<vmem>> -> memref<1x128x64xf32, #tpu.memory_space<vmem>>
    %dma_start3A_2312 = tpu.memref_squeeze %dma_start3A_2311 : memref<1x128x64xf32, #tpu.memory_space<vmem>> -> memref<128x64xf32, #tpu.memory_space<vmem>>
    %dma_start3A_2313 = arith.constant 0 : i32
    %dma_start3A_2314 = tpu.memref_slice %arg4[%mul3A_2, %dma_start3A_2308, %dma_start3A_2313] : memref<4096x50x64xf32, #tpu.memory_space<hbm>> -> memref<128x1x64xf32, #tpu.memory_space<hbm>>
    %dma_start3A_2315 = tpu.memref_squeeze %dma_start3A_2314 : memref<128x1x64xf32, #tpu.memory_space<hbm>> -> memref<128x64xf32, #tpu.memory_space<hbm>>
    %dma_start3A_2316 = arith.constant 0 : i32
    %dma_start3A_2317 = tpu.memref_slice %arg4[%mul3A_2, %dma_start3A_2308, %dma_start3A_2316] : memref<4096x50x64xf32, #tpu.memory_space<hbm>> -> memref<128x1x64xf32, #tpu.memory_space<hbm>>
    %dma_start3A_2318 = tpu.memref_squeeze %dma_start3A_2317 : memref<128x1x64xf32, #tpu.memory_space<hbm>> -> memref<128x64xf32, #tpu.memory_space<hbm>>
    %dma_start3A_2319 = arith.constant 0 : i32
    %dma_start3A_2320 = arith.constant 0 : i32
    %dma_start3A_2321 = tpu.memref_slice %arg6[%dma_start3A_2307, %dma_start3A_2319, %dma_start3A_2320] : memref<7x128x64xf32, #tpu.memory_space<vmem>> -> memref<1x128x64xf32, #tpu.memory_space<vmem>>
    %dma_start3A_2322 = tpu.memref_squeeze %dma_start3A_2321 : memref<1x128x64xf32, #tpu.memory_space<vmem>> -> memref<128x64xf32, #tpu.memory_space<vmem>>
    tpu.enqueue_dma source(%dma_start3A_2322 : memref<128x64xf32, #tpu.memory_space<vmem>>) target(%dma_start3A_2318 : memref<128x64xf32, #tpu.memory_space<hbm>>) target_semaphore(%arg8 : memref<!tpu.dma_semaphore, #tpu.memory_space<semaphore_mem>>)
    %dma_wait3A_2323 = arith.constant 4 : i32
    %dma_wait3A_2324 = arith.constant 32 : i32
    %dma_wait3A_2325 = arith.constant 0 : i32
    %dma_wait3A_2326 = arith.constant 0 : i32
    %dma_wait3A_2327 = tpu.memref_slice %arg6[%dma_wait3A_2323, %dma_wait3A_2325, %dma_wait3A_2326] : memref<7x128x64xf32, #tpu.memory_space<vmem>> -> memref<1x128x64xf32, #tpu.memory_space<vmem>>
    %dma_wait3A_2328 = tpu.memref_squeeze %dma_wait3A_2327 : memref<1x128x64xf32, #tpu.memory_space<vmem>> -> memref<128x64xf32, #tpu.memory_space<vmem>>
    %dma_wait3A_2329 = arith.constant 0 : i32
    %dma_wait3A_2330 = tpu.memref_slice %arg4[%mul3A_2, %dma_wait3A_2324, %dma_wait3A_2329] : memref<4096x50x64xf32, #tpu.memory_space<hbm>> -> memref<128x1x64xf32, #tpu.memory_space<hbm>>
    %dma_wait3A_2331 = tpu.memref_squeeze %dma_wait3A_2330 : memref<128x1x64xf32, #tpu.memory_space<hbm>> -> memref<128x64xf32, #tpu.memory_space<hbm>>
    %dma_wait3A_2332 = arith.constant 0 : i32
    %dma_wait3A_2333 = tpu.memref_slice %arg4[%mul3A_2, %dma_wait3A_2324, %dma_wait3A_2332] : memref<4096x50x64xf32, #tpu.memory_space<hbm>> -> memref<128x1x64xf32, #tpu.memory_space<hbm>>
    %dma_wait3A_2334 = tpu.memref_squeeze %dma_wait3A_2333 : memref<128x1x64xf32, #tpu.memory_space<hbm>> -> memref<128x64xf32, #tpu.memory_space<hbm>>
    %dma_wait3A_2335 = arith.constant 0 : i32
    %dma_wait3A_2336 = arith.constant 0 : i32
    %dma_wait3A_2337 = tpu.memref_slice %arg6[%dma_wait3A_2323, %dma_wait3A_2335, %dma_wait3A_2336] : memref<7x128x64xf32, #tpu.memory_space<vmem>> -> memref<1x128x64xf32, #tpu.memory_space<vmem>>
    %dma_wait3A_2338 = tpu.memref_squeeze %dma_wait3A_2337 : memref<1x128x64xf32, #tpu.memory_space<vmem>> -> memref<128x64xf32, #tpu.memory_space<vmem>>
    tpu.wait_dma2 semaphore(%arg8 : memref<!tpu.dma_semaphore, #tpu.memory_space<semaphore_mem>>) src(%dma_wait3A_2338 : memref<128x64xf32, #tpu.memory_space<vmem>>) dst(%dma_wait3A_2334 : memref<128x64xf32, #tpu.memory_space<hbm>>)
    %slice3A_2339 = vector.extract_strided_slice %get3A_10 {offsets = [6], sizes = [1], strides = [1]} : vector<16xi32> to vector<1xi32>
    %squeeze3A_2340 = vector.extract %slice3A_2339[0] : i32 from vector<1xi32>
    %dma_start3A_2341 = arith.constant 3 : i32
    %dma_start3A_2342 = arith.constant 0 : i32
    %dma_start3A_2343 = arith.constant 0 : i32
    %dma_start3A_2344 = tpu.memref_slice %arg6[%dma_start3A_2341, %dma_start3A_2342, %dma_start3A_2343] : memref<7x128x64xf32, #tpu.memory_space<vmem>> -> memref<1x128x64xf32, #tpu.memory_space<vmem>>
    %dma_start3A_2345 = tpu.memref_squeeze %dma_start3A_2344 : memref<1x128x64xf32, #tpu.memory_space<vmem>> -> memref<128x64xf32, #tpu.memory_space<vmem>>
    %dma_start3A_2346 = arith.constant 0 : i32
    %dma_start3A_2347 = tpu.memref_slice %arg2[%mul3A_2, %squeeze3A_2340, %dma_start3A_2346] : memref<4096x200x64xf32, #tpu.memory_space<hbm>> -> memref<128x1x64xf32, #tpu.memory_space<hbm>>
    %dma_start3A_2348 = tpu.memref_squeeze %dma_start3A_2347 : memref<128x1x64xf32, #tpu.memory_space<hbm>> -> memref<128x64xf32, #tpu.memory_space<hbm>>
    %dma_start3A_2349 = arith.constant 0 : i32
    %dma_start3A_2350 = arith.constant 0 : i32
    %dma_start3A_2351 = tpu.memref_slice %arg6[%dma_start3A_2341, %dma_start3A_2349, %dma_start3A_2350] : memref<7x128x64xf32, #tpu.memory_space<vmem>> -> memref<1x128x64xf32, #tpu.memory_space<vmem>>
    %dma_start3A_2352 = tpu.memref_squeeze %dma_start3A_2351 : memref<1x128x64xf32, #tpu.memory_space<vmem>> -> memref<128x64xf32, #tpu.memory_space<vmem>>
    %dma_start3A_2353 = arith.constant 0 : i32
    %dma_start3A_2354 = tpu.memref_slice %arg2[%mul3A_2, %squeeze3A_2340, %dma_start3A_2353] : memref<4096x200x64xf32, #tpu.memory_space<hbm>> -> memref<128x1x64xf32, #tpu.memory_space<hbm>>
    %dma_start3A_2355 = tpu.memref_squeeze %dma_start3A_2354 : memref<128x1x64xf32, #tpu.memory_space<hbm>> -> memref<128x64xf32, #tpu.memory_space<hbm>>
    tpu.enqueue_dma source(%dma_start3A_2355 : memref<128x64xf32, #tpu.memory_space<hbm>>) target(%dma_start3A_2352 : memref<128x64xf32, #tpu.memory_space<vmem>>) target_semaphore(%arg7 : memref<!tpu.dma_semaphore, #tpu.memory_space<semaphore_mem>>)
    %slice3A_2356 = vector.extract_strided_slice %get3A_10 {offsets = [3], sizes = [1], strides = [1]} : vector<16xi32> to vector<1xi32>
    %squeeze3A_2357 = vector.extract %slice3A_2356[0] : i32 from vector<1xi32>
    %dma_wait3A_2358 = arith.constant 0 : i32
    %dma_wait3A_2359 = arith.constant 0 : i32
    %dma_wait3A_2360 = arith.constant 0 : i32
    %dma_wait3A_2361 = tpu.memref_slice %arg6[%dma_wait3A_2358, %dma_wait3A_2359, %dma_wait3A_2360] : memref<7x128x64xf32, #tpu.memory_space<vmem>> -> memref<1x128x64xf32, #tpu.memory_space<vmem>>
    %dma_wait3A_2362 = tpu.memref_squeeze %dma_wait3A_2361 : memref<1x128x64xf32, #tpu.memory_space<vmem>> -> memref<128x64xf32, #tpu.memory_space<vmem>>
    %dma_wait3A_2363 = arith.constant 0 : i32
    %dma_wait3A_2364 = tpu.memref_slice %arg2[%mul3A_2, %squeeze3A_2357, %dma_wait3A_2363] : memref<4096x200x64xf32, #tpu.memory_space<hbm>> -> memref<128x1x64xf32, #tpu.memory_space<hbm>>
    %dma_wait3A_2365 = tpu.memref_squeeze %dma_wait3A_2364 : memref<128x1x64xf32, #tpu.memory_space<hbm>> -> memref<128x64xf32, #tpu.memory_space<hbm>>
    %dma_wait3A_2366 = arith.constant 0 : i32
    %dma_wait3A_2367 = arith.constant 0 : i32
    %dma_wait3A_2368 = tpu.memref_slice %arg6[%dma_wait3A_2358, %dma_wait3A_2366, %dma_wait3A_2367] : memref<7x128x64xf32, #tpu.memory_space<vmem>> -> memref<1x128x64xf32, #tpu.memory_space<vmem>>
    %dma_wait3A_2369 = tpu.memref_squeeze %dma_wait3A_2368 : memref<1x128x64xf32, #tpu.memory_space<vmem>> -> memref<128x64xf32, #tpu.memory_space<vmem>>
    %dma_wait3A_2370 = arith.constant 0 : i32
    %dma_wait3A_2371 = tpu.memref_slice %arg2[%mul3A_2, %squeeze3A_2357, %dma_wait3A_2370] : memref<4096x200x64xf32, #tpu.memory_space<hbm>> -> memref<128x1x64xf32, #tpu.memory_space<hbm>>
    %dma_wait3A_2372 = tpu.memref_squeeze %dma_wait3A_2371 : memref<128x1x64xf32, #tpu.memory_space<hbm>> -> memref<128x64xf32, #tpu.memory_space<hbm>>
    tpu.wait_dma2 semaphore(%arg7 : memref<!tpu.dma_semaphore, #tpu.memory_space<semaphore_mem>>) src(%dma_wait3A_2372 : memref<128x64xf32, #tpu.memory_space<hbm>>) dst(%dma_wait3A_2369 : memref<128x64xf32, #tpu.memory_space<vmem>>)
    %dma_start3A_2373 = arith.constant 0 : i32
    %dma_start3A_2374 = arith.constant 35 : i32
    %dma_start3A_2375 = arith.constant 0 : i32
    %dma_start3A_2376 = arith.constant 0 : i32
    %dma_start3A_2377 = tpu.memref_slice %arg6[%dma_start3A_2373, %dma_start3A_2375, %dma_start3A_2376] : memref<7x128x64xf32, #tpu.memory_space<vmem>> -> memref<1x128x64xf32, #tpu.memory_space<vmem>>
    %dma_start3A_2378 = tpu.memref_squeeze %dma_start3A_2377 : memref<1x128x64xf32, #tpu.memory_space<vmem>> -> memref<128x64xf32, #tpu.memory_space<vmem>>
    %dma_start3A_2379 = arith.constant 0 : i32
    %dma_start3A_2380 = tpu.memref_slice %arg4[%mul3A_2, %dma_start3A_2374, %dma_start3A_2379] : memref<4096x50x64xf32, #tpu.memory_space<hbm>> -> memref<128x1x64xf32, #tpu.memory_space<hbm>>
    %dma_start3A_2381 = tpu.memref_squeeze %dma_start3A_2380 : memref<128x1x64xf32, #tpu.memory_space<hbm>> -> memref<128x64xf32, #tpu.memory_space<hbm>>
    %dma_start3A_2382 = arith.constant 0 : i32
    %dma_start3A_2383 = tpu.memref_slice %arg4[%mul3A_2, %dma_start3A_2374, %dma_start3A_2382] : memref<4096x50x64xf32, #tpu.memory_space<hbm>> -> memref<128x1x64xf32, #tpu.memory_space<hbm>>
    %dma_start3A_2384 = tpu.memref_squeeze %dma_start3A_2383 : memref<128x1x64xf32, #tpu.memory_space<hbm>> -> memref<128x64xf32, #tpu.memory_space<hbm>>
    %dma_start3A_2385 = arith.constant 0 : i32
    %dma_start3A_2386 = arith.constant 0 : i32
    %dma_start3A_2387 = tpu.memref_slice %arg6[%dma_start3A_2373, %dma_start3A_2385, %dma_start3A_2386] : memref<7x128x64xf32, #tpu.memory_space<vmem>> -> memref<1x128x64xf32, #tpu.memory_space<vmem>>
    %dma_start3A_2388 = tpu.memref_squeeze %dma_start3A_2387 : memref<1x128x64xf32, #tpu.memory_space<vmem>> -> memref<128x64xf32, #tpu.memory_space<vmem>>
    tpu.enqueue_dma source(%dma_start3A_2388 : memref<128x64xf32, #tpu.memory_space<vmem>>) target(%dma_start3A_2384 : memref<128x64xf32, #tpu.memory_space<hbm>>) target_semaphore(%arg8 : memref<!tpu.dma_semaphore, #tpu.memory_space<semaphore_mem>>)
    %dma_wait3A_2389 = arith.constant 5 : i32
    %dma_wait3A_2390 = arith.constant 33 : i32
    %dma_wait3A_2391 = arith.constant 0 : i32
    %dma_wait3A_2392 = arith.constant 0 : i32
    %dma_wait3A_2393 = tpu.memref_slice %arg6[%dma_wait3A_2389, %dma_wait3A_2391, %dma_wait3A_2392] : memref<7x128x64xf32, #tpu.memory_space<vmem>> -> memref<1x128x64xf32, #tpu.memory_space<vmem>>
    %dma_wait3A_2394 = tpu.memref_squeeze %dma_wait3A_2393 : memref<1x128x64xf32, #tpu.memory_space<vmem>> -> memref<128x64xf32, #tpu.memory_space<vmem>>
    %dma_wait3A_2395 = arith.constant 0 : i32
    %dma_wait3A_2396 = tpu.memref_slice %arg4[%mul3A_2, %dma_wait3A_2390, %dma_wait3A_2395] : memref<4096x50x64xf32, #tpu.memory_space<hbm>> -> memref<128x1x64xf32, #tpu.memory_space<hbm>>
    %dma_wait3A_2397 = tpu.memref_squeeze %dma_wait3A_2396 : memref<128x1x64xf32, #tpu.memory_space<hbm>> -> memref<128x64xf32, #tpu.memory_space<hbm>>
    %dma_wait3A_2398 = arith.constant 0 : i32
    %dma_wait3A_2399 = tpu.memref_slice %arg4[%mul3A_2, %dma_wait3A_2390, %dma_wait3A_2398] : memref<4096x50x64xf32, #tpu.memory_space<hbm>> -> memref<128x1x64xf32, #tpu.memory_space<hbm>>
    %dma_wait3A_2400 = tpu.memref_squeeze %dma_wait3A_2399 : memref<128x1x64xf32, #tpu.memory_space<hbm>> -> memref<128x64xf32, #tpu.memory_space<hbm>>
    %dma_wait3A_2401 = arith.constant 0 : i32
    %dma_wait3A_2402 = arith.constant 0 : i32
    %dma_wait3A_2403 = tpu.memref_slice %arg6[%dma_wait3A_2389, %dma_wait3A_2401, %dma_wait3A_2402] : memref<7x128x64xf32, #tpu.memory_space<vmem>> -> memref<1x128x64xf32, #tpu.memory_space<vmem>>
    %dma_wait3A_2404 = tpu.memref_squeeze %dma_wait3A_2403 : memref<1x128x64xf32, #tpu.memory_space<vmem>> -> memref<128x64xf32, #tpu.memory_space<vmem>>
    tpu.wait_dma2 semaphore(%arg8 : memref<!tpu.dma_semaphore, #tpu.memory_space<semaphore_mem>>) src(%dma_wait3A_2404 : memref<128x64xf32, #tpu.memory_space<vmem>>) dst(%dma_wait3A_2400 : memref<128x64xf32, #tpu.memory_space<hbm>>)
    %slice3A_2405 = vector.extract_strided_slice %get3A_10 {offsets = [7], sizes = [1], strides = [1]} : vector<16xi32> to vector<1xi32>
    %squeeze3A_2406 = vector.extract %slice3A_2405[0] : i32 from vector<1xi32>
    %dma_start3A_2407 = arith.constant 4 : i32
    %dma_start3A_2408 = arith.constant 0 : i32
    %dma_start3A_2409 = arith.constant 0 : i32
    %dma_start3A_2410 = tpu.memref_slice %arg6[%dma_start3A_2407, %dma_start3A_2408, %dma_start3A_2409] : memref<7x128x64xf32, #tpu.memory_space<vmem>> -> memref<1x128x64xf32, #tpu.memory_space<vmem>>
    %dma_start3A_2411 = tpu.memref_squeeze %dma_start3A_2410 : memref<1x128x64xf32, #tpu.memory_space<vmem>> -> memref<128x64xf32, #tpu.memory_space<vmem>>
    %dma_start3A_2412 = arith.constant 0 : i32
    %dma_start3A_2413 = tpu.memref_slice %arg2[%mul3A_2, %squeeze3A_2406, %dma_start3A_2412] : memref<4096x200x64xf32, #tpu.memory_space<hbm>> -> memref<128x1x64xf32, #tpu.memory_space<hbm>>
    %dma_start3A_2414 = tpu.memref_squeeze %dma_start3A_2413 : memref<128x1x64xf32, #tpu.memory_space<hbm>> -> memref<128x64xf32, #tpu.memory_space<hbm>>
    %dma_start3A_2415 = arith.constant 0 : i32
    %dma_start3A_2416 = arith.constant 0 : i32
    %dma_start3A_2417 = tpu.memref_slice %arg6[%dma_start3A_2407, %dma_start3A_2415, %dma_start3A_2416] : memref<7x128x64xf32, #tpu.memory_space<vmem>> -> memref<1x128x64xf32, #tpu.memory_space<vmem>>
    %dma_start3A_2418 = tpu.memref_squeeze %dma_start3A_2417 : memref<1x128x64xf32, #tpu.memory_space<vmem>> -> memref<128x64xf32, #tpu.memory_space<vmem>>
    %dma_start3A_2419 = arith.constant 0 : i32
    %dma_start3A_2420 = tpu.memref_slice %arg2[%mul3A_2, %squeeze3A_2406, %dma_start3A_2419] : memref<4096x200x64xf32, #tpu.memory_space<hbm>> -> memref<128x1x64xf32, #tpu.memory_space<hbm>>
    %dma_start3A_2421 = tpu.memref_squeeze %dma_start3A_2420 : memref<128x1x64xf32, #tpu.memory_space<hbm>> -> memref<128x64xf32, #tpu.memory_space<hbm>>
    tpu.enqueue_dma source(%dma_start3A_2421 : memref<128x64xf32, #tpu.memory_space<hbm>>) target(%dma_start3A_2418 : memref<128x64xf32, #tpu.memory_space<vmem>>) target_semaphore(%arg7 : memref<!tpu.dma_semaphore, #tpu.memory_space<semaphore_mem>>)
    %slice3A_2422 = vector.extract_strided_slice %get3A_10 {offsets = [4], sizes = [1], strides = [1]} : vector<16xi32> to vector<1xi32>
    %squeeze3A_2423 = vector.extract %slice3A_2422[0] : i32 from vector<1xi32>
    %dma_wait3A_2424 = arith.constant 1 : i32
    %dma_wait3A_2425 = arith.constant 0 : i32
    %dma_wait3A_2426 = arith.constant 0 : i32
    %dma_wait3A_2427 = tpu.memref_slice %arg6[%dma_wait3A_2424, %dma_wait3A_2425, %dma_wait3A_2426] : memref<7x128x64xf32, #tpu.memory_space<vmem>> -> memref<1x128x64xf32, #tpu.memory_space<vmem>>
    %dma_wait3A_2428 = tpu.memref_squeeze %dma_wait3A_2427 : memref<1x128x64xf32, #tpu.memory_space<vmem>> -> memref<128x64xf32, #tpu.memory_space<vmem>>
    %dma_wait3A_2429 = arith.constant 0 : i32
    %dma_wait3A_2430 = tpu.memref_slice %arg2[%mul3A_2, %squeeze3A_2423, %dma_wait3A_2429] : memref<4096x200x64xf32, #tpu.memory_space<hbm>> -> memref<128x1x64xf32, #tpu.memory_space<hbm>>
    %dma_wait3A_2431 = tpu.memref_squeeze %dma_wait3A_2430 : memref<128x1x64xf32, #tpu.memory_space<hbm>> -> memref<128x64xf32, #tpu.memory_space<hbm>>
    %dma_wait3A_2432 = arith.constant 0 : i32
    %dma_wait3A_2433 = arith.constant 0 : i32
    %dma_wait3A_2434 = tpu.memref_slice %arg6[%dma_wait3A_2424, %dma_wait3A_2432, %dma_wait3A_2433] : memref<7x128x64xf32, #tpu.memory_space<vmem>> -> memref<1x128x64xf32, #tpu.memory_space<vmem>>
    %dma_wait3A_2435 = tpu.memref_squeeze %dma_wait3A_2434 : memref<1x128x64xf32, #tpu.memory_space<vmem>> -> memref<128x64xf32, #tpu.memory_space<vmem>>
    %dma_wait3A_2436 = arith.constant 0 : i32
    %dma_wait3A_2437 = tpu.memref_slice %arg2[%mul3A_2, %squeeze3A_2423, %dma_wait3A_2436] : memref<4096x200x64xf32, #tpu.memory_space<hbm>> -> memref<128x1x64xf32, #tpu.memory_space<hbm>>
    %dma_wait3A_2438 = tpu.memref_squeeze %dma_wait3A_2437 : memref<128x1x64xf32, #tpu.memory_space<hbm>> -> memref<128x64xf32, #tpu.memory_space<hbm>>
    tpu.wait_dma2 semaphore(%arg7 : memref<!tpu.dma_semaphore, #tpu.memory_space<semaphore_mem>>) src(%dma_wait3A_2438 : memref<128x64xf32, #tpu.memory_space<hbm>>) dst(%dma_wait3A_2435 : memref<128x64xf32, #tpu.memory_space<vmem>>)
    %dma_start3A_2439 = arith.constant 1 : i32
    %dma_start3A_2440 = arith.constant 36 : i32
    %dma_start3A_2441 = arith.constant 0 : i32
    %dma_start3A_2442 = arith.constant 0 : i32
    %dma_start3A_2443 = tpu.memref_slice %arg6[%dma_start3A_2439, %dma_start3A_2441, %dma_start3A_2442] : memref<7x128x64xf32, #tpu.memory_space<vmem>> -> memref<1x128x64xf32, #tpu.memory_space<vmem>>
    %dma_start3A_2444 = tpu.memref_squeeze %dma_start3A_2443 : memref<1x128x64xf32, #tpu.memory_space<vmem>> -> memref<128x64xf32, #tpu.memory_space<vmem>>
    %dma_start3A_2445 = arith.constant 0 : i32
    %dma_start3A_2446 = tpu.memref_slice %arg4[%mul3A_2, %dma_start3A_2440, %dma_start3A_2445] : memref<4096x50x64xf32, #tpu.memory_space<hbm>> -> memref<128x1x64xf32, #tpu.memory_space<hbm>>
    %dma_start3A_2447 = tpu.memref_squeeze %dma_start3A_2446 : memref<128x1x64xf32, #tpu.memory_space<hbm>> -> memref<128x64xf32, #tpu.memory_space<hbm>>
    %dma_start3A_2448 = arith.constant 0 : i32
    %dma_start3A_2449 = tpu.memref_slice %arg4[%mul3A_2, %dma_start3A_2440, %dma_start3A_2448] : memref<4096x50x64xf32, #tpu.memory_space<hbm>> -> memref<128x1x64xf32, #tpu.memory_space<hbm>>
    %dma_start3A_2450 = tpu.memref_squeeze %dma_start3A_2449 : memref<128x1x64xf32, #tpu.memory_space<hbm>> -> memref<128x64xf32, #tpu.memory_space<hbm>>
    %dma_start3A_2451 = arith.constant 0 : i32
    %dma_start3A_2452 = arith.constant 0 : i32
    %dma_start3A_2453 = tpu.memref_slice %arg6[%dma_start3A_2439, %dma_start3A_2451, %dma_start3A_2452] : memref<7x128x64xf32, #tpu.memory_space<vmem>> -> memref<1x128x64xf32, #tpu.memory_space<vmem>>
    %dma_start3A_2454 = tpu.memref_squeeze %dma_start3A_2453 : memref<1x128x64xf32, #tpu.memory_space<vmem>> -> memref<128x64xf32, #tpu.memory_space<vmem>>
    tpu.enqueue_dma source(%dma_start3A_2454 : memref<128x64xf32, #tpu.memory_space<vmem>>) target(%dma_start3A_2450 : memref<128x64xf32, #tpu.memory_space<hbm>>) target_semaphore(%arg8 : memref<!tpu.dma_semaphore, #tpu.memory_space<semaphore_mem>>)
    %dma_wait3A_2455 = arith.constant 6 : i32
    %dma_wait3A_2456 = arith.constant 34 : i32
    %dma_wait3A_2457 = arith.constant 0 : i32
    %dma_wait3A_2458 = arith.constant 0 : i32
    %dma_wait3A_2459 = tpu.memref_slice %arg6[%dma_wait3A_2455, %dma_wait3A_2457, %dma_wait3A_2458] : memref<7x128x64xf32, #tpu.memory_space<vmem>> -> memref<1x128x64xf32, #tpu.memory_space<vmem>>
    %dma_wait3A_2460 = tpu.memref_squeeze %dma_wait3A_2459 : memref<1x128x64xf32, #tpu.memory_space<vmem>> -> memref<128x64xf32, #tpu.memory_space<vmem>>
    %dma_wait3A_2461 = arith.constant 0 : i32
    %dma_wait3A_2462 = tpu.memref_slice %arg4[%mul3A_2, %dma_wait3A_2456, %dma_wait3A_2461] : memref<4096x50x64xf32, #tpu.memory_space<hbm>> -> memref<128x1x64xf32, #tpu.memory_space<hbm>>
    %dma_wait3A_2463 = tpu.memref_squeeze %dma_wait3A_2462 : memref<128x1x64xf32, #tpu.memory_space<hbm>> -> memref<128x64xf32, #tpu.memory_space<hbm>>
    %dma_wait3A_2464 = arith.constant 0 : i32
    %dma_wait3A_2465 = tpu.memref_slice %arg4[%mul3A_2, %dma_wait3A_2456, %dma_wait3A_2464] : memref<4096x50x64xf32, #tpu.memory_space<hbm>> -> memref<128x1x64xf32, #tpu.memory_space<hbm>>
    %dma_wait3A_2466 = tpu.memref_squeeze %dma_wait3A_2465 : memref<128x1x64xf32, #tpu.memory_space<hbm>> -> memref<128x64xf32, #tpu.memory_space<hbm>>
    %dma_wait3A_2467 = arith.constant 0 : i32
    %dma_wait3A_2468 = arith.constant 0 : i32
    %dma_wait3A_2469 = tpu.memref_slice %arg6[%dma_wait3A_2455, %dma_wait3A_2467, %dma_wait3A_2468] : memref<7x128x64xf32, #tpu.memory_space<vmem>> -> memref<1x128x64xf32, #tpu.memory_space<vmem>>
    %dma_wait3A_2470 = tpu.memref_squeeze %dma_wait3A_2469 : memref<1x128x64xf32, #tpu.memory_space<vmem>> -> memref<128x64xf32, #tpu.memory_space<vmem>>
    tpu.wait_dma2 semaphore(%arg8 : memref<!tpu.dma_semaphore, #tpu.memory_space<semaphore_mem>>) src(%dma_wait3A_2470 : memref<128x64xf32, #tpu.memory_space<vmem>>) dst(%dma_wait3A_2466 : memref<128x64xf32, #tpu.memory_space<hbm>>)
    %slice3A_2471 = vector.extract_strided_slice %get3A_10 {offsets = [8], sizes = [1], strides = [1]} : vector<16xi32> to vector<1xi32>
    %squeeze3A_2472 = vector.extract %slice3A_2471[0] : i32 from vector<1xi32>
    %dma_start3A_2473 = arith.constant 5 : i32
    %dma_start3A_2474 = arith.constant 0 : i32
    %dma_start3A_2475 = arith.constant 0 : i32
    %dma_start3A_2476 = tpu.memref_slice %arg6[%dma_start3A_2473, %dma_start3A_2474, %dma_start3A_2475] : memref<7x128x64xf32, #tpu.memory_space<vmem>> -> memref<1x128x64xf32, #tpu.memory_space<vmem>>
    %dma_start3A_2477 = tpu.memref_squeeze %dma_start3A_2476 : memref<1x128x64xf32, #tpu.memory_space<vmem>> -> memref<128x64xf32, #tpu.memory_space<vmem>>
    %dma_start3A_2478 = arith.constant 0 : i32
    %dma_start3A_2479 = tpu.memref_slice %arg2[%mul3A_2, %squeeze3A_2472, %dma_start3A_2478] : memref<4096x200x64xf32, #tpu.memory_space<hbm>> -> memref<128x1x64xf32, #tpu.memory_space<hbm>>
    %dma_start3A_2480 = tpu.memref_squeeze %dma_start3A_2479 : memref<128x1x64xf32, #tpu.memory_space<hbm>> -> memref<128x64xf32, #tpu.memory_space<hbm>>
    %dma_start3A_2481 = arith.constant 0 : i32
    %dma_start3A_2482 = arith.constant 0 : i32
    %dma_start3A_2483 = tpu.memref_slice %arg6[%dma_start3A_2473, %dma_start3A_2481, %dma_start3A_2482] : memref<7x128x64xf32, #tpu.memory_space<vmem>> -> memref<1x128x64xf32, #tpu.memory_space<vmem>>
    %dma_start3A_2484 = tpu.memref_squeeze %dma_start3A_2483 : memref<1x128x64xf32, #tpu.memory_space<vmem>> -> memref<128x64xf32, #tpu.memory_space<vmem>>
    %dma_start3A_2485 = arith.constant 0 : i32
    %dma_start3A_2486 = tpu.memref_slice %arg2[%mul3A_2, %squeeze3A_2472, %dma_start3A_2485] : memref<4096x200x64xf32, #tpu.memory_space<hbm>> -> memref<128x1x64xf32, #tpu.memory_space<hbm>>
    %dma_start3A_2487 = tpu.memref_squeeze %dma_start3A_2486 : memref<128x1x64xf32, #tpu.memory_space<hbm>> -> memref<128x64xf32, #tpu.memory_space<hbm>>
    tpu.enqueue_dma source(%dma_start3A_2487 : memref<128x64xf32, #tpu.memory_space<hbm>>) target(%dma_start3A_2484 : memref<128x64xf32, #tpu.memory_space<vmem>>) target_semaphore(%arg7 : memref<!tpu.dma_semaphore, #tpu.memory_space<semaphore_mem>>)
    %slice3A_2488 = vector.extract_strided_slice %get3A_10 {offsets = [5], sizes = [1], strides = [1]} : vector<16xi32> to vector<1xi32>
    %squeeze3A_2489 = vector.extract %slice3A_2488[0] : i32 from vector<1xi32>
    %dma_wait3A_2490 = arith.constant 2 : i32
    %dma_wait3A_2491 = arith.constant 0 : i32
    %dma_wait3A_2492 = arith.constant 0 : i32
    %dma_wait3A_2493 = tpu.memref_slice %arg6[%dma_wait3A_2490, %dma_wait3A_2491, %dma_wait3A_2492] : memref<7x128x64xf32, #tpu.memory_space<vmem>> -> memref<1x128x64xf32, #tpu.memory_space<vmem>>
    %dma_wait3A_2494 = tpu.memref_squeeze %dma_wait3A_2493 : memref<1x128x64xf32, #tpu.memory_space<vmem>> -> memref<128x64xf32, #tpu.memory_space<vmem>>
    %dma_wait3A_2495 = arith.constant 0 : i32
    %dma_wait3A_2496 = tpu.memref_slice %arg2[%mul3A_2, %squeeze3A_2489, %dma_wait3A_2495] : memref<4096x200x64xf32, #tpu.memory_space<hbm>> -> memref<128x1x64xf32, #tpu.memory_space<hbm>>
    %dma_wait3A_2497 = tpu.memref_squeeze %dma_wait3A_2496 : memref<128x1x64xf32, #tpu.memory_space<hbm>> -> memref<128x64xf32, #tpu.memory_space<hbm>>
    %dma_wait3A_2498 = arith.constant 0 : i32
    %dma_wait3A_2499 = arith.constant 0 : i32
    %dma_wait3A_2500 = tpu.memref_slice %arg6[%dma_wait3A_2490, %dma_wait3A_2498, %dma_wait3A_2499] : memref<7x128x64xf32, #tpu.memory_space<vmem>> -> memref<1x128x64xf32, #tpu.memory_space<vmem>>
    %dma_wait3A_2501 = tpu.memref_squeeze %dma_wait3A_2500 : memref<1x128x64xf32, #tpu.memory_space<vmem>> -> memref<128x64xf32, #tpu.memory_space<vmem>>
    %dma_wait3A_2502 = arith.constant 0 : i32
    %dma_wait3A_2503 = tpu.memref_slice %arg2[%mul3A_2, %squeeze3A_2489, %dma_wait3A_2502] : memref<4096x200x64xf32, #tpu.memory_space<hbm>> -> memref<128x1x64xf32, #tpu.memory_space<hbm>>
    %dma_wait3A_2504 = tpu.memref_squeeze %dma_wait3A_2503 : memref<128x1x64xf32, #tpu.memory_space<hbm>> -> memref<128x64xf32, #tpu.memory_space<hbm>>
    tpu.wait_dma2 semaphore(%arg7 : memref<!tpu.dma_semaphore, #tpu.memory_space<semaphore_mem>>) src(%dma_wait3A_2504 : memref<128x64xf32, #tpu.memory_space<hbm>>) dst(%dma_wait3A_2501 : memref<128x64xf32, #tpu.memory_space<vmem>>)
    %dma_start3A_2505 = arith.constant 2 : i32
    %dma_start3A_2506 = arith.constant 37 : i32
    %dma_start3A_2507 = arith.constant 0 : i32
    %dma_start3A_2508 = arith.constant 0 : i32
    %dma_start3A_2509 = tpu.memref_slice %arg6[%dma_start3A_2505, %dma_start3A_2507, %dma_start3A_2508] : memref<7x128x64xf32, #tpu.memory_space<vmem>> -> memref<1x128x64xf32, #tpu.memory_space<vmem>>
    %dma_start3A_2510 = tpu.memref_squeeze %dma_start3A_2509 : memref<1x128x64xf32, #tpu.memory_space<vmem>> -> memref<128x64xf32, #tpu.memory_space<vmem>>
    %dma_start3A_2511 = arith.constant 0 : i32
    %dma_start3A_2512 = tpu.memref_slice %arg4[%mul3A_2, %dma_start3A_2506, %dma_start3A_2511] : memref<4096x50x64xf32, #tpu.memory_space<hbm>> -> memref<128x1x64xf32, #tpu.memory_space<hbm>>
    %dma_start3A_2513 = tpu.memref_squeeze %dma_start3A_2512 : memref<128x1x64xf32, #tpu.memory_space<hbm>> -> memref<128x64xf32, #tpu.memory_space<hbm>>
    %dma_start3A_2514 = arith.constant 0 : i32
    %dma_start3A_2515 = tpu.memref_slice %arg4[%mul3A_2, %dma_start3A_2506, %dma_start3A_2514] : memref<4096x50x64xf32, #tpu.memory_space<hbm>> -> memref<128x1x64xf32, #tpu.memory_space<hbm>>
    %dma_start3A_2516 = tpu.memref_squeeze %dma_start3A_2515 : memref<128x1x64xf32, #tpu.memory_space<hbm>> -> memref<128x64xf32, #tpu.memory_space<hbm>>
    %dma_start3A_2517 = arith.constant 0 : i32
    %dma_start3A_2518 = arith.constant 0 : i32
    %dma_start3A_2519 = tpu.memref_slice %arg6[%dma_start3A_2505, %dma_start3A_2517, %dma_start3A_2518] : memref<7x128x64xf32, #tpu.memory_space<vmem>> -> memref<1x128x64xf32, #tpu.memory_space<vmem>>
    %dma_start3A_2520 = tpu.memref_squeeze %dma_start3A_2519 : memref<1x128x64xf32, #tpu.memory_space<vmem>> -> memref<128x64xf32, #tpu.memory_space<vmem>>
    tpu.enqueue_dma source(%dma_start3A_2520 : memref<128x64xf32, #tpu.memory_space<vmem>>) target(%dma_start3A_2516 : memref<128x64xf32, #tpu.memory_space<hbm>>) target_semaphore(%arg8 : memref<!tpu.dma_semaphore, #tpu.memory_space<semaphore_mem>>)
    %dma_wait3A_2521 = arith.constant 0 : i32
    %dma_wait3A_2522 = arith.constant 35 : i32
    %dma_wait3A_2523 = arith.constant 0 : i32
    %dma_wait3A_2524 = arith.constant 0 : i32
    %dma_wait3A_2525 = tpu.memref_slice %arg6[%dma_wait3A_2521, %dma_wait3A_2523, %dma_wait3A_2524] : memref<7x128x64xf32, #tpu.memory_space<vmem>> -> memref<1x128x64xf32, #tpu.memory_space<vmem>>
    %dma_wait3A_2526 = tpu.memref_squeeze %dma_wait3A_2525 : memref<1x128x64xf32, #tpu.memory_space<vmem>> -> memref<128x64xf32, #tpu.memory_space<vmem>>
    %dma_wait3A_2527 = arith.constant 0 : i32
    %dma_wait3A_2528 = tpu.memref_slice %arg4[%mul3A_2, %dma_wait3A_2522, %dma_wait3A_2527] : memref<4096x50x64xf32, #tpu.memory_space<hbm>> -> memref<128x1x64xf32, #tpu.memory_space<hbm>>
    %dma_wait3A_2529 = tpu.memref_squeeze %dma_wait3A_2528 : memref<128x1x64xf32, #tpu.memory_space<hbm>> -> memref<128x64xf32, #tpu.memory_space<hbm>>
    %dma_wait3A_2530 = arith.constant 0 : i32
    %dma_wait3A_2531 = tpu.memref_slice %arg4[%mul3A_2, %dma_wait3A_2522, %dma_wait3A_2530] : memref<4096x50x64xf32, #tpu.memory_space<hbm>> -> memref<128x1x64xf32, #tpu.memory_space<hbm>>
    %dma_wait3A_2532 = tpu.memref_squeeze %dma_wait3A_2531 : memref<128x1x64xf32, #tpu.memory_space<hbm>> -> memref<128x64xf32, #tpu.memory_space<hbm>>
    %dma_wait3A_2533 = arith.constant 0 : i32
    %dma_wait3A_2534 = arith.constant 0 : i32
    %dma_wait3A_2535 = tpu.memref_slice %arg6[%dma_wait3A_2521, %dma_wait3A_2533, %dma_wait3A_2534] : memref<7x128x64xf32, #tpu.memory_space<vmem>> -> memref<1x128x64xf32, #tpu.memory_space<vmem>>
    %dma_wait3A_2536 = tpu.memref_squeeze %dma_wait3A_2535 : memref<1x128x64xf32, #tpu.memory_space<vmem>> -> memref<128x64xf32, #tpu.memory_space<vmem>>
    tpu.wait_dma2 semaphore(%arg8 : memref<!tpu.dma_semaphore, #tpu.memory_space<semaphore_mem>>) src(%dma_wait3A_2536 : memref<128x64xf32, #tpu.memory_space<vmem>>) dst(%dma_wait3A_2532 : memref<128x64xf32, #tpu.memory_space<hbm>>)
    %slice3A_2537 = vector.extract_strided_slice %get3A_10 {offsets = [9], sizes = [1], strides = [1]} : vector<16xi32> to vector<1xi32>
    %squeeze3A_2538 = vector.extract %slice3A_2537[0] : i32 from vector<1xi32>
    %dma_start3A_2539 = arith.constant 6 : i32
    %dma_start3A_2540 = arith.constant 0 : i32
    %dma_start3A_2541 = arith.constant 0 : i32
    %dma_start3A_2542 = tpu.memref_slice %arg6[%dma_start3A_2539, %dma_start3A_2540, %dma_start3A_2541] : memref<7x128x64xf32, #tpu.memory_space<vmem>> -> memref<1x128x64xf32, #tpu.memory_space<vmem>>
    %dma_start3A_2543 = tpu.memref_squeeze %dma_start3A_2542 : memref<1x128x64xf32, #tpu.memory_space<vmem>> -> memref<128x64xf32, #tpu.memory_space<vmem>>
    %dma_start3A_2544 = arith.constant 0 : i32
    %dma_start3A_2545 = tpu.memref_slice %arg2[%mul3A_2, %squeeze3A_2538, %dma_start3A_2544] : memref<4096x200x64xf32, #tpu.memory_space<hbm>> -> memref<128x1x64xf32, #tpu.memory_space<hbm>>
    %dma_start3A_2546 = tpu.memref_squeeze %dma_start3A_2545 : memref<128x1x64xf32, #tpu.memory_space<hbm>> -> memref<128x64xf32, #tpu.memory_space<hbm>>
    %dma_start3A_2547 = arith.constant 0 : i32
    %dma_start3A_2548 = arith.constant 0 : i32
    %dma_start3A_2549 = tpu.memref_slice %arg6[%dma_start3A_2539, %dma_start3A_2547, %dma_start3A_2548] : memref<7x128x64xf32, #tpu.memory_space<vmem>> -> memref<1x128x64xf32, #tpu.memory_space<vmem>>
    %dma_start3A_2550 = tpu.memref_squeeze %dma_start3A_2549 : memref<1x128x64xf32, #tpu.memory_space<vmem>> -> memref<128x64xf32, #tpu.memory_space<vmem>>
    %dma_start3A_2551 = arith.constant 0 : i32
    %dma_start3A_2552 = tpu.memref_slice %arg2[%mul3A_2, %squeeze3A_2538, %dma_start3A_2551] : memref<4096x200x64xf32, #tpu.memory_space<hbm>> -> memref<128x1x64xf32, #tpu.memory_space<hbm>>
    %dma_start3A_2553 = tpu.memref_squeeze %dma_start3A_2552 : memref<128x1x64xf32, #tpu.memory_space<hbm>> -> memref<128x64xf32, #tpu.memory_space<hbm>>
    tpu.enqueue_dma source(%dma_start3A_2553 : memref<128x64xf32, #tpu.memory_space<hbm>>) target(%dma_start3A_2550 : memref<128x64xf32, #tpu.memory_space<vmem>>) target_semaphore(%arg7 : memref<!tpu.dma_semaphore, #tpu.memory_space<semaphore_mem>>)
    %slice3A_2554 = vector.extract_strided_slice %get3A_10 {offsets = [6], sizes = [1], strides = [1]} : vector<16xi32> to vector<1xi32>
    %squeeze3A_2555 = vector.extract %slice3A_2554[0] : i32 from vector<1xi32>
    %dma_wait3A_2556 = arith.constant 3 : i32
    %dma_wait3A_2557 = arith.constant 0 : i32
    %dma_wait3A_2558 = arith.constant 0 : i32
    %dma_wait3A_2559 = tpu.memref_slice %arg6[%dma_wait3A_2556, %dma_wait3A_2557, %dma_wait3A_2558] : memref<7x128x64xf32, #tpu.memory_space<vmem>> -> memref<1x128x64xf32, #tpu.memory_space<vmem>>
    %dma_wait3A_2560 = tpu.memref_squeeze %dma_wait3A_2559 : memref<1x128x64xf32, #tpu.memory_space<vmem>> -> memref<128x64xf32, #tpu.memory_space<vmem>>
    %dma_wait3A_2561 = arith.constant 0 : i32
    %dma_wait3A_2562 = tpu.memref_slice %arg2[%mul3A_2, %squeeze3A_2555, %dma_wait3A_2561] : memref<4096x200x64xf32, #tpu.memory_space<hbm>> -> memref<128x1x64xf32, #tpu.memory_space<hbm>>
    %dma_wait3A_2563 = tpu.memref_squeeze %dma_wait3A_2562 : memref<128x1x64xf32, #tpu.memory_space<hbm>> -> memref<128x64xf32, #tpu.memory_space<hbm>>
    %dma_wait3A_2564 = arith.constant 0 : i32
    %dma_wait3A_2565 = arith.constant 0 : i32
    %dma_wait3A_2566 = tpu.memref_slice %arg6[%dma_wait3A_2556, %dma_wait3A_2564, %dma_wait3A_2565] : memref<7x128x64xf32, #tpu.memory_space<vmem>> -> memref<1x128x64xf32, #tpu.memory_space<vmem>>
    %dma_wait3A_2567 = tpu.memref_squeeze %dma_wait3A_2566 : memref<1x128x64xf32, #tpu.memory_space<vmem>> -> memref<128x64xf32, #tpu.memory_space<vmem>>
    %dma_wait3A_2568 = arith.constant 0 : i32
    %dma_wait3A_2569 = tpu.memref_slice %arg2[%mul3A_2, %squeeze3A_2555, %dma_wait3A_2568] : memref<4096x200x64xf32, #tpu.memory_space<hbm>> -> memref<128x1x64xf32, #tpu.memory_space<hbm>>
    %dma_wait3A_2570 = tpu.memref_squeeze %dma_wait3A_2569 : memref<128x1x64xf32, #tpu.memory_space<hbm>> -> memref<128x64xf32, #tpu.memory_space<hbm>>
    tpu.wait_dma2 semaphore(%arg7 : memref<!tpu.dma_semaphore, #tpu.memory_space<semaphore_mem>>) src(%dma_wait3A_2570 : memref<128x64xf32, #tpu.memory_space<hbm>>) dst(%dma_wait3A_2567 : memref<128x64xf32, #tpu.memory_space<vmem>>)
    %dma_start3A_2571 = arith.constant 3 : i32
    %dma_start3A_2572 = arith.constant 38 : i32
    %dma_start3A_2573 = arith.constant 0 : i32
    %dma_start3A_2574 = arith.constant 0 : i32
    %dma_start3A_2575 = tpu.memref_slice %arg6[%dma_start3A_2571, %dma_start3A_2573, %dma_start3A_2574] : memref<7x128x64xf32, #tpu.memory_space<vmem>> -> memref<1x128x64xf32, #tpu.memory_space<vmem>>
    %dma_start3A_2576 = tpu.memref_squeeze %dma_start3A_2575 : memref<1x128x64xf32, #tpu.memory_space<vmem>> -> memref<128x64xf32, #tpu.memory_space<vmem>>
    %dma_start3A_2577 = arith.constant 0 : i32
    %dma_start3A_2578 = tpu.memref_slice %arg4[%mul3A_2, %dma_start3A_2572, %dma_start3A_2577] : memref<4096x50x64xf32, #tpu.memory_space<hbm>> -> memref<128x1x64xf32, #tpu.memory_space<hbm>>
    %dma_start3A_2579 = tpu.memref_squeeze %dma_start3A_2578 : memref<128x1x64xf32, #tpu.memory_space<hbm>> -> memref<128x64xf32, #tpu.memory_space<hbm>>
    %dma_start3A_2580 = arith.constant 0 : i32
    %dma_start3A_2581 = tpu.memref_slice %arg4[%mul3A_2, %dma_start3A_2572, %dma_start3A_2580] : memref<4096x50x64xf32, #tpu.memory_space<hbm>> -> memref<128x1x64xf32, #tpu.memory_space<hbm>>
    %dma_start3A_2582 = tpu.memref_squeeze %dma_start3A_2581 : memref<128x1x64xf32, #tpu.memory_space<hbm>> -> memref<128x64xf32, #tpu.memory_space<hbm>>
    %dma_start3A_2583 = arith.constant 0 : i32
    %dma_start3A_2584 = arith.constant 0 : i32
    %dma_start3A_2585 = tpu.memref_slice %arg6[%dma_start3A_2571, %dma_start3A_2583, %dma_start3A_2584] : memref<7x128x64xf32, #tpu.memory_space<vmem>> -> memref<1x128x64xf32, #tpu.memory_space<vmem>>
    %dma_start3A_2586 = tpu.memref_squeeze %dma_start3A_2585 : memref<1x128x64xf32, #tpu.memory_space<vmem>> -> memref<128x64xf32, #tpu.memory_space<vmem>>
    tpu.enqueue_dma source(%dma_start3A_2586 : memref<128x64xf32, #tpu.memory_space<vmem>>) target(%dma_start3A_2582 : memref<128x64xf32, #tpu.memory_space<hbm>>) target_semaphore(%arg8 : memref<!tpu.dma_semaphore, #tpu.memory_space<semaphore_mem>>)
    %dma_wait3A_2587 = arith.constant 1 : i32
    %dma_wait3A_2588 = arith.constant 36 : i32
    %dma_wait3A_2589 = arith.constant 0 : i32
    %dma_wait3A_2590 = arith.constant 0 : i32
    %dma_wait3A_2591 = tpu.memref_slice %arg6[%dma_wait3A_2587, %dma_wait3A_2589, %dma_wait3A_2590] : memref<7x128x64xf32, #tpu.memory_space<vmem>> -> memref<1x128x64xf32, #tpu.memory_space<vmem>>
    %dma_wait3A_2592 = tpu.memref_squeeze %dma_wait3A_2591 : memref<1x128x64xf32, #tpu.memory_space<vmem>> -> memref<128x64xf32, #tpu.memory_space<vmem>>
    %dma_wait3A_2593 = arith.constant 0 : i32
    %dma_wait3A_2594 = tpu.memref_slice %arg4[%mul3A_2, %dma_wait3A_2588, %dma_wait3A_2593] : memref<4096x50x64xf32, #tpu.memory_space<hbm>> -> memref<128x1x64xf32, #tpu.memory_space<hbm>>
    %dma_wait3A_2595 = tpu.memref_squeeze %dma_wait3A_2594 : memref<128x1x64xf32, #tpu.memory_space<hbm>> -> memref<128x64xf32, #tpu.memory_space<hbm>>
    %dma_wait3A_2596 = arith.constant 0 : i32
    %dma_wait3A_2597 = tpu.memref_slice %arg4[%mul3A_2, %dma_wait3A_2588, %dma_wait3A_2596] : memref<4096x50x64xf32, #tpu.memory_space<hbm>> -> memref<128x1x64xf32, #tpu.memory_space<hbm>>
    %dma_wait3A_2598 = tpu.memref_squeeze %dma_wait3A_2597 : memref<128x1x64xf32, #tpu.memory_space<hbm>> -> memref<128x64xf32, #tpu.memory_space<hbm>>
    %dma_wait3A_2599 = arith.constant 0 : i32
    %dma_wait3A_2600 = arith.constant 0 : i32
    %dma_wait3A_2601 = tpu.memref_slice %arg6[%dma_wait3A_2587, %dma_wait3A_2599, %dma_wait3A_2600] : memref<7x128x64xf32, #tpu.memory_space<vmem>> -> memref<1x128x64xf32, #tpu.memory_space<vmem>>
    %dma_wait3A_2602 = tpu.memref_squeeze %dma_wait3A_2601 : memref<1x128x64xf32, #tpu.memory_space<vmem>> -> memref<128x64xf32, #tpu.memory_space<vmem>>
    tpu.wait_dma2 semaphore(%arg8 : memref<!tpu.dma_semaphore, #tpu.memory_space<semaphore_mem>>) src(%dma_wait3A_2602 : memref<128x64xf32, #tpu.memory_space<vmem>>) dst(%dma_wait3A_2598 : memref<128x64xf32, #tpu.memory_space<hbm>>)
    %slice3A_2603 = vector.extract_strided_slice %get3A_10 {offsets = [10], sizes = [1], strides = [1]} : vector<16xi32> to vector<1xi32>
    %squeeze3A_2604 = vector.extract %slice3A_2603[0] : i32 from vector<1xi32>
    %dma_start3A_2605 = arith.constant 0 : i32
    %dma_start3A_2606 = arith.constant 0 : i32
    %dma_start3A_2607 = arith.constant 0 : i32
    %dma_start3A_2608 = tpu.memref_slice %arg6[%dma_start3A_2605, %dma_start3A_2606, %dma_start3A_2607] : memref<7x128x64xf32, #tpu.memory_space<vmem>> -> memref<1x128x64xf32, #tpu.memory_space<vmem>>
    %dma_start3A_2609 = tpu.memref_squeeze %dma_start3A_2608 : memref<1x128x64xf32, #tpu.memory_space<vmem>> -> memref<128x64xf32, #tpu.memory_space<vmem>>
    %dma_start3A_2610 = arith.constant 0 : i32
    %dma_start3A_2611 = tpu.memref_slice %arg2[%mul3A_2, %squeeze3A_2604, %dma_start3A_2610] : memref<4096x200x64xf32, #tpu.memory_space<hbm>> -> memref<128x1x64xf32, #tpu.memory_space<hbm>>
    %dma_start3A_2612 = tpu.memref_squeeze %dma_start3A_2611 : memref<128x1x64xf32, #tpu.memory_space<hbm>> -> memref<128x64xf32, #tpu.memory_space<hbm>>
    %dma_start3A_2613 = arith.constant 0 : i32
    %dma_start3A_2614 = arith.constant 0 : i32
    %dma_start3A_2615 = tpu.memref_slice %arg6[%dma_start3A_2605, %dma_start3A_2613, %dma_start3A_2614] : memref<7x128x64xf32, #tpu.memory_space<vmem>> -> memref<1x128x64xf32, #tpu.memory_space<vmem>>
    %dma_start3A_2616 = tpu.memref_squeeze %dma_start3A_2615 : memref<1x128x64xf32, #tpu.memory_space<vmem>> -> memref<128x64xf32, #tpu.memory_space<vmem>>
    %dma_start3A_2617 = arith.constant 0 : i32
    %dma_start3A_2618 = tpu.memref_slice %arg2[%mul3A_2, %squeeze3A_2604, %dma_start3A_2617] : memref<4096x200x64xf32, #tpu.memory_space<hbm>> -> memref<128x1x64xf32, #tpu.memory_space<hbm>>
    %dma_start3A_2619 = tpu.memref_squeeze %dma_start3A_2618 : memref<128x1x64xf32, #tpu.memory_space<hbm>> -> memref<128x64xf32, #tpu.memory_space<hbm>>
    tpu.enqueue_dma source(%dma_start3A_2619 : memref<128x64xf32, #tpu.memory_space<hbm>>) target(%dma_start3A_2616 : memref<128x64xf32, #tpu.memory_space<vmem>>) target_semaphore(%arg7 : memref<!tpu.dma_semaphore, #tpu.memory_space<semaphore_mem>>)
    %slice3A_2620 = vector.extract_strided_slice %get3A_10 {offsets = [7], sizes = [1], strides = [1]} : vector<16xi32> to vector<1xi32>
    %squeeze3A_2621 = vector.extract %slice3A_2620[0] : i32 from vector<1xi32>
    %dma_wait3A_2622 = arith.constant 4 : i32
    %dma_wait3A_2623 = arith.constant 0 : i32
    %dma_wait3A_2624 = arith.constant 0 : i32
    %dma_wait3A_2625 = tpu.memref_slice %arg6[%dma_wait3A_2622, %dma_wait3A_2623, %dma_wait3A_2624] : memref<7x128x64xf32, #tpu.memory_space<vmem>> -> memref<1x128x64xf32, #tpu.memory_space<vmem>>
    %dma_wait3A_2626 = tpu.memref_squeeze %dma_wait3A_2625 : memref<1x128x64xf32, #tpu.memory_space<vmem>> -> memref<128x64xf32, #tpu.memory_space<vmem>>
    %dma_wait3A_2627 = arith.constant 0 : i32
    %dma_wait3A_2628 = tpu.memref_slice %arg2[%mul3A_2, %squeeze3A_2621, %dma_wait3A_2627] : memref<4096x200x64xf32, #tpu.memory_space<hbm>> -> memref<128x1x64xf32, #tpu.memory_space<hbm>>
    %dma_wait3A_2629 = tpu.memref_squeeze %dma_wait3A_2628 : memref<128x1x64xf32, #tpu.memory_space<hbm>> -> memref<128x64xf32, #tpu.memory_space<hbm>>
    %dma_wait3A_2630 = arith.constant 0 : i32
    %dma_wait3A_2631 = arith.constant 0 : i32
    %dma_wait3A_2632 = tpu.memref_slice %arg6[%dma_wait3A_2622, %dma_wait3A_2630, %dma_wait3A_2631] : memref<7x128x64xf32, #tpu.memory_space<vmem>> -> memref<1x128x64xf32, #tpu.memory_space<vmem>>
    %dma_wait3A_2633 = tpu.memref_squeeze %dma_wait3A_2632 : memref<1x128x64xf32, #tpu.memory_space<vmem>> -> memref<128x64xf32, #tpu.memory_space<vmem>>
    %dma_wait3A_2634 = arith.constant 0 : i32
    %dma_wait3A_2635 = tpu.memref_slice %arg2[%mul3A_2, %squeeze3A_2621, %dma_wait3A_2634] : memref<4096x200x64xf32, #tpu.memory_space<hbm>> -> memref<128x1x64xf32, #tpu.memory_space<hbm>>
    %dma_wait3A_2636 = tpu.memref_squeeze %dma_wait3A_2635 : memref<128x1x64xf32, #tpu.memory_space<hbm>> -> memref<128x64xf32, #tpu.memory_space<hbm>>
    tpu.wait_dma2 semaphore(%arg7 : memref<!tpu.dma_semaphore, #tpu.memory_space<semaphore_mem>>) src(%dma_wait3A_2636 : memref<128x64xf32, #tpu.memory_space<hbm>>) dst(%dma_wait3A_2633 : memref<128x64xf32, #tpu.memory_space<vmem>>)
    %dma_start3A_2637 = arith.constant 4 : i32
    %dma_start3A_2638 = arith.constant 39 : i32
    %dma_start3A_2639 = arith.constant 0 : i32
    %dma_start3A_2640 = arith.constant 0 : i32
    %dma_start3A_2641 = tpu.memref_slice %arg6[%dma_start3A_2637, %dma_start3A_2639, %dma_start3A_2640] : memref<7x128x64xf32, #tpu.memory_space<vmem>> -> memref<1x128x64xf32, #tpu.memory_space<vmem>>
    %dma_start3A_2642 = tpu.memref_squeeze %dma_start3A_2641 : memref<1x128x64xf32, #tpu.memory_space<vmem>> -> memref<128x64xf32, #tpu.memory_space<vmem>>
    %dma_start3A_2643 = arith.constant 0 : i32
    %dma_start3A_2644 = tpu.memref_slice %arg4[%mul3A_2, %dma_start3A_2638, %dma_start3A_2643] : memref<4096x50x64xf32, #tpu.memory_space<hbm>> -> memref<128x1x64xf32, #tpu.memory_space<hbm>>
    %dma_start3A_2645 = tpu.memref_squeeze %dma_start3A_2644 : memref<128x1x64xf32, #tpu.memory_space<hbm>> -> memref<128x64xf32, #tpu.memory_space<hbm>>
    %dma_start3A_2646 = arith.constant 0 : i32
    %dma_start3A_2647 = tpu.memref_slice %arg4[%mul3A_2, %dma_start3A_2638, %dma_start3A_2646] : memref<4096x50x64xf32, #tpu.memory_space<hbm>> -> memref<128x1x64xf32, #tpu.memory_space<hbm>>
    %dma_start3A_2648 = tpu.memref_squeeze %dma_start3A_2647 : memref<128x1x64xf32, #tpu.memory_space<hbm>> -> memref<128x64xf32, #tpu.memory_space<hbm>>
    %dma_start3A_2649 = arith.constant 0 : i32
    %dma_start3A_2650 = arith.constant 0 : i32
    %dma_start3A_2651 = tpu.memref_slice %arg6[%dma_start3A_2637, %dma_start3A_2649, %dma_start3A_2650] : memref<7x128x64xf32, #tpu.memory_space<vmem>> -> memref<1x128x64xf32, #tpu.memory_space<vmem>>
    %dma_start3A_2652 = tpu.memref_squeeze %dma_start3A_2651 : memref<1x128x64xf32, #tpu.memory_space<vmem>> -> memref<128x64xf32, #tpu.memory_space<vmem>>
    tpu.enqueue_dma source(%dma_start3A_2652 : memref<128x64xf32, #tpu.memory_space<vmem>>) target(%dma_start3A_2648 : memref<128x64xf32, #tpu.memory_space<hbm>>) target_semaphore(%arg8 : memref<!tpu.dma_semaphore, #tpu.memory_space<semaphore_mem>>)
    %dma_wait3A_2653 = arith.constant 2 : i32
    %dma_wait3A_2654 = arith.constant 37 : i32
    %dma_wait3A_2655 = arith.constant 0 : i32
    %dma_wait3A_2656 = arith.constant 0 : i32
    %dma_wait3A_2657 = tpu.memref_slice %arg6[%dma_wait3A_2653, %dma_wait3A_2655, %dma_wait3A_2656] : memref<7x128x64xf32, #tpu.memory_space<vmem>> -> memref<1x128x64xf32, #tpu.memory_space<vmem>>
    %dma_wait3A_2658 = tpu.memref_squeeze %dma_wait3A_2657 : memref<1x128x64xf32, #tpu.memory_space<vmem>> -> memref<128x64xf32, #tpu.memory_space<vmem>>
    %dma_wait3A_2659 = arith.constant 0 : i32
    %dma_wait3A_2660 = tpu.memref_slice %arg4[%mul3A_2, %dma_wait3A_2654, %dma_wait3A_2659] : memref<4096x50x64xf32, #tpu.memory_space<hbm>> -> memref<128x1x64xf32, #tpu.memory_space<hbm>>
    %dma_wait3A_2661 = tpu.memref_squeeze %dma_wait3A_2660 : memref<128x1x64xf32, #tpu.memory_space<hbm>> -> memref<128x64xf32, #tpu.memory_space<hbm>>
    %dma_wait3A_2662 = arith.constant 0 : i32
    %dma_wait3A_2663 = tpu.memref_slice %arg4[%mul3A_2, %dma_wait3A_2654, %dma_wait3A_2662] : memref<4096x50x64xf32, #tpu.memory_space<hbm>> -> memref<128x1x64xf32, #tpu.memory_space<hbm>>
    %dma_wait3A_2664 = tpu.memref_squeeze %dma_wait3A_2663 : memref<128x1x64xf32, #tpu.memory_space<hbm>> -> memref<128x64xf32, #tpu.memory_space<hbm>>
    %dma_wait3A_2665 = arith.constant 0 : i32
    %dma_wait3A_2666 = arith.constant 0 : i32
    %dma_wait3A_2667 = tpu.memref_slice %arg6[%dma_wait3A_2653, %dma_wait3A_2665, %dma_wait3A_2666] : memref<7x128x64xf32, #tpu.memory_space<vmem>> -> memref<1x128x64xf32, #tpu.memory_space<vmem>>
    %dma_wait3A_2668 = tpu.memref_squeeze %dma_wait3A_2667 : memref<1x128x64xf32, #tpu.memory_space<vmem>> -> memref<128x64xf32, #tpu.memory_space<vmem>>
    tpu.wait_dma2 semaphore(%arg8 : memref<!tpu.dma_semaphore, #tpu.memory_space<semaphore_mem>>) src(%dma_wait3A_2668 : memref<128x64xf32, #tpu.memory_space<vmem>>) dst(%dma_wait3A_2664 : memref<128x64xf32, #tpu.memory_space<hbm>>)
    %slice3A_2669 = vector.extract_strided_slice %get3A_10 {offsets = [11], sizes = [1], strides = [1]} : vector<16xi32> to vector<1xi32>
    %squeeze3A_2670 = vector.extract %slice3A_2669[0] : i32 from vector<1xi32>
    %dma_start3A_2671 = arith.constant 1 : i32
    %dma_start3A_2672 = arith.constant 0 : i32
    %dma_start3A_2673 = arith.constant 0 : i32
    %dma_start3A_2674 = tpu.memref_slice %arg6[%dma_start3A_2671, %dma_start3A_2672, %dma_start3A_2673] : memref<7x128x64xf32, #tpu.memory_space<vmem>> -> memref<1x128x64xf32, #tpu.memory_space<vmem>>
    %dma_start3A_2675 = tpu.memref_squeeze %dma_start3A_2674 : memref<1x128x64xf32, #tpu.memory_space<vmem>> -> memref<128x64xf32, #tpu.memory_space<vmem>>
    %dma_start3A_2676 = arith.constant 0 : i32
    %dma_start3A_2677 = tpu.memref_slice %arg2[%mul3A_2, %squeeze3A_2670, %dma_start3A_2676] : memref<4096x200x64xf32, #tpu.memory_space<hbm>> -> memref<128x1x64xf32, #tpu.memory_space<hbm>>
    %dma_start3A_2678 = tpu.memref_squeeze %dma_start3A_2677 : memref<128x1x64xf32, #tpu.memory_space<hbm>> -> memref<128x64xf32, #tpu.memory_space<hbm>>
    %dma_start3A_2679 = arith.constant 0 : i32
    %dma_start3A_2680 = arith.constant 0 : i32
    %dma_start3A_2681 = tpu.memref_slice %arg6[%dma_start3A_2671, %dma_start3A_2679, %dma_start3A_2680] : memref<7x128x64xf32, #tpu.memory_space<vmem>> -> memref<1x128x64xf32, #tpu.memory_space<vmem>>
    %dma_start3A_2682 = tpu.memref_squeeze %dma_start3A_2681 : memref<1x128x64xf32, #tpu.memory_space<vmem>> -> memref<128x64xf32, #tpu.memory_space<vmem>>
    %dma_start3A_2683 = arith.constant 0 : i32
    %dma_start3A_2684 = tpu.memref_slice %arg2[%mul3A_2, %squeeze3A_2670, %dma_start3A_2683] : memref<4096x200x64xf32, #tpu.memory_space<hbm>> -> memref<128x1x64xf32, #tpu.memory_space<hbm>>
    %dma_start3A_2685 = tpu.memref_squeeze %dma_start3A_2684 : memref<128x1x64xf32, #tpu.memory_space<hbm>> -> memref<128x64xf32, #tpu.memory_space<hbm>>
    tpu.enqueue_dma source(%dma_start3A_2685 : memref<128x64xf32, #tpu.memory_space<hbm>>) target(%dma_start3A_2682 : memref<128x64xf32, #tpu.memory_space<vmem>>) target_semaphore(%arg7 : memref<!tpu.dma_semaphore, #tpu.memory_space<semaphore_mem>>)
    %slice3A_2686 = vector.extract_strided_slice %get3A_10 {offsets = [8], sizes = [1], strides = [1]} : vector<16xi32> to vector<1xi32>
    %squeeze3A_2687 = vector.extract %slice3A_2686[0] : i32 from vector<1xi32>
    %dma_wait3A_2688 = arith.constant 5 : i32
    %dma_wait3A_2689 = arith.constant 0 : i32
    %dma_wait3A_2690 = arith.constant 0 : i32
    %dma_wait3A_2691 = tpu.memref_slice %arg6[%dma_wait3A_2688, %dma_wait3A_2689, %dma_wait3A_2690] : memref<7x128x64xf32, #tpu.memory_space<vmem>> -> memref<1x128x64xf32, #tpu.memory_space<vmem>>
    %dma_wait3A_2692 = tpu.memref_squeeze %dma_wait3A_2691 : memref<1x128x64xf32, #tpu.memory_space<vmem>> -> memref<128x64xf32, #tpu.memory_space<vmem>>
    %dma_wait3A_2693 = arith.constant 0 : i32
    %dma_wait3A_2694 = tpu.memref_slice %arg2[%mul3A_2, %squeeze3A_2687, %dma_wait3A_2693] : memref<4096x200x64xf32, #tpu.memory_space<hbm>> -> memref<128x1x64xf32, #tpu.memory_space<hbm>>
    %dma_wait3A_2695 = tpu.memref_squeeze %dma_wait3A_2694 : memref<128x1x64xf32, #tpu.memory_space<hbm>> -> memref<128x64xf32, #tpu.memory_space<hbm>>
    %dma_wait3A_2696 = arith.constant 0 : i32
    %dma_wait3A_2697 = arith.constant 0 : i32
    %dma_wait3A_2698 = tpu.memref_slice %arg6[%dma_wait3A_2688, %dma_wait3A_2696, %dma_wait3A_2697] : memref<7x128x64xf32, #tpu.memory_space<vmem>> -> memref<1x128x64xf32, #tpu.memory_space<vmem>>
    %dma_wait3A_2699 = tpu.memref_squeeze %dma_wait3A_2698 : memref<1x128x64xf32, #tpu.memory_space<vmem>> -> memref<128x64xf32, #tpu.memory_space<vmem>>
    %dma_wait3A_2700 = arith.constant 0 : i32
    %dma_wait3A_2701 = tpu.memref_slice %arg2[%mul3A_2, %squeeze3A_2687, %dma_wait3A_2700] : memref<4096x200x64xf32, #tpu.memory_space<hbm>> -> memref<128x1x64xf32, #tpu.memory_space<hbm>>
    %dma_wait3A_2702 = tpu.memref_squeeze %dma_wait3A_2701 : memref<128x1x64xf32, #tpu.memory_space<hbm>> -> memref<128x64xf32, #tpu.memory_space<hbm>>
    tpu.wait_dma2 semaphore(%arg7 : memref<!tpu.dma_semaphore, #tpu.memory_space<semaphore_mem>>) src(%dma_wait3A_2702 : memref<128x64xf32, #tpu.memory_space<hbm>>) dst(%dma_wait3A_2699 : memref<128x64xf32, #tpu.memory_space<vmem>>)
    %dma_start3A_2703 = arith.constant 5 : i32
    %dma_start3A_2704 = arith.constant 40 : i32
    %dma_start3A_2705 = arith.constant 0 : i32
    %dma_start3A_2706 = arith.constant 0 : i32
    %dma_start3A_2707 = tpu.memref_slice %arg6[%dma_start3A_2703, %dma_start3A_2705, %dma_start3A_2706] : memref<7x128x64xf32, #tpu.memory_space<vmem>> -> memref<1x128x64xf32, #tpu.memory_space<vmem>>
    %dma_start3A_2708 = tpu.memref_squeeze %dma_start3A_2707 : memref<1x128x64xf32, #tpu.memory_space<vmem>> -> memref<128x64xf32, #tpu.memory_space<vmem>>
    %dma_start3A_2709 = arith.constant 0 : i32
    %dma_start3A_2710 = tpu.memref_slice %arg4[%mul3A_2, %dma_start3A_2704, %dma_start3A_2709] : memref<4096x50x64xf32, #tpu.memory_space<hbm>> -> memref<128x1x64xf32, #tpu.memory_space<hbm>>
    %dma_start3A_2711 = tpu.memref_squeeze %dma_start3A_2710 : memref<128x1x64xf32, #tpu.memory_space<hbm>> -> memref<128x64xf32, #tpu.memory_space<hbm>>
    %dma_start3A_2712 = arith.constant 0 : i32
    %dma_start3A_2713 = tpu.memref_slice %arg4[%mul3A_2, %dma_start3A_2704, %dma_start3A_2712] : memref<4096x50x64xf32, #tpu.memory_space<hbm>> -> memref<128x1x64xf32, #tpu.memory_space<hbm>>
    %dma_start3A_2714 = tpu.memref_squeeze %dma_start3A_2713 : memref<128x1x64xf32, #tpu.memory_space<hbm>> -> memref<128x64xf32, #tpu.memory_space<hbm>>
    %dma_start3A_2715 = arith.constant 0 : i32
    %dma_start3A_2716 = arith.constant 0 : i32
    %dma_start3A_2717 = tpu.memref_slice %arg6[%dma_start3A_2703, %dma_start3A_2715, %dma_start3A_2716] : memref<7x128x64xf32, #tpu.memory_space<vmem>> -> memref<1x128x64xf32, #tpu.memory_space<vmem>>
    %dma_start3A_2718 = tpu.memref_squeeze %dma_start3A_2717 : memref<1x128x64xf32, #tpu.memory_space<vmem>> -> memref<128x64xf32, #tpu.memory_space<vmem>>
    tpu.enqueue_dma source(%dma_start3A_2718 : memref<128x64xf32, #tpu.memory_space<vmem>>) target(%dma_start3A_2714 : memref<128x64xf32, #tpu.memory_space<hbm>>) target_semaphore(%arg8 : memref<!tpu.dma_semaphore, #tpu.memory_space<semaphore_mem>>)
    %dma_wait3A_2719 = arith.constant 3 : i32
    %dma_wait3A_2720 = arith.constant 38 : i32
    %dma_wait3A_2721 = arith.constant 0 : i32
    %dma_wait3A_2722 = arith.constant 0 : i32
    %dma_wait3A_2723 = tpu.memref_slice %arg6[%dma_wait3A_2719, %dma_wait3A_2721, %dma_wait3A_2722] : memref<7x128x64xf32, #tpu.memory_space<vmem>> -> memref<1x128x64xf32, #tpu.memory_space<vmem>>
    %dma_wait3A_2724 = tpu.memref_squeeze %dma_wait3A_2723 : memref<1x128x64xf32, #tpu.memory_space<vmem>> -> memref<128x64xf32, #tpu.memory_space<vmem>>
    %dma_wait3A_2725 = arith.constant 0 : i32
    %dma_wait3A_2726 = tpu.memref_slice %arg4[%mul3A_2, %dma_wait3A_2720, %dma_wait3A_2725] : memref<4096x50x64xf32, #tpu.memory_space<hbm>> -> memref<128x1x64xf32, #tpu.memory_space<hbm>>
    %dma_wait3A_2727 = tpu.memref_squeeze %dma_wait3A_2726 : memref<128x1x64xf32, #tpu.memory_space<hbm>> -> memref<128x64xf32, #tpu.memory_space<hbm>>
    %dma_wait3A_2728 = arith.constant 0 : i32
    %dma_wait3A_2729 = tpu.memref_slice %arg4[%mul3A_2, %dma_wait3A_2720, %dma_wait3A_2728] : memref<4096x50x64xf32, #tpu.memory_space<hbm>> -> memref<128x1x64xf32, #tpu.memory_space<hbm>>
    %dma_wait3A_2730 = tpu.memref_squeeze %dma_wait3A_2729 : memref<128x1x64xf32, #tpu.memory_space<hbm>> -> memref<128x64xf32, #tpu.memory_space<hbm>>
    %dma_wait3A_2731 = arith.constant 0 : i32
    %dma_wait3A_2732 = arith.constant 0 : i32
    %dma_wait3A_2733 = tpu.memref_slice %arg6[%dma_wait3A_2719, %dma_wait3A_2731, %dma_wait3A_2732] : memref<7x128x64xf32, #tpu.memory_space<vmem>> -> memref<1x128x64xf32, #tpu.memory_space<vmem>>
    %dma_wait3A_2734 = tpu.memref_squeeze %dma_wait3A_2733 : memref<1x128x64xf32, #tpu.memory_space<vmem>> -> memref<128x64xf32, #tpu.memory_space<vmem>>
    tpu.wait_dma2 semaphore(%arg8 : memref<!tpu.dma_semaphore, #tpu.memory_space<semaphore_mem>>) src(%dma_wait3A_2734 : memref<128x64xf32, #tpu.memory_space<vmem>>) dst(%dma_wait3A_2730 : memref<128x64xf32, #tpu.memory_space<hbm>>)
    %slice3A_2735 = vector.extract_strided_slice %get3A_10 {offsets = [12], sizes = [1], strides = [1]} : vector<16xi32> to vector<1xi32>
    %squeeze3A_2736 = vector.extract %slice3A_2735[0] : i32 from vector<1xi32>
    %dma_start3A_2737 = arith.constant 2 : i32
    %dma_start3A_2738 = arith.constant 0 : i32
    %dma_start3A_2739 = arith.constant 0 : i32
    %dma_start3A_2740 = tpu.memref_slice %arg6[%dma_start3A_2737, %dma_start3A_2738, %dma_start3A_2739] : memref<7x128x64xf32, #tpu.memory_space<vmem>> -> memref<1x128x64xf32, #tpu.memory_space<vmem>>
    %dma_start3A_2741 = tpu.memref_squeeze %dma_start3A_2740 : memref<1x128x64xf32, #tpu.memory_space<vmem>> -> memref<128x64xf32, #tpu.memory_space<vmem>>
    %dma_start3A_2742 = arith.constant 0 : i32
    %dma_start3A_2743 = tpu.memref_slice %arg2[%mul3A_2, %squeeze3A_2736, %dma_start3A_2742] : memref<4096x200x64xf32, #tpu.memory_space<hbm>> -> memref<128x1x64xf32, #tpu.memory_space<hbm>>
    %dma_start3A_2744 = tpu.memref_squeeze %dma_start3A_2743 : memref<128x1x64xf32, #tpu.memory_space<hbm>> -> memref<128x64xf32, #tpu.memory_space<hbm>>
    %dma_start3A_2745 = arith.constant 0 : i32
    %dma_start3A_2746 = arith.constant 0 : i32
    %dma_start3A_2747 = tpu.memref_slice %arg6[%dma_start3A_2737, %dma_start3A_2745, %dma_start3A_2746] : memref<7x128x64xf32, #tpu.memory_space<vmem>> -> memref<1x128x64xf32, #tpu.memory_space<vmem>>
    %dma_start3A_2748 = tpu.memref_squeeze %dma_start3A_2747 : memref<1x128x64xf32, #tpu.memory_space<vmem>> -> memref<128x64xf32, #tpu.memory_space<vmem>>
    %dma_start3A_2749 = arith.constant 0 : i32
    %dma_start3A_2750 = tpu.memref_slice %arg2[%mul3A_2, %squeeze3A_2736, %dma_start3A_2749] : memref<4096x200x64xf32, #tpu.memory_space<hbm>> -> memref<128x1x64xf32, #tpu.memory_space<hbm>>
    %dma_start3A_2751 = tpu.memref_squeeze %dma_start3A_2750 : memref<128x1x64xf32, #tpu.memory_space<hbm>> -> memref<128x64xf32, #tpu.memory_space<hbm>>
    tpu.enqueue_dma source(%dma_start3A_2751 : memref<128x64xf32, #tpu.memory_space<hbm>>) target(%dma_start3A_2748 : memref<128x64xf32, #tpu.memory_space<vmem>>) target_semaphore(%arg7 : memref<!tpu.dma_semaphore, #tpu.memory_space<semaphore_mem>>)
    %slice3A_2752 = vector.extract_strided_slice %get3A_10 {offsets = [9], sizes = [1], strides = [1]} : vector<16xi32> to vector<1xi32>
    %squeeze3A_2753 = vector.extract %slice3A_2752[0] : i32 from vector<1xi32>
    %dma_wait3A_2754 = arith.constant 6 : i32
    %dma_wait3A_2755 = arith.constant 0 : i32
    %dma_wait3A_2756 = arith.constant 0 : i32
    %dma_wait3A_2757 = tpu.memref_slice %arg6[%dma_wait3A_2754, %dma_wait3A_2755, %dma_wait3A_2756] : memref<7x128x64xf32, #tpu.memory_space<vmem>> -> memref<1x128x64xf32, #tpu.memory_space<vmem>>
    %dma_wait3A_2758 = tpu.memref_squeeze %dma_wait3A_2757 : memref<1x128x64xf32, #tpu.memory_space<vmem>> -> memref<128x64xf32, #tpu.memory_space<vmem>>
    %dma_wait3A_2759 = arith.constant 0 : i32
    %dma_wait3A_2760 = tpu.memref_slice %arg2[%mul3A_2, %squeeze3A_2753, %dma_wait3A_2759] : memref<4096x200x64xf32, #tpu.memory_space<hbm>> -> memref<128x1x64xf32, #tpu.memory_space<hbm>>
    %dma_wait3A_2761 = tpu.memref_squeeze %dma_wait3A_2760 : memref<128x1x64xf32, #tpu.memory_space<hbm>> -> memref<128x64xf32, #tpu.memory_space<hbm>>
    %dma_wait3A_2762 = arith.constant 0 : i32
    %dma_wait3A_2763 = arith.constant 0 : i32
    %dma_wait3A_2764 = tpu.memref_slice %arg6[%dma_wait3A_2754, %dma_wait3A_2762, %dma_wait3A_2763] : memref<7x128x64xf32, #tpu.memory_space<vmem>> -> memref<1x128x64xf32, #tpu.memory_space<vmem>>
    %dma_wait3A_2765 = tpu.memref_squeeze %dma_wait3A_2764 : memref<1x128x64xf32, #tpu.memory_space<vmem>> -> memref<128x64xf32, #tpu.memory_space<vmem>>
    %dma_wait3A_2766 = arith.constant 0 : i32
    %dma_wait3A_2767 = tpu.memref_slice %arg2[%mul3A_2, %squeeze3A_2753, %dma_wait3A_2766] : memref<4096x200x64xf32, #tpu.memory_space<hbm>> -> memref<128x1x64xf32, #tpu.memory_space<hbm>>
    %dma_wait3A_2768 = tpu.memref_squeeze %dma_wait3A_2767 : memref<128x1x64xf32, #tpu.memory_space<hbm>> -> memref<128x64xf32, #tpu.memory_space<hbm>>
    tpu.wait_dma2 semaphore(%arg7 : memref<!tpu.dma_semaphore, #tpu.memory_space<semaphore_mem>>) src(%dma_wait3A_2768 : memref<128x64xf32, #tpu.memory_space<hbm>>) dst(%dma_wait3A_2765 : memref<128x64xf32, #tpu.memory_space<vmem>>)
    %dma_start3A_2769 = arith.constant 6 : i32
    %dma_start3A_2770 = arith.constant 41 : i32
    %dma_start3A_2771 = arith.constant 0 : i32
    %dma_start3A_2772 = arith.constant 0 : i32
    %dma_start3A_2773 = tpu.memref_slice %arg6[%dma_start3A_2769, %dma_start3A_2771, %dma_start3A_2772] : memref<7x128x64xf32, #tpu.memory_space<vmem>> -> memref<1x128x64xf32, #tpu.memory_space<vmem>>
    %dma_start3A_2774 = tpu.memref_squeeze %dma_start3A_2773 : memref<1x128x64xf32, #tpu.memory_space<vmem>> -> memref<128x64xf32, #tpu.memory_space<vmem>>
    %dma_start3A_2775 = arith.constant 0 : i32
    %dma_start3A_2776 = tpu.memref_slice %arg4[%mul3A_2, %dma_start3A_2770, %dma_start3A_2775] : memref<4096x50x64xf32, #tpu.memory_space<hbm>> -> memref<128x1x64xf32, #tpu.memory_space<hbm>>
    %dma_start3A_2777 = tpu.memref_squeeze %dma_start3A_2776 : memref<128x1x64xf32, #tpu.memory_space<hbm>> -> memref<128x64xf32, #tpu.memory_space<hbm>>
    %dma_start3A_2778 = arith.constant 0 : i32
    %dma_start3A_2779 = tpu.memref_slice %arg4[%mul3A_2, %dma_start3A_2770, %dma_start3A_2778] : memref<4096x50x64xf32, #tpu.memory_space<hbm>> -> memref<128x1x64xf32, #tpu.memory_space<hbm>>
    %dma_start3A_2780 = tpu.memref_squeeze %dma_start3A_2779 : memref<128x1x64xf32, #tpu.memory_space<hbm>> -> memref<128x64xf32, #tpu.memory_space<hbm>>
    %dma_start3A_2781 = arith.constant 0 : i32
    %dma_start3A_2782 = arith.constant 0 : i32
    %dma_start3A_2783 = tpu.memref_slice %arg6[%dma_start3A_2769, %dma_start3A_2781, %dma_start3A_2782] : memref<7x128x64xf32, #tpu.memory_space<vmem>> -> memref<1x128x64xf32, #tpu.memory_space<vmem>>
    %dma_start3A_2784 = tpu.memref_squeeze %dma_start3A_2783 : memref<1x128x64xf32, #tpu.memory_space<vmem>> -> memref<128x64xf32, #tpu.memory_space<vmem>>
    tpu.enqueue_dma source(%dma_start3A_2784 : memref<128x64xf32, #tpu.memory_space<vmem>>) target(%dma_start3A_2780 : memref<128x64xf32, #tpu.memory_space<hbm>>) target_semaphore(%arg8 : memref<!tpu.dma_semaphore, #tpu.memory_space<semaphore_mem>>)
    %dma_wait3A_2785 = arith.constant 4 : i32
    %dma_wait3A_2786 = arith.constant 39 : i32
    %dma_wait3A_2787 = arith.constant 0 : i32
    %dma_wait3A_2788 = arith.constant 0 : i32
    %dma_wait3A_2789 = tpu.memref_slice %arg6[%dma_wait3A_2785, %dma_wait3A_2787, %dma_wait3A_2788] : memref<7x128x64xf32, #tpu.memory_space<vmem>> -> memref<1x128x64xf32, #tpu.memory_space<vmem>>
    %dma_wait3A_2790 = tpu.memref_squeeze %dma_wait3A_2789 : memref<1x128x64xf32, #tpu.memory_space<vmem>> -> memref<128x64xf32, #tpu.memory_space<vmem>>
    %dma_wait3A_2791 = arith.constant 0 : i32
    %dma_wait3A_2792 = tpu.memref_slice %arg4[%mul3A_2, %dma_wait3A_2786, %dma_wait3A_2791] : memref<4096x50x64xf32, #tpu.memory_space<hbm>> -> memref<128x1x64xf32, #tpu.memory_space<hbm>>
    %dma_wait3A_2793 = tpu.memref_squeeze %dma_wait3A_2792 : memref<128x1x64xf32, #tpu.memory_space<hbm>> -> memref<128x64xf32, #tpu.memory_space<hbm>>
    %dma_wait3A_2794 = arith.constant 0 : i32
    %dma_wait3A_2795 = tpu.memref_slice %arg4[%mul3A_2, %dma_wait3A_2786, %dma_wait3A_2794] : memref<4096x50x64xf32, #tpu.memory_space<hbm>> -> memref<128x1x64xf32, #tpu.memory_space<hbm>>
    %dma_wait3A_2796 = tpu.memref_squeeze %dma_wait3A_2795 : memref<128x1x64xf32, #tpu.memory_space<hbm>> -> memref<128x64xf32, #tpu.memory_space<hbm>>
    %dma_wait3A_2797 = arith.constant 0 : i32
    %dma_wait3A_2798 = arith.constant 0 : i32
    %dma_wait3A_2799 = tpu.memref_slice %arg6[%dma_wait3A_2785, %dma_wait3A_2797, %dma_wait3A_2798] : memref<7x128x64xf32, #tpu.memory_space<vmem>> -> memref<1x128x64xf32, #tpu.memory_space<vmem>>
    %dma_wait3A_2800 = tpu.memref_squeeze %dma_wait3A_2799 : memref<1x128x64xf32, #tpu.memory_space<vmem>> -> memref<128x64xf32, #tpu.memory_space<vmem>>
    tpu.wait_dma2 semaphore(%arg8 : memref<!tpu.dma_semaphore, #tpu.memory_space<semaphore_mem>>) src(%dma_wait3A_2800 : memref<128x64xf32, #tpu.memory_space<vmem>>) dst(%dma_wait3A_2796 : memref<128x64xf32, #tpu.memory_space<hbm>>)
    %slice3A_2801 = vector.extract_strided_slice %get3A_10 {offsets = [13], sizes = [1], strides = [1]} : vector<16xi32> to vector<1xi32>
    %squeeze3A_2802 = vector.extract %slice3A_2801[0] : i32 from vector<1xi32>
    %dma_start3A_2803 = arith.constant 3 : i32
    %dma_start3A_2804 = arith.constant 0 : i32
    %dma_start3A_2805 = arith.constant 0 : i32
    %dma_start3A_2806 = tpu.memref_slice %arg6[%dma_start3A_2803, %dma_start3A_2804, %dma_start3A_2805] : memref<7x128x64xf32, #tpu.memory_space<vmem>> -> memref<1x128x64xf32, #tpu.memory_space<vmem>>
    %dma_start3A_2807 = tpu.memref_squeeze %dma_start3A_2806 : memref<1x128x64xf32, #tpu.memory_space<vmem>> -> memref<128x64xf32, #tpu.memory_space<vmem>>
    %dma_start3A_2808 = arith.constant 0 : i32
    %dma_start3A_2809 = tpu.memref_slice %arg2[%mul3A_2, %squeeze3A_2802, %dma_start3A_2808] : memref<4096x200x64xf32, #tpu.memory_space<hbm>> -> memref<128x1x64xf32, #tpu.memory_space<hbm>>
    %dma_start3A_2810 = tpu.memref_squeeze %dma_start3A_2809 : memref<128x1x64xf32, #tpu.memory_space<hbm>> -> memref<128x64xf32, #tpu.memory_space<hbm>>
    %dma_start3A_2811 = arith.constant 0 : i32
    %dma_start3A_2812 = arith.constant 0 : i32
    %dma_start3A_2813 = tpu.memref_slice %arg6[%dma_start3A_2803, %dma_start3A_2811, %dma_start3A_2812] : memref<7x128x64xf32, #tpu.memory_space<vmem>> -> memref<1x128x64xf32, #tpu.memory_space<vmem>>
    %dma_start3A_2814 = tpu.memref_squeeze %dma_start3A_2813 : memref<1x128x64xf32, #tpu.memory_space<vmem>> -> memref<128x64xf32, #tpu.memory_space<vmem>>
    %dma_start3A_2815 = arith.constant 0 : i32
    %dma_start3A_2816 = tpu.memref_slice %arg2[%mul3A_2, %squeeze3A_2802, %dma_start3A_2815] : memref<4096x200x64xf32, #tpu.memory_space<hbm>> -> memref<128x1x64xf32, #tpu.memory_space<hbm>>
    %dma_start3A_2817 = tpu.memref_squeeze %dma_start3A_2816 : memref<128x1x64xf32, #tpu.memory_space<hbm>> -> memref<128x64xf32, #tpu.memory_space<hbm>>
    tpu.enqueue_dma source(%dma_start3A_2817 : memref<128x64xf32, #tpu.memory_space<hbm>>) target(%dma_start3A_2814 : memref<128x64xf32, #tpu.memory_space<vmem>>) target_semaphore(%arg7 : memref<!tpu.dma_semaphore, #tpu.memory_space<semaphore_mem>>)
    %slice3A_2818 = vector.extract_strided_slice %get3A_10 {offsets = [10], sizes = [1], strides = [1]} : vector<16xi32> to vector<1xi32>
    %squeeze3A_2819 = vector.extract %slice3A_2818[0] : i32 from vector<1xi32>
    %dma_wait3A_2820 = arith.constant 0 : i32
    %dma_wait3A_2821 = arith.constant 0 : i32
    %dma_wait3A_2822 = arith.constant 0 : i32
    %dma_wait3A_2823 = tpu.memref_slice %arg6[%dma_wait3A_2820, %dma_wait3A_2821, %dma_wait3A_2822] : memref<7x128x64xf32, #tpu.memory_space<vmem>> -> memref<1x128x64xf32, #tpu.memory_space<vmem>>
    %dma_wait3A_2824 = tpu.memref_squeeze %dma_wait3A_2823 : memref<1x128x64xf32, #tpu.memory_space<vmem>> -> memref<128x64xf32, #tpu.memory_space<vmem>>
    %dma_wait3A_2825 = arith.constant 0 : i32
    %dma_wait3A_2826 = tpu.memref_slice %arg2[%mul3A_2, %squeeze3A_2819, %dma_wait3A_2825] : memref<4096x200x64xf32, #tpu.memory_space<hbm>> -> memref<128x1x64xf32, #tpu.memory_space<hbm>>
    %dma_wait3A_2827 = tpu.memref_squeeze %dma_wait3A_2826 : memref<128x1x64xf32, #tpu.memory_space<hbm>> -> memref<128x64xf32, #tpu.memory_space<hbm>>
    %dma_wait3A_2828 = arith.constant 0 : i32
    %dma_wait3A_2829 = arith.constant 0 : i32
    %dma_wait3A_2830 = tpu.memref_slice %arg6[%dma_wait3A_2820, %dma_wait3A_2828, %dma_wait3A_2829] : memref<7x128x64xf32, #tpu.memory_space<vmem>> -> memref<1x128x64xf32, #tpu.memory_space<vmem>>
    %dma_wait3A_2831 = tpu.memref_squeeze %dma_wait3A_2830 : memref<1x128x64xf32, #tpu.memory_space<vmem>> -> memref<128x64xf32, #tpu.memory_space<vmem>>
    %dma_wait3A_2832 = arith.constant 0 : i32
    %dma_wait3A_2833 = tpu.memref_slice %arg2[%mul3A_2, %squeeze3A_2819, %dma_wait3A_2832] : memref<4096x200x64xf32, #tpu.memory_space<hbm>> -> memref<128x1x64xf32, #tpu.memory_space<hbm>>
    %dma_wait3A_2834 = tpu.memref_squeeze %dma_wait3A_2833 : memref<128x1x64xf32, #tpu.memory_space<hbm>> -> memref<128x64xf32, #tpu.memory_space<hbm>>
    tpu.wait_dma2 semaphore(%arg7 : memref<!tpu.dma_semaphore, #tpu.memory_space<semaphore_mem>>) src(%dma_wait3A_2834 : memref<128x64xf32, #tpu.memory_space<hbm>>) dst(%dma_wait3A_2831 : memref<128x64xf32, #tpu.memory_space<vmem>>)
    %dma_start3A_2835 = arith.constant 0 : i32
    %dma_start3A_2836 = arith.constant 42 : i32
    %dma_start3A_2837 = arith.constant 0 : i32
    %dma_start3A_2838 = arith.constant 0 : i32
    %dma_start3A_2839 = tpu.memref_slice %arg6[%dma_start3A_2835, %dma_start3A_2837, %dma_start3A_2838] : memref<7x128x64xf32, #tpu.memory_space<vmem>> -> memref<1x128x64xf32, #tpu.memory_space<vmem>>
    %dma_start3A_2840 = tpu.memref_squeeze %dma_start3A_2839 : memref<1x128x64xf32, #tpu.memory_space<vmem>> -> memref<128x64xf32, #tpu.memory_space<vmem>>
    %dma_start3A_2841 = arith.constant 0 : i32
    %dma_start3A_2842 = tpu.memref_slice %arg4[%mul3A_2, %dma_start3A_2836, %dma_start3A_2841] : memref<4096x50x64xf32, #tpu.memory_space<hbm>> -> memref<128x1x64xf32, #tpu.memory_space<hbm>>
    %dma_start3A_2843 = tpu.memref_squeeze %dma_start3A_2842 : memref<128x1x64xf32, #tpu.memory_space<hbm>> -> memref<128x64xf32, #tpu.memory_space<hbm>>
    %dma_start3A_2844 = arith.constant 0 : i32
    %dma_start3A_2845 = tpu.memref_slice %arg4[%mul3A_2, %dma_start3A_2836, %dma_start3A_2844] : memref<4096x50x64xf32, #tpu.memory_space<hbm>> -> memref<128x1x64xf32, #tpu.memory_space<hbm>>
    %dma_start3A_2846 = tpu.memref_squeeze %dma_start3A_2845 : memref<128x1x64xf32, #tpu.memory_space<hbm>> -> memref<128x64xf32, #tpu.memory_space<hbm>>
    %dma_start3A_2847 = arith.constant 0 : i32
    %dma_start3A_2848 = arith.constant 0 : i32
    %dma_start3A_2849 = tpu.memref_slice %arg6[%dma_start3A_2835, %dma_start3A_2847, %dma_start3A_2848] : memref<7x128x64xf32, #tpu.memory_space<vmem>> -> memref<1x128x64xf32, #tpu.memory_space<vmem>>
    %dma_start3A_2850 = tpu.memref_squeeze %dma_start3A_2849 : memref<1x128x64xf32, #tpu.memory_space<vmem>> -> memref<128x64xf32, #tpu.memory_space<vmem>>
    tpu.enqueue_dma source(%dma_start3A_2850 : memref<128x64xf32, #tpu.memory_space<vmem>>) target(%dma_start3A_2846 : memref<128x64xf32, #tpu.memory_space<hbm>>) target_semaphore(%arg8 : memref<!tpu.dma_semaphore, #tpu.memory_space<semaphore_mem>>)
    %dma_wait3A_2851 = arith.constant 5 : i32
    %dma_wait3A_2852 = arith.constant 40 : i32
    %dma_wait3A_2853 = arith.constant 0 : i32
    %dma_wait3A_2854 = arith.constant 0 : i32
    %dma_wait3A_2855 = tpu.memref_slice %arg6[%dma_wait3A_2851, %dma_wait3A_2853, %dma_wait3A_2854] : memref<7x128x64xf32, #tpu.memory_space<vmem>> -> memref<1x128x64xf32, #tpu.memory_space<vmem>>
    %dma_wait3A_2856 = tpu.memref_squeeze %dma_wait3A_2855 : memref<1x128x64xf32, #tpu.memory_space<vmem>> -> memref<128x64xf32, #tpu.memory_space<vmem>>
    %dma_wait3A_2857 = arith.constant 0 : i32
    %dma_wait3A_2858 = tpu.memref_slice %arg4[%mul3A_2, %dma_wait3A_2852, %dma_wait3A_2857] : memref<4096x50x64xf32, #tpu.memory_space<hbm>> -> memref<128x1x64xf32, #tpu.memory_space<hbm>>
    %dma_wait3A_2859 = tpu.memref_squeeze %dma_wait3A_2858 : memref<128x1x64xf32, #tpu.memory_space<hbm>> -> memref<128x64xf32, #tpu.memory_space<hbm>>
    %dma_wait3A_2860 = arith.constant 0 : i32
    %dma_wait3A_2861 = tpu.memref_slice %arg4[%mul3A_2, %dma_wait3A_2852, %dma_wait3A_2860] : memref<4096x50x64xf32, #tpu.memory_space<hbm>> -> memref<128x1x64xf32, #tpu.memory_space<hbm>>
    %dma_wait3A_2862 = tpu.memref_squeeze %dma_wait3A_2861 : memref<128x1x64xf32, #tpu.memory_space<hbm>> -> memref<128x64xf32, #tpu.memory_space<hbm>>
    %dma_wait3A_2863 = arith.constant 0 : i32
    %dma_wait3A_2864 = arith.constant 0 : i32
    %dma_wait3A_2865 = tpu.memref_slice %arg6[%dma_wait3A_2851, %dma_wait3A_2863, %dma_wait3A_2864] : memref<7x128x64xf32, #tpu.memory_space<vmem>> -> memref<1x128x64xf32, #tpu.memory_space<vmem>>
    %dma_wait3A_2866 = tpu.memref_squeeze %dma_wait3A_2865 : memref<1x128x64xf32, #tpu.memory_space<vmem>> -> memref<128x64xf32, #tpu.memory_space<vmem>>
    tpu.wait_dma2 semaphore(%arg8 : memref<!tpu.dma_semaphore, #tpu.memory_space<semaphore_mem>>) src(%dma_wait3A_2866 : memref<128x64xf32, #tpu.memory_space<vmem>>) dst(%dma_wait3A_2862 : memref<128x64xf32, #tpu.memory_space<hbm>>)
    %slice3A_2867 = vector.extract_strided_slice %get3A_10 {offsets = [14], sizes = [1], strides = [1]} : vector<16xi32> to vector<1xi32>
    %squeeze3A_2868 = vector.extract %slice3A_2867[0] : i32 from vector<1xi32>
    %dma_start3A_2869 = arith.constant 4 : i32
    %dma_start3A_2870 = arith.constant 0 : i32
    %dma_start3A_2871 = arith.constant 0 : i32
    %dma_start3A_2872 = tpu.memref_slice %arg6[%dma_start3A_2869, %dma_start3A_2870, %dma_start3A_2871] : memref<7x128x64xf32, #tpu.memory_space<vmem>> -> memref<1x128x64xf32, #tpu.memory_space<vmem>>
    %dma_start3A_2873 = tpu.memref_squeeze %dma_start3A_2872 : memref<1x128x64xf32, #tpu.memory_space<vmem>> -> memref<128x64xf32, #tpu.memory_space<vmem>>
    %dma_start3A_2874 = arith.constant 0 : i32
    %dma_start3A_2875 = tpu.memref_slice %arg2[%mul3A_2, %squeeze3A_2868, %dma_start3A_2874] : memref<4096x200x64xf32, #tpu.memory_space<hbm>> -> memref<128x1x64xf32, #tpu.memory_space<hbm>>
    %dma_start3A_2876 = tpu.memref_squeeze %dma_start3A_2875 : memref<128x1x64xf32, #tpu.memory_space<hbm>> -> memref<128x64xf32, #tpu.memory_space<hbm>>
    %dma_start3A_2877 = arith.constant 0 : i32
    %dma_start3A_2878 = arith.constant 0 : i32
    %dma_start3A_2879 = tpu.memref_slice %arg6[%dma_start3A_2869, %dma_start3A_2877, %dma_start3A_2878] : memref<7x128x64xf32, #tpu.memory_space<vmem>> -> memref<1x128x64xf32, #tpu.memory_space<vmem>>
    %dma_start3A_2880 = tpu.memref_squeeze %dma_start3A_2879 : memref<1x128x64xf32, #tpu.memory_space<vmem>> -> memref<128x64xf32, #tpu.memory_space<vmem>>
    %dma_start3A_2881 = arith.constant 0 : i32
    %dma_start3A_2882 = tpu.memref_slice %arg2[%mul3A_2, %squeeze3A_2868, %dma_start3A_2881] : memref<4096x200x64xf32, #tpu.memory_space<hbm>> -> memref<128x1x64xf32, #tpu.memory_space<hbm>>
    %dma_start3A_2883 = tpu.memref_squeeze %dma_start3A_2882 : memref<128x1x64xf32, #tpu.memory_space<hbm>> -> memref<128x64xf32, #tpu.memory_space<hbm>>
    tpu.enqueue_dma source(%dma_start3A_2883 : memref<128x64xf32, #tpu.memory_space<hbm>>) target(%dma_start3A_2880 : memref<128x64xf32, #tpu.memory_space<vmem>>) target_semaphore(%arg7 : memref<!tpu.dma_semaphore, #tpu.memory_space<semaphore_mem>>)
    %slice3A_2884 = vector.extract_strided_slice %get3A_10 {offsets = [11], sizes = [1], strides = [1]} : vector<16xi32> to vector<1xi32>
    %squeeze3A_2885 = vector.extract %slice3A_2884[0] : i32 from vector<1xi32>
    %dma_wait3A_2886 = arith.constant 1 : i32
    %dma_wait3A_2887 = arith.constant 0 : i32
    %dma_wait3A_2888 = arith.constant 0 : i32
    %dma_wait3A_2889 = tpu.memref_slice %arg6[%dma_wait3A_2886, %dma_wait3A_2887, %dma_wait3A_2888] : memref<7x128x64xf32, #tpu.memory_space<vmem>> -> memref<1x128x64xf32, #tpu.memory_space<vmem>>
    %dma_wait3A_2890 = tpu.memref_squeeze %dma_wait3A_2889 : memref<1x128x64xf32, #tpu.memory_space<vmem>> -> memref<128x64xf32, #tpu.memory_space<vmem>>
    %dma_wait3A_2891 = arith.constant 0 : i32
    %dma_wait3A_2892 = tpu.memref_slice %arg2[%mul3A_2, %squeeze3A_2885, %dma_wait3A_2891] : memref<4096x200x64xf32, #tpu.memory_space<hbm>> -> memref<128x1x64xf32, #tpu.memory_space<hbm>>
    %dma_wait3A_2893 = tpu.memref_squeeze %dma_wait3A_2892 : memref<128x1x64xf32, #tpu.memory_space<hbm>> -> memref<128x64xf32, #tpu.memory_space<hbm>>
    %dma_wait3A_2894 = arith.constant 0 : i32
    %dma_wait3A_2895 = arith.constant 0 : i32
    %dma_wait3A_2896 = tpu.memref_slice %arg6[%dma_wait3A_2886, %dma_wait3A_2894, %dma_wait3A_2895] : memref<7x128x64xf32, #tpu.memory_space<vmem>> -> memref<1x128x64xf32, #tpu.memory_space<vmem>>
    %dma_wait3A_2897 = tpu.memref_squeeze %dma_wait3A_2896 : memref<1x128x64xf32, #tpu.memory_space<vmem>> -> memref<128x64xf32, #tpu.memory_space<vmem>>
    %dma_wait3A_2898 = arith.constant 0 : i32
    %dma_wait3A_2899 = tpu.memref_slice %arg2[%mul3A_2, %squeeze3A_2885, %dma_wait3A_2898] : memref<4096x200x64xf32, #tpu.memory_space<hbm>> -> memref<128x1x64xf32, #tpu.memory_space<hbm>>
    %dma_wait3A_2900 = tpu.memref_squeeze %dma_wait3A_2899 : memref<128x1x64xf32, #tpu.memory_space<hbm>> -> memref<128x64xf32, #tpu.memory_space<hbm>>
    tpu.wait_dma2 semaphore(%arg7 : memref<!tpu.dma_semaphore, #tpu.memory_space<semaphore_mem>>) src(%dma_wait3A_2900 : memref<128x64xf32, #tpu.memory_space<hbm>>) dst(%dma_wait3A_2897 : memref<128x64xf32, #tpu.memory_space<vmem>>)
    %dma_start3A_2901 = arith.constant 1 : i32
    %dma_start3A_2902 = arith.constant 43 : i32
    %dma_start3A_2903 = arith.constant 0 : i32
    %dma_start3A_2904 = arith.constant 0 : i32
    %dma_start3A_2905 = tpu.memref_slice %arg6[%dma_start3A_2901, %dma_start3A_2903, %dma_start3A_2904] : memref<7x128x64xf32, #tpu.memory_space<vmem>> -> memref<1x128x64xf32, #tpu.memory_space<vmem>>
    %dma_start3A_2906 = tpu.memref_squeeze %dma_start3A_2905 : memref<1x128x64xf32, #tpu.memory_space<vmem>> -> memref<128x64xf32, #tpu.memory_space<vmem>>
    %dma_start3A_2907 = arith.constant 0 : i32
    %dma_start3A_2908 = tpu.memref_slice %arg4[%mul3A_2, %dma_start3A_2902, %dma_start3A_2907] : memref<4096x50x64xf32, #tpu.memory_space<hbm>> -> memref<128x1x64xf32, #tpu.memory_space<hbm>>
    %dma_start3A_2909 = tpu.memref_squeeze %dma_start3A_2908 : memref<128x1x64xf32, #tpu.memory_space<hbm>> -> memref<128x64xf32, #tpu.memory_space<hbm>>
    %dma_start3A_2910 = arith.constant 0 : i32
    %dma_start3A_2911 = tpu.memref_slice %arg4[%mul3A_2, %dma_start3A_2902, %dma_start3A_2910] : memref<4096x50x64xf32, #tpu.memory_space<hbm>> -> memref<128x1x64xf32, #tpu.memory_space<hbm>>
    %dma_start3A_2912 = tpu.memref_squeeze %dma_start3A_2911 : memref<128x1x64xf32, #tpu.memory_space<hbm>> -> memref<128x64xf32, #tpu.memory_space<hbm>>
    %dma_start3A_2913 = arith.constant 0 : i32
    %dma_start3A_2914 = arith.constant 0 : i32
    %dma_start3A_2915 = tpu.memref_slice %arg6[%dma_start3A_2901, %dma_start3A_2913, %dma_start3A_2914] : memref<7x128x64xf32, #tpu.memory_space<vmem>> -> memref<1x128x64xf32, #tpu.memory_space<vmem>>
    %dma_start3A_2916 = tpu.memref_squeeze %dma_start3A_2915 : memref<1x128x64xf32, #tpu.memory_space<vmem>> -> memref<128x64xf32, #tpu.memory_space<vmem>>
    tpu.enqueue_dma source(%dma_start3A_2916 : memref<128x64xf32, #tpu.memory_space<vmem>>) target(%dma_start3A_2912 : memref<128x64xf32, #tpu.memory_space<hbm>>) target_semaphore(%arg8 : memref<!tpu.dma_semaphore, #tpu.memory_space<semaphore_mem>>)
    %dma_wait3A_2917 = arith.constant 6 : i32
    %dma_wait3A_2918 = arith.constant 41 : i32
    %dma_wait3A_2919 = arith.constant 0 : i32
    %dma_wait3A_2920 = arith.constant 0 : i32
    %dma_wait3A_2921 = tpu.memref_slice %arg6[%dma_wait3A_2917, %dma_wait3A_2919, %dma_wait3A_2920] : memref<7x128x64xf32, #tpu.memory_space<vmem>> -> memref<1x128x64xf32, #tpu.memory_space<vmem>>
    %dma_wait3A_2922 = tpu.memref_squeeze %dma_wait3A_2921 : memref<1x128x64xf32, #tpu.memory_space<vmem>> -> memref<128x64xf32, #tpu.memory_space<vmem>>
    %dma_wait3A_2923 = arith.constant 0 : i32
    %dma_wait3A_2924 = tpu.memref_slice %arg4[%mul3A_2, %dma_wait3A_2918, %dma_wait3A_2923] : memref<4096x50x64xf32, #tpu.memory_space<hbm>> -> memref<128x1x64xf32, #tpu.memory_space<hbm>>
    %dma_wait3A_2925 = tpu.memref_squeeze %dma_wait3A_2924 : memref<128x1x64xf32, #tpu.memory_space<hbm>> -> memref<128x64xf32, #tpu.memory_space<hbm>>
    %dma_wait3A_2926 = arith.constant 0 : i32
    %dma_wait3A_2927 = tpu.memref_slice %arg4[%mul3A_2, %dma_wait3A_2918, %dma_wait3A_2926] : memref<4096x50x64xf32, #tpu.memory_space<hbm>> -> memref<128x1x64xf32, #tpu.memory_space<hbm>>
    %dma_wait3A_2928 = tpu.memref_squeeze %dma_wait3A_2927 : memref<128x1x64xf32, #tpu.memory_space<hbm>> -> memref<128x64xf32, #tpu.memory_space<hbm>>
    %dma_wait3A_2929 = arith.constant 0 : i32
    %dma_wait3A_2930 = arith.constant 0 : i32
    %dma_wait3A_2931 = tpu.memref_slice %arg6[%dma_wait3A_2917, %dma_wait3A_2929, %dma_wait3A_2930] : memref<7x128x64xf32, #tpu.memory_space<vmem>> -> memref<1x128x64xf32, #tpu.memory_space<vmem>>
    %dma_wait3A_2932 = tpu.memref_squeeze %dma_wait3A_2931 : memref<1x128x64xf32, #tpu.memory_space<vmem>> -> memref<128x64xf32, #tpu.memory_space<vmem>>
    tpu.wait_dma2 semaphore(%arg8 : memref<!tpu.dma_semaphore, #tpu.memory_space<semaphore_mem>>) src(%dma_wait3A_2932 : memref<128x64xf32, #tpu.memory_space<vmem>>) dst(%dma_wait3A_2928 : memref<128x64xf32, #tpu.memory_space<hbm>>)
    %slice3A_2933 = vector.extract_strided_slice %get3A_10 {offsets = [15], sizes = [1], strides = [1]} : vector<16xi32> to vector<1xi32>
    %squeeze3A_2934 = vector.extract %slice3A_2933[0] : i32 from vector<1xi32>
    %dma_start3A_2935 = arith.constant 5 : i32
    %dma_start3A_2936 = arith.constant 0 : i32
    %dma_start3A_2937 = arith.constant 0 : i32
    %dma_start3A_2938 = tpu.memref_slice %arg6[%dma_start3A_2935, %dma_start3A_2936, %dma_start3A_2937] : memref<7x128x64xf32, #tpu.memory_space<vmem>> -> memref<1x128x64xf32, #tpu.memory_space<vmem>>
    %dma_start3A_2939 = tpu.memref_squeeze %dma_start3A_2938 : memref<1x128x64xf32, #tpu.memory_space<vmem>> -> memref<128x64xf32, #tpu.memory_space<vmem>>
    %dma_start3A_2940 = arith.constant 0 : i32
    %dma_start3A_2941 = tpu.memref_slice %arg2[%mul3A_2, %squeeze3A_2934, %dma_start3A_2940] : memref<4096x200x64xf32, #tpu.memory_space<hbm>> -> memref<128x1x64xf32, #tpu.memory_space<hbm>>
    %dma_start3A_2942 = tpu.memref_squeeze %dma_start3A_2941 : memref<128x1x64xf32, #tpu.memory_space<hbm>> -> memref<128x64xf32, #tpu.memory_space<hbm>>
    %dma_start3A_2943 = arith.constant 0 : i32
    %dma_start3A_2944 = arith.constant 0 : i32
    %dma_start3A_2945 = tpu.memref_slice %arg6[%dma_start3A_2935, %dma_start3A_2943, %dma_start3A_2944] : memref<7x128x64xf32, #tpu.memory_space<vmem>> -> memref<1x128x64xf32, #tpu.memory_space<vmem>>
    %dma_start3A_2946 = tpu.memref_squeeze %dma_start3A_2945 : memref<1x128x64xf32, #tpu.memory_space<vmem>> -> memref<128x64xf32, #tpu.memory_space<vmem>>
    %dma_start3A_2947 = arith.constant 0 : i32
    %dma_start3A_2948 = tpu.memref_slice %arg2[%mul3A_2, %squeeze3A_2934, %dma_start3A_2947] : memref<4096x200x64xf32, #tpu.memory_space<hbm>> -> memref<128x1x64xf32, #tpu.memory_space<hbm>>
    %dma_start3A_2949 = tpu.memref_squeeze %dma_start3A_2948 : memref<128x1x64xf32, #tpu.memory_space<hbm>> -> memref<128x64xf32, #tpu.memory_space<hbm>>
    tpu.enqueue_dma source(%dma_start3A_2949 : memref<128x64xf32, #tpu.memory_space<hbm>>) target(%dma_start3A_2946 : memref<128x64xf32, #tpu.memory_space<vmem>>) target_semaphore(%arg7 : memref<!tpu.dma_semaphore, #tpu.memory_space<semaphore_mem>>)
    %slice3A_2950 = vector.extract_strided_slice %get3A_10 {offsets = [12], sizes = [1], strides = [1]} : vector<16xi32> to vector<1xi32>
    %squeeze3A_2951 = vector.extract %slice3A_2950[0] : i32 from vector<1xi32>
    %dma_wait3A_2952 = arith.constant 2 : i32
    %dma_wait3A_2953 = arith.constant 0 : i32
    %dma_wait3A_2954 = arith.constant 0 : i32
    %dma_wait3A_2955 = tpu.memref_slice %arg6[%dma_wait3A_2952, %dma_wait3A_2953, %dma_wait3A_2954] : memref<7x128x64xf32, #tpu.memory_space<vmem>> -> memref<1x128x64xf32, #tpu.memory_space<vmem>>
    %dma_wait3A_2956 = tpu.memref_squeeze %dma_wait3A_2955 : memref<1x128x64xf32, #tpu.memory_space<vmem>> -> memref<128x64xf32, #tpu.memory_space<vmem>>
    %dma_wait3A_2957 = arith.constant 0 : i32
    %dma_wait3A_2958 = tpu.memref_slice %arg2[%mul3A_2, %squeeze3A_2951, %dma_wait3A_2957] : memref<4096x200x64xf32, #tpu.memory_space<hbm>> -> memref<128x1x64xf32, #tpu.memory_space<hbm>>
    %dma_wait3A_2959 = tpu.memref_squeeze %dma_wait3A_2958 : memref<128x1x64xf32, #tpu.memory_space<hbm>> -> memref<128x64xf32, #tpu.memory_space<hbm>>
    %dma_wait3A_2960 = arith.constant 0 : i32
    %dma_wait3A_2961 = arith.constant 0 : i32
    %dma_wait3A_2962 = tpu.memref_slice %arg6[%dma_wait3A_2952, %dma_wait3A_2960, %dma_wait3A_2961] : memref<7x128x64xf32, #tpu.memory_space<vmem>> -> memref<1x128x64xf32, #tpu.memory_space<vmem>>
    %dma_wait3A_2963 = tpu.memref_squeeze %dma_wait3A_2962 : memref<1x128x64xf32, #tpu.memory_space<vmem>> -> memref<128x64xf32, #tpu.memory_space<vmem>>
    %dma_wait3A_2964 = arith.constant 0 : i32
    %dma_wait3A_2965 = tpu.memref_slice %arg2[%mul3A_2, %squeeze3A_2951, %dma_wait3A_2964] : memref<4096x200x64xf32, #tpu.memory_space<hbm>> -> memref<128x1x64xf32, #tpu.memory_space<hbm>>
    %dma_wait3A_2966 = tpu.memref_squeeze %dma_wait3A_2965 : memref<128x1x64xf32, #tpu.memory_space<hbm>> -> memref<128x64xf32, #tpu.memory_space<hbm>>
    tpu.wait_dma2 semaphore(%arg7 : memref<!tpu.dma_semaphore, #tpu.memory_space<semaphore_mem>>) src(%dma_wait3A_2966 : memref<128x64xf32, #tpu.memory_space<hbm>>) dst(%dma_wait3A_2963 : memref<128x64xf32, #tpu.memory_space<vmem>>)
    %dma_start3A_2967 = arith.constant 2 : i32
    %dma_start3A_2968 = arith.constant 44 : i32
    %dma_start3A_2969 = arith.constant 0 : i32
    %dma_start3A_2970 = arith.constant 0 : i32
    %dma_start3A_2971 = tpu.memref_slice %arg6[%dma_start3A_2967, %dma_start3A_2969, %dma_start3A_2970] : memref<7x128x64xf32, #tpu.memory_space<vmem>> -> memref<1x128x64xf32, #tpu.memory_space<vmem>>
    %dma_start3A_2972 = tpu.memref_squeeze %dma_start3A_2971 : memref<1x128x64xf32, #tpu.memory_space<vmem>> -> memref<128x64xf32, #tpu.memory_space<vmem>>
    %dma_start3A_2973 = arith.constant 0 : i32
    %dma_start3A_2974 = tpu.memref_slice %arg4[%mul3A_2, %dma_start3A_2968, %dma_start3A_2973] : memref<4096x50x64xf32, #tpu.memory_space<hbm>> -> memref<128x1x64xf32, #tpu.memory_space<hbm>>
    %dma_start3A_2975 = tpu.memref_squeeze %dma_start3A_2974 : memref<128x1x64xf32, #tpu.memory_space<hbm>> -> memref<128x64xf32, #tpu.memory_space<hbm>>
    %dma_start3A_2976 = arith.constant 0 : i32
    %dma_start3A_2977 = tpu.memref_slice %arg4[%mul3A_2, %dma_start3A_2968, %dma_start3A_2976] : memref<4096x50x64xf32, #tpu.memory_space<hbm>> -> memref<128x1x64xf32, #tpu.memory_space<hbm>>
    %dma_start3A_2978 = tpu.memref_squeeze %dma_start3A_2977 : memref<128x1x64xf32, #tpu.memory_space<hbm>> -> memref<128x64xf32, #tpu.memory_space<hbm>>
    %dma_start3A_2979 = arith.constant 0 : i32
    %dma_start3A_2980 = arith.constant 0 : i32
    %dma_start3A_2981 = tpu.memref_slice %arg6[%dma_start3A_2967, %dma_start3A_2979, %dma_start3A_2980] : memref<7x128x64xf32, #tpu.memory_space<vmem>> -> memref<1x128x64xf32, #tpu.memory_space<vmem>>
    %dma_start3A_2982 = tpu.memref_squeeze %dma_start3A_2981 : memref<1x128x64xf32, #tpu.memory_space<vmem>> -> memref<128x64xf32, #tpu.memory_space<vmem>>
    tpu.enqueue_dma source(%dma_start3A_2982 : memref<128x64xf32, #tpu.memory_space<vmem>>) target(%dma_start3A_2978 : memref<128x64xf32, #tpu.memory_space<hbm>>) target_semaphore(%arg8 : memref<!tpu.dma_semaphore, #tpu.memory_space<semaphore_mem>>)
    %dma_wait3A_2983 = arith.constant 0 : i32
    %dma_wait3A_2984 = arith.constant 42 : i32
    %dma_wait3A_2985 = arith.constant 0 : i32
    %dma_wait3A_2986 = arith.constant 0 : i32
    %dma_wait3A_2987 = tpu.memref_slice %arg6[%dma_wait3A_2983, %dma_wait3A_2985, %dma_wait3A_2986] : memref<7x128x64xf32, #tpu.memory_space<vmem>> -> memref<1x128x64xf32, #tpu.memory_space<vmem>>
    %dma_wait3A_2988 = tpu.memref_squeeze %dma_wait3A_2987 : memref<1x128x64xf32, #tpu.memory_space<vmem>> -> memref<128x64xf32, #tpu.memory_space<vmem>>
    %dma_wait3A_2989 = arith.constant 0 : i32
    %dma_wait3A_2990 = tpu.memref_slice %arg4[%mul3A_2, %dma_wait3A_2984, %dma_wait3A_2989] : memref<4096x50x64xf32, #tpu.memory_space<hbm>> -> memref<128x1x64xf32, #tpu.memory_space<hbm>>
    %dma_wait3A_2991 = tpu.memref_squeeze %dma_wait3A_2990 : memref<128x1x64xf32, #tpu.memory_space<hbm>> -> memref<128x64xf32, #tpu.memory_space<hbm>>
    %dma_wait3A_2992 = arith.constant 0 : i32
    %dma_wait3A_2993 = tpu.memref_slice %arg4[%mul3A_2, %dma_wait3A_2984, %dma_wait3A_2992] : memref<4096x50x64xf32, #tpu.memory_space<hbm>> -> memref<128x1x64xf32, #tpu.memory_space<hbm>>
    %dma_wait3A_2994 = tpu.memref_squeeze %dma_wait3A_2993 : memref<128x1x64xf32, #tpu.memory_space<hbm>> -> memref<128x64xf32, #tpu.memory_space<hbm>>
    %dma_wait3A_2995 = arith.constant 0 : i32
    %dma_wait3A_2996 = arith.constant 0 : i32
    %dma_wait3A_2997 = tpu.memref_slice %arg6[%dma_wait3A_2983, %dma_wait3A_2995, %dma_wait3A_2996] : memref<7x128x64xf32, #tpu.memory_space<vmem>> -> memref<1x128x64xf32, #tpu.memory_space<vmem>>
    %dma_wait3A_2998 = tpu.memref_squeeze %dma_wait3A_2997 : memref<1x128x64xf32, #tpu.memory_space<vmem>> -> memref<128x64xf32, #tpu.memory_space<vmem>>
    tpu.wait_dma2 semaphore(%arg8 : memref<!tpu.dma_semaphore, #tpu.memory_space<semaphore_mem>>) src(%dma_wait3A_2998 : memref<128x64xf32, #tpu.memory_space<vmem>>) dst(%dma_wait3A_2994 : memref<128x64xf32, #tpu.memory_space<hbm>>)
    %slice3A_2999 = vector.extract_strided_slice %get3A_13 {offsets = [0], sizes = [1], strides = [1]} : vector<16xi32> to vector<1xi32>
    %squeeze3A_3000 = vector.extract %slice3A_2999[0] : i32 from vector<1xi32>
    %dma_start3A_3001 = arith.constant 6 : i32
    %dma_start3A_3002 = arith.constant 0 : i32
    %dma_start3A_3003 = arith.constant 0 : i32
    %dma_start3A_3004 = tpu.memref_slice %arg6[%dma_start3A_3001, %dma_start3A_3002, %dma_start3A_3003] : memref<7x128x64xf32, #tpu.memory_space<vmem>> -> memref<1x128x64xf32, #tpu.memory_space<vmem>>
    %dma_start3A_3005 = tpu.memref_squeeze %dma_start3A_3004 : memref<1x128x64xf32, #tpu.memory_space<vmem>> -> memref<128x64xf32, #tpu.memory_space<vmem>>
    %dma_start3A_3006 = arith.constant 0 : i32
    %dma_start3A_3007 = tpu.memref_slice %arg2[%mul3A_2, %squeeze3A_3000, %dma_start3A_3006] : memref<4096x200x64xf32, #tpu.memory_space<hbm>> -> memref<128x1x64xf32, #tpu.memory_space<hbm>>
    %dma_start3A_3008 = tpu.memref_squeeze %dma_start3A_3007 : memref<128x1x64xf32, #tpu.memory_space<hbm>> -> memref<128x64xf32, #tpu.memory_space<hbm>>
    %dma_start3A_3009 = arith.constant 0 : i32
    %dma_start3A_3010 = arith.constant 0 : i32
    %dma_start3A_3011 = tpu.memref_slice %arg6[%dma_start3A_3001, %dma_start3A_3009, %dma_start3A_3010] : memref<7x128x64xf32, #tpu.memory_space<vmem>> -> memref<1x128x64xf32, #tpu.memory_space<vmem>>
    %dma_start3A_3012 = tpu.memref_squeeze %dma_start3A_3011 : memref<1x128x64xf32, #tpu.memory_space<vmem>> -> memref<128x64xf32, #tpu.memory_space<vmem>>
    %dma_start3A_3013 = arith.constant 0 : i32
    %dma_start3A_3014 = tpu.memref_slice %arg2[%mul3A_2, %squeeze3A_3000, %dma_start3A_3013] : memref<4096x200x64xf32, #tpu.memory_space<hbm>> -> memref<128x1x64xf32, #tpu.memory_space<hbm>>
    %dma_start3A_3015 = tpu.memref_squeeze %dma_start3A_3014 : memref<128x1x64xf32, #tpu.memory_space<hbm>> -> memref<128x64xf32, #tpu.memory_space<hbm>>
    tpu.enqueue_dma source(%dma_start3A_3015 : memref<128x64xf32, #tpu.memory_space<hbm>>) target(%dma_start3A_3012 : memref<128x64xf32, #tpu.memory_space<vmem>>) target_semaphore(%arg7 : memref<!tpu.dma_semaphore, #tpu.memory_space<semaphore_mem>>)
    %slice3A_3016 = vector.extract_strided_slice %get3A_10 {offsets = [13], sizes = [1], strides = [1]} : vector<16xi32> to vector<1xi32>
    %squeeze3A_3017 = vector.extract %slice3A_3016[0] : i32 from vector<1xi32>
    %dma_wait3A_3018 = arith.constant 3 : i32
    %dma_wait3A_3019 = arith.constant 0 : i32
    %dma_wait3A_3020 = arith.constant 0 : i32
    %dma_wait3A_3021 = tpu.memref_slice %arg6[%dma_wait3A_3018, %dma_wait3A_3019, %dma_wait3A_3020] : memref<7x128x64xf32, #tpu.memory_space<vmem>> -> memref<1x128x64xf32, #tpu.memory_space<vmem>>
    %dma_wait3A_3022 = tpu.memref_squeeze %dma_wait3A_3021 : memref<1x128x64xf32, #tpu.memory_space<vmem>> -> memref<128x64xf32, #tpu.memory_space<vmem>>
    %dma_wait3A_3023 = arith.constant 0 : i32
    %dma_wait3A_3024 = tpu.memref_slice %arg2[%mul3A_2, %squeeze3A_3017, %dma_wait3A_3023] : memref<4096x200x64xf32, #tpu.memory_space<hbm>> -> memref<128x1x64xf32, #tpu.memory_space<hbm>>
    %dma_wait3A_3025 = tpu.memref_squeeze %dma_wait3A_3024 : memref<128x1x64xf32, #tpu.memory_space<hbm>> -> memref<128x64xf32, #tpu.memory_space<hbm>>
    %dma_wait3A_3026 = arith.constant 0 : i32
    %dma_wait3A_3027 = arith.constant 0 : i32
    %dma_wait3A_3028 = tpu.memref_slice %arg6[%dma_wait3A_3018, %dma_wait3A_3026, %dma_wait3A_3027] : memref<7x128x64xf32, #tpu.memory_space<vmem>> -> memref<1x128x64xf32, #tpu.memory_space<vmem>>
    %dma_wait3A_3029 = tpu.memref_squeeze %dma_wait3A_3028 : memref<1x128x64xf32, #tpu.memory_space<vmem>> -> memref<128x64xf32, #tpu.memory_space<vmem>>
    %dma_wait3A_3030 = arith.constant 0 : i32
    %dma_wait3A_3031 = tpu.memref_slice %arg2[%mul3A_2, %squeeze3A_3017, %dma_wait3A_3030] : memref<4096x200x64xf32, #tpu.memory_space<hbm>> -> memref<128x1x64xf32, #tpu.memory_space<hbm>>
    %dma_wait3A_3032 = tpu.memref_squeeze %dma_wait3A_3031 : memref<128x1x64xf32, #tpu.memory_space<hbm>> -> memref<128x64xf32, #tpu.memory_space<hbm>>
    tpu.wait_dma2 semaphore(%arg7 : memref<!tpu.dma_semaphore, #tpu.memory_space<semaphore_mem>>) src(%dma_wait3A_3032 : memref<128x64xf32, #tpu.memory_space<hbm>>) dst(%dma_wait3A_3029 : memref<128x64xf32, #tpu.memory_space<vmem>>)
    %dma_start3A_3033 = arith.constant 3 : i32
    %dma_start3A_3034 = arith.constant 45 : i32
    %dma_start3A_3035 = arith.constant 0 : i32
    %dma_start3A_3036 = arith.constant 0 : i32
    %dma_start3A_3037 = tpu.memref_slice %arg6[%dma_start3A_3033, %dma_start3A_3035, %dma_start3A_3036] : memref<7x128x64xf32, #tpu.memory_space<vmem>> -> memref<1x128x64xf32, #tpu.memory_space<vmem>>
    %dma_start3A_3038 = tpu.memref_squeeze %dma_start3A_3037 : memref<1x128x64xf32, #tpu.memory_space<vmem>> -> memref<128x64xf32, #tpu.memory_space<vmem>>
    %dma_start3A_3039 = arith.constant 0 : i32
    %dma_start3A_3040 = tpu.memref_slice %arg4[%mul3A_2, %dma_start3A_3034, %dma_start3A_3039] : memref<4096x50x64xf32, #tpu.memory_space<hbm>> -> memref<128x1x64xf32, #tpu.memory_space<hbm>>
    %dma_start3A_3041 = tpu.memref_squeeze %dma_start3A_3040 : memref<128x1x64xf32, #tpu.memory_space<hbm>> -> memref<128x64xf32, #tpu.memory_space<hbm>>
    %dma_start3A_3042 = arith.constant 0 : i32
    %dma_start3A_3043 = tpu.memref_slice %arg4[%mul3A_2, %dma_start3A_3034, %dma_start3A_3042] : memref<4096x50x64xf32, #tpu.memory_space<hbm>> -> memref<128x1x64xf32, #tpu.memory_space<hbm>>
    %dma_start3A_3044 = tpu.memref_squeeze %dma_start3A_3043 : memref<128x1x64xf32, #tpu.memory_space<hbm>> -> memref<128x64xf32, #tpu.memory_space<hbm>>
    %dma_start3A_3045 = arith.constant 0 : i32
    %dma_start3A_3046 = arith.constant 0 : i32
    %dma_start3A_3047 = tpu.memref_slice %arg6[%dma_start3A_3033, %dma_start3A_3045, %dma_start3A_3046] : memref<7x128x64xf32, #tpu.memory_space<vmem>> -> memref<1x128x64xf32, #tpu.memory_space<vmem>>
    %dma_start3A_3048 = tpu.memref_squeeze %dma_start3A_3047 : memref<1x128x64xf32, #tpu.memory_space<vmem>> -> memref<128x64xf32, #tpu.memory_space<vmem>>
    tpu.enqueue_dma source(%dma_start3A_3048 : memref<128x64xf32, #tpu.memory_space<vmem>>) target(%dma_start3A_3044 : memref<128x64xf32, #tpu.memory_space<hbm>>) target_semaphore(%arg8 : memref<!tpu.dma_semaphore, #tpu.memory_space<semaphore_mem>>)
    %dma_wait3A_3049 = arith.constant 1 : i32
    %dma_wait3A_3050 = arith.constant 43 : i32
    %dma_wait3A_3051 = arith.constant 0 : i32
    %dma_wait3A_3052 = arith.constant 0 : i32
    %dma_wait3A_3053 = tpu.memref_slice %arg6[%dma_wait3A_3049, %dma_wait3A_3051, %dma_wait3A_3052] : memref<7x128x64xf32, #tpu.memory_space<vmem>> -> memref<1x128x64xf32, #tpu.memory_space<vmem>>
    %dma_wait3A_3054 = tpu.memref_squeeze %dma_wait3A_3053 : memref<1x128x64xf32, #tpu.memory_space<vmem>> -> memref<128x64xf32, #tpu.memory_space<vmem>>
    %dma_wait3A_3055 = arith.constant 0 : i32
    %dma_wait3A_3056 = tpu.memref_slice %arg4[%mul3A_2, %dma_wait3A_3050, %dma_wait3A_3055] : memref<4096x50x64xf32, #tpu.memory_space<hbm>> -> memref<128x1x64xf32, #tpu.memory_space<hbm>>
    %dma_wait3A_3057 = tpu.memref_squeeze %dma_wait3A_3056 : memref<128x1x64xf32, #tpu.memory_space<hbm>> -> memref<128x64xf32, #tpu.memory_space<hbm>>
    %dma_wait3A_3058 = arith.constant 0 : i32
    %dma_wait3A_3059 = tpu.memref_slice %arg4[%mul3A_2, %dma_wait3A_3050, %dma_wait3A_3058] : memref<4096x50x64xf32, #tpu.memory_space<hbm>> -> memref<128x1x64xf32, #tpu.memory_space<hbm>>
    %dma_wait3A_3060 = tpu.memref_squeeze %dma_wait3A_3059 : memref<128x1x64xf32, #tpu.memory_space<hbm>> -> memref<128x64xf32, #tpu.memory_space<hbm>>
    %dma_wait3A_3061 = arith.constant 0 : i32
    %dma_wait3A_3062 = arith.constant 0 : i32
    %dma_wait3A_3063 = tpu.memref_slice %arg6[%dma_wait3A_3049, %dma_wait3A_3061, %dma_wait3A_3062] : memref<7x128x64xf32, #tpu.memory_space<vmem>> -> memref<1x128x64xf32, #tpu.memory_space<vmem>>
    %dma_wait3A_3064 = tpu.memref_squeeze %dma_wait3A_3063 : memref<1x128x64xf32, #tpu.memory_space<vmem>> -> memref<128x64xf32, #tpu.memory_space<vmem>>
    tpu.wait_dma2 semaphore(%arg8 : memref<!tpu.dma_semaphore, #tpu.memory_space<semaphore_mem>>) src(%dma_wait3A_3064 : memref<128x64xf32, #tpu.memory_space<vmem>>) dst(%dma_wait3A_3060 : memref<128x64xf32, #tpu.memory_space<hbm>>)
    %slice3A_3065 = vector.extract_strided_slice %get3A_13 {offsets = [1], sizes = [1], strides = [1]} : vector<16xi32> to vector<1xi32>
    %squeeze3A_3066 = vector.extract %slice3A_3065[0] : i32 from vector<1xi32>
    %dma_start3A_3067 = arith.constant 0 : i32
    %dma_start3A_3068 = arith.constant 0 : i32
    %dma_start3A_3069 = arith.constant 0 : i32
    %dma_start3A_3070 = tpu.memref_slice %arg6[%dma_start3A_3067, %dma_start3A_3068, %dma_start3A_3069] : memref<7x128x64xf32, #tpu.memory_space<vmem>> -> memref<1x128x64xf32, #tpu.memory_space<vmem>>
    %dma_start3A_3071 = tpu.memref_squeeze %dma_start3A_3070 : memref<1x128x64xf32, #tpu.memory_space<vmem>> -> memref<128x64xf32, #tpu.memory_space<vmem>>
    %dma_start3A_3072 = arith.constant 0 : i32
    %dma_start3A_3073 = tpu.memref_slice %arg2[%mul3A_2, %squeeze3A_3066, %dma_start3A_3072] : memref<4096x200x64xf32, #tpu.memory_space<hbm>> -> memref<128x1x64xf32, #tpu.memory_space<hbm>>
    %dma_start3A_3074 = tpu.memref_squeeze %dma_start3A_3073 : memref<128x1x64xf32, #tpu.memory_space<hbm>> -> memref<128x64xf32, #tpu.memory_space<hbm>>
    %dma_start3A_3075 = arith.constant 0 : i32
    %dma_start3A_3076 = arith.constant 0 : i32
    %dma_start3A_3077 = tpu.memref_slice %arg6[%dma_start3A_3067, %dma_start3A_3075, %dma_start3A_3076] : memref<7x128x64xf32, #tpu.memory_space<vmem>> -> memref<1x128x64xf32, #tpu.memory_space<vmem>>
    %dma_start3A_3078 = tpu.memref_squeeze %dma_start3A_3077 : memref<1x128x64xf32, #tpu.memory_space<vmem>> -> memref<128x64xf32, #tpu.memory_space<vmem>>
    %dma_start3A_3079 = arith.constant 0 : i32
    %dma_start3A_3080 = tpu.memref_slice %arg2[%mul3A_2, %squeeze3A_3066, %dma_start3A_3079] : memref<4096x200x64xf32, #tpu.memory_space<hbm>> -> memref<128x1x64xf32, #tpu.memory_space<hbm>>
    %dma_start3A_3081 = tpu.memref_squeeze %dma_start3A_3080 : memref<128x1x64xf32, #tpu.memory_space<hbm>> -> memref<128x64xf32, #tpu.memory_space<hbm>>
    tpu.enqueue_dma source(%dma_start3A_3081 : memref<128x64xf32, #tpu.memory_space<hbm>>) target(%dma_start3A_3078 : memref<128x64xf32, #tpu.memory_space<vmem>>) target_semaphore(%arg7 : memref<!tpu.dma_semaphore, #tpu.memory_space<semaphore_mem>>)
    %slice3A_3082 = vector.extract_strided_slice %get3A_10 {offsets = [14], sizes = [1], strides = [1]} : vector<16xi32> to vector<1xi32>
    %squeeze3A_3083 = vector.extract %slice3A_3082[0] : i32 from vector<1xi32>
    %dma_wait3A_3084 = arith.constant 4 : i32
    %dma_wait3A_3085 = arith.constant 0 : i32
    %dma_wait3A_3086 = arith.constant 0 : i32
    %dma_wait3A_3087 = tpu.memref_slice %arg6[%dma_wait3A_3084, %dma_wait3A_3085, %dma_wait3A_3086] : memref<7x128x64xf32, #tpu.memory_space<vmem>> -> memref<1x128x64xf32, #tpu.memory_space<vmem>>
    %dma_wait3A_3088 = tpu.memref_squeeze %dma_wait3A_3087 : memref<1x128x64xf32, #tpu.memory_space<vmem>> -> memref<128x64xf32, #tpu.memory_space<vmem>>
    %dma_wait3A_3089 = arith.constant 0 : i32
    %dma_wait3A_3090 = tpu.memref_slice %arg2[%mul3A_2, %squeeze3A_3083, %dma_wait3A_3089] : memref<4096x200x64xf32, #tpu.memory_space<hbm>> -> memref<128x1x64xf32, #tpu.memory_space<hbm>>
    %dma_wait3A_3091 = tpu.memref_squeeze %dma_wait3A_3090 : memref<128x1x64xf32, #tpu.memory_space<hbm>> -> memref<128x64xf32, #tpu.memory_space<hbm>>
    %dma_wait3A_3092 = arith.constant 0 : i32
    %dma_wait3A_3093 = arith.constant 0 : i32
    %dma_wait3A_3094 = tpu.memref_slice %arg6[%dma_wait3A_3084, %dma_wait3A_3092, %dma_wait3A_3093] : memref<7x128x64xf32, #tpu.memory_space<vmem>> -> memref<1x128x64xf32, #tpu.memory_space<vmem>>
    %dma_wait3A_3095 = tpu.memref_squeeze %dma_wait3A_3094 : memref<1x128x64xf32, #tpu.memory_space<vmem>> -> memref<128x64xf32, #tpu.memory_space<vmem>>
    %dma_wait3A_3096 = arith.constant 0 : i32
    %dma_wait3A_3097 = tpu.memref_slice %arg2[%mul3A_2, %squeeze3A_3083, %dma_wait3A_3096] : memref<4096x200x64xf32, #tpu.memory_space<hbm>> -> memref<128x1x64xf32, #tpu.memory_space<hbm>>
    %dma_wait3A_3098 = tpu.memref_squeeze %dma_wait3A_3097 : memref<128x1x64xf32, #tpu.memory_space<hbm>> -> memref<128x64xf32, #tpu.memory_space<hbm>>
    tpu.wait_dma2 semaphore(%arg7 : memref<!tpu.dma_semaphore, #tpu.memory_space<semaphore_mem>>) src(%dma_wait3A_3098 : memref<128x64xf32, #tpu.memory_space<hbm>>) dst(%dma_wait3A_3095 : memref<128x64xf32, #tpu.memory_space<vmem>>)
    %dma_start3A_3099 = arith.constant 4 : i32
    %dma_start3A_3100 = arith.constant 46 : i32
    %dma_start3A_3101 = arith.constant 0 : i32
    %dma_start3A_3102 = arith.constant 0 : i32
    %dma_start3A_3103 = tpu.memref_slice %arg6[%dma_start3A_3099, %dma_start3A_3101, %dma_start3A_3102] : memref<7x128x64xf32, #tpu.memory_space<vmem>> -> memref<1x128x64xf32, #tpu.memory_space<vmem>>
    %dma_start3A_3104 = tpu.memref_squeeze %dma_start3A_3103 : memref<1x128x64xf32, #tpu.memory_space<vmem>> -> memref<128x64xf32, #tpu.memory_space<vmem>>
    %dma_start3A_3105 = arith.constant 0 : i32
    %dma_start3A_3106 = tpu.memref_slice %arg4[%mul3A_2, %dma_start3A_3100, %dma_start3A_3105] : memref<4096x50x64xf32, #tpu.memory_space<hbm>> -> memref<128x1x64xf32, #tpu.memory_space<hbm>>
    %dma_start3A_3107 = tpu.memref_squeeze %dma_start3A_3106 : memref<128x1x64xf32, #tpu.memory_space<hbm>> -> memref<128x64xf32, #tpu.memory_space<hbm>>
    %dma_start3A_3108 = arith.constant 0 : i32
    %dma_start3A_3109 = tpu.memref_slice %arg4[%mul3A_2, %dma_start3A_3100, %dma_start3A_3108] : memref<4096x50x64xf32, #tpu.memory_space<hbm>> -> memref<128x1x64xf32, #tpu.memory_space<hbm>>
    %dma_start3A_3110 = tpu.memref_squeeze %dma_start3A_3109 : memref<128x1x64xf32, #tpu.memory_space<hbm>> -> memref<128x64xf32, #tpu.memory_space<hbm>>
    %dma_start3A_3111 = arith.constant 0 : i32
    %dma_start3A_3112 = arith.constant 0 : i32
    %dma_start3A_3113 = tpu.memref_slice %arg6[%dma_start3A_3099, %dma_start3A_3111, %dma_start3A_3112] : memref<7x128x64xf32, #tpu.memory_space<vmem>> -> memref<1x128x64xf32, #tpu.memory_space<vmem>>
    %dma_start3A_3114 = tpu.memref_squeeze %dma_start3A_3113 : memref<1x128x64xf32, #tpu.memory_space<vmem>> -> memref<128x64xf32, #tpu.memory_space<vmem>>
    tpu.enqueue_dma source(%dma_start3A_3114 : memref<128x64xf32, #tpu.memory_space<vmem>>) target(%dma_start3A_3110 : memref<128x64xf32, #tpu.memory_space<hbm>>) target_semaphore(%arg8 : memref<!tpu.dma_semaphore, #tpu.memory_space<semaphore_mem>>)
    %dma_wait3A_3115 = arith.constant 2 : i32
    %dma_wait3A_3116 = arith.constant 44 : i32
    %dma_wait3A_3117 = arith.constant 0 : i32
    %dma_wait3A_3118 = arith.constant 0 : i32
    %dma_wait3A_3119 = tpu.memref_slice %arg6[%dma_wait3A_3115, %dma_wait3A_3117, %dma_wait3A_3118] : memref<7x128x64xf32, #tpu.memory_space<vmem>> -> memref<1x128x64xf32, #tpu.memory_space<vmem>>
    %dma_wait3A_3120 = tpu.memref_squeeze %dma_wait3A_3119 : memref<1x128x64xf32, #tpu.memory_space<vmem>> -> memref<128x64xf32, #tpu.memory_space<vmem>>
    %dma_wait3A_3121 = arith.constant 0 : i32
    %dma_wait3A_3122 = tpu.memref_slice %arg4[%mul3A_2, %dma_wait3A_3116, %dma_wait3A_3121] : memref<4096x50x64xf32, #tpu.memory_space<hbm>> -> memref<128x1x64xf32, #tpu.memory_space<hbm>>
    %dma_wait3A_3123 = tpu.memref_squeeze %dma_wait3A_3122 : memref<128x1x64xf32, #tpu.memory_space<hbm>> -> memref<128x64xf32, #tpu.memory_space<hbm>>
    %dma_wait3A_3124 = arith.constant 0 : i32
    %dma_wait3A_3125 = tpu.memref_slice %arg4[%mul3A_2, %dma_wait3A_3116, %dma_wait3A_3124] : memref<4096x50x64xf32, #tpu.memory_space<hbm>> -> memref<128x1x64xf32, #tpu.memory_space<hbm>>
    %dma_wait3A_3126 = tpu.memref_squeeze %dma_wait3A_3125 : memref<128x1x64xf32, #tpu.memory_space<hbm>> -> memref<128x64xf32, #tpu.memory_space<hbm>>
    %dma_wait3A_3127 = arith.constant 0 : i32
    %dma_wait3A_3128 = arith.constant 0 : i32
    %dma_wait3A_3129 = tpu.memref_slice %arg6[%dma_wait3A_3115, %dma_wait3A_3127, %dma_wait3A_3128] : memref<7x128x64xf32, #tpu.memory_space<vmem>> -> memref<1x128x64xf32, #tpu.memory_space<vmem>>
    %dma_wait3A_3130 = tpu.memref_squeeze %dma_wait3A_3129 : memref<1x128x64xf32, #tpu.memory_space<vmem>> -> memref<128x64xf32, #tpu.memory_space<vmem>>
    tpu.wait_dma2 semaphore(%arg8 : memref<!tpu.dma_semaphore, #tpu.memory_space<semaphore_mem>>) src(%dma_wait3A_3130 : memref<128x64xf32, #tpu.memory_space<vmem>>) dst(%dma_wait3A_3126 : memref<128x64xf32, #tpu.memory_space<hbm>>)
    %slice3A_3131 = vector.extract_strided_slice %get3A_10 {offsets = [15], sizes = [1], strides = [1]} : vector<16xi32> to vector<1xi32>
    %squeeze3A_3132 = vector.extract %slice3A_3131[0] : i32 from vector<1xi32>
    %dma_wait3A_3133 = arith.constant 5 : i32
    %dma_wait3A_3134 = arith.constant 0 : i32
    %dma_wait3A_3135 = arith.constant 0 : i32
    %dma_wait3A_3136 = tpu.memref_slice %arg6[%dma_wait3A_3133, %dma_wait3A_3134, %dma_wait3A_3135] : memref<7x128x64xf32, #tpu.memory_space<vmem>> -> memref<1x128x64xf32, #tpu.memory_space<vmem>>
    %dma_wait3A_3137 = tpu.memref_squeeze %dma_wait3A_3136 : memref<1x128x64xf32, #tpu.memory_space<vmem>> -> memref<128x64xf32, #tpu.memory_space<vmem>>
    %dma_wait3A_3138 = arith.constant 0 : i32
    %dma_wait3A_3139 = tpu.memref_slice %arg2[%mul3A_2, %squeeze3A_3132, %dma_wait3A_3138] : memref<4096x200x64xf32, #tpu.memory_space<hbm>> -> memref<128x1x64xf32, #tpu.memory_space<hbm>>
    %dma_wait3A_3140 = tpu.memref_squeeze %dma_wait3A_3139 : memref<128x1x64xf32, #tpu.memory_space<hbm>> -> memref<128x64xf32, #tpu.memory_space<hbm>>
    %dma_wait3A_3141 = arith.constant 0 : i32
    %dma_wait3A_3142 = arith.constant 0 : i32
    %dma_wait3A_3143 = tpu.memref_slice %arg6[%dma_wait3A_3133, %dma_wait3A_3141, %dma_wait3A_3142] : memref<7x128x64xf32, #tpu.memory_space<vmem>> -> memref<1x128x64xf32, #tpu.memory_space<vmem>>
    %dma_wait3A_3144 = tpu.memref_squeeze %dma_wait3A_3143 : memref<1x128x64xf32, #tpu.memory_space<vmem>> -> memref<128x64xf32, #tpu.memory_space<vmem>>
    %dma_wait3A_3145 = arith.constant 0 : i32
    %dma_wait3A_3146 = tpu.memref_slice %arg2[%mul3A_2, %squeeze3A_3132, %dma_wait3A_3145] : memref<4096x200x64xf32, #tpu.memory_space<hbm>> -> memref<128x1x64xf32, #tpu.memory_space<hbm>>
    %dma_wait3A_3147 = tpu.memref_squeeze %dma_wait3A_3146 : memref<128x1x64xf32, #tpu.memory_space<hbm>> -> memref<128x64xf32, #tpu.memory_space<hbm>>
    tpu.wait_dma2 semaphore(%arg7 : memref<!tpu.dma_semaphore, #tpu.memory_space<semaphore_mem>>) src(%dma_wait3A_3147 : memref<128x64xf32, #tpu.memory_space<hbm>>) dst(%dma_wait3A_3144 : memref<128x64xf32, #tpu.memory_space<vmem>>)
    %dma_start3A_3148 = arith.constant 5 : i32
    %dma_start3A_3149 = arith.constant 47 : i32
    %dma_start3A_3150 = arith.constant 0 : i32
    %dma_start3A_3151 = arith.constant 0 : i32
    %dma_start3A_3152 = tpu.memref_slice %arg6[%dma_start3A_3148, %dma_start3A_3150, %dma_start3A_3151] : memref<7x128x64xf32, #tpu.memory_space<vmem>> -> memref<1x128x64xf32, #tpu.memory_space<vmem>>
    %dma_start3A_3153 = tpu.memref_squeeze %dma_start3A_3152 : memref<1x128x64xf32, #tpu.memory_space<vmem>> -> memref<128x64xf32, #tpu.memory_space<vmem>>
    %dma_start3A_3154 = arith.constant 0 : i32
    %dma_start3A_3155 = tpu.memref_slice %arg4[%mul3A_2, %dma_start3A_3149, %dma_start3A_3154] : memref<4096x50x64xf32, #tpu.memory_space<hbm>> -> memref<128x1x64xf32, #tpu.memory_space<hbm>>
    %dma_start3A_3156 = tpu.memref_squeeze %dma_start3A_3155 : memref<128x1x64xf32, #tpu.memory_space<hbm>> -> memref<128x64xf32, #tpu.memory_space<hbm>>
    %dma_start3A_3157 = arith.constant 0 : i32
    %dma_start3A_3158 = tpu.memref_slice %arg4[%mul3A_2, %dma_start3A_3149, %dma_start3A_3157] : memref<4096x50x64xf32, #tpu.memory_space<hbm>> -> memref<128x1x64xf32, #tpu.memory_space<hbm>>
    %dma_start3A_3159 = tpu.memref_squeeze %dma_start3A_3158 : memref<128x1x64xf32, #tpu.memory_space<hbm>> -> memref<128x64xf32, #tpu.memory_space<hbm>>
    %dma_start3A_3160 = arith.constant 0 : i32
    %dma_start3A_3161 = arith.constant 0 : i32
    %dma_start3A_3162 = tpu.memref_slice %arg6[%dma_start3A_3148, %dma_start3A_3160, %dma_start3A_3161] : memref<7x128x64xf32, #tpu.memory_space<vmem>> -> memref<1x128x64xf32, #tpu.memory_space<vmem>>
    %dma_start3A_3163 = tpu.memref_squeeze %dma_start3A_3162 : memref<1x128x64xf32, #tpu.memory_space<vmem>> -> memref<128x64xf32, #tpu.memory_space<vmem>>
    tpu.enqueue_dma source(%dma_start3A_3163 : memref<128x64xf32, #tpu.memory_space<vmem>>) target(%dma_start3A_3159 : memref<128x64xf32, #tpu.memory_space<hbm>>) target_semaphore(%arg8 : memref<!tpu.dma_semaphore, #tpu.memory_space<semaphore_mem>>)
    %dma_wait3A_3164 = arith.constant 3 : i32
    %dma_wait3A_3165 = arith.constant 45 : i32
    %dma_wait3A_3166 = arith.constant 0 : i32
    %dma_wait3A_3167 = arith.constant 0 : i32
    %dma_wait3A_3168 = tpu.memref_slice %arg6[%dma_wait3A_3164, %dma_wait3A_3166, %dma_wait3A_3167] : memref<7x128x64xf32, #tpu.memory_space<vmem>> -> memref<1x128x64xf32, #tpu.memory_space<vmem>>
    %dma_wait3A_3169 = tpu.memref_squeeze %dma_wait3A_3168 : memref<1x128x64xf32, #tpu.memory_space<vmem>> -> memref<128x64xf32, #tpu.memory_space<vmem>>
    %dma_wait3A_3170 = arith.constant 0 : i32
    %dma_wait3A_3171 = tpu.memref_slice %arg4[%mul3A_2, %dma_wait3A_3165, %dma_wait3A_3170] : memref<4096x50x64xf32, #tpu.memory_space<hbm>> -> memref<128x1x64xf32, #tpu.memory_space<hbm>>
    %dma_wait3A_3172 = tpu.memref_squeeze %dma_wait3A_3171 : memref<128x1x64xf32, #tpu.memory_space<hbm>> -> memref<128x64xf32, #tpu.memory_space<hbm>>
    %dma_wait3A_3173 = arith.constant 0 : i32
    %dma_wait3A_3174 = tpu.memref_slice %arg4[%mul3A_2, %dma_wait3A_3165, %dma_wait3A_3173] : memref<4096x50x64xf32, #tpu.memory_space<hbm>> -> memref<128x1x64xf32, #tpu.memory_space<hbm>>
    %dma_wait3A_3175 = tpu.memref_squeeze %dma_wait3A_3174 : memref<128x1x64xf32, #tpu.memory_space<hbm>> -> memref<128x64xf32, #tpu.memory_space<hbm>>
    %dma_wait3A_3176 = arith.constant 0 : i32
    %dma_wait3A_3177 = arith.constant 0 : i32
    %dma_wait3A_3178 = tpu.memref_slice %arg6[%dma_wait3A_3164, %dma_wait3A_3176, %dma_wait3A_3177] : memref<7x128x64xf32, #tpu.memory_space<vmem>> -> memref<1x128x64xf32, #tpu.memory_space<vmem>>
    %dma_wait3A_3179 = tpu.memref_squeeze %dma_wait3A_3178 : memref<1x128x64xf32, #tpu.memory_space<vmem>> -> memref<128x64xf32, #tpu.memory_space<vmem>>
    tpu.wait_dma2 semaphore(%arg8 : memref<!tpu.dma_semaphore, #tpu.memory_space<semaphore_mem>>) src(%dma_wait3A_3179 : memref<128x64xf32, #tpu.memory_space<vmem>>) dst(%dma_wait3A_3175 : memref<128x64xf32, #tpu.memory_space<hbm>>)
    %slice3A_3180 = vector.extract_strided_slice %get3A_13 {offsets = [0], sizes = [1], strides = [1]} : vector<16xi32> to vector<1xi32>
    %squeeze3A_3181 = vector.extract %slice3A_3180[0] : i32 from vector<1xi32>
    %dma_wait3A_3182 = arith.constant 6 : i32
    %dma_wait3A_3183 = arith.constant 0 : i32
    %dma_wait3A_3184 = arith.constant 0 : i32
    %dma_wait3A_3185 = tpu.memref_slice %arg6[%dma_wait3A_3182, %dma_wait3A_3183, %dma_wait3A_3184] : memref<7x128x64xf32, #tpu.memory_space<vmem>> -> memref<1x128x64xf32, #tpu.memory_space<vmem>>
    %dma_wait3A_3186 = tpu.memref_squeeze %dma_wait3A_3185 : memref<1x128x64xf32, #tpu.memory_space<vmem>> -> memref<128x64xf32, #tpu.memory_space<vmem>>
    %dma_wait3A_3187 = arith.constant 0 : i32
    %dma_wait3A_3188 = tpu.memref_slice %arg2[%mul3A_2, %squeeze3A_3181, %dma_wait3A_3187] : memref<4096x200x64xf32, #tpu.memory_space<hbm>> -> memref<128x1x64xf32, #tpu.memory_space<hbm>>
    %dma_wait3A_3189 = tpu.memref_squeeze %dma_wait3A_3188 : memref<128x1x64xf32, #tpu.memory_space<hbm>> -> memref<128x64xf32, #tpu.memory_space<hbm>>
    %dma_wait3A_3190 = arith.constant 0 : i32
    %dma_wait3A_3191 = arith.constant 0 : i32
    %dma_wait3A_3192 = tpu.memref_slice %arg6[%dma_wait3A_3182, %dma_wait3A_3190, %dma_wait3A_3191] : memref<7x128x64xf32, #tpu.memory_space<vmem>> -> memref<1x128x64xf32, #tpu.memory_space<vmem>>
    %dma_wait3A_3193 = tpu.memref_squeeze %dma_wait3A_3192 : memref<1x128x64xf32, #tpu.memory_space<vmem>> -> memref<128x64xf32, #tpu.memory_space<vmem>>
    %dma_wait3A_3194 = arith.constant 0 : i32
    %dma_wait3A_3195 = tpu.memref_slice %arg2[%mul3A_2, %squeeze3A_3181, %dma_wait3A_3194] : memref<4096x200x64xf32, #tpu.memory_space<hbm>> -> memref<128x1x64xf32, #tpu.memory_space<hbm>>
    %dma_wait3A_3196 = tpu.memref_squeeze %dma_wait3A_3195 : memref<128x1x64xf32, #tpu.memory_space<hbm>> -> memref<128x64xf32, #tpu.memory_space<hbm>>
    tpu.wait_dma2 semaphore(%arg7 : memref<!tpu.dma_semaphore, #tpu.memory_space<semaphore_mem>>) src(%dma_wait3A_3196 : memref<128x64xf32, #tpu.memory_space<hbm>>) dst(%dma_wait3A_3193 : memref<128x64xf32, #tpu.memory_space<vmem>>)
    %dma_start3A_3197 = arith.constant 6 : i32
    %dma_start3A_3198 = arith.constant 48 : i32
    %dma_start3A_3199 = arith.constant 0 : i32
    %dma_start3A_3200 = arith.constant 0 : i32
    %dma_start3A_3201 = tpu.memref_slice %arg6[%dma_start3A_3197, %dma_start3A_3199, %dma_start3A_3200] : memref<7x128x64xf32, #tpu.memory_space<vmem>> -> memref<1x128x64xf32, #tpu.memory_space<vmem>>
    %dma_start3A_3202 = tpu.memref_squeeze %dma_start3A_3201 : memref<1x128x64xf32, #tpu.memory_space<vmem>> -> memref<128x64xf32, #tpu.memory_space<vmem>>
    %dma_start3A_3203 = arith.constant 0 : i32
    %dma_start3A_3204 = tpu.memref_slice %arg4[%mul3A_2, %dma_start3A_3198, %dma_start3A_3203] : memref<4096x50x64xf32, #tpu.memory_space<hbm>> -> memref<128x1x64xf32, #tpu.memory_space<hbm>>
    %dma_start3A_3205 = tpu.memref_squeeze %dma_start3A_3204 : memref<128x1x64xf32, #tpu.memory_space<hbm>> -> memref<128x64xf32, #tpu.memory_space<hbm>>
    %dma_start3A_3206 = arith.constant 0 : i32
    %dma_start3A_3207 = tpu.memref_slice %arg4[%mul3A_2, %dma_start3A_3198, %dma_start3A_3206] : memref<4096x50x64xf32, #tpu.memory_space<hbm>> -> memref<128x1x64xf32, #tpu.memory_space<hbm>>
    %dma_start3A_3208 = tpu.memref_squeeze %dma_start3A_3207 : memref<128x1x64xf32, #tpu.memory_space<hbm>> -> memref<128x64xf32, #tpu.memory_space<hbm>>
    %dma_start3A_3209 = arith.constant 0 : i32
    %dma_start3A_3210 = arith.constant 0 : i32
    %dma_start3A_3211 = tpu.memref_slice %arg6[%dma_start3A_3197, %dma_start3A_3209, %dma_start3A_3210] : memref<7x128x64xf32, #tpu.memory_space<vmem>> -> memref<1x128x64xf32, #tpu.memory_space<vmem>>
    %dma_start3A_3212 = tpu.memref_squeeze %dma_start3A_3211 : memref<1x128x64xf32, #tpu.memory_space<vmem>> -> memref<128x64xf32, #tpu.memory_space<vmem>>
    tpu.enqueue_dma source(%dma_start3A_3212 : memref<128x64xf32, #tpu.memory_space<vmem>>) target(%dma_start3A_3208 : memref<128x64xf32, #tpu.memory_space<hbm>>) target_semaphore(%arg8 : memref<!tpu.dma_semaphore, #tpu.memory_space<semaphore_mem>>)
    %dma_wait3A_3213 = arith.constant 4 : i32
    %dma_wait3A_3214 = arith.constant 46 : i32
    %dma_wait3A_3215 = arith.constant 0 : i32
    %dma_wait3A_3216 = arith.constant 0 : i32
    %dma_wait3A_3217 = tpu.memref_slice %arg6[%dma_wait3A_3213, %dma_wait3A_3215, %dma_wait3A_3216] : memref<7x128x64xf32, #tpu.memory_space<vmem>> -> memref<1x128x64xf32, #tpu.memory_space<vmem>>
    %dma_wait3A_3218 = tpu.memref_squeeze %dma_wait3A_3217 : memref<1x128x64xf32, #tpu.memory_space<vmem>> -> memref<128x64xf32, #tpu.memory_space<vmem>>
    %dma_wait3A_3219 = arith.constant 0 : i32
    %dma_wait3A_3220 = tpu.memref_slice %arg4[%mul3A_2, %dma_wait3A_3214, %dma_wait3A_3219] : memref<4096x50x64xf32, #tpu.memory_space<hbm>> -> memref<128x1x64xf32, #tpu.memory_space<hbm>>
    %dma_wait3A_3221 = tpu.memref_squeeze %dma_wait3A_3220 : memref<128x1x64xf32, #tpu.memory_space<hbm>> -> memref<128x64xf32, #tpu.memory_space<hbm>>
    %dma_wait3A_3222 = arith.constant 0 : i32
    %dma_wait3A_3223 = tpu.memref_slice %arg4[%mul3A_2, %dma_wait3A_3214, %dma_wait3A_3222] : memref<4096x50x64xf32, #tpu.memory_space<hbm>> -> memref<128x1x64xf32, #tpu.memory_space<hbm>>
    %dma_wait3A_3224 = tpu.memref_squeeze %dma_wait3A_3223 : memref<128x1x64xf32, #tpu.memory_space<hbm>> -> memref<128x64xf32, #tpu.memory_space<hbm>>
    %dma_wait3A_3225 = arith.constant 0 : i32
    %dma_wait3A_3226 = arith.constant 0 : i32
    %dma_wait3A_3227 = tpu.memref_slice %arg6[%dma_wait3A_3213, %dma_wait3A_3225, %dma_wait3A_3226] : memref<7x128x64xf32, #tpu.memory_space<vmem>> -> memref<1x128x64xf32, #tpu.memory_space<vmem>>
    %dma_wait3A_3228 = tpu.memref_squeeze %dma_wait3A_3227 : memref<1x128x64xf32, #tpu.memory_space<vmem>> -> memref<128x64xf32, #tpu.memory_space<vmem>>
    tpu.wait_dma2 semaphore(%arg8 : memref<!tpu.dma_semaphore, #tpu.memory_space<semaphore_mem>>) src(%dma_wait3A_3228 : memref<128x64xf32, #tpu.memory_space<vmem>>) dst(%dma_wait3A_3224 : memref<128x64xf32, #tpu.memory_space<hbm>>)
    %slice3A_3229 = vector.extract_strided_slice %get3A_13 {offsets = [1], sizes = [1], strides = [1]} : vector<16xi32> to vector<1xi32>
    %squeeze3A_3230 = vector.extract %slice3A_3229[0] : i32 from vector<1xi32>
    %dma_wait3A_3231 = arith.constant 0 : i32
    %dma_wait3A_3232 = arith.constant 0 : i32
    %dma_wait3A_3233 = arith.constant 0 : i32
    %dma_wait3A_3234 = tpu.memref_slice %arg6[%dma_wait3A_3231, %dma_wait3A_3232, %dma_wait3A_3233] : memref<7x128x64xf32, #tpu.memory_space<vmem>> -> memref<1x128x64xf32, #tpu.memory_space<vmem>>
    %dma_wait3A_3235 = tpu.memref_squeeze %dma_wait3A_3234 : memref<1x128x64xf32, #tpu.memory_space<vmem>> -> memref<128x64xf32, #tpu.memory_space<vmem>>
    %dma_wait3A_3236 = arith.constant 0 : i32
    %dma_wait3A_3237 = tpu.memref_slice %arg2[%mul3A_2, %squeeze3A_3230, %dma_wait3A_3236] : memref<4096x200x64xf32, #tpu.memory_space<hbm>> -> memref<128x1x64xf32, #tpu.memory_space<hbm>>
    %dma_wait3A_3238 = tpu.memref_squeeze %dma_wait3A_3237 : memref<128x1x64xf32, #tpu.memory_space<hbm>> -> memref<128x64xf32, #tpu.memory_space<hbm>>
    %dma_wait3A_3239 = arith.constant 0 : i32
    %dma_wait3A_3240 = arith.constant 0 : i32
    %dma_wait3A_3241 = tpu.memref_slice %arg6[%dma_wait3A_3231, %dma_wait3A_3239, %dma_wait3A_3240] : memref<7x128x64xf32, #tpu.memory_space<vmem>> -> memref<1x128x64xf32, #tpu.memory_space<vmem>>
    %dma_wait3A_3242 = tpu.memref_squeeze %dma_wait3A_3241 : memref<1x128x64xf32, #tpu.memory_space<vmem>> -> memref<128x64xf32, #tpu.memory_space<vmem>>
    %dma_wait3A_3243 = arith.constant 0 : i32
    %dma_wait3A_3244 = tpu.memref_slice %arg2[%mul3A_2, %squeeze3A_3230, %dma_wait3A_3243] : memref<4096x200x64xf32, #tpu.memory_space<hbm>> -> memref<128x1x64xf32, #tpu.memory_space<hbm>>
    %dma_wait3A_3245 = tpu.memref_squeeze %dma_wait3A_3244 : memref<128x1x64xf32, #tpu.memory_space<hbm>> -> memref<128x64xf32, #tpu.memory_space<hbm>>
    tpu.wait_dma2 semaphore(%arg7 : memref<!tpu.dma_semaphore, #tpu.memory_space<semaphore_mem>>) src(%dma_wait3A_3245 : memref<128x64xf32, #tpu.memory_space<hbm>>) dst(%dma_wait3A_3242 : memref<128x64xf32, #tpu.memory_space<vmem>>)
    %dma_start3A_3246 = arith.constant 0 : i32
    %dma_start3A_3247 = arith.constant 49 : i32
    %dma_start3A_3248 = arith.constant 0 : i32
    %dma_start3A_3249 = arith.constant 0 : i32
    %dma_start3A_3250 = tpu.memref_slice %arg6[%dma_start3A_3246, %dma_start3A_3248, %dma_start3A_3249] : memref<7x128x64xf32, #tpu.memory_space<vmem>> -> memref<1x128x64xf32, #tpu.memory_space<vmem>>
    %dma_start3A_3251 = tpu.memref_squeeze %dma_start3A_3250 : memref<1x128x64xf32, #tpu.memory_space<vmem>> -> memref<128x64xf32, #tpu.memory_space<vmem>>
    %dma_start3A_3252 = arith.constant 0 : i32
    %dma_start3A_3253 = tpu.memref_slice %arg4[%mul3A_2, %dma_start3A_3247, %dma_start3A_3252] : memref<4096x50x64xf32, #tpu.memory_space<hbm>> -> memref<128x1x64xf32, #tpu.memory_space<hbm>>
    %dma_start3A_3254 = tpu.memref_squeeze %dma_start3A_3253 : memref<128x1x64xf32, #tpu.memory_space<hbm>> -> memref<128x64xf32, #tpu.memory_space<hbm>>
    %dma_start3A_3255 = arith.constant 0 : i32
    %dma_start3A_3256 = tpu.memref_slice %arg4[%mul3A_2, %dma_start3A_3247, %dma_start3A_3255] : memref<4096x50x64xf32, #tpu.memory_space<hbm>> -> memref<128x1x64xf32, #tpu.memory_space<hbm>>
    %dma_start3A_3257 = tpu.memref_squeeze %dma_start3A_3256 : memref<128x1x64xf32, #tpu.memory_space<hbm>> -> memref<128x64xf32, #tpu.memory_space<hbm>>
    %dma_start3A_3258 = arith.constant 0 : i32
    %dma_start3A_3259 = arith.constant 0 : i32
    %dma_start3A_3260 = tpu.memref_slice %arg6[%dma_start3A_3246, %dma_start3A_3258, %dma_start3A_3259] : memref<7x128x64xf32, #tpu.memory_space<vmem>> -> memref<1x128x64xf32, #tpu.memory_space<vmem>>
    %dma_start3A_3261 = tpu.memref_squeeze %dma_start3A_3260 : memref<1x128x64xf32, #tpu.memory_space<vmem>> -> memref<128x64xf32, #tpu.memory_space<vmem>>
    tpu.enqueue_dma source(%dma_start3A_3261 : memref<128x64xf32, #tpu.memory_space<vmem>>) target(%dma_start3A_3257 : memref<128x64xf32, #tpu.memory_space<hbm>>) target_semaphore(%arg8 : memref<!tpu.dma_semaphore, #tpu.memory_space<semaphore_mem>>)
    %dma_wait3A_3262 = arith.constant 5 : i32
    %dma_wait3A_3263 = arith.constant 47 : i32
    %dma_wait3A_3264 = arith.constant 0 : i32
    %dma_wait3A_3265 = arith.constant 0 : i32
    %dma_wait3A_3266 = tpu.memref_slice %arg6[%dma_wait3A_3262, %dma_wait3A_3264, %dma_wait3A_3265] : memref<7x128x64xf32, #tpu.memory_space<vmem>> -> memref<1x128x64xf32, #tpu.memory_space<vmem>>
    %dma_wait3A_3267 = tpu.memref_squeeze %dma_wait3A_3266 : memref<1x128x64xf32, #tpu.memory_space<vmem>> -> memref<128x64xf32, #tpu.memory_space<vmem>>
    %dma_wait3A_3268 = arith.constant 0 : i32
    %dma_wait3A_3269 = tpu.memref_slice %arg4[%mul3A_2, %dma_wait3A_3263, %dma_wait3A_3268] : memref<4096x50x64xf32, #tpu.memory_space<hbm>> -> memref<128x1x64xf32, #tpu.memory_space<hbm>>
    %dma_wait3A_3270 = tpu.memref_squeeze %dma_wait3A_3269 : memref<128x1x64xf32, #tpu.memory_space<hbm>> -> memref<128x64xf32, #tpu.memory_space<hbm>>
    %dma_wait3A_3271 = arith.constant 0 : i32
    %dma_wait3A_3272 = tpu.memref_slice %arg4[%mul3A_2, %dma_wait3A_3263, %dma_wait3A_3271] : memref<4096x50x64xf32, #tpu.memory_space<hbm>> -> memref<128x1x64xf32, #tpu.memory_space<hbm>>
    %dma_wait3A_3273 = tpu.memref_squeeze %dma_wait3A_3272 : memref<128x1x64xf32, #tpu.memory_space<hbm>> -> memref<128x64xf32, #tpu.memory_space<hbm>>
    %dma_wait3A_3274 = arith.constant 0 : i32
    %dma_wait3A_3275 = arith.constant 0 : i32
    %dma_wait3A_3276 = tpu.memref_slice %arg6[%dma_wait3A_3262, %dma_wait3A_3274, %dma_wait3A_3275] : memref<7x128x64xf32, #tpu.memory_space<vmem>> -> memref<1x128x64xf32, #tpu.memory_space<vmem>>
    %dma_wait3A_3277 = tpu.memref_squeeze %dma_wait3A_3276 : memref<1x128x64xf32, #tpu.memory_space<vmem>> -> memref<128x64xf32, #tpu.memory_space<vmem>>
    tpu.wait_dma2 semaphore(%arg8 : memref<!tpu.dma_semaphore, #tpu.memory_space<semaphore_mem>>) src(%dma_wait3A_3277 : memref<128x64xf32, #tpu.memory_space<vmem>>) dst(%dma_wait3A_3273 : memref<128x64xf32, #tpu.memory_space<hbm>>)
    %dma_wait3A_3278 = arith.constant 6 : i32
    %dma_wait3A_3279 = arith.constant 48 : i32
    %dma_wait3A_3280 = arith.constant 0 : i32
    %dma_wait3A_3281 = arith.constant 0 : i32
    %dma_wait3A_3282 = tpu.memref_slice %arg6[%dma_wait3A_3278, %dma_wait3A_3280, %dma_wait3A_3281] : memref<7x128x64xf32, #tpu.memory_space<vmem>> -> memref<1x128x64xf32, #tpu.memory_space<vmem>>
    %dma_wait3A_3283 = tpu.memref_squeeze %dma_wait3A_3282 : memref<1x128x64xf32, #tpu.memory_space<vmem>> -> memref<128x64xf32, #tpu.memory_space<vmem>>
    %dma_wait3A_3284 = arith.constant 0 : i32
    %dma_wait3A_3285 = tpu.memref_slice %arg4[%mul3A_2, %dma_wait3A_3279, %dma_wait3A_3284] : memref<4096x50x64xf32, #tpu.memory_space<hbm>> -> memref<128x1x64xf32, #tpu.memory_space<hbm>>
    %dma_wait3A_3286 = tpu.memref_squeeze %dma_wait3A_3285 : memref<128x1x64xf32, #tpu.memory_space<hbm>> -> memref<128x64xf32, #tpu.memory_space<hbm>>
    %dma_wait3A_3287 = arith.constant 0 : i32
    %dma_wait3A_3288 = tpu.memref_slice %arg4[%mul3A_2, %dma_wait3A_3279, %dma_wait3A_3287] : memref<4096x50x64xf32, #tpu.memory_space<hbm>> -> memref<128x1x64xf32, #tpu.memory_space<hbm>>
    %dma_wait3A_3289 = tpu.memref_squeeze %dma_wait3A_3288 : memref<128x1x64xf32, #tpu.memory_space<hbm>> -> memref<128x64xf32, #tpu.memory_space<hbm>>
    %dma_wait3A_3290 = arith.constant 0 : i32
    %dma_wait3A_3291 = arith.constant 0 : i32
    %dma_wait3A_3292 = tpu.memref_slice %arg6[%dma_wait3A_3278, %dma_wait3A_3290, %dma_wait3A_3291] : memref<7x128x64xf32, #tpu.memory_space<vmem>> -> memref<1x128x64xf32, #tpu.memory_space<vmem>>
    %dma_wait3A_3293 = tpu.memref_squeeze %dma_wait3A_3292 : memref<1x128x64xf32, #tpu.memory_space<vmem>> -> memref<128x64xf32, #tpu.memory_space<vmem>>
    tpu.wait_dma2 semaphore(%arg8 : memref<!tpu.dma_semaphore, #tpu.memory_space<semaphore_mem>>) src(%dma_wait3A_3293 : memref<128x64xf32, #tpu.memory_space<vmem>>) dst(%dma_wait3A_3289 : memref<128x64xf32, #tpu.memory_space<hbm>>)
    %dma_wait3A_3294 = arith.constant 0 : i32
    %dma_wait3A_3295 = arith.constant 49 : i32
    %dma_wait3A_3296 = arith.constant 0 : i32
    %dma_wait3A_3297 = arith.constant 0 : i32
    %dma_wait3A_3298 = tpu.memref_slice %arg6[%dma_wait3A_3294, %dma_wait3A_3296, %dma_wait3A_3297] : memref<7x128x64xf32, #tpu.memory_space<vmem>> -> memref<1x128x64xf32, #tpu.memory_space<vmem>>
    %dma_wait3A_3299 = tpu.memref_squeeze %dma_wait3A_3298 : memref<1x128x64xf32, #tpu.memory_space<vmem>> -> memref<128x64xf32, #tpu.memory_space<vmem>>
    %dma_wait3A_3300 = arith.constant 0 : i32
    %dma_wait3A_3301 = tpu.memref_slice %arg4[%mul3A_2, %dma_wait3A_3295, %dma_wait3A_3300] : memref<4096x50x64xf32, #tpu.memory_space<hbm>> -> memref<128x1x64xf32, #tpu.memory_space<hbm>>
    %dma_wait3A_3302 = tpu.memref_squeeze %dma_wait3A_3301 : memref<128x1x64xf32, #tpu.memory_space<hbm>> -> memref<128x64xf32, #tpu.memory_space<hbm>>
    %dma_wait3A_3303 = arith.constant 0 : i32
    %dma_wait3A_3304 = tpu.memref_slice %arg4[%mul3A_2, %dma_wait3A_3295, %dma_wait3A_3303] : memref<4096x50x64xf32, #tpu.memory_space<hbm>> -> memref<128x1x64xf32, #tpu.memory_space<hbm>>
    %dma_wait3A_3305 = tpu.memref_squeeze %dma_wait3A_3304 : memref<128x1x64xf32, #tpu.memory_space<hbm>> -> memref<128x64xf32, #tpu.memory_space<hbm>>
    %dma_wait3A_3306 = arith.constant 0 : i32
    %dma_wait3A_3307 = arith.constant 0 : i32
    %dma_wait3A_3308 = tpu.memref_slice %arg6[%dma_wait3A_3294, %dma_wait3A_3306, %dma_wait3A_3307] : memref<7x128x64xf32, #tpu.memory_space<vmem>> -> memref<1x128x64xf32, #tpu.memory_space<vmem>>
    %dma_wait3A_3309 = tpu.memref_squeeze %dma_wait3A_3308 : memref<1x128x64xf32, #tpu.memory_space<vmem>> -> memref<128x64xf32, #tpu.memory_space<vmem>>
    tpu.wait_dma2 semaphore(%arg8 : memref<!tpu.dma_semaphore, #tpu.memory_space<semaphore_mem>>) src(%dma_wait3A_3309 : memref<128x64xf32, #tpu.memory_space<vmem>>) dst(%dma_wait3A_3305 : memref<128x64xf32, #tpu.memory_space<hbm>>)
    return
  }
}

</mosaic_0001>

<sc_bundles>
// kernel: kernel.3.cloned.1.call-start
scs
__scs_entry_jumppad:
0x0: {  	(pc) =	sbr.rel $0x88, $3  }
0x1: {  	(tag) =	ssettag $0x0;
	lr =	simm.s32 $0x1  }
0x2: {  	[smem:$0x3F9F] =	sst lr;
	_ =	strace $0xD0000000  }
0x3: {  	_ = 	snop  }
0x4: {  	_ = 	snop  }
0x5: {  	_ = 	snop  }
0x6: {  	_ = 	snop  }
0x7: {  	_ = 	snop  }
__scs_overlays_trampoline_lowered:
0x8: {  	[smem:$0x3FAE] =	sst s0  }
0x9: {  	[smem:$0x3FAF] =	sst s1  }
0xa: {  	[smem:$0x3FB0] =	sst s2  }
0xb: {  	[smem:$0x3FB1] =	sst s3  }
0xc: {  	[smem:$0x3FB2] =	sst s4  }
0xd: {  	[smem:$0x3FB3] =	sst s5  }
0xe: {  	[smem:$0x3FB4] =	sst s6  }
0xf: {  	[smem:$0x3FB5] =	sst s7  }
0x10: {  	[smem:$0x3FB6] =	sst s8  }
0x11: {  	[smem:$0x3FB7] =	sst s9;
	s0 =	simm.s32 @!p0 $0x0  }
0x12: {  	s1 =	sld [smem:$0x3F9D];
	s0 =	simm.s32 @p0 $0x1  }
0x13: {  	[smem:$0x3FB8] =	sst s0;
	s0 =	simm.s32 @!p1 $0x0  }
0x14: {  	s2 =	sld [smem:$0x3F9C];
	s0 =	simm.s32 @p1 $0x1  }
0x15: {  	[smem:$0x3FB9] =	sst s0;
	s0 =	simm.s32 @!p2 $0x0  }
0x16: {  	s3 =	sld [smem:$0x3FDB];
	s0 =	simm.s32 @p2 $0x1  }
0x17: {  	s4 =	simm.s32 $0x1BF5;
	[smem:$0x3FBB] =	sst s0  }
0x18: {  	s0 =	sld [smem:$0x3F9E];
	_ =	swait.ge [sflag:s4], $0x0  }
0x19: {  	s7 =	sld [smem:$0x3F9F]  }
0x1a: {  	s8 =	sadd.s32 $0xFFFFE003, lr  }
0x1b: {  	s9 =	sadd.s32 $0xFFFFFEF7, lr;
	s5 =	simm.s32 $0xFFFFFFFF;
	p2 =	slt.u32 s8, $0xFFFFF086  }
0x1c: {  	p1 =	slt.u32 s9, $0xF7A;
	s5 =	simm.s32 @!p2 $0x0  }
0x1d: {  	s5 =	simm.s32 @p1 $0x1;
	p0 =	seq.s32 s7, s2  }
0x1e: {  	s7 =	smul.u32 @!p0 $0xF7A, s2;
	p2 =	seq.s32 @!p0 s5, $0x0  }
0x1f: {  	s9 =	smul.u32 $0xF7A, s1;
	s8 =	simm.s32 @!p0 $0x1BF5;
	p2 =	por !p2, p0  }
0x20: {  	[sflag:s8] =	ssyncset.s32 @!p0 $0xFFFFF086;
	s6 =	sadd.s32 @!p0 s3, s7;
	s7 =	simm.s32 @!p0 $0x108  }
0x21: {  	s3 =	sadd.s32 s3, s9;
	s6 =	sadd.s32 @!p0 $0x88, s6;
	s7 =	simm.s32 @p2 $0x1082  }
0x22: {  	[simem:s7], [sflag:s8] =	dma.local @!p0 [hbm:s6], $0xF7A  }
0x23: {  	s9 =	sor.u32 $0xD0000000, s2;
	s6 =	simm.s32 $0x108;
	_ =	swait.ge @!p0 [sflag:s8], $0x0  }
0x24: {  	s3 =	sadd.s32 $0x88, s3;
	s6 =	simm.s32 @!p1 $0x1082;
	[sflag:s4] =	ssyncset.s32 $0xFFFFF086  }
0x25: {  	[simem:s6], [sflag:s4] =	dma.local [hbm:s3], $0xF7A  }
0x26: {  	[smem:$0x3F9F] =	sst s1;
	(tag) =	ssettag s2;
	_ =	strace s9  }
0x27: {  	s1 =	sld [smem:$0x3FAF]  }
0x28: {  	s2 =	sld [smem:$0x3FB0]  }
0x29: {  	s4 =	sld [smem:$0x3FB2]  }
0x2a: {  	p0 =	seq.s32 s5, $0x0;
	s5 =	sld [smem:$0x3FB3]  }
0x2b: {  	s6 =	sld [smem:$0x3FB4]  }
0x2c: {  	s7 =	sld [smem:$0x3FB5]  }
0x2d: {  	s3 =	simm.s32 $0x108;
	s8 =	sld [smem:$0x3FB6]  }
0x2e: {  	s3 =	simm.s32 @!p0 $0x1082;
	s9 =	sld [smem:$0x3FB7]  }
0x2f: {  	lr =	sadd.s32 s0, s3;
	s0 =	sld [smem:$0x3FAE]  }
0x30: {  	s3 =	sld [smem:$0x3FB1]  }
0x31: {  	[smem:$0x3FBA] =	sst s10  }
0x32: {  	s10 =	sld [smem:$0x3FB8];
	_ =	sdelay $0x3  }
0x33: {  	p0 =	seq.s32 s10, $0x1;
	s10 =	sld [smem:$0x3FBA];
	_ =	sdelay $0x3  }
0x34: {  	[smem:$0x3FBA] =	sst s10  }
0x35: {  	s10 =	sld [smem:$0x3FB9];
	_ =	sdelay $0x3  }
0x36: {  	p1 =	seq.s32 s10, $0x1;
	s10 =	sld [smem:$0x3FBA];
	_ =	sdelay $0x3  }
0x37: {  	[smem:$0x3FBA] =	sst s10  }
0x38: {  	s10 =	sld [smem:$0x3FBB]  }
0x39: {  	_ = 	snop;
	(pc) =	sbr.ind lr, $3  }
0x3a: {  	_ = 	snop  }
0x3b: {  	_ = 	snop  }
0x3c: {  	p2 =	seq.s32 s10, $0x1;
	s10 =	sld [smem:$0x3FBA]  }
0x3d: {  	_ =	shalt  }
0x3e: {  	_ =	shalt  }
0x3f: {  	_ =	shalt  }
0x40: {  	_ =	shalt  }
0x41: {  	_ =	shalt  }
0x42: {  	_ =	shalt  }
0x43: {  	_ =	shalt  }
0x44: {  	_ =	shalt  }
0x45: {  	_ =	shalt  }
0x46: {  	_ =	shalt  }
0x47: {  	_ =	shalt  }
0x48: {  	_ =	shalt  }
0x49: {  	_ =	shalt  }
0x4a: {  	_ =	shalt  }
0x4b: {  	_ =	shalt  }
0x4c: {  	_ =	shalt  }
0x4d: {  	_ =	shalt  }
0x4e: {  	_ =	shalt  }
0x4f: {  	_ =	shalt  }
0x50: {  	_ =	shalt  }
0x51: {  	_ =	shalt  }
0x52: {  	_ =	shalt  }
0x53: {  	_ =	shalt  }
0x54: {  	_ =	shalt  }
0x55: {  	_ =	shalt  }
0x56: {  	_ =	shalt  }
0x57: {  	_ =	shalt  }
0x58: {  	_ =	shalt  }
0x59: {  	_ =	shalt  }
0x5a: {  	_ =	shalt  }
0x5b: {  	_ =	shalt  }
0x5c: {  	_ =	shalt  }
0x5d: {  	_ =	shalt  }
0x5e: {  	_ =	shalt  }
0x5f: {  	_ =	shalt  }
0x60: {  	_ =	shalt  }
0x61: {  	_ =	shalt  }
0x62: {  	_ =	shalt  }
0x63: {  	_ =	shalt  }
0x64: {  	_ =	shalt  }
0x65: {  	_ =	shalt  }
0x66: {  	_ =	shalt  }
0x67: {  	_ =	shalt  }
0x68: {  	_ =	shalt  }
0x69: {  	_ =	shalt  }
0x6a: {  	_ =	shalt  }
0x6b: {  	_ =	shalt  }
0x6c: {  	_ =	shalt  }
0x6d: {  	_ =	shalt  }
0x6e: {  	_ =	shalt  }
0x6f: {  	_ =	shalt  }
0x70: {  	_ =	shalt  }
0x71: {  	_ =	shalt  }
0x72: {  	_ =	shalt  }
0x73: {  	_ =	shalt  }
0x74: {  	_ =	shalt  }
0x75: {  	_ =	shalt  }
0x76: {  	_ =	shalt  }
0x77: {  	_ =	shalt  }
0x78: {  	_ =	shalt  }
0x79: {  	_ =	shalt  }
0x7a: {  	_ =	shalt  }
0x7b: {  	_ =	shalt  }
0x7c: {  	_ =	shalt  }
0x7d: {  	_ =	shalt  }
0x7e: {  	_ =	shalt  }
0x7f: {  	_ =	shalt  }
0x80: {  	_ =	shalt  }
0x81: {  	_ =	shalt  }
0x82: {  	_ =	shalt  }
0x83: {  	_ =	shalt  }
0x84: {  	_ =	shalt  }
0x85: {  	_ =	shalt  }
0x86: {  	_ =	shalt  }
0x87: {  	_ =	shalt  }
.Lfunc_end0:
.L_simem_size_0:
called_computation_lowered:
.L_overlay_start_0:
0x88: {  	s2 =	sld [smem:$0x3FD9]  }
0x89: {  	s3 =	sld [smem:$0x3FFE];
	_ =	sdelay $0x1  }
0x8a: {  	s1 =	srdreg.scid  }
0x8b: {  	s0 =	sand.u32 $0x1, s1  }
0x8c: {  	s17 =	sshll.u32 s0, $0xA;
	s2 =	sadd.s32 s3, s2  }
0x8d: {  	s2 =	sadd.s32 s2, s17  }
0x8e: {  	[smem:$0x3FC6] =	sst s2  }
0x8f: {  	_ = 	snop  }
0x90: {  	s2 =	sld [smem:$0x3FD0];
	(tm) =	ssettm $0x1  }
0x91: {  	s18 =	sld [smem:$0x3FFB];
	_ =	sdelay $0x3  }
0x92: {  	_ =	strace s18  }
0x93: {  	s3 =	sld [smem:$0x3FFC];
	_ =	sdelay $0x3  }
0x94: {  	_ =	strace s3  }
0x95: {  	s3 =	sld [smem:$0x3FFD];
	_ =	sdelay $0x3  }
0x96: {  	_ =	strace s3  }
0x97: {  	_ =	strace $0x8FFFFFFF  }
0x98: {  	s19 =	sld [smem:$0x3FDB];
	_ =	sdelay $0x1  }
0x99: {  	s4 =	simm.s32 $_scs_section_size  }
0x9a: {  	s5 =	simm.s32 $_size__tile_overlayer_lowered;
	s6 =	simm.s32 $_tile_overlayer_lowered  }
0x9b: {  	s22 =	simm.s32 $0x1BFF;
	s21 =	sshll.u32 s6, $0x1;
	s3 =	sadd.s32 s4, s19  }
0x9c: {  	s7 =	simm.s32 $0x0;
	s20 =	sshll.u32 s5, $0x1;
	s5 =	sadd.s32 s21, s3  }
0x9d: {  	[timem:s7], [sflag:s22] =	dma.local [hbm:s5], s20  }
0x9e: {  	_ =	swait.ge [sflag:s22], s20  }
0x9f: {  	s4 =	ssub.s32 $0x0, s20;
	[sflag:s22] =	ssyncset.done $0x0  }
0xa0: {  	[sflag:s22] =	ssyncadd.s32 s4;
	_ =	sdelay $0x1  }
0xa1: {  	s23 =	simm.s32 $0x1B8B  }
0xa2: {  	_ =	swait.ge [sflag:s23], $0x1  }
0xa3: {  	[sflag:s23] =	ssyncset.done $0x0  }
0xa4: {  	s25 =	simm.s32 $0x1B8E;
	s24 =	sld [smem:$0x3FFE];
	[sflag:s23] =	ssyncadd.s32 $0xFFFFFFFF  }
0xa5: {  	s26 =	simm.s32 $execute0_lowered;
	[smem:$0x3FD2] =	sst s25  }
0xa6: {  	s5 =	sshll.u32 s26, $0x1;
	_ =	strace $0x80000046;
	[dreg:$0x1] =	wrdreg $0xFFFFFFFF  }
0xa7: {  	s28 =	simm.s32 $_size_execute0_lowered;
	s3 =	sadd.s32 s3, s5;
	[dreg:$0x0] =	wrdreg $0x0  }
0xa8: {  	s5 =	sshll.u32 s28, $0x1;
	[dreg:$0x2] =	wrdreg s3  }
0xa9: {  	[dreg:$0x3] =	wrdreg s5  }
0xaa: {  	[dreg:$0x4] =	wrdreg $0xC0  }
0xab: {  	_ =	task [dreg:s7], $0x5FFFF  }
0xac: {  	[dreg:$0x1] =	wrdreg $0xFFFFFFFF  }
0xad: {  	[dreg:$0x0] =	wrdreg $0x60  }
0xae: {  	[dreg:$0x2] =	wrdreg s24  }
0xaf: {  	[dreg:$0x3] =	wrdreg s2  }
0xb0: {  	[dreg:$0x4] =	wrdreg $0x9  }
0xb1: {  	_ =	task.clear_ibuf [dreg:s7], $0x5FFFF;
	_ =	strace $0x90000046  }
0xb2: {  	s29 =	simm.s32 $0x9;
	_ =	strace $0x80000048  }
0xb3: {  	_ =	swait.ge [sflag:s29], $0x1  }
0xb4: {  	[sflag:s29] =	ssyncadd.s32 $0xFFFFFFFF  }
0xb5: {  	_ =	strace $0x90000048  }
0xb6: {  	_ =	sfence  }
0xb7: {  	s30 =	sld [smem:$0x0];
	_ =	sdelay $0x2  }
0xb8: {  	s31 =	sshll.u32 s1, $0xD;
	s1 =	sshrl.u32 s1, $0x2  }
0xb9: {  	s3 =	sand.u32 $0x4000, s31;
	s1 =	sadd.s32 s1, s30  }
0xba: {  	s0 =	sor.u32 s3, s0;
	s1 =	sshll.u32 s1, $0x11  }
0xbb: {  	s0 =	sor.u32 s1, s0  }
0xbc: {  	s0 =	sadd.s32 $0x8F2B, s0  }
0xbd: {  	[sflag:s0] =	ssyncadd.remote.s32 $0x1  }
0xbe: {  	_ =	sfence.sel $0xFFFF  }
0xbf: {  	[dreg:$0x0] =	wrdreg $0xFFFFFFFF;
	(pc) =	sbr.abs _section_cstart, $3  }
0xc0: {  	[dreg:$0x1] =	wrdreg $0xFFFFFFFF  }
0xc1: {  	_ =	task.clear_ibuf [dreg:s7], $0x2FFFF;
	_ =	strace $0x9FFFFFFF  }
0xc2: {  	(tm) =	ssettm $0x7FFFFFFF  }
0xc3: {  	_ =	shalt  }
tec
execute0_lowered:
.L_overlay_start_1:
0x0: {  	(tag) =	ssettag $0x1  }
0x1: {  	s1 =	srdreg.scid;
	s0 =	stileid.u32  }
0x2: {  	s5 =	sand.u32 $0x1, s1;
	s29 =	sshll.u32 s0, $0x1  }
0x3: {  	s3 =	rddreg [dreg:$0x0];
	s4 =	sor.u32 s5, s29  }
0x4: {  	s2 =	rddreg [dreg:$0x1];
	s6 =	smul.u32 $0x1C000, s4  }
0x5: {  	[dreg:$0x3] =	wrdreg s2  }
0x6: {  	s1 =	rddreg [dreg:$0x2];
	s2 =	simm.s32 $0x0;
	s6 =	sadd.s32 s6, s3  }
0x7: {  	[smem:$0x7FF] =	sst s2;
	s7 =	sadd.s32 $0xC80600, s6  }
0x8: {  	_ =	strace $0x80000047;
	s30 =	sadd.s32 $0xC80610, s6;
	[dreg:$0x4] =	wrdreg s7  }
0x9: {  	s31 =	sadd.s32 $0xC80620, s6;
	[dreg:$0x5] =	wrdreg s30  }
0xa: {  	s8 =	sadd.s32 $0xC80630, s6;
	[dreg:$0x6] =	wrdreg s31  }
0xb: {  	s9 =	sadd.s32 $0xC80640, s6;
	[dreg:$0x7] =	wrdreg s8  }
0xc: {  	s10 =	sadd.s32 $0xC80650, s6;
	[dreg:$0x8] =	wrdreg s9  }
0xd: {  	s11 =	sadd.s32 $0xC80660, s6;
	[dreg:$0x9] =	wrdreg s10  }
0xe: {  	s12 =	sadd.s32 $0xC80670, s6;
	[dreg:$0xa] =	wrdreg s11  }
0xf: {  	s13 =	sadd.s32 $0xC80680, s6;
	[dreg:$0xb] =	wrdreg s12  }
0x10: {  	s14 =	sadd.s32 $0xC80690, s6;
	[dreg:$0xc] =	wrdreg s13  }
0x11: {  	s15 =	sadd.s32 $0xC806A0, s6;
	[dreg:$0xd] =	wrdreg s14  }
0x12: {  	s16 =	sadd.s32 $0xC806B0, s6;
	[dreg:$0xe] =	wrdreg s15  }
0x13: {  	s17 =	sadd.s32 $0xC806C0, s6;
	[dreg:$0xf] =	wrdreg s16  }
0x14: {  	s18 =	sadd.s32 $0xC806D0, s6;
	[dreg:$0x10] =	wrdreg s17  }
0x15: {  	s19 =	sadd.s32 $0xC806E0, s6;
	[dreg:$0x11] =	wrdreg s18  }
0x16: {  	s20 =	sadd.s32 $0xC806F0, s6;
	[dreg:$0x12] =	wrdreg s19  }
0x17: {  	s21 =	sadd.s32 $0xC80700, s6;
	[dreg:$0x13] =	wrdreg s20  }
0x18: {  	s22 =	sadd.s32 $0xC80710, s6;
	[dreg:$0x14] =	wrdreg s21  }
0x19: {  	s23 =	sadd.s32 $0xC80720, s6;
	[dreg:$0x15] =	wrdreg s22  }
0x1a: {  	s24 =	sadd.s32 $0xC80730, s6;
	[dreg:$0x16] =	wrdreg s23  }
0x1b: {  	s25 =	sadd.s32 $0xC80740, s6;
	[dreg:$0x17] =	wrdreg s24  }
0x1c: {  	s26 =	sadd.s32 $0xC80750, s6;
	[dreg:$0x18] =	wrdreg s25  }
0x1d: {  	s28 =	sadd.s32 $0xC80760, s6;
	[dreg:$0x19] =	wrdreg s26  }
0x1e: {  	s29 =	sadd.s32 $0xC80770, s6;
	[dreg:$0x1a] =	wrdreg s28  }
0x1f: {  	[dreg:$0x1b] =	wrdreg s29;
	s30 =	sadd.s32 $0xC80780, s6  }
0x20: {  	s31 =	sadd.s32 $0xC80790, s6;
	[dreg:$0x1c] =	wrdreg s30  }
0x21: {  	s8 =	sadd.s32 $0xC807A0, s6;
	[dreg:$0x1d] =	wrdreg s31  }
0x22: {  	s10 =	sadd.s32 $0xC807C0, s6;
	[dreg:$0x1e] =	wrdreg s8  }
0x23: {  	s11 =	sadd.s32 $0xC807D0, s6;
	[smem:$0x7E8] =	sst s10  }
0x24: {  	s12 =	sadd.s32 $0xC807E0, s6;
	[smem:$0x7E9] =	sst s11  }
0x25: {  	s13 =	sadd.s32 $0xC807F0, s6;
	[smem:$0x7EA] =	sst s12  }
0x26: {  	s14 =	sadd.s32 $0xC80800, s6;
	[smem:$0x7EB] =	sst s13  }
0x27: {  	s15 =	sadd.s32 $0xC80810, s6;
	[smem:$0x7EC] =	sst s14  }
0x28: {  	s16 =	sadd.s32 $0xC80820, s6;
	[smem:$0x7ED] =	sst s15  }
0x29: {  	s17 =	sadd.s32 $0xC80830, s6;
	[smem:$0x7EE] =	sst s16  }
0x2a: {  	s18 =	sadd.s32 $0xC80840, s6;
	[smem:$0x7EF] =	sst s17  }
0x2b: {  	s19 =	sadd.s32 $0xC80850, s6;
	[smem:$0x7F0] =	sst s18  }
0x2c: {  	s20 =	sadd.s32 $0xC80860, s6;
	[smem:$0x7F1] =	sst s19  }
0x2d: {  	s21 =	sadd.s32 $0xC80870, s6;
	[smem:$0x7F2] =	sst s20  }
0x2e: {  	s22 =	sadd.s32 $0xC80880, s6;
	[smem:$0x7F3] =	sst s21  }
0x2f: {  	s23 =	sadd.s32 $0xC80890, s6;
	[smem:$0x7F4] =	sst s22  }
0x30: {  	s24 =	sadd.s32 $0xC808A0, s6;
	[smem:$0x7F5] =	sst s23  }
0x31: {  	s25 =	sadd.s32 $0xC808B0, s6;
	[smem:$0x7F6] =	sst s24  }
0x32: {  	s5 =	ssub.s32 $0x2, s5;
	s26 =	sadd.s32 $0xC808C0, s6;
	[smem:$0x7F7] =	sst s25  }
0x33: {  	s4 =	smul.u32 $0x320000, s4;
	s28 =	sadd.s32 $0xC808D0, s6;
	[smem:$0x7F8] =	sst s26  }
0x34: {  	s3 =	sadd.s32 $0x600, s3;
	s29 =	sadd.s32 $0xC808E0, s6;
	[smem:$0x7F9] =	sst s28  }
0x35: {  	s9 =	sadd.s32 $0xC807B0, s6;
	s7 =	simm.s32 $0x6400;
	[smem:$0x7FA] =	sst s29  }
0x36: {  	[dreg:$0x1f] =	wrdreg s9;
	s30 =	sadd.s32 $0xC808F0, s6;
	s31 =	sadd.s32 $0xC80900, s6  }
0x37: {  	s8 =	sshrl.u32 s5, $0x1;
	s6 =	sadd.s32 $0xC80910, s6;
	s9 =	simm.s32 $0x4080  }
0x38: {  	s10 =	simm.s32 $0x8080;
	s11 =	simm.s32 $0xC080;
	s12 =	simm.s32 $0x1  }
0x39: {  	s13 =	simm.s32 $0x1C00;
	s14 =	simm.s32 $0x10080;
	[smem:$0x7FB] =	sst s30  }
0x3a: {  	s15 =	simm.s32 $0x14080;
	s16 =	simm.s32 $0x2;
	[smem:$0x7FC] =	sst s31  }
0x3b: {  	s17 =	simm.s32 $0x18080;
	s5 =	ssub.s32 s5, s8;
	[smem:$0x7FD] =	sst s6  }
0x3c: {  	s6 =	simm.s32 $0x3;
	s8 =	simm.s32 $0x80;
	s5 =	smax.u32 s5, $0x1  }
.LBB2_1:
0x3d: {  	s18 =	rddreg [dreg:$0x3]  }
0x3e: {  	[tilespmem:s2], [sflag:$0x3] =	stream.linear.gather [hbm4b:s18+s2], $0x80, $0x38;
	[tilespmem:$0x1C080] =	vst v63  }
0x3f: {  	_ =	swait.ge [sflag:s6], $0x80  }
0x40: {  	[sflag:s6] =	ssyncset.done $0x0  }
0x41: {  	[sflag:s6] =	ssyncadd.s32 $0xFFFFFF80  }
0x42: {  	v0 =	vld [tilespmem:$0x0];
	_ =	sdelay $0x4  }
0x43: {  	v3 =	vshll.u32 v0, $0x7  }
0x44: {  	(v2sf) =	vpush v3, $0x0;
	_ =	sdelay $0x3  }
0x45: {  	(v2sf) =	vpush v3, $0x1;
	_ =	sdelay $0x4  }
0x46: {  	(v2sf) =	vpush v3, $0x2;
	_ =	sdelay $0x5  }
0x47: {  	s24 =	spop (v2sf)  }
0x48: {  	s19 =	sand.u32 $0xFFFFFC00, s24  }
0x49: {  	(v2sf) =	vpush v3, $0x3;
	s18 =	sand.u32 $0x380, s24;
	s19 =	sadd.s32 s4, s19  }
0x4a: {  	s18 =	sor.u32 s18, s19  }
0x4b: {  	v2 =	vld [tilespmem:$0x10];
	s25 =	spop (v2sf);
	s18 =	sshrl.u32 s18, $0x3  }
0x4c: {  	v1 =	vld [tilespmem:$0x20];
	s26 =	sand.u32 $0xFFFFFC00, s25;
	s18 =	sadd.s32 s3, s18  }
0x4d: {  	v63 =	vld [tilespmem:$0x30];
	[tilespmem:s8], [sflag:$0x1] =	stream.strided.gather [hbm4b:s18+s8], $0x4000, s7, s8, $0x38  }
0x4e: {  	s19 =	sand.u32 $0x380, s25;
	s18 =	sadd.s32 s4, s26  }
0x4f: {  	s18 =	sor.u32 s19, s18  }
0x50: {  	s28 =	spop (v2sf);
	s18 =	sshrl.u32 s18, $0x3  }
0x51: {  	s29 =	sand.u32 $0xFFFFFC00, s28;
	s18 =	sadd.s32 s3, s18  }
0x52: {  	[tilespmem:s9], [sflag:$0x1] =	stream.strided.gather [hbm4b:s18+s8], $0x4000, s7, s8, $0x38;
	[tilespmem:$0x1C080] =	vst v63  }
0x53: {  	s19 =	sand.u32 $0x380, s28;
	s18 =	sadd.s32 s4, s29  }
0x54: {  	s18 =	sor.u32 s19, s18  }
0x55: {  	s18 =	sshrl.u32 s18, $0x3  }
0x56: {  	s18 =	sadd.s32 s3, s18  }
0x57: {  	[tilespmem:s10], [sflag:$0x1] =	stream.strided.gather [hbm4b:s18+s8], $0x4000, s7, s8, $0x38;
	[tilespmem:$0x1C080] =	vst v63  }
0x58: {  	s30 =	spop (v2sf)  }
0x59: {  	s31 =	sand.u32 $0xFFFFFC00, s30  }
0x5a: {  	s18 =	sand.u32 $0x380, s30;
	s19 =	sadd.s32 s4, s31  }
0x5b: {  	s18 =	sor.u32 s18, s19  }
0x5c: {  	s18 =	sshrl.u32 s18, $0x3  }
0x5d: {  	s18 =	sadd.s32 s3, s18  }
0x5e: {  	[tilespmem:s11], [sflag:$0x1] =	stream.strided.gather [hbm4b:s18+s8], $0x4000, s7, s8, $0x38;
	[tilespmem:$0x1C080] =	vst v63  }
0x5f: {  	_ =	swait.ge [sflag:s12], $0x4000  }
0x60: {  	(v2sf) =	vpush v3, $0x4;
	_ =	sdelay $0xb  }
0x61: {  	[sflag:s12] =	ssyncset.done $0x0  }
0x62: {  	s19 =	rddreg [dreg:$0x4];
	[sflag:s12] =	ssyncadd.s32 $0xFFFFC000  }
0x63: {  	[hbm4b:s19+s8] =	stream.strided.scatter [tilespmem:s8], [sflag:$0x2], $0x4000, s13, s8, $0x38;
	[tilespmem:$0x1C080] =	vst v63  }
0x64: {  	s20 =	spop (v2sf)  }
0x65: {  	s21 =	sand.u32 $0xFFFFFC00, s20  }
0x66: {  	s18 =	sand.u32 $0x380, s20;
	s19 =	sadd.s32 s4, s21  }
0x67: {  	s18 =	sor.u32 s18, s19  }
0x68: {  	s18 =	sshrl.u32 s18, $0x3  }
0x69: {  	s18 =	sadd.s32 s3, s18  }
0x6a: {  	[tilespmem:s14], [sflag:$0x1] =	stream.strided.gather [hbm4b:s18+s8], $0x4000, s7, s8, $0x38;
	[tilespmem:$0x1C080] =	vst v63  }
0x6b: {  	_ =	swait.ge [sflag:s12], $0x4000  }
0x6c: {  	(v2sf) =	vpush v3, $0x5;
	_ =	sdelay $0xb  }
0x6d: {  	[sflag:s12] =	ssyncset.done $0x0  }
0x6e: {  	s22 =	rddreg [dreg:$0x5];
	[sflag:s12] =	ssyncadd.s32 $0xFFFFC000  }
0x6f: {  	[hbm4b:s22+s8] =	stream.strided.scatter [tilespmem:s9], [sflag:$0x2], $0x4000, s13, s8, $0x38;
	[tilespmem:$0x1C080] =	vst v63  }
0x70: {  	s23 =	spop (v2sf)  }
0x71: {  	s24 =	sand.u32 $0xFFFFFC00, s23  }
0x72: {  	s18 =	sand.u32 $0x380, s23;
	s19 =	sadd.s32 s4, s24  }
0x73: {  	s18 =	sor.u32 s18, s19  }
0x74: {  	s18 =	sshrl.u32 s18, $0x3  }
0x75: {  	s18 =	sadd.s32 s3, s18  }
0x76: {  	[tilespmem:s15], [sflag:$0x1] =	stream.strided.gather [hbm4b:s18+s8], $0x4000, s7, s8, $0x38;
	[tilespmem:$0x1C080] =	vst v63  }
0x77: {  	_ =	swait.ge [sflag:s12], $0x4000  }
0x78: {  	[sflag:s12] =	ssyncset.done $0x0  }
0x79: {  	s25 =	rddreg [dreg:$0x6];
	[sflag:s12] =	ssyncadd.s32 $0xFFFFC000  }
0x7a: {  	[hbm4b:s25+s8] =	stream.strided.scatter [tilespmem:s10], [sflag:$0x2], $0x4000, s13, s8, $0x38;
	[tilespmem:$0x1C080] =	vst v63  }
0x7b: {  	_ =	swait.ge [sflag:s16], $0x4000  }
0x7c: {  	(v2sf) =	vpush v3, $0x6;
	_ =	sdelay $0xe  }
0x7d: {  	s26 =	spop (v2sf)  }
0x7e: {  	s28 =	sand.u32 $0xFFFFFC00, s26  }
0x7f: {  	s18 =	sand.u32 $0x380, s26;
	s19 =	sadd.s32 s4, s28  }
0x80: {  	s18 =	sor.u32 s18, s19  }
0x81: {  	[sflag:s16] =	ssyncset.done $0x0;
	s18 =	sshrl.u32 s18, $0x3  }
0x82: {  	[sflag:s16] =	ssyncadd.s32 $0xFFFFC000;
	s18 =	sadd.s32 s3, s18  }
0x83: {  	[tilespmem:s17], [sflag:$0x1] =	stream.strided.gather [hbm4b:s18+s8], $0x4000, s7, s8, $0x38;
	[tilespmem:$0x1C080] =	vst v63  }
0x84: {  	_ =	swait.ge [sflag:s12], $0x4000  }
0x85: {  	[sflag:s12] =	ssyncset.done $0x0  }
0x86: {  	s29 =	rddreg [dreg:$0x7];
	[sflag:s12] =	ssyncadd.s32 $0xFFFFC000  }
0x87: {  	[hbm4b:s29+s8] =	stream.strided.scatter [tilespmem:s11], [sflag:$0x2], $0x4000, s13, s8, $0x38;
	[tilespmem:$0x1C080] =	vst v63  }
0x88: {  	_ =	swait.ge [sflag:s16], $0x4000  }
0x89: {  	(v2sf) =	vpush v3, $0x7;
	_ =	sdelay $0xe  }
0x8a: {  	s30 =	spop (v2sf)  }
0x8b: {  	s31 =	sand.u32 $0xFFFFFC00, s30  }
0x8c: {  	s18 =	sand.u32 $0x380, s30;
	s19 =	sadd.s32 s4, s31  }
0x8d: {  	s18 =	sor.u32 s18, s19  }
0x8e: {  	[sflag:s16] =	ssyncset.done $0x0;
	s18 =	sshrl.u32 s18, $0x3  }
0x8f: {  	[sflag:s16] =	ssyncadd.s32 $0xFFFFC000;
	s18 =	sadd.s32 s3, s18  }
0x90: {  	[tilespmem:s8], [sflag:$0x1] =	stream.strided.gather [hbm4b:s18+s8], $0x4000, s7, s8, $0x38;
	[tilespmem:$0x1C080] =	vst v63  }
0x91: {  	_ =	swait.ge [sflag:s12], $0x4000  }
0x92: {  	[sflag:s12] =	ssyncset.done $0x0  }
0x93: {  	s19 =	rddreg [dreg:$0x8];
	[sflag:s12] =	ssyncadd.s32 $0xFFFFC000  }
0x94: {  	[hbm4b:s19+s8] =	stream.strided.scatter [tilespmem:s14], [sflag:$0x2], $0x4000, s13, s8, $0x38;
	[tilespmem:$0x1C080] =	vst v63  }
0x95: {  	_ =	swait.ge [sflag:s16], $0x4000  }
0x96: {  	(v2sf) =	vpush v3, $0x8;
	_ =	sdelay $0xe  }
0x97: {  	s20 =	spop (v2sf)  }
0x98: {  	s21 =	sand.u32 $0xFFFFFC00, s20  }
0x99: {  	s18 =	sand.u32 $0x380, s20;
	s19 =	sadd.s32 s4, s21  }
0x9a: {  	s18 =	sor.u32 s18, s19  }
0x9b: {  	[sflag:s16] =	ssyncset.done $0x0;
	s18 =	sshrl.u32 s18, $0x3  }
0x9c: {  	[sflag:s16] =	ssyncadd.s32 $0xFFFFC000;
	s18 =	sadd.s32 s3, s18  }
0x9d: {  	[tilespmem:s9], [sflag:$0x1] =	stream.strided.gather [hbm4b:s18+s8], $0x4000, s7, s8, $0x38;
	[tilespmem:$0x1C080] =	vst v63  }
0x9e: {  	_ =	swait.ge [sflag:s12], $0x4000  }
0x9f: {  	[sflag:s12] =	ssyncset.done $0x0  }
0xa0: {  	s22 =	rddreg [dreg:$0x9];
	[sflag:s12] =	ssyncadd.s32 $0xFFFFC000  }
0xa1: {  	[hbm4b:s22+s8] =	stream.strided.scatter [tilespmem:s15], [sflag:$0x2], $0x4000, s13, s8, $0x38;
	[tilespmem:$0x1C080] =	vst v63  }
0xa2: {  	_ =	swait.ge [sflag:s16], $0x4000  }
0xa3: {  	(v2sf) =	vpush v3, $0x9;
	_ =	sdelay $0xe  }
0xa4: {  	s23 =	spop (v2sf)  }
0xa5: {  	s24 =	sand.u32 $0xFFFFFC00, s23  }
0xa6: {  	s18 =	sand.u32 $0x380, s23;
	s19 =	sadd.s32 s4, s24  }
0xa7: {  	s18 =	sor.u32 s18, s19  }
0xa8: {  	[sflag:s16] =	ssyncset.done $0x0;
	s18 =	sshrl.u32 s18, $0x3  }
0xa9: {  	[sflag:s16] =	ssyncadd.s32 $0xFFFFC000;
	s18 =	sadd.s32 s3, s18  }
0xaa: {  	[tilespmem:s10], [sflag:$0x1] =	stream.strided.gather [hbm4b:s18+s8], $0x4000, s7, s8, $0x38;
	[tilespmem:$0x1C080] =	vst v63  }
0xab: {  	_ =	swait.ge [sflag:s12], $0x4000  }
0xac: {  	[sflag:s12] =	ssyncset.done $0x0  }
0xad: {  	s25 =	rddreg [dreg:$0xa];
	[sflag:s12] =	ssyncadd.s32 $0xFFFFC000  }
0xae: {  	[hbm4b:s25+s8] =	stream.strided.scatter [tilespmem:s17], [sflag:$0x2], $0x4000, s13, s8, $0x38;
	[tilespmem:$0x1C080] =	vst v63  }
0xaf: {  	_ =	swait.ge [sflag:s16], $0x4000  }
0xb0: {  	(v2sf) =	vpush v3, $0xA;
	_ =	sdelay $0xe  }
0xb1: {  	s26 =	spop (v2sf)  }
0xb2: {  	s28 =	sand.u32 $0xFFFFFC00, s26  }
0xb3: {  	s18 =	sand.u32 $0x380, s26;
	s19 =	sadd.s32 s4, s28  }
0xb4: {  	s18 =	sor.u32 s18, s19  }
0xb5: {  	[sflag:s16] =	ssyncset.done $0x0;
	s18 =	sshrl.u32 s18, $0x3  }
0xb6: {  	[sflag:s16] =	ssyncadd.s32 $0xFFFFC000;
	s18 =	sadd.s32 s3, s18  }
0xb7: {  	[tilespmem:s11], [sflag:$0x1] =	stream.strided.gather [hbm4b:s18+s8], $0x4000, s7, s8, $0x38;
	[tilespmem:$0x1C080] =	vst v63  }
0xb8: {  	_ =	swait.ge [sflag:s12], $0x4000  }
0xb9: {  	[sflag:s12] =	ssyncset.done $0x0  }
0xba: {  	s29 =	rddreg [dreg:$0xb];
	[sflag:s12] =	ssyncadd.s32 $0xFFFFC000  }
0xbb: {  	[hbm4b:s29+s8] =	stream.strided.scatter [tilespmem:s8], [sflag:$0x2], $0x4000, s13, s8, $0x38;
	[tilespmem:$0x1C080] =	vst v63  }
0xbc: {  	_ =	swait.ge [sflag:s16], $0x4000  }
0xbd: {  	(v2sf) =	vpush v3, $0xB;
	_ =	sdelay $0xe  }
0xbe: {  	s30 =	spop (v2sf)  }
0xbf: {  	s31 =	sand.u32 $0xFFFFFC00, s30  }
0xc0: {  	s18 =	sand.u32 $0x380, s30;
	s19 =	sadd.s32 s4, s31  }
0xc1: {  	s18 =	sor.u32 s18, s19  }
0xc2: {  	[sflag:s16] =	ssyncset.done $0x0;
	s18 =	sshrl.u32 s18, $0x3  }
0xc3: {  	[sflag:s16] =	ssyncadd.s32 $0xFFFFC000;
	s18 =	sadd.s32 s3, s18  }
0xc4: {  	[tilespmem:s14], [sflag:$0x1] =	stream.strided.gather [hbm4b:s18+s8], $0x4000, s7, s8, $0x38;
	[tilespmem:$0x1C080] =	vst v63  }
0xc5: {  	_ =	swait.ge [sflag:s12], $0x4000  }
0xc6: {  	[sflag:s12] =	ssyncset.done $0x0  }
0xc7: {  	s19 =	rddreg [dreg:$0xc];
	[sflag:s12] =	ssyncadd.s32 $0xFFFFC000  }
0xc8: {  	[hbm4b:s19+s8] =	stream.strided.scatter [tilespmem:s9], [sflag:$0x2], $0x4000, s13, s8, $0x38;
	[tilespmem:$0x1C080] =	vst v63  }
0xc9: {  	_ =	swait.ge [sflag:s16], $0x4000  }
0xca: {  	(v2sf) =	vpush v3, $0xC;
	_ =	sdelay $0xe  }
0xcb: {  	s20 =	spop (v2sf)  }
0xcc: {  	s21 =	sand.u32 $0xFFFFFC00, s20  }
0xcd: {  	s18 =	sand.u32 $0x380, s20;
	s19 =	sadd.s32 s4, s21  }
0xce: {  	s18 =	sor.u32 s18, s19  }
0xcf: {  	[sflag:s16] =	ssyncset.done $0x0;
	s18 =	sshrl.u32 s18, $0x3  }
0xd0: {  	[sflag:s16] =	ssyncadd.s32 $0xFFFFC000;
	s18 =	sadd.s32 s3, s18  }
0xd1: {  	[tilespmem:s15], [sflag:$0x1] =	stream.strided.gather [hbm4b:s18+s8], $0x4000, s7, s8, $0x38;
	[tilespmem:$0x1C080] =	vst v63  }
0xd2: {  	_ =	swait.ge [sflag:s12], $0x4000  }
0xd3: {  	[sflag:s12] =	ssyncset.done $0x0  }
0xd4: {  	s22 =	rddreg [dreg:$0xd];
	[sflag:s12] =	ssyncadd.s32 $0xFFFFC000  }
0xd5: {  	[hbm4b:s22+s8] =	stream.strided.scatter [tilespmem:s10], [sflag:$0x2], $0x4000, s13, s8, $0x38;
	[tilespmem:$0x1C080] =	vst v63  }
0xd6: {  	_ =	swait.ge [sflag:s16], $0x4000  }
0xd7: {  	(v2sf) =	vpush v3, $0xD;
	_ =	sdelay $0xe  }
0xd8: {  	s23 =	spop (v2sf)  }
0xd9: {  	s24 =	sand.u32 $0xFFFFFC00, s23  }
0xda: {  	s18 =	sand.u32 $0x380, s23;
	s19 =	sadd.s32 s4, s24  }
0xdb: {  	s18 =	sor.u32 s18, s19  }
0xdc: {  	[sflag:s16] =	ssyncset.done $0x0;
	s18 =	sshrl.u32 s18, $0x3  }
0xdd: {  	[sflag:s16] =	ssyncadd.s32 $0xFFFFC000;
	s18 =	sadd.s32 s3, s18  }
0xde: {  	[tilespmem:s17], [sflag:$0x1] =	stream.strided.gather [hbm4b:s18+s8], $0x4000, s7, s8, $0x38;
	[tilespmem:$0x1C080] =	vst v63  }
0xdf: {  	_ =	swait.ge [sflag:s12], $0x4000  }
0xe0: {  	[sflag:s12] =	ssyncset.done $0x0  }
0xe1: {  	s25 =	rddreg [dreg:$0xe];
	[sflag:s12] =	ssyncadd.s32 $0xFFFFC000  }
0xe2: {  	[hbm4b:s25+s8] =	stream.strided.scatter [tilespmem:s11], [sflag:$0x2], $0x4000, s13, s8, $0x38;
	[tilespmem:$0x1C080] =	vst v63  }
0xe3: {  	_ =	swait.ge [sflag:s16], $0x4000  }
0xe4: {  	(v2sf) =	vpush v3, $0xE;
	_ =	sdelay $0xe  }
0xe5: {  	s26 =	spop (v2sf)  }
0xe6: {  	s28 =	sand.u32 $0xFFFFFC00, s26  }
0xe7: {  	s18 =	sand.u32 $0x380, s26;
	s19 =	sadd.s32 s4, s28  }
0xe8: {  	s18 =	sor.u32 s18, s19  }
0xe9: {  	[sflag:s16] =	ssyncset.done $0x0;
	s18 =	sshrl.u32 s18, $0x3  }
0xea: {  	[sflag:s16] =	ssyncadd.s32 $0xFFFFC000;
	s18 =	sadd.s32 s3, s18  }
0xeb: {  	[tilespmem:s8], [sflag:$0x1] =	stream.strided.gather [hbm4b:s18+s8], $0x4000, s7, s8, $0x38;
	[tilespmem:$0x1C080] =	vst v63  }
0xec: {  	_ =	swait.ge [sflag:s12], $0x4000  }
0xed: {  	[sflag:s12] =	ssyncset.done $0x0  }
0xee: {  	s29 =	rddreg [dreg:$0xf];
	[sflag:s12] =	ssyncadd.s32 $0xFFFFC000  }
0xef: {  	[hbm4b:s29+s8] =	stream.strided.scatter [tilespmem:s14], [sflag:$0x2], $0x4000, s13, s8, $0x38;
	[tilespmem:$0x1C080] =	vst v63  }
0xf0: {  	_ =	swait.ge [sflag:s16], $0x4000  }
0xf1: {  	(v2sf) =	vpush v3, $0xF;
	_ =	sdelay $0xe  }
0xf2: {  	s30 =	spop (v2sf)  }
0xf3: {  	s31 =	sand.u32 $0xFFFFFC00, s30  }
0xf4: {  	s18 =	sand.u32 $0x380, s30;
	s19 =	sadd.s32 s4, s31  }
0xf5: {  	s18 =	sor.u32 s18, s19  }
0xf6: {  	[sflag:s16] =	ssyncset.done $0x0;
	s18 =	sshrl.u32 s18, $0x3  }
0xf7: {  	[sflag:s16] =	ssyncadd.s32 $0xFFFFC000;
	s18 =	sadd.s32 s3, s18  }
0xf8: {  	[tilespmem:s9], [sflag:$0x1] =	stream.strided.gather [hbm4b:s18+s8], $0x4000, s7, s8, $0x38;
	[tilespmem:$0x1C080] =	vst v63  }
0xf9: {  	_ =	swait.ge [sflag:s12], $0x4000  }
0xfa: {  	[sflag:s12] =	ssyncset.done $0x0  }
0xfb: {  	s19 =	rddreg [dreg:$0x10];
	[sflag:s12] =	ssyncadd.s32 $0xFFFFC000  }
0xfc: {  	[hbm4b:s19+s8] =	stream.strided.scatter [tilespmem:s15], [sflag:$0x2], $0x4000, s13, s8, $0x38;
	[tilespmem:$0x1C080] =	vst v63  }
0xfd: {  	v2 =	vshll.u32 v2, $0x7;
	_ =	swait.ge [sflag:s16], $0x4000  }
0xfe: {  	(v2sf) =	vpush v2, $0x0;
	_ =	sdelay $0xe  }
0xff: {  	s20 =	spop (v2sf)  }
0x100: {  	s21 =	sand.u32 $0xFFFFFC00, s20  }
0x101: {  	s18 =	sand.u32 $0x380, s20;
	s19 =	sadd.s32 s4, s21  }
0x102: {  	s18 =	sor.u32 s18, s19  }
0x103: {  	[sflag:s16] =	ssyncset.done $0x0;
	s18 =	sshrl.u32 s18, $0x3  }
0x104: {  	[sflag:s16] =	ssyncadd.s32 $0xFFFFC000;
	s18 =	sadd.s32 s3, s18  }
0x105: {  	[tilespmem:s10], [sflag:$0x1] =	stream.strided.gather [hbm4b:s18+s8], $0x4000, s7, s8, $0x38;
	[tilespmem:$0x1C080] =	vst v63  }
0x106: {  	_ =	swait.ge [sflag:s12], $0x4000  }
0x107: {  	[sflag:s12] =	ssyncset.done $0x0  }
0x108: {  	s22 =	rddreg [dreg:$0x11];
	[sflag:s12] =	ssyncadd.s32 $0xFFFFC000  }
0x109: {  	[hbm4b:s22+s8] =	stream.strided.scatter [tilespmem:s17], [sflag:$0x2], $0x4000, s13, s8, $0x38;
	[tilespmem:$0x1C080] =	vst v63  }
0x10a: {  	_ =	swait.ge [sflag:s16], $0x4000  }
0x10b: {  	(v2sf) =	vpush v2, $0x1;
	_ =	sdelay $0xe  }
0x10c: {  	s23 =	spop (v2sf)  }
0x10d: {  	s24 =	sand.u32 $0xFFFFFC00, s23  }
0x10e: {  	s18 =	sand.u32 $0x380, s23;
	s19 =	sadd.s32 s4, s24  }
0x10f: {  	s18 =	sor.u32 s18, s19  }
0x110: {  	[sflag:s16] =	ssyncset.done $0x0;
	s18 =	sshrl.u32 s18, $0x3  }
0x111: {  	[sflag:s16] =	ssyncadd.s32 $0xFFFFC000;
	s18 =	sadd.s32 s3, s18  }
0x112: {  	[tilespmem:s11], [sflag:$0x1] =	stream.strided.gather [hbm4b:s18+s8], $0x4000, s7, s8, $0x38;
	[tilespmem:$0x1C080] =	vst v63  }
0x113: {  	_ =	swait.ge [sflag:s12], $0x4000  }
0x114: {  	[sflag:s12] =	ssyncset.done $0x0  }
0x115: {  	s25 =	rddreg [dreg:$0x12];
	[sflag:s12] =	ssyncadd.s32 $0xFFFFC000  }
0x116: {  	[hbm4b:s25+s8] =	stream.strided.scatter [tilespmem:s8], [sflag:$0x2], $0x4000, s13, s8, $0x38;
	[tilespmem:$0x1C080] =	vst v63  }
0x117: {  	_ =	swait.ge [sflag:s16], $0x4000  }
0x118: {  	(v2sf) =	vpush v2, $0x2;
	_ =	sdelay $0xe  }
0x119: {  	s26 =	spop (v2sf)  }
0x11a: {  	s28 =	sand.u32 $0xFFFFFC00, s26  }
0x11b: {  	s18 =	sand.u32 $0x380, s26;
	s19 =	sadd.s32 s4, s28  }
0x11c: {  	s18 =	sor.u32 s18, s19  }
0x11d: {  	[sflag:s16] =	ssyncset.done $0x0;
	s18 =	sshrl.u32 s18, $0x3  }
0x11e: {  	[sflag:s16] =	ssyncadd.s32 $0xFFFFC000;
	s18 =	sadd.s32 s3, s18  }
0x11f: {  	[tilespmem:s14], [sflag:$0x1] =	stream.strided.gather [hbm4b:s18+s8], $0x4000, s7, s8, $0x38;
	[tilespmem:$0x1C080] =	vst v63  }
0x120: {  	_ =	swait.ge [sflag:s12], $0x4000  }
0x121: {  	[sflag:s12] =	ssyncset.done $0x0  }
0x122: {  	s29 =	rddreg [dreg:$0x13];
	[sflag:s12] =	ssyncadd.s32 $0xFFFFC000  }
0x123: {  	[hbm4b:s29+s8] =	stream.strided.scatter [tilespmem:s9], [sflag:$0x2], $0x4000, s13, s8, $0x38;
	[tilespmem:$0x1C080] =	vst v63  }
0x124: {  	_ =	swait.ge [sflag:s16], $0x4000  }
0x125: {  	(v2sf) =	vpush v2, $0x3;
	_ =	sdelay $0xe  }
0x126: {  	s30 =	spop (v2sf)  }
0x127: {  	s31 =	sand.u32 $0xFFFFFC00, s30  }
0x128: {  	s18 =	sand.u32 $0x380, s30;
	s19 =	sadd.s32 s4, s31  }
0x129: {  	s18 =	sor.u32 s18, s19  }
0x12a: {  	[sflag:s16] =	ssyncset.done $0x0;
	s18 =	sshrl.u32 s18, $0x3  }
0x12b: {  	[sflag:s16] =	ssyncadd.s32 $0xFFFFC000;
	s18 =	sadd.s32 s3, s18  }
0x12c: {  	[tilespmem:s15], [sflag:$0x1] =	stream.strided.gather [hbm4b:s18+s8], $0x4000, s7, s8, $0x38;
	[tilespmem:$0x1C080] =	vst v63  }
0x12d: {  	_ =	swait.ge [sflag:s12], $0x4000  }
0x12e: {  	[sflag:s12] =	ssyncset.done $0x0  }
0x12f: {  	s19 =	rddreg [dreg:$0x14];
	[sflag:s12] =	ssyncadd.s32 $0xFFFFC000  }
0x130: {  	[hbm4b:s19+s8] =	stream.strided.scatter [tilespmem:s10], [sflag:$0x2], $0x4000, s13, s8, $0x38;
	[tilespmem:$0x1C080] =	vst v63  }
0x131: {  	_ =	swait.ge [sflag:s16], $0x4000  }
0x132: {  	(v2sf) =	vpush v2, $0x4;
	_ =	sdelay $0xe  }
0x133: {  	s20 =	spop (v2sf)  }
0x134: {  	s21 =	sand.u32 $0xFFFFFC00, s20  }
0x135: {  	s18 =	sand.u32 $0x380, s20;
	s19 =	sadd.s32 s4, s21  }
0x136: {  	s18 =	sor.u32 s18, s19  }
0x137: {  	[sflag:s16] =	ssyncset.done $0x0;
	s18 =	sshrl.u32 s18, $0x3  }
0x138: {  	[sflag:s16] =	ssyncadd.s32 $0xFFFFC000;
	s18 =	sadd.s32 s3, s18  }
0x139: {  	[tilespmem:s17], [sflag:$0x1] =	stream.strided.gather [hbm4b:s18+s8], $0x4000, s7, s8, $0x38;
	[tilespmem:$0x1C080] =	vst v63  }
0x13a: {  	_ =	swait.ge [sflag:s12], $0x4000  }
0x13b: {  	[sflag:s12] =	ssyncset.done $0x0  }
0x13c: {  	s22 =	rddreg [dreg:$0x15];
	[sflag:s12] =	ssyncadd.s32 $0xFFFFC000  }
0x13d: {  	[hbm4b:s22+s8] =	stream.strided.scatter [tilespmem:s11], [sflag:$0x2], $0x4000, s13, s8, $0x38;
	[tilespmem:$0x1C080] =	vst v63  }
0x13e: {  	_ =	swait.ge [sflag:s16], $0x4000  }
0x13f: {  	(v2sf) =	vpush v2, $0x5;
	_ =	sdelay $0xe  }
0x140: {  	s23 =	spop (v2sf)  }
0x141: {  	s24 =	sand.u32 $0xFFFFFC00, s23  }
0x142: {  	s18 =	sand.u32 $0x380, s23;
	s19 =	sadd.s32 s4, s24  }
0x143: {  	s18 =	sor.u32 s18, s19  }
0x144: {  	[sflag:s16] =	ssyncset.done $0x0;
	s18 =	sshrl.u32 s18, $0x3  }
0x145: {  	[sflag:s16] =	ssyncadd.s32 $0xFFFFC000;
	s18 =	sadd.s32 s3, s18  }
0x146: {  	[tilespmem:s8], [sflag:$0x1] =	stream.strided.gather [hbm4b:s18+s8], $0x4000, s7, s8, $0x38;
	[tilespmem:$0x1C080] =	vst v63  }
0x147: {  	_ =	swait.ge [sflag:s12], $0x4000  }
0x148: {  	[sflag:s12] =	ssyncset.done $0x0  }
0x149: {  	s25 =	rddreg [dreg:$0x16];
	[sflag:s12] =	ssyncadd.s32 $0xFFFFC000  }
0x14a: {  	[hbm4b:s25+s8] =	stream.strided.scatter [tilespmem:s14], [sflag:$0x2], $0x4000, s13, s8, $0x38;
	[tilespmem:$0x1C080] =	vst v63  }
0x14b: {  	_ =	swait.ge [sflag:s16], $0x4000  }
0x14c: {  	(v2sf) =	vpush v2, $0x6;
	_ =	sdelay $0xe  }
0x14d: {  	s26 =	spop (v2sf)  }
0x14e: {  	s28 =	sand.u32 $0xFFFFFC00, s26  }
0x14f: {  	s18 =	sand.u32 $0x380, s26;
	s19 =	sadd.s32 s4, s28  }
0x150: {  	s18 =	sor.u32 s18, s19  }
0x151: {  	[sflag:s16] =	ssyncset.done $0x0;
	s18 =	sshrl.u32 s18, $0x3  }
0x152: {  	[sflag:s16] =	ssyncadd.s32 $0xFFFFC000;
	s18 =	sadd.s32 s3, s18  }
0x153: {  	[tilespmem:s9], [sflag:$0x1] =	stream.strided.gather [hbm4b:s18+s8], $0x4000, s7, s8, $0x38;
	[tilespmem:$0x1C080] =	vst v63  }
0x154: {  	_ =	swait.ge [sflag:s12], $0x4000  }
0x155: {  	[sflag:s12] =	ssyncset.done $0x0  }
0x156: {  	s29 =	rddreg [dreg:$0x17];
	[sflag:s12] =	ssyncadd.s32 $0xFFFFC000  }
0x157: {  	[hbm4b:s29+s8] =	stream.strided.scatter [tilespmem:s15], [sflag:$0x2], $0x4000, s13, s8, $0x38;
	[tilespmem:$0x1C080] =	vst v63  }
0x158: {  	_ =	swait.ge [sflag:s16], $0x4000  }
0x159: {  	(v2sf) =	vpush v2, $0x7;
	_ =	sdelay $0xe  }
0x15a: {  	s30 =	spop (v2sf)  }
0x15b: {  	s31 =	sand.u32 $0xFFFFFC00, s30  }
0x15c: {  	s18 =	sand.u32 $0x380, s30;
	s19 =	sadd.s32 s4, s31  }
0x15d: {  	s18 =	sor.u32 s18, s19  }
0x15e: {  	[sflag:s16] =	ssyncset.done $0x0;
	s18 =	sshrl.u32 s18, $0x3  }
0x15f: {  	[sflag:s16] =	ssyncadd.s32 $0xFFFFC000;
	s18 =	sadd.s32 s3, s18  }
0x160: {  	[tilespmem:s10], [sflag:$0x1] =	stream.strided.gather [hbm4b:s18+s8], $0x4000, s7, s8, $0x38;
	[tilespmem:$0x1C080] =	vst v63  }
0x161: {  	_ =	swait.ge [sflag:s12], $0x4000  }
0x162: {  	[sflag:s12] =	ssyncset.done $0x0  }
0x163: {  	s19 =	rddreg [dreg:$0x18];
	[sflag:s12] =	ssyncadd.s32 $0xFFFFC000  }
0x164: {  	[hbm4b:s19+s8] =	stream.strided.scatter [tilespmem:s17], [sflag:$0x2], $0x4000, s13, s8, $0x38;
	[tilespmem:$0x1C080] =	vst v63  }
0x165: {  	_ =	swait.ge [sflag:s16], $0x4000  }
0x166: {  	(v2sf) =	vpush v2, $0x8;
	_ =	sdelay $0xe  }
0x167: {  	s20 =	spop (v2sf)  }
0x168: {  	s21 =	sand.u32 $0xFFFFFC00, s20  }
0x169: {  	s18 =	sand.u32 $0x380, s20;
	s19 =	sadd.s32 s4, s21  }
0x16a: {  	s18 =	sor.u32 s18, s19  }
0x16b: {  	[sflag:s16] =	ssyncset.done $0x0;
	s18 =	sshrl.u32 s18, $0x3  }
0x16c: {  	[sflag:s16] =	ssyncadd.s32 $0xFFFFC000;
	s18 =	sadd.s32 s3, s18  }
0x16d: {  	[tilespmem:s11], [sflag:$0x1] =	stream.strided.gather [hbm4b:s18+s8], $0x4000, s7, s8, $0x38;
	[tilespmem:$0x1C080] =	vst v63  }
0x16e: {  	_ =	swait.ge [sflag:s12], $0x4000  }
0x16f: {  	[sflag:s12] =	ssyncset.done $0x0  }
0x170: {  	s22 =	rddreg [dreg:$0x19];
	[sflag:s12] =	ssyncadd.s32 $0xFFFFC000  }
0x171: {  	[hbm4b:s22+s8] =	stream.strided.scatter [tilespmem:s8], [sflag:$0x2], $0x4000, s13, s8, $0x38;
	[tilespmem:$0x1C080] =	vst v63  }
0x172: {  	_ =	swait.ge [sflag:s16], $0x4000  }
0x173: {  	(v2sf) =	vpush v2, $0x9;
	_ =	sdelay $0xe  }
0x174: {  	s23 =	spop (v2sf)  }
0x175: {  	s24 =	sand.u32 $0xFFFFFC00, s23  }
0x176: {  	s18 =	sand.u32 $0x380, s23;
	s19 =	sadd.s32 s4, s24  }
0x177: {  	s18 =	sor.u32 s18, s19  }
0x178: {  	[sflag:s16] =	ssyncset.done $0x0;
	s18 =	sshrl.u32 s18, $0x3  }
0x179: {  	[sflag:s16] =	ssyncadd.s32 $0xFFFFC000;
	s18 =	sadd.s32 s3, s18  }
0x17a: {  	[tilespmem:s14], [sflag:$0x1] =	stream.strided.gather [hbm4b:s18+s8], $0x4000, s7, s8, $0x38;
	[tilespmem:$0x1C080] =	vst v63  }
0x17b: {  	_ =	swait.ge [sflag:s12], $0x4000  }
0x17c: {  	[sflag:s12] =	ssyncset.done $0x0  }
0x17d: {  	s25 =	rddreg [dreg:$0x1a];
	[sflag:s12] =	ssyncadd.s32 $0xFFFFC000  }
0x17e: {  	[hbm4b:s25+s8] =	stream.strided.scatter [tilespmem:s9], [sflag:$0x2], $0x4000, s13, s8, $0x38;
	[tilespmem:$0x1C080] =	vst v63  }
0x17f: {  	_ =	swait.ge [sflag:s16], $0x4000  }
0x180: {  	(v2sf) =	vpush v2, $0xA;
	_ =	sdelay $0xe  }
0x181: {  	s26 =	spop (v2sf)  }
0x182: {  	s28 =	sand.u32 $0xFFFFFC00, s26  }
0x183: {  	s18 =	sand.u32 $0x380, s26;
	s19 =	sadd.s32 s4, s28  }
0x184: {  	s18 =	sor.u32 s18, s19  }
0x185: {  	[sflag:s16] =	ssyncset.done $0x0;
	s18 =	sshrl.u32 s18, $0x3  }
0x186: {  	[sflag:s16] =	ssyncadd.s32 $0xFFFFC000;
	s18 =	sadd.s32 s3, s18  }
0x187: {  	[tilespmem:s15], [sflag:$0x1] =	stream.strided.gather [hbm4b:s18+s8], $0x4000, s7, s8, $0x38;
	[tilespmem:$0x1C080] =	vst v63  }
0x188: {  	_ =	swait.ge [sflag:s12], $0x4000  }
0x189: {  	[sflag:s12] =	ssyncset.done $0x0  }
0x18a: {  	s29 =	rddreg [dreg:$0x1b];
	[sflag:s12] =	ssyncadd.s32 $0xFFFFC000  }
0x18b: {  	[hbm4b:s29+s8] =	stream.strided.scatter [tilespmem:s10], [sflag:$0x2], $0x4000, s13, s8, $0x38;
	[tilespmem:$0x1C080] =	vst v63  }
0x18c: {  	_ =	swait.ge [sflag:s16], $0x4000  }
0x18d: {  	(v2sf) =	vpush v2, $0xB;
	_ =	sdelay $0xe  }
0x18e: {  	s30 =	spop (v2sf)  }
0x18f: {  	s31 =	sand.u32 $0xFFFFFC00, s30  }
0x190: {  	s18 =	sand.u32 $0x380, s30;
	s19 =	sadd.s32 s4, s31  }
0x191: {  	s18 =	sor.u32 s18, s19  }
0x192: {  	[sflag:s16] =	ssyncset.done $0x0;
	s18 =	sshrl.u32 s18, $0x3  }
0x193: {  	[sflag:s16] =	ssyncadd.s32 $0xFFFFC000;
	s18 =	sadd.s32 s3, s18  }
0x194: {  	[tilespmem:s17], [sflag:$0x1] =	stream.strided.gather [hbm4b:s18+s8], $0x4000, s7, s8, $0x38;
	[tilespmem:$0x1C080] =	vst v63  }
0x195: {  	_ =	swait.ge [sflag:s12], $0x4000  }
0x196: {  	[sflag:s12] =	ssyncset.done $0x0  }
0x197: {  	s19 =	rddreg [dreg:$0x1c];
	[sflag:s12] =	ssyncadd.s32 $0xFFFFC000  }
0x198: {  	[hbm4b:s19+s8] =	stream.strided.scatter [tilespmem:s11], [sflag:$0x2], $0x4000, s13, s8, $0x38;
	[tilespmem:$0x1C080] =	vst v63  }
0x199: {  	_ =	swait.ge [sflag:s16], $0x4000  }
0x19a: {  	(v2sf) =	vpush v2, $0xC;
	_ =	sdelay $0xe  }
0x19b: {  	s20 =	spop (v2sf)  }
0x19c: {  	s21 =	sand.u32 $0xFFFFFC00, s20  }
0x19d: {  	s18 =	sand.u32 $0x380, s20;
	s19 =	sadd.s32 s4, s21  }
0x19e: {  	s18 =	sor.u32 s18, s19  }
0x19f: {  	[sflag:s16] =	ssyncset.done $0x0;
	s18 =	sshrl.u32 s18, $0x3  }
0x1a0: {  	[sflag:s16] =	ssyncadd.s32 $0xFFFFC000;
	s18 =	sadd.s32 s3, s18  }
0x1a1: {  	[tilespmem:s8], [sflag:$0x1] =	stream.strided.gather [hbm4b:s18+s8], $0x4000, s7, s8, $0x38;
	[tilespmem:$0x1C080] =	vst v63  }
0x1a2: {  	_ =	swait.ge [sflag:s12], $0x4000  }
0x1a3: {  	[sflag:s12] =	ssyncset.done $0x0  }
0x1a4: {  	s22 =	rddreg [dreg:$0x1d];
	[sflag:s12] =	ssyncadd.s32 $0xFFFFC000  }
0x1a5: {  	[hbm4b:s22+s8] =	stream.strided.scatter [tilespmem:s14], [sflag:$0x2], $0x4000, s13, s8, $0x38;
	[tilespmem:$0x1C080] =	vst v63  }
0x1a6: {  	_ =	swait.ge [sflag:s16], $0x4000  }
0x1a7: {  	(v2sf) =	vpush v2, $0xD;
	_ =	sdelay $0xe  }
0x1a8: {  	s23 =	spop (v2sf)  }
0x1a9: {  	s24 =	sand.u32 $0xFFFFFC00, s23  }
0x1aa: {  	s18 =	sand.u32 $0x380, s23;
	s19 =	sadd.s32 s4, s24  }
0x1ab: {  	s18 =	sor.u32 s18, s19  }
0x1ac: {  	[sflag:s16] =	ssyncset.done $0x0;
	s18 =	sshrl.u32 s18, $0x3  }
0x1ad: {  	[sflag:s16] =	ssyncadd.s32 $0xFFFFC000;
	s18 =	sadd.s32 s3, s18  }
0x1ae: {  	[tilespmem:s9], [sflag:$0x1] =	stream.strided.gather [hbm4b:s18+s8], $0x4000, s7, s8, $0x38;
	[tilespmem:$0x1C080] =	vst v63  }
0x1af: {  	_ =	swait.ge [sflag:s12], $0x4000  }
0x1b0: {  	[sflag:s12] =	ssyncset.done $0x0  }
0x1b1: {  	s25 =	rddreg [dreg:$0x1e];
	[sflag:s12] =	ssyncadd.s32 $0xFFFFC000  }
0x1b2: {  	[hbm4b:s25+s8] =	stream.strided.scatter [tilespmem:s15], [sflag:$0x2], $0x4000, s13, s8, $0x38;
	[tilespmem:$0x1C080] =	vst v63  }
0x1b3: {  	_ =	swait.ge [sflag:s16], $0x4000  }
0x1b4: {  	(v2sf) =	vpush v2, $0xE;
	_ =	sdelay $0xe  }
0x1b5: {  	s26 =	spop (v2sf)  }
0x1b6: {  	s28 =	sand.u32 $0xFFFFFC00, s26  }
0x1b7: {  	s18 =	sand.u32 $0x380, s26;
	s19 =	sadd.s32 s4, s28  }
0x1b8: {  	s18 =	sor.u32 s18, s19  }
0x1b9: {  	[sflag:s16] =	ssyncset.done $0x0;
	s18 =	sshrl.u32 s18, $0x3  }
0x1ba: {  	[sflag:s16] =	ssyncadd.s32 $0xFFFFC000;
	s18 =	sadd.s32 s3, s18  }
0x1bb: {  	[tilespmem:s10], [sflag:$0x1] =	stream.strided.gather [hbm4b:s18+s8], $0x4000, s7, s8, $0x38;
	[tilespmem:$0x1C080] =	vst v63  }
0x1bc: {  	_ =	swait.ge [sflag:s12], $0x4000  }
0x1bd: {  	[sflag:s12] =	ssyncset.done $0x0  }
0x1be: {  	s29 =	rddreg [dreg:$0x1f];
	[sflag:s12] =	ssyncadd.s32 $0xFFFFC000  }
0x1bf: {  	[hbm4b:s29+s8] =	stream.strided.scatter [tilespmem:s17], [sflag:$0x2], $0x4000, s13, s8, $0x38;
	[tilespmem:$0x1C080] =	vst v63  }
0x1c0: {  	_ =	swait.ge [sflag:s16], $0x4000  }
0x1c1: {  	(v2sf) =	vpush v2, $0xF;
	_ =	sdelay $0xe  }
0x1c2: {  	s30 =	spop (v2sf)  }
0x1c3: {  	s31 =	sand.u32 $0xFFFFFC00, s30  }
0x1c4: {  	s18 =	sand.u32 $0x380, s30;
	s19 =	sadd.s32 s4, s31  }
0x1c5: {  	s18 =	sor.u32 s18, s19  }
0x1c6: {  	[sflag:s16] =	ssyncset.done $0x0;
	s18 =	sshrl.u32 s18, $0x3  }
0x1c7: {  	[sflag:s16] =	ssyncadd.s32 $0xFFFFC000;
	s18 =	sadd.s32 s3, s18  }
0x1c8: {  	[tilespmem:s11], [sflag:$0x1] =	stream.strided.gather [hbm4b:s18+s8], $0x4000, s7, s8, $0x38;
	[tilespmem:$0x1C080] =	vst v63  }
0x1c9: {  	_ =	swait.ge [sflag:s12], $0x4000  }
0x1ca: {  	s19 =	sld [smem:$0x7E8]  }
0x1cb: {  	[sflag:s12] =	ssyncset.done $0x0  }
0x1cc: {  	[sflag:s12] =	ssyncadd.s32 $0xFFFFC000  }
0x1cd: {  	[hbm4b:s19+s8] =	stream.strided.scatter [tilespmem:s8], [sflag:$0x2], $0x4000, s13, s8, $0x38;
	[tilespmem:$0x1C080] =	vst v63  }
0x1ce: {  	v1 =	vshll.u32 v1, $0x7;
	_ =	swait.ge [sflag:s16], $0x4000  }
0x1cf: {  	(v2sf) =	vpush v1, $0x0;
	_ =	sdelay $0xe  }
0x1d0: {  	s20 =	spop (v2sf)  }
0x1d1: {  	s21 =	sand.u32 $0xFFFFFC00, s20  }
0x1d2: {  	s18 =	sand.u32 $0x380, s20;
	s19 =	sadd.s32 s4, s21  }
0x1d3: {  	s18 =	sor.u32 s18, s19  }
0x1d4: {  	[sflag:s16] =	ssyncset.done $0x0;
	s18 =	sshrl.u32 s18, $0x3  }
0x1d5: {  	[sflag:s16] =	ssyncadd.s32 $0xFFFFC000;
	s18 =	sadd.s32 s3, s18  }
0x1d6: {  	[tilespmem:s14], [sflag:$0x1] =	stream.strided.gather [hbm4b:s18+s8], $0x4000, s7, s8, $0x38;
	[tilespmem:$0x1C080] =	vst v63  }
0x1d7: {  	_ =	swait.ge [sflag:s12], $0x4000  }
0x1d8: {  	s22 =	sld [smem:$0x7E9]  }
0x1d9: {  	[sflag:s12] =	ssyncset.done $0x0  }
0x1da: {  	[sflag:s12] =	ssyncadd.s32 $0xFFFFC000  }
0x1db: {  	[hbm4b:s22+s8] =	stream.strided.scatter [tilespmem:s9], [sflag:$0x2], $0x4000, s13, s8, $0x38;
	[tilespmem:$0x1C080] =	vst v63  }
0x1dc: {  	_ =	swait.ge [sflag:s16], $0x4000  }
0x1dd: {  	(v2sf) =	vpush v1, $0x1;
	_ =	sdelay $0xe  }
0x1de: {  	s23 =	spop (v2sf)  }
0x1df: {  	s24 =	sand.u32 $0xFFFFFC00, s23  }
0x1e0: {  	s18 =	sand.u32 $0x380, s23;
	s19 =	sadd.s32 s4, s24  }
0x1e1: {  	s18 =	sor.u32 s18, s19  }
0x1e2: {  	[sflag:s16] =	ssyncset.done $0x0;
	s18 =	sshrl.u32 s18, $0x3  }
0x1e3: {  	[sflag:s16] =	ssyncadd.s32 $0xFFFFC000;
	s18 =	sadd.s32 s3, s18  }
0x1e4: {  	[tilespmem:s15], [sflag:$0x1] =	stream.strided.gather [hbm4b:s18+s8], $0x4000, s7, s8, $0x38;
	[tilespmem:$0x1C080] =	vst v63  }
0x1e5: {  	_ =	swait.ge [sflag:s12], $0x4000  }
0x1e6: {  	s25 =	sld [smem:$0x7EA]  }
0x1e7: {  	[sflag:s12] =	ssyncset.done $0x0  }
0x1e8: {  	[sflag:s12] =	ssyncadd.s32 $0xFFFFC000  }
0x1e9: {  	[hbm4b:s25+s8] =	stream.strided.scatter [tilespmem:s10], [sflag:$0x2], $0x4000, s13, s8, $0x38;
	[tilespmem:$0x1C080] =	vst v63  }
0x1ea: {  	_ =	swait.ge [sflag:s16], $0x4000  }
0x1eb: {  	(v2sf) =	vpush v1, $0x2;
	_ =	sdelay $0xe  }
0x1ec: {  	s26 =	spop (v2sf)  }
0x1ed: {  	s28 =	sand.u32 $0xFFFFFC00, s26  }
0x1ee: {  	s18 =	sand.u32 $0x380, s26;
	s19 =	sadd.s32 s4, s28  }
0x1ef: {  	s18 =	sor.u32 s18, s19  }
0x1f0: {  	[sflag:s16] =	ssyncset.done $0x0;
	s18 =	sshrl.u32 s18, $0x3  }
0x1f1: {  	[sflag:s16] =	ssyncadd.s32 $0xFFFFC000;
	s18 =	sadd.s32 s3, s18  }
0x1f2: {  	[tilespmem:s17], [sflag:$0x1] =	stream.strided.gather [hbm4b:s18+s8], $0x4000, s7, s8, $0x38;
	[tilespmem:$0x1C080] =	vst v63  }
0x1f3: {  	_ =	swait.ge [sflag:s12], $0x4000  }
0x1f4: {  	s29 =	sld [smem:$0x7EB]  }
0x1f5: {  	[sflag:s12] =	ssyncset.done $0x0  }
0x1f6: {  	[sflag:s12] =	ssyncadd.s32 $0xFFFFC000  }
0x1f7: {  	[hbm4b:s29+s8] =	stream.strided.scatter [tilespmem:s11], [sflag:$0x2], $0x4000, s13, s8, $0x38;
	[tilespmem:$0x1C080] =	vst v63  }
0x1f8: {  	_ =	swait.ge [sflag:s16], $0x4000  }
0x1f9: {  	(v2sf) =	vpush v1, $0x3;
	_ =	sdelay $0xe  }
0x1fa: {  	s30 =	spop (v2sf)  }
0x1fb: {  	s31 =	sand.u32 $0xFFFFFC00, s30  }
0x1fc: {  	s18 =	sand.u32 $0x380, s30;
	s19 =	sadd.s32 s4, s31  }
0x1fd: {  	s18 =	sor.u32 s18, s19  }
0x1fe: {  	[sflag:s16] =	ssyncset.done $0x0;
	s18 =	sshrl.u32 s18, $0x3  }
0x1ff: {  	[sflag:s16] =	ssyncadd.s32 $0xFFFFC000;
	s18 =	sadd.s32 s3, s18  }
0x200: {  	[tilespmem:s8], [sflag:$0x1] =	stream.strided.gather [hbm4b:s18+s8], $0x4000, s7, s8, $0x38;
	[tilespmem:$0x1C080] =	vst v63  }
0x201: {  	_ =	swait.ge [sflag:s12], $0x4000  }
0x202: {  	s19 =	sld [smem:$0x7EC]  }
0x203: {  	[sflag:s12] =	ssyncset.done $0x0  }
0x204: {  	[sflag:s12] =	ssyncadd.s32 $0xFFFFC000  }
0x205: {  	[hbm4b:s19+s8] =	stream.strided.scatter [tilespmem:s14], [sflag:$0x2], $0x4000, s13, s8, $0x38;
	[tilespmem:$0x1C080] =	vst v63  }
0x206: {  	_ =	swait.ge [sflag:s16], $0x4000  }
0x207: {  	(v2sf) =	vpush v1, $0x4;
	_ =	sdelay $0xe  }
0x208: {  	s20 =	spop (v2sf)  }
0x209: {  	s21 =	sand.u32 $0xFFFFFC00, s20  }
0x20a: {  	s18 =	sand.u32 $0x380, s20;
	s19 =	sadd.s32 s4, s21  }
0x20b: {  	s18 =	sor.u32 s18, s19  }
0x20c: {  	[sflag:s16] =	ssyncset.done $0x0;
	s18 =	sshrl.u32 s18, $0x3  }
0x20d: {  	[sflag:s16] =	ssyncadd.s32 $0xFFFFC000;
	s18 =	sadd.s32 s3, s18  }
0x20e: {  	[tilespmem:s9], [sflag:$0x1] =	stream.strided.gather [hbm4b:s18+s8], $0x4000, s7, s8, $0x38;
	[tilespmem:$0x1C080] =	vst v63  }
0x20f: {  	_ =	swait.ge [sflag:s12], $0x4000  }
0x210: {  	s22 =	sld [smem:$0x7ED]  }
0x211: {  	[sflag:s12] =	ssyncset.done $0x0  }
0x212: {  	[sflag:s12] =	ssyncadd.s32 $0xFFFFC000  }
0x213: {  	[hbm4b:s22+s8] =	stream.strided.scatter [tilespmem:s15], [sflag:$0x2], $0x4000, s13, s8, $0x38;
	[tilespmem:$0x1C080] =	vst v63  }
0x214: {  	_ =	swait.ge [sflag:s16], $0x4000  }
0x215: {  	(v2sf) =	vpush v1, $0x5;
	_ =	sdelay $0xe  }
0x216: {  	s23 =	spop (v2sf)  }
0x217: {  	s24 =	sand.u32 $0xFFFFFC00, s23  }
0x218: {  	s18 =	sand.u32 $0x380, s23;
	s19 =	sadd.s32 s4, s24  }
0x219: {  	s18 =	sor.u32 s18, s19  }
0x21a: {  	[sflag:s16] =	ssyncset.done $0x0;
	s18 =	sshrl.u32 s18, $0x3  }
0x21b: {  	[sflag:s16] =	ssyncadd.s32 $0xFFFFC000;
	s18 =	sadd.s32 s3, s18  }
0x21c: {  	[tilespmem:s10], [sflag:$0x1] =	stream.strided.gather [hbm4b:s18+s8], $0x4000, s7, s8, $0x38;
	[tilespmem:$0x1C080] =	vst v63  }
0x21d: {  	_ =	swait.ge [sflag:s12], $0x4000  }
0x21e: {  	s25 =	sld [smem:$0x7EE]  }
0x21f: {  	[sflag:s12] =	ssyncset.done $0x0  }
0x220: {  	[sflag:s12] =	ssyncadd.s32 $0xFFFFC000  }
0x221: {  	[hbm4b:s25+s8] =	stream.strided.scatter [tilespmem:s17], [sflag:$0x2], $0x4000, s13, s8, $0x38;
	[tilespmem:$0x1C080] =	vst v63  }
0x222: {  	_ =	swait.ge [sflag:s16], $0x4000  }
0x223: {  	(v2sf) =	vpush v1, $0x6;
	_ =	sdelay $0xe  }
0x224: {  	s26 =	spop (v2sf)  }
0x225: {  	s28 =	sand.u32 $0xFFFFFC00, s26  }
0x226: {  	s18 =	sand.u32 $0x380, s26;
	s19 =	sadd.s32 s4, s28  }
0x227: {  	s18 =	sor.u32 s18, s19  }
0x228: {  	[sflag:s16] =	ssyncset.done $0x0;
	s18 =	sshrl.u32 s18, $0x3  }
0x229: {  	[sflag:s16] =	ssyncadd.s32 $0xFFFFC000;
	s18 =	sadd.s32 s3, s18  }
0x22a: {  	[tilespmem:s11], [sflag:$0x1] =	stream.strided.gather [hbm4b:s18+s8], $0x4000, s7, s8, $0x38;
	[tilespmem:$0x1C080] =	vst v63  }
0x22b: {  	_ =	swait.ge [sflag:s12], $0x4000  }
0x22c: {  	s29 =	sld [smem:$0x7EF]  }
0x22d: {  	[sflag:s12] =	ssyncset.done $0x0  }
0x22e: {  	[sflag:s12] =	ssyncadd.s32 $0xFFFFC000  }
0x22f: {  	[hbm4b:s29+s8] =	stream.strided.scatter [tilespmem:s8], [sflag:$0x2], $0x4000, s13, s8, $0x38;
	[tilespmem:$0x1C080] =	vst v63  }
0x230: {  	_ =	swait.ge [sflag:s16], $0x4000  }
0x231: {  	(v2sf) =	vpush v1, $0x7;
	_ =	sdelay $0xe  }
0x232: {  	s30 =	spop (v2sf)  }
0x233: {  	s31 =	sand.u32 $0xFFFFFC00, s30  }
0x234: {  	s18 =	sand.u32 $0x380, s30;
	s19 =	sadd.s32 s4, s31  }
0x235: {  	s18 =	sor.u32 s18, s19  }
0x236: {  	[sflag:s16] =	ssyncset.done $0x0;
	s18 =	sshrl.u32 s18, $0x3  }
0x237: {  	[sflag:s16] =	ssyncadd.s32 $0xFFFFC000;
	s18 =	sadd.s32 s3, s18  }
0x238: {  	[tilespmem:s14], [sflag:$0x1] =	stream.strided.gather [hbm4b:s18+s8], $0x4000, s7, s8, $0x38;
	[tilespmem:$0x1C080] =	vst v63  }
0x239: {  	_ =	swait.ge [sflag:s12], $0x4000  }
0x23a: {  	s19 =	sld [smem:$0x7F0]  }
0x23b: {  	[sflag:s12] =	ssyncset.done $0x0  }
0x23c: {  	[sflag:s12] =	ssyncadd.s32 $0xFFFFC000  }
0x23d: {  	[hbm4b:s19+s8] =	stream.strided.scatter [tilespmem:s9], [sflag:$0x2], $0x4000, s13, s8, $0x38;
	[tilespmem:$0x1C080] =	vst v63  }
0x23e: {  	_ =	swait.ge [sflag:s16], $0x4000  }
0x23f: {  	(v2sf) =	vpush v1, $0x8;
	_ =	sdelay $0xe  }
0x240: {  	s20 =	spop (v2sf)  }
0x241: {  	s21 =	sand.u32 $0xFFFFFC00, s20  }
0x242: {  	s18 =	sand.u32 $0x380, s20;
	s19 =	sadd.s32 s4, s21  }
0x243: {  	s18 =	sor.u32 s18, s19  }
0x244: {  	[sflag:s16] =	ssyncset.done $0x0;
	s18 =	sshrl.u32 s18, $0x3  }
0x245: {  	[sflag:s16] =	ssyncadd.s32 $0xFFFFC000;
	s18 =	sadd.s32 s3, s18  }
0x246: {  	[tilespmem:s15], [sflag:$0x1] =	stream.strided.gather [hbm4b:s18+s8], $0x4000, s7, s8, $0x38;
	[tilespmem:$0x1C080] =	vst v63  }
0x247: {  	_ =	swait.ge [sflag:s12], $0x4000  }
0x248: {  	s22 =	sld [smem:$0x7F1]  }
0x249: {  	[sflag:s12] =	ssyncset.done $0x0  }
0x24a: {  	[sflag:s12] =	ssyncadd.s32 $0xFFFFC000  }
0x24b: {  	[hbm4b:s22+s8] =	stream.strided.scatter [tilespmem:s10], [sflag:$0x2], $0x4000, s13, s8, $0x38;
	[tilespmem:$0x1C080] =	vst v63  }
0x24c: {  	_ =	swait.ge [sflag:s16], $0x4000  }
0x24d: {  	(v2sf) =	vpush v1, $0x9;
	_ =	sdelay $0xe  }
0x24e: {  	s23 =	spop (v2sf)  }
0x24f: {  	s24 =	sand.u32 $0xFFFFFC00, s23  }
0x250: {  	s18 =	sand.u32 $0x380, s23;
	s19 =	sadd.s32 s4, s24  }
0x251: {  	s18 =	sor.u32 s18, s19  }
0x252: {  	[sflag:s16] =	ssyncset.done $0x0;
	s18 =	sshrl.u32 s18, $0x3  }
0x253: {  	[sflag:s16] =	ssyncadd.s32 $0xFFFFC000;
	s18 =	sadd.s32 s3, s18  }
0x254: {  	[tilespmem:s17], [sflag:$0x1] =	stream.strided.gather [hbm4b:s18+s8], $0x4000, s7, s8, $0x38;
	[tilespmem:$0x1C080] =	vst v63  }
0x255: {  	_ =	swait.ge [sflag:s12], $0x4000  }
0x256: {  	s25 =	sld [smem:$0x7F2]  }
0x257: {  	[sflag:s12] =	ssyncset.done $0x0  }
0x258: {  	[sflag:s12] =	ssyncadd.s32 $0xFFFFC000  }
0x259: {  	[hbm4b:s25+s8] =	stream.strided.scatter [tilespmem:s11], [sflag:$0x2], $0x4000, s13, s8, $0x38;
	[tilespmem:$0x1C080] =	vst v63  }
0x25a: {  	_ =	swait.ge [sflag:s16], $0x4000  }
0x25b: {  	(v2sf) =	vpush v1, $0xA;
	_ =	sdelay $0xe  }
0x25c: {  	s26 =	spop (v2sf)  }
0x25d: {  	s28 =	sand.u32 $0xFFFFFC00, s26  }
0x25e: {  	s18 =	sand.u32 $0x380, s26;
	s19 =	sadd.s32 s4, s28  }
0x25f: {  	s18 =	sor.u32 s18, s19  }
0x260: {  	[sflag:s16] =	ssyncset.done $0x0;
	s18 =	sshrl.u32 s18, $0x3  }
0x261: {  	[sflag:s16] =	ssyncadd.s32 $0xFFFFC000;
	s18 =	sadd.s32 s3, s18  }
0x262: {  	[tilespmem:s8], [sflag:$0x1] =	stream.strided.gather [hbm4b:s18+s8], $0x4000, s7, s8, $0x38;
	[tilespmem:$0x1C080] =	vst v63  }
0x263: {  	_ =	swait.ge [sflag:s12], $0x4000  }
0x264: {  	s29 =	sld [smem:$0x7F3]  }
0x265: {  	[sflag:s12] =	ssyncset.done $0x0  }
0x266: {  	[sflag:s12] =	ssyncadd.s32 $0xFFFFC000  }
0x267: {  	[hbm4b:s29+s8] =	stream.strided.scatter [tilespmem:s14], [sflag:$0x2], $0x4000, s13, s8, $0x38;
	[tilespmem:$0x1C080] =	vst v63  }
0x268: {  	_ =	swait.ge [sflag:s16], $0x4000  }
0x269: {  	(v2sf) =	vpush v1, $0xB;
	_ =	sdelay $0xe  }
0x26a: {  	s30 =	spop (v2sf)  }
0x26b: {  	s31 =	sand.u32 $0xFFFFFC00, s30  }
0x26c: {  	s18 =	sand.u32 $0x380, s30;
	s19 =	sadd.s32 s4, s31  }
0x26d: {  	s18 =	sor.u32 s18, s19  }
0x26e: {  	[sflag:s16] =	ssyncset.done $0x0;
	s18 =	sshrl.u32 s18, $0x3  }
0x26f: {  	[sflag:s16] =	ssyncadd.s32 $0xFFFFC000;
	s18 =	sadd.s32 s3, s18  }
0x270: {  	[tilespmem:s9], [sflag:$0x1] =	stream.strided.gather [hbm4b:s18+s8], $0x4000, s7, s8, $0x38;
	[tilespmem:$0x1C080] =	vst v63  }
0x271: {  	_ =	swait.ge [sflag:s12], $0x4000  }
0x272: {  	s20 =	sld [smem:$0x7F4]  }
0x273: {  	[sflag:s12] =	ssyncset.done $0x0  }
0x274: {  	[sflag:s12] =	ssyncadd.s32 $0xFFFFC000  }
0x275: {  	[hbm4b:s20+s8] =	stream.strided.scatter [tilespmem:s15], [sflag:$0x2], $0x4000, s13, s8, $0x38;
	[tilespmem:$0x1C080] =	vst v63  }
0x276: {  	_ =	swait.ge [sflag:s16], $0x4000  }
0x277: {  	(v2sf) =	vpush v1, $0xC;
	_ =	sdelay $0xe  }
0x278: {  	s21 =	spop (v2sf)  }
0x279: {  	s22 =	sand.u32 $0xFFFFFC00, s21  }
0x27a: {  	s18 =	sand.u32 $0x380, s21;
	s19 =	sadd.s32 s4, s22  }
0x27b: {  	s18 =	sor.u32 s18, s19  }
0x27c: {  	[sflag:s16] =	ssyncset.done $0x0;
	s18 =	sshrl.u32 s18, $0x3  }
0x27d: {  	[sflag:s16] =	ssyncadd.s32 $0xFFFFC000;
	s18 =	sadd.s32 s3, s18  }
0x27e: {  	[tilespmem:s10], [sflag:$0x1] =	stream.strided.gather [hbm4b:s18+s8], $0x4000, s7, s8, $0x38;
	[tilespmem:$0x1C080] =	vst v63  }
0x27f: {  	_ =	swait.ge [sflag:s12], $0x4000  }
0x280: {  	s23 =	sld [smem:$0x7F5]  }
0x281: {  	[sflag:s12] =	ssyncset.done $0x0  }
0x282: {  	[sflag:s12] =	ssyncadd.s32 $0xFFFFC000  }
0x283: {  	[hbm4b:s23+s8] =	stream.strided.scatter [tilespmem:s17], [sflag:$0x2], $0x4000, s13, s8, $0x38;
	[tilespmem:$0x1C080] =	vst v63  }
0x284: {  	_ =	swait.ge [sflag:s16], $0x4000  }
0x285: {  	(v2sf) =	vpush v1, $0xD;
	_ =	sdelay $0xe  }
0x286: {  	s24 =	spop (v2sf)  }
0x287: {  	s25 =	sand.u32 $0xFFFFFC00, s24  }
0x288: {  	s18 =	sand.u32 $0x380, s24;
	s19 =	sadd.s32 s4, s25  }
0x289: {  	s18 =	sor.u32 s18, s19  }
0x28a: {  	[sflag:s16] =	ssyncset.done $0x0;
	s18 =	sshrl.u32 s18, $0x3  }
0x28b: {  	[sflag:s16] =	ssyncadd.s32 $0xFFFFC000;
	s18 =	sadd.s32 s3, s18  }
0x28c: {  	[tilespmem:s11], [sflag:$0x1] =	stream.strided.gather [hbm4b:s18+s8], $0x4000, s7, s8, $0x38;
	[tilespmem:$0x1C080] =	vst v63  }
0x28d: {  	_ =	swait.ge [sflag:s12], $0x4000  }
0x28e: {  	s26 =	sld [smem:$0x7F6]  }
0x28f: {  	[sflag:s12] =	ssyncset.done $0x0  }
0x290: {  	[sflag:s12] =	ssyncadd.s32 $0xFFFFC000  }
0x291: {  	[hbm4b:s26+s8] =	stream.strided.scatter [tilespmem:s8], [sflag:$0x2], $0x4000, s13, s8, $0x38;
	[tilespmem:$0x1C080] =	vst v63  }
0x292: {  	_ =	swait.ge [sflag:s16], $0x4000  }
0x293: {  	(v2sf) =	vpush v1, $0xE;
	_ =	sdelay $0xe  }
0x294: {  	s28 =	spop (v2sf)  }
0x295: {  	s29 =	sand.u32 $0xFFFFFC00, s28  }
0x296: {  	s18 =	sand.u32 $0x380, s28;
	s19 =	sadd.s32 s4, s29  }
0x297: {  	s18 =	sor.u32 s18, s19  }
0x298: {  	[sflag:s16] =	ssyncset.done $0x0;
	s18 =	sshrl.u32 s18, $0x3  }
0x299: {  	[sflag:s16] =	ssyncadd.s32 $0xFFFFC000;
	s18 =	sadd.s32 s3, s18  }
0x29a: {  	[tilespmem:s14], [sflag:$0x1] =	stream.strided.gather [hbm4b:s18+s8], $0x4000, s7, s8, $0x38;
	[tilespmem:$0x1C080] =	vst v63  }
0x29b: {  	_ =	swait.ge [sflag:s12], $0x4000  }
0x29c: {  	s30 =	sld [smem:$0x7F7]  }
0x29d: {  	[sflag:s12] =	ssyncset.done $0x0  }
0x29e: {  	[sflag:s12] =	ssyncadd.s32 $0xFFFFC000  }
0x29f: {  	[hbm4b:s30+s8] =	stream.strided.scatter [tilespmem:s9], [sflag:$0x2], $0x4000, s13, s8, $0x38;
	[tilespmem:$0x1C080] =	vst v63  }
0x2a0: {  	_ =	swait.ge [sflag:s16], $0x4000  }
0x2a1: {  	(v2sf) =	vpush v1, $0xF;
	_ =	sdelay $0xe  }
0x2a2: {  	s31 =	spop (v2sf)  }
0x2a3: {  	s20 =	sand.u32 $0xFFFFFC00, s31  }
0x2a4: {  	s18 =	sand.u32 $0x380, s31;
	s19 =	sadd.s32 s4, s20  }
0x2a5: {  	s18 =	sor.u32 s18, s19  }
0x2a6: {  	[sflag:s16] =	ssyncset.done $0x0;
	s18 =	sshrl.u32 s18, $0x3  }
0x2a7: {  	[sflag:s16] =	ssyncadd.s32 $0xFFFFC000;
	s18 =	sadd.s32 s3, s18  }
0x2a8: {  	[tilespmem:s15], [sflag:$0x1] =	stream.strided.gather [hbm4b:s18+s8], $0x4000, s7, s8, $0x38;
	[tilespmem:$0x1C080] =	vst v63  }
0x2a9: {  	_ =	swait.ge [sflag:s12], $0x4000  }
0x2aa: {  	s21 =	sld [smem:$0x7F8]  }
0x2ab: {  	[sflag:s12] =	ssyncset.done $0x0  }
0x2ac: {  	[sflag:s12] =	ssyncadd.s32 $0xFFFFC000  }
0x2ad: {  	[hbm4b:s21+s8] =	stream.strided.scatter [tilespmem:s10], [sflag:$0x2], $0x4000, s13, s8, $0x38;
	[tilespmem:$0x1C080] =	vst v63  }
0x2ae: {  	v0 =	vshll.u32 v63, $0x7;
	_ =	swait.ge [sflag:s16], $0x4000  }
0x2af: {  	(v2sf) =	vpush v0, $0x0;
	_ =	sdelay $0xe  }
0x2b0: {  	s22 =	spop (v2sf)  }
0x2b1: {  	s23 =	sand.u32 $0xFFFFFC00, s22  }
0x2b2: {  	s18 =	sand.u32 $0x380, s22;
	s19 =	sadd.s32 s4, s23  }
0x2b3: {  	s18 =	sor.u32 s18, s19  }
0x2b4: {  	[sflag:s16] =	ssyncset.done $0x0;
	s18 =	sshrl.u32 s18, $0x3  }
0x2b5: {  	[sflag:s16] =	ssyncadd.s32 $0xFFFFC000;
	s18 =	sadd.s32 s3, s18  }
0x2b6: {  	[tilespmem:s17], [sflag:$0x1] =	stream.strided.gather [hbm4b:s18+s8], $0x4000, s7, s8, $0x38;
	[tilespmem:$0x1C080] =	vst v63  }
0x2b7: {  	_ =	swait.ge [sflag:s12], $0x4000  }
0x2b8: {  	s24 =	sld [smem:$0x7F9]  }
0x2b9: {  	[sflag:s12] =	ssyncset.done $0x0  }
0x2ba: {  	[sflag:s12] =	ssyncadd.s32 $0xFFFFC000  }
0x2bb: {  	[hbm4b:s24+s8] =	stream.strided.scatter [tilespmem:s11], [sflag:$0x2], $0x4000, s13, s8, $0x38;
	[tilespmem:$0x1C080] =	vst v63  }
0x2bc: {  	_ =	swait.ge [sflag:s16], $0x4000  }
0x2bd: {  	(v2sf) =	vpush v0, $0x1;
	_ =	sdelay $0xe  }
0x2be: {  	s25 =	spop (v2sf)  }
0x2bf: {  	s26 =	sand.u32 $0xFFFFFC00, s25  }
0x2c0: {  	s18 =	sand.u32 $0x380, s25;
	s19 =	sadd.s32 s4, s26  }
0x2c1: {  	s18 =	sor.u32 s18, s19  }
0x2c2: {  	[sflag:s16] =	ssyncset.done $0x0;
	s18 =	sshrl.u32 s18, $0x3  }
0x2c3: {  	[sflag:s16] =	ssyncadd.s32 $0xFFFFC000;
	s18 =	sadd.s32 s3, s18  }
0x2c4: {  	[tilespmem:s8], [sflag:$0x1] =	stream.strided.gather [hbm4b:s18+s8], $0x4000, s7, s8, $0x38;
	[tilespmem:$0x1C080] =	vst v63  }
0x2c5: {  	_ =	swait.ge [sflag:s12], $0x4000  }
0x2c6: {  	s28 =	sld [smem:$0x7FA]  }
0x2c7: {  	[sflag:s12] =	ssyncset.done $0x0  }
0x2c8: {  	[sflag:s12] =	ssyncadd.s32 $0xFFFFC000  }
0x2c9: {  	[hbm4b:s28+s8] =	stream.strided.scatter [tilespmem:s14], [sflag:$0x2], $0x4000, s13, s8, $0x38;
	[tilespmem:$0x1C080] =	vst v63  }
0x2ca: {  	_ =	swait.ge [sflag:s16], $0x4000  }
0x2cb: {  	[sflag:s16] =	ssyncset.done $0x0  }
0x2cc: {  	[sflag:s16] =	ssyncadd.s32 $0xFFFFC000  }
0x2cd: {  	_ =	swait.ge [sflag:s12], $0x4000  }
0x2ce: {  	s29 =	sld [smem:$0x7FB]  }
0x2cf: {  	[sflag:s12] =	ssyncset.done $0x0  }
0x2d0: {  	[sflag:s12] =	ssyncadd.s32 $0xFFFFC000  }
0x2d1: {  	[hbm4b:s29+s8] =	stream.strided.scatter [tilespmem:s15], [sflag:$0x2], $0x4000, s13, s8, $0x38;
	[tilespmem:$0x1C080] =	vst v63  }
0x2d2: {  	_ =	swait.ge [sflag:s16], $0x4000  }
0x2d3: {  	[sflag:s16] =	ssyncset.done $0x0  }
0x2d4: {  	[sflag:s16] =	ssyncadd.s32 $0xFFFFC000  }
0x2d5: {  	_ =	swait.ge [sflag:s12], $0x4000  }
0x2d6: {  	s30 =	sld [smem:$0x7FC]  }
0x2d7: {  	[sflag:s12] =	ssyncset.done $0x0  }
0x2d8: {  	[sflag:s12] =	ssyncadd.s32 $0xFFFFC000  }
0x2d9: {  	[hbm4b:s30+s8] =	stream.strided.scatter [tilespmem:s17], [sflag:$0x2], $0x4000, s13, s8, $0x38;
	[tilespmem:$0x1C080] =	vst v63  }
0x2da: {  	_ =	swait.ge [sflag:s16], $0x4000  }
0x2db: {  	[sflag:s16] =	ssyncset.done $0x0  }
0x2dc: {  	[sflag:s16] =	ssyncadd.s32 $0xFFFFC000  }
0x2dd: {  	_ =	swait.ge [sflag:s12], $0x4000  }
0x2de: {  	s31 =	sld [smem:$0x7FD]  }
0x2df: {  	[sflag:s12] =	ssyncset.done $0x0  }
0x2e0: {  	[sflag:s12] =	ssyncadd.s32 $0xFFFFC000  }
0x2e1: {  	[hbm4b:s31+s8] =	stream.strided.scatter [tilespmem:s8], [sflag:$0x2], $0x4000, s13, s8, $0x38;
	[tilespmem:$0x1C080] =	vst v63  }
0x2e2: {  	_ =	swait.ge [sflag:s16], $0x4000  }
0x2e3: {  	[sflag:s16] =	ssyncset.done $0x0  }
0x2e4: {  	[sflag:s16] =	ssyncadd.s32 $0xFFFFC000  }
0x2e5: {  	p0 =	sne.s32 s5, $0x1;
	_ =	swait.ge [sflag:s16], $0x4000  }
.Ltmp0:
0x2e6: {  	[sflag:s16] =	ssyncset.done $0x0;
	(pc) =	sbr.rel @p0 .LBB2_1-.Ltmp0, $4  }
0x2e7: {  	[sflag:s16] =	ssyncadd.s32 $0xFFFFC000  }
0x2e8: {  	_ =	swait.ge [sflag:s16], $0x4000  }
0x2e9: {  	[sflag:s16] =	ssyncset.done $0x0  }
0x2ea: {  	s5 =	sadd.s32 $0xFFFFFFFF, s5;
	[sflag:s16] =	ssyncadd.s32 $0xFFFFC000  }
0x2eb: {  	_ =	sfence.sel $0x180000  }
0x2ec: {  	[bflag:$0x0] =	sbarrier.arrive $0xFFFF  }
0x2ed: {  	p0 =	sne.s32 s0, $0x0;
	_ =	strace $0x90000047  }
0x2ee: {  	s0 =	sadd.s32 @!p0 $0x100000, s1;
	[bflag:$0x2] =	sbarrier.arrive $0xFFFF  }
0x2ef: {  	[sflag:s0] =	ssyncadd.tile.s32 @!p0 $0x1;
	_ =	shalt  }
.Lfunc_end2:
_tile_overlayer_lowered:
.L_overlay_start_2:
0x2f0: {  	(tag) =	ssettag $0x2  }
0x2f1: {  	s0 =	rddreg [dreg:$0x0];
	s2 =	stileid.u32  }
0x2f2: {  	s1 =	rddreg [dreg:$0x1];
	p0 =	sne.s32 s2, $0x0  }
0x2f3: {  	s3 =	rddreg [dreg:$0x2];
	[bflag:$0x3] =	sbarrier.arrive $0xFFFF;
	s2 =	simm.s32 @!p0 $0x1C03  }
0x2f4: {  	[timem:s3], [sflag:s2] =	dma.local @!p0 [hbm:s0], s1  }
0x2f5: {  	s0 =	simm.s32 @!p0 $0x3  }
0x2f6: {  	_ =	swait.ge @!p0 [sflag:s0], s1  }
0x2f7: {  	s1 =	ssub.s32 @!p0 $0x0, s1;
	[sflag:s0] =	ssyncset.done @!p0 $0x0  }
0x2f8: {  	[sflag:s0] =	ssyncadd.s32 @!p0 s1  }
0x2f9: {  	[bflag:$0x3] =	sbarrier.arrive $0xFFFF  }
0x2fa: {  	_ =	shalt  }

</sc_bundles>
